<compile_context>
chip_gen: v7x
topology: tpu7x:2x2x1
jax: 0.10.2.dev20260603
libtpu: 0.0.44.dev20260713+nightly
codegen_flags: <defaults>
</compile_context>

<pallas_src>
import functools

import jax
import jax.numpy as jnp
from jax import lax
from jax.experimental import pallas as pl
from jax.experimental.pallas import tpu as pltpu
from jax.experimental.pallas import tpu_sc as plsc

F32 = jnp.float32

_NC = 2
_NS = 16
_NW = _NC * _NS

_K = 128


def _agg_sc(v, er, n_nodes, h):
    nchunk = er.shape[1]
    base_c = nchunk // _NW
    xtra = nchunk - base_c * _NW
    cmax = base_c + (1 if xtra else 0)
    rb = (n_nodes // _NS) // 8 * 8
    tail = n_nodes - rb * _NS

    mesh = plsc.VectorSubcoreMesh(core_axis_name="c", subcore_axis_name="s")

    @functools.partial(
        pl.kernel,
        mesh=mesh,
        out_type=jax.ShapeDtypeStruct((n_nodes, 2 * h), F32),
        scratch_types=(
            [pltpu.VMEM((cmax, _K), jnp.int32),
             pltpu.VMEM((cmax, _K), jnp.int32)]
            + [pltpu.VMEM((_K, h), F32) for _ in range(8)]
            + [pltpu.VMEM_SHARED((n_nodes, h), F32)]
            + [pltpu.SemaphoreType.DMA for _ in range(5)]
        ),
        compiler_params=pltpu.CompilerParams(use_tc_tiling_on_sc=False),
    )
    def body(v_hbm, er_hbm, out_hbm, src_v, dst_v, *rest):
        bufs, acc, sems = rest[:8], rest[8], rest[9:]
        buf_a, buf_b = bufs[:4], bufs[4:]
        sga, ssa, sgb, ssb, semi = sems
        c = lax.axis_index("c")
        s = lax.axis_index("s")
        wid = s * _NC + c

        cbase = wid * base_c + jnp.minimum(wid, xtra)
        ncw = base_c + jnp.where(wid < xtra, 1, 0)

        pltpu.async_copy(er_hbm.at[0, pl.ds(cbase, base_c)],
                         src_v.at[pl.ds(0, base_c)], semi)
        pltpu.async_copy(er_hbm.at[1, pl.ds(cbase, base_c)],
                         dst_v.at[pl.ds(0, base_c)], semi)
        if xtra:
            @pl.when(wid < xtra)
            def _():
                pltpu.async_copy(er_hbm.at[0, pl.ds(cbase + base_c, 1)],
                                 src_v.at[pl.ds(base_c, 1)], semi)
                pltpu.async_copy(er_hbm.at[1, pl.ds(cbase + base_c, 1)],
                                 dst_v.at[pl.ds(base_c, 1)], semi)

        col = c * h
        pltpu.sync_copy(v_hbm.at[pl.ds(s * rb, rb)], acc.at[pl.ds(s * rb, rb)])

        @pl.when(s == _NS - 1)
        def _():
            pltpu.sync_copy(v_hbm.at[pl.ds(rb * _NS, tail)],
                            acc.at[pl.ds(rb * _NS, tail)])

        pltpu.make_async_copy(er_hbm.at[0, pl.ds(0, base_c)],
                              src_v.at[pl.ds(0, base_c)], semi).wait()
        pltpu.make_async_copy(er_hbm.at[0, pl.ds(0, base_c)],
                              dst_v.at[pl.ds(0, base_c)], semi).wait()
        if xtra:
            @pl.when(wid < xtra)
            def _():
                pltpu.make_async_copy(er_hbm.at[0, pl.ds(0, 1)],
                                      src_v.at[pl.ds(0, 1)], semi).wait()
                pltpu.make_async_copy(er_hbm.at[0, pl.ds(0, 1)],
                                      dst_v.at[pl.ds(0, 1)], semi).wait()

        def gath(j, buf, sem):
            pltpu.async_copy(v_hbm.at[src_v.at[j]], buf, sem)

        def gwait(buf, sem):
            pltpu.make_async_copy(v_hbm.at[src_v.at[0]], buf, sem).wait()

        def scat(j, buf, sem):
            pltpu.async_copy(buf, acc.at[dst_v.at[j]], sem, add=True)

        def swait(buf, sem):
            pltpu.make_async_copy(buf, acc.at[dst_v.at[0]], sem).wait()

        nouter = base_c // 8
        assert nouter >= 1
        for b in range(4):
            gath(b, buf_a[b], sga)
        plsc.subcore_barrier()

        def pipe(i, carry):
            @pl.when(i > 0)
            def _():
                for b in range(4):
                    swait(buf_b[b], ssb)

            for b in range(4):
                gath(8 * i + 4 + b, buf_b[b], sgb)
            for b in range(4):
                gwait(buf_a[b], sga)
            for b in range(4):
                scat(8 * i + b, buf_a[b], ssa)
            @pl.when(i < nouter - 1)
            def _():
                for b in range(4):
                    swait(buf_a[b], ssa)
                for b in range(4):
                    gath(8 * (i + 1) + b, buf_a[b], sga)

            for b in range(4):
                gwait(buf_b[b], sgb)
            for b in range(4):
                scat(8 * i + 4 + b, buf_b[b], ssb)
            return carry

        lax.fori_loop(0, nouter, pipe, 0)
        for b in range(4):
            swait(buf_a[b], ssa)
        for b in range(4):
            swait(buf_b[b], ssb)

        def tail_chunk(r, carry):
            gath(r, buf_a[0], sga)
            gwait(buf_a[0], sga)
            scat(r, buf_a[0], ssa)
            swait(buf_a[0], ssa)
            return carry

        lax.fori_loop(8 * nouter, ncw, tail_chunk, 0)
        plsc.subcore_barrier()

        pltpu.sync_copy(acc.at[pl.ds(s * rb, rb)],
                        out_hbm.at[pl.ds(s * rb, rb), pl.ds(col, h)])

        @pl.when(s == _NS - 1)
        def _():
            pltpu.sync_copy(acc.at[pl.ds(rb * _NS, tail)],
                            out_hbm.at[pl.ds(rb * _NS, tail), pl.ds(col, h)])

    return body(v, er)


def _full_spec(shape):
    nd = len(shape)
    return pl.BlockSpec(shape, lambda i: (0,) * nd)


def _blk_spec(br, d):
    return pl.BlockSpec((br, d), lambda i: (i, 0))


def _mm1_body(x_ref, w_ref, o_ref):
    o_ref[...] = jnp.dot(x_ref[...], w_ref[...], preferred_element_type=F32)


def _mm1(x, w, br):
    n = x.shape[0]
    return pl.pallas_call(
        _mm1_body,
        grid=(n // br,),
        in_specs=[_blk_spec(br, x.shape[1]), _full_spec(w.shape)],
        out_specs=_blk_spec(br, w.shape[1]),
        out_shape=jax.ShapeDtypeStruct((n, w.shape[1]), F32),
    )(x, w)


def _relu_sum(a_ref, v_ref, b1_ref, h):
    return jnp.maximum(a_ref[:, :h] + a_ref[:, h:] - v_ref[...] + b1_ref[...],
                       0.0)


def _post_body(a_ref, v_ref, b1_ref, w2_ref, b2_ref, wn_ref, o_ref):
    h = w2_ref.shape[0]
    z = _relu_sum(a_ref, v_ref, b1_ref, h)
    xo = jnp.dot(z, w2_ref[...], preferred_element_type=F32) + b2_ref[...]
    o_ref[...] = jnp.dot(xo, wn_ref[...], preferred_element_type=F32)


def _post(a, v, b1, w2, b2, wnext, br):
    n = a.shape[0]
    h = w2.shape[0]
    hn = wnext.shape[1]
    return pl.pallas_call(
        _post_body,
        grid=(n // br,),
        in_specs=[_blk_spec(br, 2 * h), _blk_spec(br, h), _full_spec((1, h)),
                  _full_spec(w2.shape), _full_spec((1, w2.shape[1])),
                  _full_spec(wnext.shape)],
        out_specs=_blk_spec(br, hn),
        out_shape=jax.ShapeDtypeStruct((n, hn), F32),
    )(a, v, b1.reshape(1, -1), w2, b2.reshape(1, -1), wnext)


def _post2_body(a_ref, v_ref, b1_ref, w2_ref, b2_ref,
                wa_ref, side_ref, wb_ref, x2_ref, v_next_ref):
    h = w2_ref.shape[0]
    z = _relu_sum(a_ref, v_ref, b1_ref, h)
    xo = jnp.dot(z, w2_ref[...], preferred_element_type=F32) + b2_ref[...]
    x2_ref[...] = xo
    v_next_ref[...] = (
        jnp.dot(side_ref[...], wa_ref[...], preferred_element_type=F32)
        + jnp.dot(xo, wb_ref[...], preferred_element_type=F32))


def _post2(a, v, b1, w2, b2, wa, side, wb, br):
    n = a.shape[0]
    h = w2.shape[0]
    ho = w2.shape[1]
    hn = wb.shape[1]
    return pl.pallas_call(
        _post2_body,
        grid=(n // br,),
        in_specs=[_blk_spec(br, 2 * h), _blk_spec(br, h), _full_spec((1, h)),
                  _full_spec(w2.shape), _full_spec((1, ho)),
                  _full_spec(wa.shape), _blk_spec(br, side.shape[1]),
                  _full_spec(wb.shape)],
        out_specs=(_blk_spec(br, ho), _blk_spec(br, hn)),
        out_shape=(jax.ShapeDtypeStruct((n, ho), F32),
                   jax.ShapeDtypeStruct((n, hn), F32)),
    )(a, v, b1.reshape(1, -1), w2, b2.reshape(1, -1), wa, side, wb)


def _pool_body(a_ref, v_ref, b1_ref, w2_ref, b2_ref, bat_ref,
               o_ref, cnt_ref, *, g, br, nblk):
    i = pl.program_id(0)

    @pl.when(i == 0)
    def _():
        o_ref[...] = jnp.zeros_like(o_ref)
        cnt_ref[...] = jnp.zeros_like(cnt_ref)

    h = w2_ref.shape[0]
    z = _relu_sum(a_ref, v_ref, b1_ref, h)
    xo = jnp.dot(z, w2_ref[...], preferred_element_type=F32) + b2_ref[...]
    c = xo.shape[1]
    gid = lax.broadcasted_iota(jnp.int32, (g, br), 0).astype(F32)
    oh = jnp.where(jnp.broadcast_to(bat_ref[0], (g, br)) == gid, 1.0, 0.0)
    o_ref[...] += jnp.dot(oh, xo, preferred_element_type=F32)
    cnt_ref[...] += jnp.dot(oh, jnp.ones((br, c), F32),
                            preferred_element_type=F32)

    @pl.when(i == nblk - 1)
    def _():
        o_ref[...] = o_ref[...] / jnp.maximum(cnt_ref[...], 1.0)


def _pool(a, v, b1, w2, b2, batchf, g, br):
    n = a.shape[0]
    h = w2.shape[0]
    c = w2.shape[1]
    nblk = n // br
    return pl.pallas_call(
        functools.partial(_pool_body, g=g, br=br, nblk=nblk),
        grid=(nblk,),
        in_specs=[_blk_spec(br, 2 * h), _blk_spec(br, h), _full_spec((1, h)),
                  _full_spec(w2.shape), _full_spec((1, c)),
                  pl.BlockSpec((1, 1, br), lambda i: (i, 0, 0))],
        out_specs=pl.BlockSpec((g, c), lambda i: (0, 0)),
        out_shape=jax.ShapeDtypeStruct((g, c), F32),
        scratch_shapes=[pltpu.VMEM((g, c), F32)],
    )(a, v, b1.reshape(1, -1), w2, b2.reshape(1, -1), batchf)


def kernel(x, edge_index, batch,
           W11, b11, W12, b12,
           W21, b21, W22, b22,
           W31, b31, W32, b32,
           W41, b41, W42, b42):
    n, d = x.shape
    h = W11.shape[1]
    e = edge_index.shape[1]
    g = 64
    br = 2000

    er = edge_index.reshape(2, e // _K, _K)
    batchf = batch.astype(F32).reshape(n // br, 1, br)

    W31a, W31b = W31[:d], W31[d:]
    W41a, W41b = W41[:h], W41[h:]

    v1 = _mm1(x, W11, br)
    a1 = _agg_sc(v1, er, n, h)
    v2 = _post(a1, v1, b11, W12, b12, W21, br)
    a2 = _agg_sc(v2, er, n, h)
    x2, v3 = _post2(a2, v2, b21, W22, b22, W31a, x, W31b, br)
    a3 = _agg_sc(v3, er, n, h)
    _, v4 = _post2(a3, v3, b31, W32, b32, W41b, x2, W41a, br)
    a4 = _agg_sc(v4, er, n, h)
    return _pool(a4, v4, b41, W42, b42, batchf, g, br)

# --- scband reference (transcript-rebuilt; emitter-appended) ---
"""Pipeline reference for scband-ginmodel-867583393850 (READ-ONLY COPY).

The authoritative reference and input builder live on the scoring server;
editing this copy changes nothing except your own understanding.
"""

import jax, jax.numpy as jnp
import numpy as np

N = 10000
E = 320000
D = 128
H = 64
C = 16
G = 64


def _init_mlp(key, din, dout):
    k1, k2 = jax.random.split(key)
    W1 = jax.random.normal(k1, (din, H), dtype=jnp.float32) * (1.0 / np.sqrt(din))
    b1 = jnp.zeros((H,), dtype=jnp.float32)
    W2 = jax.random.normal(k2, (H, dout), dtype=jnp.float32) * (1.0 / np.sqrt(H))
    b2 = jnp.zeros((dout,), dtype=jnp.float32)
    return W1, b1, W2, b2


def setup_inputs(seed: int = 0) -> dict:
    key = jax.random.key(seed)
    ks = jax.random.split(key, 8)
    x = jax.random.normal(ks[0], (N, D), dtype=jnp.float32)
    edge_index = jax.random.randint(ks[1], (2, E), 0, N, dtype=jnp.int32)
    batch = jnp.sort(jax.random.randint(ks[2], (N,), 0, G, dtype=jnp.int32))
    W11, b11, W12, b12 = _init_mlp(ks[3], D, H)          # downconv1: 128 -> 64 -> 64
    W21, b21, W22, b22 = _init_mlp(ks[4], H, H)          # downconv2: 64 -> 64 -> 64
    W31, b31, W32, b32 = _init_mlp(ks[5], H + D, H)      # upconv1: 192 -> 64 -> 64
    W41, b41, W42, b42 = _init_mlp(ks[6], H + H, C)      # upconv2: 128 -> 64 -> 16
    return {
        'x': x, 'edge_index': edge_index, 'batch': batch,
        'W11': W11, 'b11': b11, 'W12': W12, 'b12': b12,
        'W21': W21, 'b21': b21, 'W22': W22, 'b22': b22,
        'W31': W31, 'b31': b31, 'W32': W32, 'b32': b32,
        'W41': W41, 'b41': b41, 'W42': W42, 'b42': b42,
    }


def _gin_conv(x, src, dst, W1, b1, W2, b2):
    # GINConv with eps=0: h_i = (1+eps)*x_i + sum_{j in N(i)} x_j, then MLP
    agg = jnp.zeros((x.shape[0], x.shape[1]), dtype=x.dtype).at[dst].add(x[src])
    h = x + agg
    h = jnp.maximum(jnp.dot(h, W1) + b1, 0.0)
    return jnp.dot(h, W2) + b2


def reference(x, edge_index, batch,
              W11, b11, W12, b12,
              W21, b21, W22, b22,
              W31, b31, W32, b32,
              W41, b41, W42, b42):
    src = edge_index[0]
    dst = edge_index[1]
    x1 = _gin_conv(x, src, dst, W11, b11, W12, b12)
    x2 = _gin_conv(x1, src, dst, W21, b21, W22, b22)
    x_up1 = jnp.concatenate([x, x2], axis=1)
    x_up1 = _gin_conv(x_up1, src, dst, W31, b31, W32, b32)
    x_up2 = jnp.concatenate([x_up1, x2], axis=1)
    x_up2 = _gin_conv(x_up2, src, dst, W41, b41, W42, b42)
    sums = jax.ops.segment_sum(x_up2, batch, num_segments=G)
    counts = jax.ops.segment_sum(jnp.ones((x_up2.shape[0], 1), dtype=jnp.float32), batch, num_segments=G)
    pooled = sums / jnp.maximum(counts, 1.0)
    return pooled

if __name__ == "__main__":
    import jax
    _d = setup_inputs()
    print(jax.jit(kernel)(*tuple(_d.values())))

</pallas_src>

<mosaic_0001>
#map = affine_map<(d0, d1) -> (0, 0)>
#map1 = affine_map<(d0, d1) -> (0, 0, 0)>
module attributes {stable_mosaic.version = 14 : i64} {
  func.func @body(%arg0: i32, %arg1: i32, %arg2: memref<10000x64xf32, #tpu.memory_space<hbm>>, %arg3: memref<2x2500x128xi32, #tpu.memory_space<hbm>>, %arg4: memref<10000x128xf32, #tpu.memory_space<hbm>>, %arg5: memref<79x128xi32, #tpu.memory_space<vmem>>, %arg6: memref<79x128xi32, #tpu.memory_space<vmem>>, %arg7: memref<128x64xf32, #tpu.memory_space<vmem>>, %arg8: memref<128x64xf32, #tpu.memory_space<vmem>>, %arg9: memref<128x64xf32, #tpu.memory_space<vmem>>, %arg10: memref<128x64xf32, #tpu.memory_space<vmem>>, %arg11: memref<128x64xf32, #tpu.memory_space<vmem>>, %arg12: memref<128x64xf32, #tpu.memory_space<vmem>>, %arg13: memref<128x64xf32, #tpu.memory_space<vmem>>, %arg14: memref<128x64xf32, #tpu.memory_space<vmem>>, %arg15: memref<10000x64xf32, #tpu.memory_space<vmem_shared>>, %arg16: memref<!tpu.dma_semaphore, #tpu.memory_space<semaphore_mem>>, %arg17: memref<!tpu.dma_semaphore, #tpu.memory_space<semaphore_mem>>, %arg18: memref<!tpu.dma_semaphore, #tpu.memory_space<semaphore_mem>>, %arg19: memref<!tpu.dma_semaphore, #tpu.memory_space<semaphore_mem>>, %arg20: memref<!tpu.dma_semaphore, #tpu.memory_space<semaphore_mem>>) attributes {dimension_semantics = [#tpu.dimension_semantics<core_parallel>, #tpu.dimension_semantics<subcore_parallel>], iteration_bounds = array<i64: 2, 16>, scalar_prefetch = 0 : i64, scratch_operands = 16 : i64, tpu.core_type = #tpu.core_type<sc_vector_subcore>, window_params = [{transform_indices = #map}, {transform_indices = #map1}, {transform_indices = #map}]} {
    %mul3A = arith.constant 2 : i32
    %mul3A_0 = arith.muli %arg1, %mul3A : i32
    %add3A = arith.addi %mul3A_0, %arg0 : i32
    %mul3A_1 = arith.constant 78 : i32
    %mul3A_2 = arith.muli %add3A, %mul3A_1 : i32
    %min3A = arith.constant 4 : i32
    %min3A_3 = arith.minsi %add3A, %min3A : i32
    %add3A_4 = arith.addi %mul3A_2, %min3A_3 : i32
    %lt3A = arith.constant 4 : i32
    %lt3A_5 = arith.cmpi slt, %add3A, %lt3A : i32
    %jit3A = arith.constant 1 : i32
    %jit3A_6 = arith.constant 0 : i32
    %select_n3A = arith.select %lt3A_5, %jit3A, %jit3A_6 : i32
    %add3A_7 = arith.constant 78 : i32
    %add3A_8 = arith.addi %add3A_7, %select_n3A : i32
    %dma_start3A = arith.constant 0 : i32
    %dma_start3A_9 = arith.constant 0 : i32
    %dma_start3A_10 = arith.constant 0 : i32
    %dma_start3A_11 = tpu.memref_slice %arg5[%dma_start3A_9, %dma_start3A_10] : memref<79x128xi32, #tpu.memory_space<vmem>> -> memref<78x128xi32, #tpu.memory_space<vmem>>
    %dma_start3A_12 = arith.constant 0 : i32
    %dma_start3A_13 = tpu.memref_slice %arg3[%dma_start3A, %add3A_4, %dma_start3A_12] : memref<2x2500x128xi32, #tpu.memory_space<hbm>> -> memref<1x78x128xi32, #tpu.memory_space<hbm>>
    %dma_start3A_14 = tpu.memref_squeeze %dma_start3A_13 : memref<1x78x128xi32, #tpu.memory_space<hbm>> -> memref<78x128xi32, #tpu.memory_space<hbm>>
    %dma_start3A_15 = arith.constant 0 : i32
    %dma_start3A_16 = arith.constant 0 : i32
    %dma_start3A_17 = tpu.memref_slice %arg5[%dma_start3A_15, %dma_start3A_16] : memref<79x128xi32, #tpu.memory_space<vmem>> -> memref<78x128xi32, #tpu.memory_space<vmem>>
    %dma_start3A_18 = arith.constant 0 : i32
    %dma_start3A_19 = tpu.memref_slice %arg3[%dma_start3A, %add3A_4, %dma_start3A_18] : memref<2x2500x128xi32, #tpu.memory_space<hbm>> -> memref<1x78x128xi32, #tpu.memory_space<hbm>>
    %dma_start3A_20 = tpu.memref_squeeze %dma_start3A_19 : memref<1x78x128xi32, #tpu.memory_space<hbm>> -> memref<78x128xi32, #tpu.memory_space<hbm>>
    tpu.enqueue_dma source(%dma_start3A_20 : memref<78x128xi32, #tpu.memory_space<hbm>>) target(%dma_start3A_17 : memref<78x128xi32, #tpu.memory_space<vmem>>) target_semaphore(%arg20 : memref<!tpu.dma_semaphore, #tpu.memory_space<semaphore_mem>>)
    %dma_start3A_21 = arith.constant 1 : i32
    %dma_start3A_22 = arith.constant 0 : i32
    %dma_start3A_23 = arith.constant 0 : i32
    %dma_start3A_24 = tpu.memref_slice %arg6[%dma_start3A_22, %dma_start3A_23] : memref<79x128xi32, #tpu.memory_space<vmem>> -> memref<78x128xi32, #tpu.memory_space<vmem>>
    %dma_start3A_25 = arith.constant 0 : i32
    %dma_start3A_26 = tpu.memref_slice %arg3[%dma_start3A_21, %add3A_4, %dma_start3A_25] : memref<2x2500x128xi32, #tpu.memory_space<hbm>> -> memref<1x78x128xi32, #tpu.memory_space<hbm>>
    %dma_start3A_27 = tpu.memref_squeeze %dma_start3A_26 : memref<1x78x128xi32, #tpu.memory_space<hbm>> -> memref<78x128xi32, #tpu.memory_space<hbm>>
    %dma_start3A_28 = arith.constant 0 : i32
    %dma_start3A_29 = arith.constant 0 : i32
    %dma_start3A_30 = tpu.memref_slice %arg6[%dma_start3A_28, %dma_start3A_29] : memref<79x128xi32, #tpu.memory_space<vmem>> -> memref<78x128xi32, #tpu.memory_space<vmem>>
    %dma_start3A_31 = arith.constant 0 : i32
    %dma_start3A_32 = tpu.memref_slice %arg3[%dma_start3A_21, %add3A_4, %dma_start3A_31] : memref<2x2500x128xi32, #tpu.memory_space<hbm>> -> memref<1x78x128xi32, #tpu.memory_space<hbm>>
    %dma_start3A_33 = tpu.memref_squeeze %dma_start3A_32 : memref<1x78x128xi32, #tpu.memory_space<hbm>> -> memref<78x128xi32, #tpu.memory_space<hbm>>
    tpu.enqueue_dma source(%dma_start3A_33 : memref<78x128xi32, #tpu.memory_space<hbm>>) target(%dma_start3A_30 : memref<78x128xi32, #tpu.memory_space<vmem>>) target_semaphore(%arg20 : memref<!tpu.dma_semaphore, #tpu.memory_space<semaphore_mem>>)
    %lt3A_34 = arith.constant 4 : i32
    %lt3A_35 = arith.cmpi slt, %add3A, %lt3A_34 : i32
    %convert_element_type3A = arith.extui %lt3A_35 : i1 to i32
    %cond3A = arith.constant 0 : i32
    %cond3A_36 = arith.cmpi ne, %convert_element_type3A, %cond3A : i32
    scf.if %cond3A_36 {
      %add3A_189 = arith.constant 78 : i32
      %add3A_190 = arith.addi %add3A_4, %add3A_189 : i32
      %dma_start3A_191 = arith.constant 0 : i32
      %dma_start3A_192 = arith.constant 78 : i32
      %dma_start3A_193 = arith.constant 0 : i32
      %dma_start3A_194 = tpu.memref_slice %arg5[%dma_start3A_192, %dma_start3A_193] : memref<79x128xi32, #tpu.memory_space<vmem>> -> memref<1x128xi32, #tpu.memory_space<vmem>>
      %dma_start3A_195 = arith.constant 0 : i32
      %dma_start3A_196 = tpu.memref_slice %arg3[%dma_start3A_191, %add3A_190, %dma_start3A_195] : memref<2x2500x128xi32, #tpu.memory_space<hbm>> -> memref<1x1x128xi32, #tpu.memory_space<hbm>>
      %dma_start3A_197 = tpu.memref_squeeze %dma_start3A_196 : memref<1x1x128xi32, #tpu.memory_space<hbm>> -> memref<1x128xi32, #tpu.memory_space<hbm>>
      %dma_start3A_198 = arith.constant 78 : i32
      %dma_start3A_199 = arith.constant 0 : i32
      %dma_start3A_200 = tpu.memref_slice %arg5[%dma_start3A_198, %dma_start3A_199] : memref<79x128xi32, #tpu.memory_space<vmem>> -> memref<1x128xi32, #tpu.memory_space<vmem>>
      %dma_start3A_201 = arith.constant 0 : i32
      %dma_start3A_202 = tpu.memref_slice %arg3[%dma_start3A_191, %add3A_190, %dma_start3A_201] : memref<2x2500x128xi32, #tpu.memory_space<hbm>> -> memref<1x1x128xi32, #tpu.memory_space<hbm>>
      %dma_start3A_203 = tpu.memref_squeeze %dma_start3A_202 : memref<1x1x128xi32, #tpu.memory_space<hbm>> -> memref<1x128xi32, #tpu.memory_space<hbm>>
      tpu.enqueue_dma source(%dma_start3A_203 : memref<1x128xi32, #tpu.memory_space<hbm>>) target(%dma_start3A_200 : memref<1x128xi32, #tpu.memory_space<vmem>>) target_semaphore(%arg20 : memref<!tpu.dma_semaphore, #tpu.memory_space<semaphore_mem>>)
      %add3A_204 = arith.constant 78 : i32
      %add3A_205 = arith.addi %add3A_4, %add3A_204 : i32
      %dma_start3A_206 = arith.constant 1 : i32
      %dma_start3A_207 = arith.constant 78 : i32
      %dma_start3A_208 = arith.constant 0 : i32
      %dma_start3A_209 = tpu.memref_slice %arg6[%dma_start3A_207, %dma_start3A_208] : memref<79x128xi32, #tpu.memory_space<vmem>> -> memref<1x128xi32, #tpu.memory_space<vmem>>
      %dma_start3A_210 = arith.constant 0 : i32
      %dma_start3A_211 = tpu.memref_slice %arg3[%dma_start3A_206, %add3A_205, %dma_start3A_210] : memref<2x2500x128xi32, #tpu.memory_space<hbm>> -> memref<1x1x128xi32, #tpu.memory_space<hbm>>
      %dma_start3A_212 = tpu.memref_squeeze %dma_start3A_211 : memref<1x1x128xi32, #tpu.memory_space<hbm>> -> memref<1x128xi32, #tpu.memory_space<hbm>>
      %dma_start3A_213 = arith.constant 78 : i32
      %dma_start3A_214 = arith.constant 0 : i32
      %dma_start3A_215 = tpu.memref_slice %arg6[%dma_start3A_213, %dma_start3A_214] : memref<79x128xi32, #tpu.memory_space<vmem>> -> memref<1x128xi32, #tpu.memory_space<vmem>>
      %dma_start3A_216 = arith.constant 0 : i32
      %dma_start3A_217 = tpu.memref_slice %arg3[%dma_start3A_206, %add3A_205, %dma_start3A_216] : memref<2x2500x128xi32, #tpu.memory_space<hbm>> -> memref<1x1x128xi32, #tpu.memory_space<hbm>>
      %dma_start3A_218 = tpu.memref_squeeze %dma_start3A_217 : memref<1x1x128xi32, #tpu.memory_space<hbm>> -> memref<1x128xi32, #tpu.memory_space<hbm>>
      tpu.enqueue_dma source(%dma_start3A_218 : memref<1x128xi32, #tpu.memory_space<hbm>>) target(%dma_start3A_215 : memref<1x128xi32, #tpu.memory_space<vmem>>) target_semaphore(%arg20 : memref<!tpu.dma_semaphore, #tpu.memory_space<semaphore_mem>>)
    } else {
    }
    %mul3A_37 = arith.constant 64 : i32
    %mul3A_38 = arith.muli %arg0, %mul3A_37 : i32
    %mul3A_39 = arith.constant 624 : i32
    %mul3A_40 = arith.muli %arg1, %mul3A_39 : i32
    %mul3A_41 = arith.constant 624 : i32
    %mul3A_42 = arith.muli %arg1, %mul3A_41 : i32
    "tpu.region"() ({
      %run_scoped3A = tpu.sem_alloc : memref<!tpu.dma_semaphore, #tpu.memory_space<semaphore_mem>>
      %dma_start3A_189 = arith.constant 0 : i32
      %dma_start3A_190 = tpu.memref_slice %arg15[%mul3A_42, %dma_start3A_189] : memref<10000x64xf32, #tpu.memory_space<vmem_shared>> -> memref<624x64xf32, #tpu.memory_space<vmem_shared>>
      %dma_start3A_191 = arith.constant 0 : i32
      %dma_start3A_192 = tpu.memref_slice %arg2[%mul3A_40, %dma_start3A_191] : memref<10000x64xf32, #tpu.memory_space<hbm>> -> memref<624x64xf32, #tpu.memory_space<hbm>>
      tpu.enqueue_dma source(%dma_start3A_192 : memref<624x64xf32, #tpu.memory_space<hbm>>) target(%dma_start3A_190 : memref<624x64xf32, #tpu.memory_space<vmem_shared>>) target_semaphore(%run_scoped3A : memref<!tpu.dma_semaphore, #tpu.memory_space<semaphore_mem>>)
      %dma_wait3A_193 = arith.constant 0 : i32
      %dma_wait3A_194 = tpu.memref_slice %arg15[%mul3A_42, %dma_wait3A_193] : memref<10000x64xf32, #tpu.memory_space<vmem_shared>> -> memref<624x64xf32, #tpu.memory_space<vmem_shared>>
      %dma_wait3A_195 = arith.constant 0 : i32
      %dma_wait3A_196 = tpu.memref_slice %arg2[%mul3A_40, %dma_wait3A_195] : memref<10000x64xf32, #tpu.memory_space<hbm>> -> memref<624x64xf32, #tpu.memory_space<hbm>>
      tpu.wait_dma2 semaphore(%run_scoped3A : memref<!tpu.dma_semaphore, #tpu.memory_space<semaphore_mem>>) src(%dma_wait3A_196 : memref<624x64xf32, #tpu.memory_space<hbm>>) dst(%dma_wait3A_194 : memref<624x64xf32, #tpu.memory_space<vmem_shared>>)
      tpu.yield
    }) : () -> ()
    %eq3A = arith.constant 15 : i32
    %eq3A_43 = arith.cmpi eq, %arg1, %eq3A : i32
    %convert_element_type3A_44 = arith.extui %eq3A_43 : i1 to i32
    %cond3A_45 = arith.constant 0 : i32
    %cond3A_46 = arith.cmpi ne, %convert_element_type3A_44, %cond3A_45 : i32
    scf.if %cond3A_46 {
      "tpu.region"() ({
        %run_scoped3A = tpu.sem_alloc : memref<!tpu.dma_semaphore, #tpu.memory_space<semaphore_mem>>
        %dma_start3A_189 = arith.constant 9984 : i32
        %dma_start3A_190 = arith.constant 0 : i32
        %dma_start3A_191 = tpu.memref_slice %arg15[%dma_start3A_189, %dma_start3A_190] : memref<10000x64xf32, #tpu.memory_space<vmem_shared>> -> memref<16x64xf32, #tpu.memory_space<vmem_shared>>
        %dma_start3A_192 = arith.constant 9984 : i32
        %dma_start3A_193 = arith.constant 0 : i32
        %dma_start3A_194 = tpu.memref_slice %arg2[%dma_start3A_192, %dma_start3A_193] : memref<10000x64xf32, #tpu.memory_space<hbm>> -> memref<16x64xf32, #tpu.memory_space<hbm>>
        tpu.enqueue_dma source(%dma_start3A_194 : memref<16x64xf32, #tpu.memory_space<hbm>>) target(%dma_start3A_191 : memref<16x64xf32, #tpu.memory_space<vmem_shared>>) target_semaphore(%run_scoped3A : memref<!tpu.dma_semaphore, #tpu.memory_space<semaphore_mem>>)
        %dma_wait3A_195 = arith.constant 9984 : i32
        %dma_wait3A_196 = arith.constant 0 : i32
        %dma_wait3A_197 = tpu.memref_slice %arg15[%dma_wait3A_195, %dma_wait3A_196] : memref<10000x64xf32, #tpu.memory_space<vmem_shared>> -> memref<16x64xf32, #tpu.memory_space<vmem_shared>>
        %dma_wait3A_198 = arith.constant 9984 : i32
        %dma_wait3A_199 = arith.constant 0 : i32
        %dma_wait3A_200 = tpu.memref_slice %arg2[%dma_wait3A_198, %dma_wait3A_199] : memref<10000x64xf32, #tpu.memory_space<hbm>> -> memref<16x64xf32, #tpu.memory_space<hbm>>
        tpu.wait_dma2 semaphore(%run_scoped3A : memref<!tpu.dma_semaphore, #tpu.memory_space<semaphore_mem>>) src(%dma_wait3A_200 : memref<16x64xf32, #tpu.memory_space<hbm>>) dst(%dma_wait3A_197 : memref<16x64xf32, #tpu.memory_space<vmem_shared>>)
        tpu.yield
      }) : () -> ()
    } else {
    }
    %dma_wait3A = arith.constant 0 : i32
    %dma_wait3A_47 = arith.constant 0 : i32
    %dma_wait3A_48 = arith.constant 0 : i32
    %dma_wait3A_49 = tpu.memref_slice %arg5[%dma_wait3A_47, %dma_wait3A_48] : memref<79x128xi32, #tpu.memory_space<vmem>> -> memref<78x128xi32, #tpu.memory_space<vmem>>
    %dma_wait3A_50 = arith.constant 0 : i32
    %dma_wait3A_51 = arith.constant 0 : i32
    %dma_wait3A_52 = tpu.memref_slice %arg3[%dma_wait3A, %dma_wait3A_50, %dma_wait3A_51] : memref<2x2500x128xi32, #tpu.memory_space<hbm>> -> memref<1x78x128xi32, #tpu.memory_space<hbm>>
    %dma_wait3A_53 = tpu.memref_squeeze %dma_wait3A_52 : memref<1x78x128xi32, #tpu.memory_space<hbm>> -> memref<78x128xi32, #tpu.memory_space<hbm>>
    %dma_wait3A_54 = arith.constant 0 : i32
    %dma_wait3A_55 = arith.constant 0 : i32
    %dma_wait3A_56 = tpu.memref_slice %arg5[%dma_wait3A_54, %dma_wait3A_55] : memref<79x128xi32, #tpu.memory_space<vmem>> -> memref<78x128xi32, #tpu.memory_space<vmem>>
    %dma_wait3A_57 = arith.constant 0 : i32
    %dma_wait3A_58 = arith.constant 0 : i32
    %dma_wait3A_59 = tpu.memref_slice %arg3[%dma_wait3A, %dma_wait3A_57, %dma_wait3A_58] : memref<2x2500x128xi32, #tpu.memory_space<hbm>> -> memref<1x78x128xi32, #tpu.memory_space<hbm>>
    %dma_wait3A_60 = tpu.memref_squeeze %dma_wait3A_59 : memref<1x78x128xi32, #tpu.memory_space<hbm>> -> memref<78x128xi32, #tpu.memory_space<hbm>>
    tpu.wait_dma2 semaphore(%arg20 : memref<!tpu.dma_semaphore, #tpu.memory_space<semaphore_mem>>) src(%dma_wait3A_60 : memref<78x128xi32, #tpu.memory_space<hbm>>) dst(%dma_wait3A_56 : memref<78x128xi32, #tpu.memory_space<vmem>>)
    %dma_wait3A_61 = arith.constant 0 : i32
    %dma_wait3A_62 = arith.constant 0 : i32
    %dma_wait3A_63 = arith.constant 0 : i32
    %dma_wait3A_64 = tpu.memref_slice %arg6[%dma_wait3A_62, %dma_wait3A_63] : memref<79x128xi32, #tpu.memory_space<vmem>> -> memref<78x128xi32, #tpu.memory_space<vmem>>
    %dma_wait3A_65 = arith.constant 0 : i32
    %dma_wait3A_66 = arith.constant 0 : i32
    %dma_wait3A_67 = tpu.memref_slice %arg3[%dma_wait3A_61, %dma_wait3A_65, %dma_wait3A_66] : memref<2x2500x128xi32, #tpu.memory_space<hbm>> -> memref<1x78x128xi32, #tpu.memory_space<hbm>>
    %dma_wait3A_68 = tpu.memref_squeeze %dma_wait3A_67 : memref<1x78x128xi32, #tpu.memory_space<hbm>> -> memref<78x128xi32, #tpu.memory_space<hbm>>
    %dma_wait3A_69 = arith.constant 0 : i32
    %dma_wait3A_70 = arith.constant 0 : i32
    %dma_wait3A_71 = tpu.memref_slice %arg6[%dma_wait3A_69, %dma_wait3A_70] : memref<79x128xi32, #tpu.memory_space<vmem>> -> memref<78x128xi32, #tpu.memory_space<vmem>>
    %dma_wait3A_72 = arith.constant 0 : i32
    %dma_wait3A_73 = arith.constant 0 : i32
    %dma_wait3A_74 = tpu.memref_slice %arg3[%dma_wait3A_61, %dma_wait3A_72, %dma_wait3A_73] : memref<2x2500x128xi32, #tpu.memory_space<hbm>> -> memref<1x78x128xi32, #tpu.memory_space<hbm>>
    %dma_wait3A_75 = tpu.memref_squeeze %dma_wait3A_74 : memref<1x78x128xi32, #tpu.memory_space<hbm>> -> memref<78x128xi32, #tpu.memory_space<hbm>>
    tpu.wait_dma2 semaphore(%arg20 : memref<!tpu.dma_semaphore, #tpu.memory_space<semaphore_mem>>) src(%dma_wait3A_75 : memref<78x128xi32, #tpu.memory_space<hbm>>) dst(%dma_wait3A_71 : memref<78x128xi32, #tpu.memory_space<vmem>>)
    %lt3A_76 = arith.constant 4 : i32
    %lt3A_77 = arith.cmpi slt, %add3A, %lt3A_76 : i32
    %convert_element_type3A_78 = arith.extui %lt3A_77 : i1 to i32
    %cond3A_79 = arith.constant 0 : i32
    %cond3A_80 = arith.cmpi ne, %convert_element_type3A_78, %cond3A_79 : i32
    scf.if %cond3A_80 {
      %dma_wait3A_189 = arith.constant 0 : i32
      %dma_wait3A_190 = arith.constant 0 : i32
      %dma_wait3A_191 = arith.constant 0 : i32
      %dma_wait3A_192 = tpu.memref_slice %arg5[%dma_wait3A_190, %dma_wait3A_191] : memref<79x128xi32, #tpu.memory_space<vmem>> -> memref<1x128xi32, #tpu.memory_space<vmem>>
      %dma_wait3A_193 = arith.constant 0 : i32
      %dma_wait3A_194 = arith.constant 0 : i32
      %dma_wait3A_195 = tpu.memref_slice %arg3[%dma_wait3A_189, %dma_wait3A_193, %dma_wait3A_194] : memref<2x2500x128xi32, #tpu.memory_space<hbm>> -> memref<1x1x128xi32, #tpu.memory_space<hbm>>
      %dma_wait3A_196 = tpu.memref_squeeze %dma_wait3A_195 : memref<1x1x128xi32, #tpu.memory_space<hbm>> -> memref<1x128xi32, #tpu.memory_space<hbm>>
      %dma_wait3A_197 = arith.constant 0 : i32
      %dma_wait3A_198 = arith.constant 0 : i32
      %dma_wait3A_199 = tpu.memref_slice %arg5[%dma_wait3A_197, %dma_wait3A_198] : memref<79x128xi32, #tpu.memory_space<vmem>> -> memref<1x128xi32, #tpu.memory_space<vmem>>
      %dma_wait3A_200 = arith.constant 0 : i32
      %dma_wait3A_201 = arith.constant 0 : i32
      %dma_wait3A_202 = tpu.memref_slice %arg3[%dma_wait3A_189, %dma_wait3A_200, %dma_wait3A_201] : memref<2x2500x128xi32, #tpu.memory_space<hbm>> -> memref<1x1x128xi32, #tpu.memory_space<hbm>>
      %dma_wait3A_203 = tpu.memref_squeeze %dma_wait3A_202 : memref<1x1x128xi32, #tpu.memory_space<hbm>> -> memref<1x128xi32, #tpu.memory_space<hbm>>
      tpu.wait_dma2 semaphore(%arg20 : memref<!tpu.dma_semaphore, #tpu.memory_space<semaphore_mem>>) src(%dma_wait3A_203 : memref<1x128xi32, #tpu.memory_space<hbm>>) dst(%dma_wait3A_199 : memref<1x128xi32, #tpu.memory_space<vmem>>)
      %dma_wait3A_204 = arith.constant 0 : i32
      %dma_wait3A_205 = arith.constant 0 : i32
      %dma_wait3A_206 = arith.constant 0 : i32
      %dma_wait3A_207 = tpu.memref_slice %arg6[%dma_wait3A_205, %dma_wait3A_206] : memref<79x128xi32, #tpu.memory_space<vmem>> -> memref<1x128xi32, #tpu.memory_space<vmem>>
      %dma_wait3A_208 = arith.constant 0 : i32
      %dma_wait3A_209 = arith.constant 0 : i32
      %dma_wait3A_210 = tpu.memref_slice %arg3[%dma_wait3A_204, %dma_wait3A_208, %dma_wait3A_209] : memref<2x2500x128xi32, #tpu.memory_space<hbm>> -> memref<1x1x128xi32, #tpu.memory_space<hbm>>
      %dma_wait3A_211 = tpu.memref_squeeze %dma_wait3A_210 : memref<1x1x128xi32, #tpu.memory_space<hbm>> -> memref<1x128xi32, #tpu.memory_space<hbm>>
      %dma_wait3A_212 = arith.constant 0 : i32
      %dma_wait3A_213 = arith.constant 0 : i32
      %dma_wait3A_214 = tpu.memref_slice %arg6[%dma_wait3A_212, %dma_wait3A_213] : memref<79x128xi32, #tpu.memory_space<vmem>> -> memref<1x128xi32, #tpu.memory_space<vmem>>
      %dma_wait3A_215 = arith.constant 0 : i32
      %dma_wait3A_216 = arith.constant 0 : i32
      %dma_wait3A_217 = tpu.memref_slice %arg3[%dma_wait3A_204, %dma_wait3A_215, %dma_wait3A_216] : memref<2x2500x128xi32, #tpu.memory_space<hbm>> -> memref<1x1x128xi32, #tpu.memory_space<hbm>>
      %dma_wait3A_218 = tpu.memref_squeeze %dma_wait3A_217 : memref<1x1x128xi32, #tpu.memory_space<hbm>> -> memref<1x128xi32, #tpu.memory_space<hbm>>
      tpu.wait_dma2 semaphore(%arg20 : memref<!tpu.dma_semaphore, #tpu.memory_space<semaphore_mem>>) src(%dma_wait3A_218 : memref<1x128xi32, #tpu.memory_space<hbm>>) dst(%dma_wait3A_214 : memref<1x128xi32, #tpu.memory_space<vmem>>)
    } else {
    }
    %dma_start3A_81 = arith.constant 0 : i32
    %dma_start3A_82 = arith.constant 0 : i32
    %dma_start3A_83 = tpu.memref_slice %arg5[%dma_start3A_81, %dma_start3A_82] : memref<79x128xi32, #tpu.memory_space<vmem>> -> memref<1x128xi32, #tpu.memory_space<vmem>>
    %dma_start3A_84 = tpu.memref_squeeze %dma_start3A_83 : memref<1x128xi32, #tpu.memory_space<vmem>> -> memref<128xi32, #tpu.memory_space<vmem>>
    %dma_start3A_85 = arith.constant 0 : i32
    %dma_start3A_86 = arith.constant 0 : i32
    %dma_start3A_87 = tpu.memref_slice %arg2[%dma_start3A_85, %dma_start3A_86] : memref<10000x64xf32, #tpu.memory_space<hbm>> -> memref<10000x64xf32, #tpu.memory_space<hbm>>
    tpu.enqueue_indirect_dma source(%dma_start3A_87 : memref<10000x64xf32, #tpu.memory_space<hbm>>) target(%arg7 : memref<128x64xf32, #tpu.memory_space<vmem>>) offsets(%dma_start3A_84 : memref<128xi32, #tpu.memory_space<vmem>>) semaphore(%arg16 : memref<!tpu.dma_semaphore, #tpu.memory_space<semaphore_mem>>)
    %dma_start3A_88 = arith.constant 1 : i32
    %dma_start3A_89 = arith.constant 0 : i32
    %dma_start3A_90 = tpu.memref_slice %arg5[%dma_start3A_88, %dma_start3A_89] : memref<79x128xi32, #tpu.memory_space<vmem>> -> memref<1x128xi32, #tpu.memory_space<vmem>>
    %dma_start3A_91 = tpu.memref_squeeze %dma_start3A_90 : memref<1x128xi32, #tpu.memory_space<vmem>> -> memref<128xi32, #tpu.memory_space<vmem>>
    %dma_start3A_92 = arith.constant 0 : i32
    %dma_start3A_93 = arith.constant 0 : i32
    %dma_start3A_94 = tpu.memref_slice %arg2[%dma_start3A_92, %dma_start3A_93] : memref<10000x64xf32, #tpu.memory_space<hbm>> -> memref<10000x64xf32, #tpu.memory_space<hbm>>
    tpu.enqueue_indirect_dma source(%dma_start3A_94 : memref<10000x64xf32, #tpu.memory_space<hbm>>) target(%arg8 : memref<128x64xf32, #tpu.memory_space<vmem>>) offsets(%dma_start3A_91 : memref<128xi32, #tpu.memory_space<vmem>>) semaphore(%arg16 : memref<!tpu.dma_semaphore, #tpu.memory_space<semaphore_mem>>)
    %dma_start3A_95 = arith.constant 2 : i32
    %dma_start3A_96 = arith.constant 0 : i32
    %dma_start3A_97 = tpu.memref_slice %arg5[%dma_start3A_95, %dma_start3A_96] : memref<79x128xi32, #tpu.memory_space<vmem>> -> memref<1x128xi32, #tpu.memory_space<vmem>>
    %dma_start3A_98 = tpu.memref_squeeze %dma_start3A_97 : memref<1x128xi32, #tpu.memory_space<vmem>> -> memref<128xi32, #tpu.memory_space<vmem>>
    %dma_start3A_99 = arith.constant 0 : i32
    %dma_start3A_100 = arith.constant 0 : i32
    %dma_start3A_101 = tpu.memref_slice %arg2[%dma_start3A_99, %dma_start3A_100] : memref<10000x64xf32, #tpu.memory_space<hbm>> -> memref<10000x64xf32, #tpu.memory_space<hbm>>
    tpu.enqueue_indirect_dma source(%dma_start3A_101 : memref<10000x64xf32, #tpu.memory_space<hbm>>) target(%arg9 : memref<128x64xf32, #tpu.memory_space<vmem>>) offsets(%dma_start3A_98 : memref<128xi32, #tpu.memory_space<vmem>>) semaphore(%arg16 : memref<!tpu.dma_semaphore, #tpu.memory_space<semaphore_mem>>)
    %dma_start3A_102 = arith.constant 3 : i32
    %dma_start3A_103 = arith.constant 0 : i32
    %dma_start3A_104 = tpu.memref_slice %arg5[%dma_start3A_102, %dma_start3A_103] : memref<79x128xi32, #tpu.memory_space<vmem>> -> memref<1x128xi32, #tpu.memory_space<vmem>>
    %dma_start3A_105 = tpu.memref_squeeze %dma_start3A_104 : memref<1x128xi32, #tpu.memory_space<vmem>> -> memref<128xi32, #tpu.memory_space<vmem>>
    %dma_start3A_106 = arith.constant 0 : i32
    %dma_start3A_107 = arith.constant 0 : i32
    %dma_start3A_108 = tpu.memref_slice %arg2[%dma_start3A_106, %dma_start3A_107] : memref<10000x64xf32, #tpu.memory_space<hbm>> -> memref<10000x64xf32, #tpu.memory_space<hbm>>
    tpu.enqueue_indirect_dma source(%dma_start3A_108 : memref<10000x64xf32, #tpu.memory_space<hbm>>) target(%arg10 : memref<128x64xf32, #tpu.memory_space<vmem>>) offsets(%dma_start3A_105 : memref<128xi32, #tpu.memory_space<vmem>>) semaphore(%arg16 : memref<!tpu.dma_semaphore, #tpu.memory_space<semaphore_mem>>)
    %barrier3A = arith.constant 0 : index
    tpu.barrier barrier_id(%barrier3A)
    %scan3A = arith.constant 0 : i32
    %scan3A_109 = arith.constant 0 : i32
    %scan3A_110 = arith.constant 9 : i32
    %scan3A_111 = arith.addi %scan3A_109, %scan3A_110 : i32
    %scan3A_112 = arith.constant 1 : i32
    scf.for %scan3A_189 = %scan3A_109 to %scan3A_111 step %scan3A_112  : i32 {
      %gt3A = arith.constant 0 : i32
      %gt3A_190 = arith.cmpi sgt, %scan3A_189, %gt3A : i32
      %convert_element_type3A_191 = arith.extui %gt3A_190 : i1 to i32
      %cond3A_192 = arith.constant 0 : i32
      %cond3A_193 = arith.cmpi ne, %convert_element_type3A_191, %cond3A_192 : i32
      scf.if %cond3A_193 {
        %dma_wait3A_391 = arith.constant 0 : i32
        %dma_wait3A_392 = arith.constant 0 : i32
        %dma_wait3A_393 = tpu.memref_slice %arg6[%dma_wait3A_391, %dma_wait3A_392] : memref<79x128xi32, #tpu.memory_space<vmem>> -> memref<1x128xi32, #tpu.memory_space<vmem>>
        %dma_wait3A_394 = tpu.memref_squeeze %dma_wait3A_393 : memref<1x128xi32, #tpu.memory_space<vmem>> -> memref<128xi32, #tpu.memory_space<vmem>>
        %dma_wait3A_395 = arith.constant 0 : i32
        %dma_wait3A_396 = arith.constant 0 : i32
        %dma_wait3A_397 = tpu.memref_slice %arg15[%dma_wait3A_395, %dma_wait3A_396] : memref<10000x64xf32, #tpu.memory_space<vmem_shared>> -> memref<10000x64xf32, #tpu.memory_space<vmem_shared>>
        tpu.wait_indirect_dma semaphore(%arg19 : memref<!tpu.dma_semaphore, #tpu.memory_space<semaphore_mem>>) src(%arg11 : memref<128x64xf32, #tpu.memory_space<vmem>>) dst(%dma_wait3A_397 : memref<10000x64xf32, #tpu.memory_space<vmem_shared>>)
        %dma_wait3A_398 = arith.constant 0 : i32
        %dma_wait3A_399 = arith.constant 0 : i32
        %dma_wait3A_400 = tpu.memref_slice %arg6[%dma_wait3A_398, %dma_wait3A_399] : memref<79x128xi32, #tpu.memory_space<vmem>> -> memref<1x128xi32, #tpu.memory_space<vmem>>
        %dma_wait3A_401 = tpu.memref_squeeze %dma_wait3A_400 : memref<1x128xi32, #tpu.memory_space<vmem>> -> memref<128xi32, #tpu.memory_space<vmem>>
        %dma_wait3A_402 = arith.constant 0 : i32
        %dma_wait3A_403 = arith.constant 0 : i32
        %dma_wait3A_404 = tpu.memref_slice %arg15[%dma_wait3A_402, %dma_wait3A_403] : memref<10000x64xf32, #tpu.memory_space<vmem_shared>> -> memref<10000x64xf32, #tpu.memory_space<vmem_shared>>
        tpu.wait_indirect_dma semaphore(%arg19 : memref<!tpu.dma_semaphore, #tpu.memory_space<semaphore_mem>>) src(%arg12 : memref<128x64xf32, #tpu.memory_space<vmem>>) dst(%dma_wait3A_404 : memref<10000x64xf32, #tpu.memory_space<vmem_shared>>)
        %dma_wait3A_405 = arith.constant 0 : i32
        %dma_wait3A_406 = arith.constant 0 : i32
        %dma_wait3A_407 = tpu.memref_slice %arg6[%dma_wait3A_405, %dma_wait3A_406] : memref<79x128xi32, #tpu.memory_space<vmem>> -> memref<1x128xi32, #tpu.memory_space<vmem>>
        %dma_wait3A_408 = tpu.memref_squeeze %dma_wait3A_407 : memref<1x128xi32, #tpu.memory_space<vmem>> -> memref<128xi32, #tpu.memory_space<vmem>>
        %dma_wait3A_409 = arith.constant 0 : i32
        %dma_wait3A_410 = arith.constant 0 : i32
        %dma_wait3A_411 = tpu.memref_slice %arg15[%dma_wait3A_409, %dma_wait3A_410] : memref<10000x64xf32, #tpu.memory_space<vmem_shared>> -> memref<10000x64xf32, #tpu.memory_space<vmem_shared>>
        tpu.wait_indirect_dma semaphore(%arg19 : memref<!tpu.dma_semaphore, #tpu.memory_space<semaphore_mem>>) src(%arg13 : memref<128x64xf32, #tpu.memory_space<vmem>>) dst(%dma_wait3A_411 : memref<10000x64xf32, #tpu.memory_space<vmem_shared>>)
        %dma_wait3A_412 = arith.constant 0 : i32
        %dma_wait3A_413 = arith.constant 0 : i32
        %dma_wait3A_414 = tpu.memref_slice %arg6[%dma_wait3A_412, %dma_wait3A_413] : memref<79x128xi32, #tpu.memory_space<vmem>> -> memref<1x128xi32, #tpu.memory_space<vmem>>
        %dma_wait3A_415 = tpu.memref_squeeze %dma_wait3A_414 : memref<1x128xi32, #tpu.memory_space<vmem>> -> memref<128xi32, #tpu.memory_space<vmem>>
        %dma_wait3A_416 = arith.constant 0 : i32
        %dma_wait3A_417 = arith.constant 0 : i32
        %dma_wait3A_418 = tpu.memref_slice %arg15[%dma_wait3A_416, %dma_wait3A_417] : memref<10000x64xf32, #tpu.memory_space<vmem_shared>> -> memref<10000x64xf32, #tpu.memory_space<vmem_shared>>
        tpu.wait_indirect_dma semaphore(%arg19 : memref<!tpu.dma_semaphore, #tpu.memory_space<semaphore_mem>>) src(%arg14 : memref<128x64xf32, #tpu.memory_space<vmem>>) dst(%dma_wait3A_418 : memref<10000x64xf32, #tpu.memory_space<vmem_shared>>)
      } else {
      }
      %mul3A_194 = arith.constant 8 : i32
      %mul3A_195 = arith.muli %mul3A_194, %scan3A_189 : i32
      %add3A_196 = arith.constant 4 : i32
      %add3A_197 = arith.addi %mul3A_195, %add3A_196 : i32
      %add3A_198 = arith.constant 0 : i32
      %add3A_199 = arith.addi %add3A_197, %add3A_198 : i32
      %dma_start3A_200 = arith.constant 0 : i32
      %dma_start3A_201 = tpu.memref_slice %arg5[%add3A_199, %dma_start3A_200] : memref<79x128xi32, #tpu.memory_space<vmem>> -> memref<1x128xi32, #tpu.memory_space<vmem>>
      %dma_start3A_202 = tpu.memref_squeeze %dma_start3A_201 : memref<1x128xi32, #tpu.memory_space<vmem>> -> memref<128xi32, #tpu.memory_space<vmem>>
      %dma_start3A_203 = arith.constant 0 : i32
      %dma_start3A_204 = arith.constant 0 : i32
      %dma_start3A_205 = tpu.memref_slice %arg2[%dma_start3A_203, %dma_start3A_204] : memref<10000x64xf32, #tpu.memory_space<hbm>> -> memref<10000x64xf32, #tpu.memory_space<hbm>>
      tpu.enqueue_indirect_dma source(%dma_start3A_205 : memref<10000x64xf32, #tpu.memory_space<hbm>>) target(%arg11 : memref<128x64xf32, #tpu.memory_space<vmem>>) offsets(%dma_start3A_202 : memref<128xi32, #tpu.memory_space<vmem>>) semaphore(%arg18 : memref<!tpu.dma_semaphore, #tpu.memory_space<semaphore_mem>>)
      %mul3A_206 = arith.constant 8 : i32
      %mul3A_207 = arith.muli %mul3A_206, %scan3A_189 : i32
      %add3A_208 = arith.constant 4 : i32
      %add3A_209 = arith.addi %mul3A_207, %add3A_208 : i32
      %add3A_210 = arith.constant 1 : i32
      %add3A_211 = arith.addi %add3A_209, %add3A_210 : i32
      %dma_start3A_212 = arith.constant 0 : i32
      %dma_start3A_213 = tpu.memref_slice %arg5[%add3A_211, %dma_start3A_212] : memref<79x128xi32, #tpu.memory_space<vmem>> -> memref<1x128xi32, #tpu.memory_space<vmem>>
      %dma_start3A_214 = tpu.memref_squeeze %dma_start3A_213 : memref<1x128xi32, #tpu.memory_space<vmem>> -> memref<128xi32, #tpu.memory_space<vmem>>
      %dma_start3A_215 = arith.constant 0 : i32
      %dma_start3A_216 = arith.constant 0 : i32
      %dma_start3A_217 = tpu.memref_slice %arg2[%dma_start3A_215, %dma_start3A_216] : memref<10000x64xf32, #tpu.memory_space<hbm>> -> memref<10000x64xf32, #tpu.memory_space<hbm>>
      tpu.enqueue_indirect_dma source(%dma_start3A_217 : memref<10000x64xf32, #tpu.memory_space<hbm>>) target(%arg12 : memref<128x64xf32, #tpu.memory_space<vmem>>) offsets(%dma_start3A_214 : memref<128xi32, #tpu.memory_space<vmem>>) semaphore(%arg18 : memref<!tpu.dma_semaphore, #tpu.memory_space<semaphore_mem>>)
      %mul3A_218 = arith.constant 8 : i32
      %mul3A_219 = arith.muli %mul3A_218, %scan3A_189 : i32
      %add3A_220 = arith.constant 4 : i32
      %add3A_221 = arith.addi %mul3A_219, %add3A_220 : i32
      %add3A_222 = arith.constant 2 : i32
      %add3A_223 = arith.addi %add3A_221, %add3A_222 : i32
      %dma_start3A_224 = arith.constant 0 : i32
      %dma_start3A_225 = tpu.memref_slice %arg5[%add3A_223, %dma_start3A_224] : memref<79x128xi32, #tpu.memory_space<vmem>> -> memref<1x128xi32, #tpu.memory_space<vmem>>
      %dma_start3A_226 = tpu.memref_squeeze %dma_start3A_225 : memref<1x128xi32, #tpu.memory_space<vmem>> -> memref<128xi32, #tpu.memory_space<vmem>>
      %dma_start3A_227 = arith.constant 0 : i32
      %dma_start3A_228 = arith.constant 0 : i32
      %dma_start3A_229 = tpu.memref_slice %arg2[%dma_start3A_227, %dma_start3A_228] : memref<10000x64xf32, #tpu.memory_space<hbm>> -> memref<10000x64xf32, #tpu.memory_space<hbm>>
      tpu.enqueue_indirect_dma source(%dma_start3A_229 : memref<10000x64xf32, #tpu.memory_space<hbm>>) target(%arg13 : memref<128x64xf32, #tpu.memory_space<vmem>>) offsets(%dma_start3A_226 : memref<128xi32, #tpu.memory_space<vmem>>) semaphore(%arg18 : memref<!tpu.dma_semaphore, #tpu.memory_space<semaphore_mem>>)
      %mul3A_230 = arith.constant 8 : i32
      %mul3A_231 = arith.muli %mul3A_230, %scan3A_189 : i32
      %add3A_232 = arith.constant 4 : i32
      %add3A_233 = arith.addi %mul3A_231, %add3A_232 : i32
      %add3A_234 = arith.constant 3 : i32
      %add3A_235 = arith.addi %add3A_233, %add3A_234 : i32
      %dma_start3A_236 = arith.constant 0 : i32
      %dma_start3A_237 = tpu.memref_slice %arg5[%add3A_235, %dma_start3A_236] : memref<79x128xi32, #tpu.memory_space<vmem>> -> memref<1x128xi32, #tpu.memory_space<vmem>>
      %dma_start3A_238 = tpu.memref_squeeze %dma_start3A_237 : memref<1x128xi32, #tpu.memory_space<vmem>> -> memref<128xi32, #tpu.memory_space<vmem>>
      %dma_start3A_239 = arith.constant 0 : i32
      %dma_start3A_240 = arith.constant 0 : i32
      %dma_start3A_241 = tpu.memref_slice %arg2[%dma_start3A_239, %dma_start3A_240] : memref<10000x64xf32, #tpu.memory_space<hbm>> -> memref<10000x64xf32, #tpu.memory_space<hbm>>
      tpu.enqueue_indirect_dma source(%dma_start3A_241 : memref<10000x64xf32, #tpu.memory_space<hbm>>) target(%arg14 : memref<128x64xf32, #tpu.memory_space<vmem>>) offsets(%dma_start3A_238 : memref<128xi32, #tpu.memory_space<vmem>>) semaphore(%arg18 : memref<!tpu.dma_semaphore, #tpu.memory_space<semaphore_mem>>)
      %dma_wait3A_242 = arith.constant 0 : i32
      %dma_wait3A_243 = arith.constant 0 : i32
      %dma_wait3A_244 = tpu.memref_slice %arg5[%dma_wait3A_242, %dma_wait3A_243] : memref<79x128xi32, #tpu.memory_space<vmem>> -> memref<1x128xi32, #tpu.memory_space<vmem>>
      %dma_wait3A_245 = tpu.memref_squeeze %dma_wait3A_244 : memref<1x128xi32, #tpu.memory_space<vmem>> -> memref<128xi32, #tpu.memory_space<vmem>>
      %dma_wait3A_246 = arith.constant 0 : i32
      %dma_wait3A_247 = arith.constant 0 : i32
      %dma_wait3A_248 = tpu.memref_slice %arg2[%dma_wait3A_246, %dma_wait3A_247] : memref<10000x64xf32, #tpu.memory_space<hbm>> -> memref<10000x64xf32, #tpu.memory_space<hbm>>
      tpu.wait_indirect_dma semaphore(%arg16 : memref<!tpu.dma_semaphore, #tpu.memory_space<semaphore_mem>>) src(%dma_wait3A_248 : memref<10000x64xf32, #tpu.memory_space<hbm>>) dst(%arg7 : memref<128x64xf32, #tpu.memory_space<vmem>>)
      %dma_wait3A_249 = arith.constant 0 : i32
      %dma_wait3A_250 = arith.constant 0 : i32
      %dma_wait3A_251 = tpu.memref_slice %arg5[%dma_wait3A_249, %dma_wait3A_250] : memref<79x128xi32, #tpu.memory_space<vmem>> -> memref<1x128xi32, #tpu.memory_space<vmem>>
      %dma_wait3A_252 = tpu.memref_squeeze %dma_wait3A_251 : memref<1x128xi32, #tpu.memory_space<vmem>> -> memref<128xi32, #tpu.memory_space<vmem>>
      %dma_wait3A_253 = arith.constant 0 : i32
      %dma_wait3A_254 = arith.constant 0 : i32
      %dma_wait3A_255 = tpu.memref_slice %arg2[%dma_wait3A_253, %dma_wait3A_254] : memref<10000x64xf32, #tpu.memory_space<hbm>> -> memref<10000x64xf32, #tpu.memory_space<hbm>>
      tpu.wait_indirect_dma semaphore(%arg16 : memref<!tpu.dma_semaphore, #tpu.memory_space<semaphore_mem>>) src(%dma_wait3A_255 : memref<10000x64xf32, #tpu.memory_space<hbm>>) dst(%arg8 : memref<128x64xf32, #tpu.memory_space<vmem>>)
      %dma_wait3A_256 = arith.constant 0 : i32
      %dma_wait3A_257 = arith.constant 0 : i32
      %dma_wait3A_258 = tpu.memref_slice %arg5[%dma_wait3A_256, %dma_wait3A_257] : memref<79x128xi32, #tpu.memory_space<vmem>> -> memref<1x128xi32, #tpu.memory_space<vmem>>
      %dma_wait3A_259 = tpu.memref_squeeze %dma_wait3A_258 : memref<1x128xi32, #tpu.memory_space<vmem>> -> memref<128xi32, #tpu.memory_space<vmem>>
      %dma_wait3A_260 = arith.constant 0 : i32
      %dma_wait3A_261 = arith.constant 0 : i32
      %dma_wait3A_262 = tpu.memref_slice %arg2[%dma_wait3A_260, %dma_wait3A_261] : memref<10000x64xf32, #tpu.memory_space<hbm>> -> memref<10000x64xf32, #tpu.memory_space<hbm>>
      tpu.wait_indirect_dma semaphore(%arg16 : memref<!tpu.dma_semaphore, #tpu.memory_space<semaphore_mem>>) src(%dma_wait3A_262 : memref<10000x64xf32, #tpu.memory_space<hbm>>) dst(%arg9 : memref<128x64xf32, #tpu.memory_space<vmem>>)
      %dma_wait3A_263 = arith.constant 0 : i32
      %dma_wait3A_264 = arith.constant 0 : i32
      %dma_wait3A_265 = tpu.memref_slice %arg5[%dma_wait3A_263, %dma_wait3A_264] : memref<79x128xi32, #tpu.memory_space<vmem>> -> memref<1x128xi32, #tpu.memory_space<vmem>>
      %dma_wait3A_266 = tpu.memref_squeeze %dma_wait3A_265 : memref<1x128xi32, #tpu.memory_space<vmem>> -> memref<128xi32, #tpu.memory_space<vmem>>
      %dma_wait3A_267 = arith.constant 0 : i32
      %dma_wait3A_268 = arith.constant 0 : i32
      %dma_wait3A_269 = tpu.memref_slice %arg2[%dma_wait3A_267, %dma_wait3A_268] : memref<10000x64xf32, #tpu.memory_space<hbm>> -> memref<10000x64xf32, #tpu.memory_space<hbm>>
      tpu.wait_indirect_dma semaphore(%arg16 : memref<!tpu.dma_semaphore, #tpu.memory_space<semaphore_mem>>) src(%dma_wait3A_269 : memref<10000x64xf32, #tpu.memory_space<hbm>>) dst(%arg10 : memref<128x64xf32, #tpu.memory_space<vmem>>)
      %mul3A_270 = arith.constant 8 : i32
      %mul3A_271 = arith.muli %mul3A_270, %scan3A_189 : i32
      %add3A_272 = arith.constant 0 : i32
      %add3A_273 = arith.addi %mul3A_271, %add3A_272 : i32
      %dma_start3A_274 = arith.constant 0 : i32
      %dma_start3A_275 = tpu.memref_slice %arg6[%add3A_273, %dma_start3A_274] : memref<79x128xi32, #tpu.memory_space<vmem>> -> memref<1x128xi32, #tpu.memory_space<vmem>>
      %dma_start3A_276 = tpu.memref_squeeze %dma_start3A_275 : memref<1x128xi32, #tpu.memory_space<vmem>> -> memref<128xi32, #tpu.memory_space<vmem>>
      %dma_start3A_277 = arith.constant 0 : i32
      %dma_start3A_278 = arith.constant 0 : i32
      %dma_start3A_279 = tpu.memref_slice %arg15[%dma_start3A_277, %dma_start3A_278] : memref<10000x64xf32, #tpu.memory_space<vmem_shared>> -> memref<10000x64xf32, #tpu.memory_space<vmem_shared>>
      tpu.enqueue_indirect_dma source(%arg7 : memref<128x64xf32, #tpu.memory_space<vmem>>) target(%dma_start3A_279 : memref<10000x64xf32, #tpu.memory_space<vmem_shared>>) offsets(%dma_start3A_276 : memref<128xi32, #tpu.memory_space<vmem>>) semaphore(%arg17 : memref<!tpu.dma_semaphore, #tpu.memory_space<semaphore_mem>>) {add = true}
      %mul3A_280 = arith.constant 8 : i32
      %mul3A_281 = arith.muli %mul3A_280, %scan3A_189 : i32
      %add3A_282 = arith.constant 1 : i32
      %add3A_283 = arith.addi %mul3A_281, %add3A_282 : i32
      %dma_start3A_284 = arith.constant 0 : i32
      %dma_start3A_285 = tpu.memref_slice %arg6[%add3A_283, %dma_start3A_284] : memref<79x128xi32, #tpu.memory_space<vmem>> -> memref<1x128xi32, #tpu.memory_space<vmem>>
      %dma_start3A_286 = tpu.memref_squeeze %dma_start3A_285 : memref<1x128xi32, #tpu.memory_space<vmem>> -> memref<128xi32, #tpu.memory_space<vmem>>
      %dma_start3A_287 = arith.constant 0 : i32
      %dma_start3A_288 = arith.constant 0 : i32
      %dma_start3A_289 = tpu.memref_slice %arg15[%dma_start3A_287, %dma_start3A_288] : memref<10000x64xf32, #tpu.memory_space<vmem_shared>> -> memref<10000x64xf32, #tpu.memory_space<vmem_shared>>
      tpu.enqueue_indirect_dma source(%arg8 : memref<128x64xf32, #tpu.memory_space<vmem>>) target(%dma_start3A_289 : memref<10000x64xf32, #tpu.memory_space<vmem_shared>>) offsets(%dma_start3A_286 : memref<128xi32, #tpu.memory_space<vmem>>) semaphore(%arg17 : memref<!tpu.dma_semaphore, #tpu.memory_space<semaphore_mem>>) {add = true}
      %mul3A_290 = arith.constant 8 : i32
      %mul3A_291 = arith.muli %mul3A_290, %scan3A_189 : i32
      %add3A_292 = arith.constant 2 : i32
      %add3A_293 = arith.addi %mul3A_291, %add3A_292 : i32
      %dma_start3A_294 = arith.constant 0 : i32
      %dma_start3A_295 = tpu.memref_slice %arg6[%add3A_293, %dma_start3A_294] : memref<79x128xi32, #tpu.memory_space<vmem>> -> memref<1x128xi32, #tpu.memory_space<vmem>>
      %dma_start3A_296 = tpu.memref_squeeze %dma_start3A_295 : memref<1x128xi32, #tpu.memory_space<vmem>> -> memref<128xi32, #tpu.memory_space<vmem>>
      %dma_start3A_297 = arith.constant 0 : i32
      %dma_start3A_298 = arith.constant 0 : i32
      %dma_start3A_299 = tpu.memref_slice %arg15[%dma_start3A_297, %dma_start3A_298] : memref<10000x64xf32, #tpu.memory_space<vmem_shared>> -> memref<10000x64xf32, #tpu.memory_space<vmem_shared>>
      tpu.enqueue_indirect_dma source(%arg9 : memref<128x64xf32, #tpu.memory_space<vmem>>) target(%dma_start3A_299 : memref<10000x64xf32, #tpu.memory_space<vmem_shared>>) offsets(%dma_start3A_296 : memref<128xi32, #tpu.memory_space<vmem>>) semaphore(%arg17 : memref<!tpu.dma_semaphore, #tpu.memory_space<semaphore_mem>>) {add = true}
      %mul3A_300 = arith.constant 8 : i32
      %mul3A_301 = arith.muli %mul3A_300, %scan3A_189 : i32
      %add3A_302 = arith.constant 3 : i32
      %add3A_303 = arith.addi %mul3A_301, %add3A_302 : i32
      %dma_start3A_304 = arith.constant 0 : i32
      %dma_start3A_305 = tpu.memref_slice %arg6[%add3A_303, %dma_start3A_304] : memref<79x128xi32, #tpu.memory_space<vmem>> -> memref<1x128xi32, #tpu.memory_space<vmem>>
      %dma_start3A_306 = tpu.memref_squeeze %dma_start3A_305 : memref<1x128xi32, #tpu.memory_space<vmem>> -> memref<128xi32, #tpu.memory_space<vmem>>
      %dma_start3A_307 = arith.constant 0 : i32
      %dma_start3A_308 = arith.constant 0 : i32
      %dma_start3A_309 = tpu.memref_slice %arg15[%dma_start3A_307, %dma_start3A_308] : memref<10000x64xf32, #tpu.memory_space<vmem_shared>> -> memref<10000x64xf32, #tpu.memory_space<vmem_shared>>
      tpu.enqueue_indirect_dma source(%arg10 : memref<128x64xf32, #tpu.memory_space<vmem>>) target(%dma_start3A_309 : memref<10000x64xf32, #tpu.memory_space<vmem_shared>>) offsets(%dma_start3A_306 : memref<128xi32, #tpu.memory_space<vmem>>) semaphore(%arg17 : memref<!tpu.dma_semaphore, #tpu.memory_space<semaphore_mem>>) {add = true}
      %lt3A_310 = arith.constant 8 : i32
      %lt3A_311 = arith.cmpi slt, %scan3A_189, %lt3A_310 : i32
      %convert_element_type3A_312 = arith.extui %lt3A_311 : i1 to i32
      %cond3A_313 = arith.constant 0 : i32
      %cond3A_314 = arith.cmpi ne, %convert_element_type3A_312, %cond3A_313 : i32
      scf.if %cond3A_314 {
        %dma_wait3A_391 = arith.constant 0 : i32
        %dma_wait3A_392 = arith.constant 0 : i32
        %dma_wait3A_393 = tpu.memref_slice %arg6[%dma_wait3A_391, %dma_wait3A_392] : memref<79x128xi32, #tpu.memory_space<vmem>> -> memref<1x128xi32, #tpu.memory_space<vmem>>
        %dma_wait3A_394 = tpu.memref_squeeze %dma_wait3A_393 : memref<1x128xi32, #tpu.memory_space<vmem>> -> memref<128xi32, #tpu.memory_space<vmem>>
        %dma_wait3A_395 = arith.constant 0 : i32
        %dma_wait3A_396 = arith.constant 0 : i32
        %dma_wait3A_397 = tpu.memref_slice %arg15[%dma_wait3A_395, %dma_wait3A_396] : memref<10000x64xf32, #tpu.memory_space<vmem_shared>> -> memref<10000x64xf32, #tpu.memory_space<vmem_shared>>
        tpu.wait_indirect_dma semaphore(%arg17 : memref<!tpu.dma_semaphore, #tpu.memory_space<semaphore_mem>>) src(%arg7 : memref<128x64xf32, #tpu.memory_space<vmem>>) dst(%dma_wait3A_397 : memref<10000x64xf32, #tpu.memory_space<vmem_shared>>)
        %dma_wait3A_398 = arith.constant 0 : i32
        %dma_wait3A_399 = arith.constant 0 : i32
        %dma_wait3A_400 = tpu.memref_slice %arg6[%dma_wait3A_398, %dma_wait3A_399] : memref<79x128xi32, #tpu.memory_space<vmem>> -> memref<1x128xi32, #tpu.memory_space<vmem>>
        %dma_wait3A_401 = tpu.memref_squeeze %dma_wait3A_400 : memref<1x128xi32, #tpu.memory_space<vmem>> -> memref<128xi32, #tpu.memory_space<vmem>>
        %dma_wait3A_402 = arith.constant 0 : i32
        %dma_wait3A_403 = arith.constant 0 : i32
        %dma_wait3A_404 = tpu.memref_slice %arg15[%dma_wait3A_402, %dma_wait3A_403] : memref<10000x64xf32, #tpu.memory_space<vmem_shared>> -> memref<10000x64xf32, #tpu.memory_space<vmem_shared>>
        tpu.wait_indirect_dma semaphore(%arg17 : memref<!tpu.dma_semaphore, #tpu.memory_space<semaphore_mem>>) src(%arg8 : memref<128x64xf32, #tpu.memory_space<vmem>>) dst(%dma_wait3A_404 : memref<10000x64xf32, #tpu.memory_space<vmem_shared>>)
        %dma_wait3A_405 = arith.constant 0 : i32
        %dma_wait3A_406 = arith.constant 0 : i32
        %dma_wait3A_407 = tpu.memref_slice %arg6[%dma_wait3A_405, %dma_wait3A_406] : memref<79x128xi32, #tpu.memory_space<vmem>> -> memref<1x128xi32, #tpu.memory_space<vmem>>
        %dma_wait3A_408 = tpu.memref_squeeze %dma_wait3A_407 : memref<1x128xi32, #tpu.memory_space<vmem>> -> memref<128xi32, #tpu.memory_space<vmem>>
        %dma_wait3A_409 = arith.constant 0 : i32
        %dma_wait3A_410 = arith.constant 0 : i32
        %dma_wait3A_411 = tpu.memref_slice %arg15[%dma_wait3A_409, %dma_wait3A_410] : memref<10000x64xf32, #tpu.memory_space<vmem_shared>> -> memref<10000x64xf32, #tpu.memory_space<vmem_shared>>
        tpu.wait_indirect_dma semaphore(%arg17 : memref<!tpu.dma_semaphore, #tpu.memory_space<semaphore_mem>>) src(%arg9 : memref<128x64xf32, #tpu.memory_space<vmem>>) dst(%dma_wait3A_411 : memref<10000x64xf32, #tpu.memory_space<vmem_shared>>)
        %dma_wait3A_412 = arith.constant 0 : i32
        %dma_wait3A_413 = arith.constant 0 : i32
        %dma_wait3A_414 = tpu.memref_slice %arg6[%dma_wait3A_412, %dma_wait3A_413] : memref<79x128xi32, #tpu.memory_space<vmem>> -> memref<1x128xi32, #tpu.memory_space<vmem>>
        %dma_wait3A_415 = tpu.memref_squeeze %dma_wait3A_414 : memref<1x128xi32, #tpu.memory_space<vmem>> -> memref<128xi32, #tpu.memory_space<vmem>>
        %dma_wait3A_416 = arith.constant 0 : i32
        %dma_wait3A_417 = arith.constant 0 : i32
        %dma_wait3A_418 = tpu.memref_slice %arg15[%dma_wait3A_416, %dma_wait3A_417] : memref<10000x64xf32, #tpu.memory_space<vmem_shared>> -> memref<10000x64xf32, #tpu.memory_space<vmem_shared>>
        tpu.wait_indirect_dma semaphore(%arg17 : memref<!tpu.dma_semaphore, #tpu.memory_space<semaphore_mem>>) src(%arg10 : memref<128x64xf32, #tpu.memory_space<vmem>>) dst(%dma_wait3A_418 : memref<10000x64xf32, #tpu.memory_space<vmem_shared>>)
        %add3A_419 = arith.constant 1 : i32
        %add3A_420 = arith.addi %scan3A_189, %add3A_419 : i32
        %mul3A_421 = arith.constant 8 : i32
        %mul3A_422 = arith.muli %mul3A_421, %add3A_420 : i32
        %add3A_423 = arith.constant 0 : i32
        %add3A_424 = arith.addi %mul3A_422, %add3A_423 : i32
        %dma_start3A_425 = arith.constant 0 : i32
        %dma_start3A_426 = tpu.memref_slice %arg5[%add3A_424, %dma_start3A_425] : memref<79x128xi32, #tpu.memory_space<vmem>> -> memref<1x128xi32, #tpu.memory_space<vmem>>
        %dma_start3A_427 = tpu.memref_squeeze %dma_start3A_426 : memref<1x128xi32, #tpu.memory_space<vmem>> -> memref<128xi32, #tpu.memory_space<vmem>>
        %dma_start3A_428 = arith.constant 0 : i32
        %dma_start3A_429 = arith.constant 0 : i32
        %dma_start3A_430 = tpu.memref_slice %arg2[%dma_start3A_428, %dma_start3A_429] : memref<10000x64xf32, #tpu.memory_space<hbm>> -> memref<10000x64xf32, #tpu.memory_space<hbm>>
        tpu.enqueue_indirect_dma source(%dma_start3A_430 : memref<10000x64xf32, #tpu.memory_space<hbm>>) target(%arg7 : memref<128x64xf32, #tpu.memory_space<vmem>>) offsets(%dma_start3A_427 : memref<128xi32, #tpu.memory_space<vmem>>) semaphore(%arg16 : memref<!tpu.dma_semaphore, #tpu.memory_space<semaphore_mem>>)
        %add3A_431 = arith.constant 1 : i32
        %add3A_432 = arith.addi %scan3A_189, %add3A_431 : i32
        %mul3A_433 = arith.constant 8 : i32
        %mul3A_434 = arith.muli %mul3A_433, %add3A_432 : i32
        %add3A_435 = arith.constant 1 : i32
        %add3A_436 = arith.addi %mul3A_434, %add3A_435 : i32
        %dma_start3A_437 = arith.constant 0 : i32
        %dma_start3A_438 = tpu.memref_slice %arg5[%add3A_436, %dma_start3A_437] : memref<79x128xi32, #tpu.memory_space<vmem>> -> memref<1x128xi32, #tpu.memory_space<vmem>>
        %dma_start3A_439 = tpu.memref_squeeze %dma_start3A_438 : memref<1x128xi32, #tpu.memory_space<vmem>> -> memref<128xi32, #tpu.memory_space<vmem>>
        %dma_start3A_440 = arith.constant 0 : i32
        %dma_start3A_441 = arith.constant 0 : i32
        %dma_start3A_442 = tpu.memref_slice %arg2[%dma_start3A_440, %dma_start3A_441] : memref<10000x64xf32, #tpu.memory_space<hbm>> -> memref<10000x64xf32, #tpu.memory_space<hbm>>
        tpu.enqueue_indirect_dma source(%dma_start3A_442 : memref<10000x64xf32, #tpu.memory_space<hbm>>) target(%arg8 : memref<128x64xf32, #tpu.memory_space<vmem>>) offsets(%dma_start3A_439 : memref<128xi32, #tpu.memory_space<vmem>>) semaphore(%arg16 : memref<!tpu.dma_semaphore, #tpu.memory_space<semaphore_mem>>)
        %add3A_443 = arith.constant 1 : i32
        %add3A_444 = arith.addi %scan3A_189, %add3A_443 : i32
        %mul3A_445 = arith.constant 8 : i32
        %mul3A_446 = arith.muli %mul3A_445, %add3A_444 : i32
        %add3A_447 = arith.constant 2 : i32
        %add3A_448 = arith.addi %mul3A_446, %add3A_447 : i32
        %dma_start3A_449 = arith.constant 0 : i32
        %dma_start3A_450 = tpu.memref_slice %arg5[%add3A_448, %dma_start3A_449] : memref<79x128xi32, #tpu.memory_space<vmem>> -> memref<1x128xi32, #tpu.memory_space<vmem>>
        %dma_start3A_451 = tpu.memref_squeeze %dma_start3A_450 : memref<1x128xi32, #tpu.memory_space<vmem>> -> memref<128xi32, #tpu.memory_space<vmem>>
        %dma_start3A_452 = arith.constant 0 : i32
        %dma_start3A_453 = arith.constant 0 : i32
        %dma_start3A_454 = tpu.memref_slice %arg2[%dma_start3A_452, %dma_start3A_453] : memref<10000x64xf32, #tpu.memory_space<hbm>> -> memref<10000x64xf32, #tpu.memory_space<hbm>>
        tpu.enqueue_indirect_dma source(%dma_start3A_454 : memref<10000x64xf32, #tpu.memory_space<hbm>>) target(%arg9 : memref<128x64xf32, #tpu.memory_space<vmem>>) offsets(%dma_start3A_451 : memref<128xi32, #tpu.memory_space<vmem>>) semaphore(%arg16 : memref<!tpu.dma_semaphore, #tpu.memory_space<semaphore_mem>>)
        %add3A_455 = arith.constant 1 : i32
        %add3A_456 = arith.addi %scan3A_189, %add3A_455 : i32
        %mul3A_457 = arith.constant 8 : i32
        %mul3A_458 = arith.muli %mul3A_457, %add3A_456 : i32
        %add3A_459 = arith.constant 3 : i32
        %add3A_460 = arith.addi %mul3A_458, %add3A_459 : i32
        %dma_start3A_461 = arith.constant 0 : i32
        %dma_start3A_462 = tpu.memref_slice %arg5[%add3A_460, %dma_start3A_461] : memref<79x128xi32, #tpu.memory_space<vmem>> -> memref<1x128xi32, #tpu.memory_space<vmem>>
        %dma_start3A_463 = tpu.memref_squeeze %dma_start3A_462 : memref<1x128xi32, #tpu.memory_space<vmem>> -> memref<128xi32, #tpu.memory_space<vmem>>
        %dma_start3A_464 = arith.constant 0 : i32
        %dma_start3A_465 = arith.constant 0 : i32
        %dma_start3A_466 = tpu.memref_slice %arg2[%dma_start3A_464, %dma_start3A_465] : memref<10000x64xf32, #tpu.memory_space<hbm>> -> memref<10000x64xf32, #tpu.memory_space<hbm>>
        tpu.enqueue_indirect_dma source(%dma_start3A_466 : memref<10000x64xf32, #tpu.memory_space<hbm>>) target(%arg10 : memref<128x64xf32, #tpu.memory_space<vmem>>) offsets(%dma_start3A_463 : memref<128xi32, #tpu.memory_space<vmem>>) semaphore(%arg16 : memref<!tpu.dma_semaphore, #tpu.memory_space<semaphore_mem>>)
      } else {
      }
      %dma_wait3A_315 = arith.constant 0 : i32
      %dma_wait3A_316 = arith.constant 0 : i32
      %dma_wait3A_317 = tpu.memref_slice %arg5[%dma_wait3A_315, %dma_wait3A_316] : memref<79x128xi32, #tpu.memory_space<vmem>> -> memref<1x128xi32, #tpu.memory_space<vmem>>
      %dma_wait3A_318 = tpu.memref_squeeze %dma_wait3A_317 : memref<1x128xi32, #tpu.memory_space<vmem>> -> memref<128xi32, #tpu.memory_space<vmem>>
      %dma_wait3A_319 = arith.constant 0 : i32
      %dma_wait3A_320 = arith.constant 0 : i32
      %dma_wait3A_321 = tpu.memref_slice %arg2[%dma_wait3A_319, %dma_wait3A_320] : memref<10000x64xf32, #tpu.memory_space<hbm>> -> memref<10000x64xf32, #tpu.memory_space<hbm>>
      tpu.wait_indirect_dma semaphore(%arg18 : memref<!tpu.dma_semaphore, #tpu.memory_space<semaphore_mem>>) src(%dma_wait3A_321 : memref<10000x64xf32, #tpu.memory_space<hbm>>) dst(%arg11 : memref<128x64xf32, #tpu.memory_space<vmem>>)
      %dma_wait3A_322 = arith.constant 0 : i32
      %dma_wait3A_323 = arith.constant 0 : i32
      %dma_wait3A_324 = tpu.memref_slice %arg5[%dma_wait3A_322, %dma_wait3A_323] : memref<79x128xi32, #tpu.memory_space<vmem>> -> memref<1x128xi32, #tpu.memory_space<vmem>>
      %dma_wait3A_325 = tpu.memref_squeeze %dma_wait3A_324 : memref<1x128xi32, #tpu.memory_space<vmem>> -> memref<128xi32, #tpu.memory_space<vmem>>
      %dma_wait3A_326 = arith.constant 0 : i32
      %dma_wait3A_327 = arith.constant 0 : i32
      %dma_wait3A_328 = tpu.memref_slice %arg2[%dma_wait3A_326, %dma_wait3A_327] : memref<10000x64xf32, #tpu.memory_space<hbm>> -> memref<10000x64xf32, #tpu.memory_space<hbm>>
      tpu.wait_indirect_dma semaphore(%arg18 : memref<!tpu.dma_semaphore, #tpu.memory_space<semaphore_mem>>) src(%dma_wait3A_328 : memref<10000x64xf32, #tpu.memory_space<hbm>>) dst(%arg12 : memref<128x64xf32, #tpu.memory_space<vmem>>)
      %dma_wait3A_329 = arith.constant 0 : i32
      %dma_wait3A_330 = arith.constant 0 : i32
      %dma_wait3A_331 = tpu.memref_slice %arg5[%dma_wait3A_329, %dma_wait3A_330] : memref<79x128xi32, #tpu.memory_space<vmem>> -> memref<1x128xi32, #tpu.memory_space<vmem>>
      %dma_wait3A_332 = tpu.memref_squeeze %dma_wait3A_331 : memref<1x128xi32, #tpu.memory_space<vmem>> -> memref<128xi32, #tpu.memory_space<vmem>>
      %dma_wait3A_333 = arith.constant 0 : i32
      %dma_wait3A_334 = arith.constant 0 : i32
      %dma_wait3A_335 = tpu.memref_slice %arg2[%dma_wait3A_333, %dma_wait3A_334] : memref<10000x64xf32, #tpu.memory_space<hbm>> -> memref<10000x64xf32, #tpu.memory_space<hbm>>
      tpu.wait_indirect_dma semaphore(%arg18 : memref<!tpu.dma_semaphore, #tpu.memory_space<semaphore_mem>>) src(%dma_wait3A_335 : memref<10000x64xf32, #tpu.memory_space<hbm>>) dst(%arg13 : memref<128x64xf32, #tpu.memory_space<vmem>>)
      %dma_wait3A_336 = arith.constant 0 : i32
      %dma_wait3A_337 = arith.constant 0 : i32
      %dma_wait3A_338 = tpu.memref_slice %arg5[%dma_wait3A_336, %dma_wait3A_337] : memref<79x128xi32, #tpu.memory_space<vmem>> -> memref<1x128xi32, #tpu.memory_space<vmem>>
      %dma_wait3A_339 = tpu.memref_squeeze %dma_wait3A_338 : memref<1x128xi32, #tpu.memory_space<vmem>> -> memref<128xi32, #tpu.memory_space<vmem>>
      %dma_wait3A_340 = arith.constant 0 : i32
      %dma_wait3A_341 = arith.constant 0 : i32
      %dma_wait3A_342 = tpu.memref_slice %arg2[%dma_wait3A_340, %dma_wait3A_341] : memref<10000x64xf32, #tpu.memory_space<hbm>> -> memref<10000x64xf32, #tpu.memory_space<hbm>>
      tpu.wait_indirect_dma semaphore(%arg18 : memref<!tpu.dma_semaphore, #tpu.memory_space<semaphore_mem>>) src(%dma_wait3A_342 : memref<10000x64xf32, #tpu.memory_space<hbm>>) dst(%arg14 : memref<128x64xf32, #tpu.memory_space<vmem>>)
      %mul3A_343 = arith.constant 8 : i32
      %mul3A_344 = arith.muli %mul3A_343, %scan3A_189 : i32
      %add3A_345 = arith.constant 4 : i32
      %add3A_346 = arith.addi %mul3A_344, %add3A_345 : i32
      %add3A_347 = arith.constant 0 : i32
      %add3A_348 = arith.addi %add3A_346, %add3A_347 : i32
      %dma_start3A_349 = arith.constant 0 : i32
      %dma_start3A_350 = tpu.memref_slice %arg6[%add3A_348, %dma_start3A_349] : memref<79x128xi32, #tpu.memory_space<vmem>> -> memref<1x128xi32, #tpu.memory_space<vmem>>
      %dma_start3A_351 = tpu.memref_squeeze %dma_start3A_350 : memref<1x128xi32, #tpu.memory_space<vmem>> -> memref<128xi32, #tpu.memory_space<vmem>>
      %dma_start3A_352 = arith.constant 0 : i32
      %dma_start3A_353 = arith.constant 0 : i32
      %dma_start3A_354 = tpu.memref_slice %arg15[%dma_start3A_352, %dma_start3A_353] : memref<10000x64xf32, #tpu.memory_space<vmem_shared>> -> memref<10000x64xf32, #tpu.memory_space<vmem_shared>>
      tpu.enqueue_indirect_dma source(%arg11 : memref<128x64xf32, #tpu.memory_space<vmem>>) target(%dma_start3A_354 : memref<10000x64xf32, #tpu.memory_space<vmem_shared>>) offsets(%dma_start3A_351 : memref<128xi32, #tpu.memory_space<vmem>>) semaphore(%arg19 : memref<!tpu.dma_semaphore, #tpu.memory_space<semaphore_mem>>) {add = true}
      %mul3A_355 = arith.constant 8 : i32
      %mul3A_356 = arith.muli %mul3A_355, %scan3A_189 : i32
      %add3A_357 = arith.constant 4 : i32
      %add3A_358 = arith.addi %mul3A_356, %add3A_357 : i32
      %add3A_359 = arith.constant 1 : i32
      %add3A_360 = arith.addi %add3A_358, %add3A_359 : i32
      %dma_start3A_361 = arith.constant 0 : i32
      %dma_start3A_362 = tpu.memref_slice %arg6[%add3A_360, %dma_start3A_361] : memref<79x128xi32, #tpu.memory_space<vmem>> -> memref<1x128xi32, #tpu.memory_space<vmem>>
      %dma_start3A_363 = tpu.memref_squeeze %dma_start3A_362 : memref<1x128xi32, #tpu.memory_space<vmem>> -> memref<128xi32, #tpu.memory_space<vmem>>
      %dma_start3A_364 = arith.constant 0 : i32
      %dma_start3A_365 = arith.constant 0 : i32
      %dma_start3A_366 = tpu.memref_slice %arg15[%dma_start3A_364, %dma_start3A_365] : memref<10000x64xf32, #tpu.memory_space<vmem_shared>> -> memref<10000x64xf32, #tpu.memory_space<vmem_shared>>
      tpu.enqueue_indirect_dma source(%arg12 : memref<128x64xf32, #tpu.memory_space<vmem>>) target(%dma_start3A_366 : memref<10000x64xf32, #tpu.memory_space<vmem_shared>>) offsets(%dma_start3A_363 : memref<128xi32, #tpu.memory_space<vmem>>) semaphore(%arg19 : memref<!tpu.dma_semaphore, #tpu.memory_space<semaphore_mem>>) {add = true}
      %mul3A_367 = arith.constant 8 : i32
      %mul3A_368 = arith.muli %mul3A_367, %scan3A_189 : i32
      %add3A_369 = arith.constant 4 : i32
      %add3A_370 = arith.addi %mul3A_368, %add3A_369 : i32
      %add3A_371 = arith.constant 2 : i32
      %add3A_372 = arith.addi %add3A_370, %add3A_371 : i32
      %dma_start3A_373 = arith.constant 0 : i32
      %dma_start3A_374 = tpu.memref_slice %arg6[%add3A_372, %dma_start3A_373] : memref<79x128xi32, #tpu.memory_space<vmem>> -> memref<1x128xi32, #tpu.memory_space<vmem>>
      %dma_start3A_375 = tpu.memref_squeeze %dma_start3A_374 : memref<1x128xi32, #tpu.memory_space<vmem>> -> memref<128xi32, #tpu.memory_space<vmem>>
      %dma_start3A_376 = arith.constant 0 : i32
      %dma_start3A_377 = arith.constant 0 : i32
      %dma_start3A_378 = tpu.memref_slice %arg15[%dma_start3A_376, %dma_start3A_377] : memref<10000x64xf32, #tpu.memory_space<vmem_shared>> -> memref<10000x64xf32, #tpu.memory_space<vmem_shared>>
      tpu.enqueue_indirect_dma source(%arg13 : memref<128x64xf32, #tpu.memory_space<vmem>>) target(%dma_start3A_378 : memref<10000x64xf32, #tpu.memory_space<vmem_shared>>) offsets(%dma_start3A_375 : memref<128xi32, #tpu.memory_space<vmem>>) semaphore(%arg19 : memref<!tpu.dma_semaphore, #tpu.memory_space<semaphore_mem>>) {add = true}
      %mul3A_379 = arith.constant 8 : i32
      %mul3A_380 = arith.muli %mul3A_379, %scan3A_189 : i32
      %add3A_381 = arith.constant 4 : i32
      %add3A_382 = arith.addi %mul3A_380, %add3A_381 : i32
      %add3A_383 = arith.constant 3 : i32
      %add3A_384 = arith.addi %add3A_382, %add3A_383 : i32
      %dma_start3A_385 = arith.constant 0 : i32
      %dma_start3A_386 = tpu.memref_slice %arg6[%add3A_384, %dma_start3A_385] : memref<79x128xi32, #tpu.memory_space<vmem>> -> memref<1x128xi32, #tpu.memory_space<vmem>>
      %dma_start3A_387 = tpu.memref_squeeze %dma_start3A_386 : memref<1x128xi32, #tpu.memory_space<vmem>> -> memref<128xi32, #tpu.memory_space<vmem>>
      %dma_start3A_388 = arith.constant 0 : i32
      %dma_start3A_389 = arith.constant 0 : i32
      %dma_start3A_390 = tpu.memref_slice %arg15[%dma_start3A_388, %dma_start3A_389] : memref<10000x64xf32, #tpu.memory_space<vmem_shared>> -> memref<10000x64xf32, #tpu.memory_space<vmem_shared>>
      tpu.enqueue_indirect_dma source(%arg14 : memref<128x64xf32, #tpu.memory_space<vmem>>) target(%dma_start3A_390 : memref<10000x64xf32, #tpu.memory_space<vmem_shared>>) offsets(%dma_start3A_387 : memref<128xi32, #tpu.memory_space<vmem>>) semaphore(%arg19 : memref<!tpu.dma_semaphore, #tpu.memory_space<semaphore_mem>>) {add = true}
    }
    %scan3A_113 = arith.constant 9 : i32
    %dma_wait3A_114 = arith.constant 0 : i32
    %dma_wait3A_115 = arith.constant 0 : i32
    %dma_wait3A_116 = tpu.memref_slice %arg6[%dma_wait3A_114, %dma_wait3A_115] : memref<79x128xi32, #tpu.memory_space<vmem>> -> memref<1x128xi32, #tpu.memory_space<vmem>>
    %dma_wait3A_117 = tpu.memref_squeeze %dma_wait3A_116 : memref<1x128xi32, #tpu.memory_space<vmem>> -> memref<128xi32, #tpu.memory_space<vmem>>
    %dma_wait3A_118 = arith.constant 0 : i32
    %dma_wait3A_119 = arith.constant 0 : i32
    %dma_wait3A_120 = tpu.memref_slice %arg15[%dma_wait3A_118, %dma_wait3A_119] : memref<10000x64xf32, #tpu.memory_space<vmem_shared>> -> memref<10000x64xf32, #tpu.memory_space<vmem_shared>>
    tpu.wait_indirect_dma semaphore(%arg17 : memref<!tpu.dma_semaphore, #tpu.memory_space<semaphore_mem>>) src(%arg7 : memref<128x64xf32, #tpu.memory_space<vmem>>) dst(%dma_wait3A_120 : memref<10000x64xf32, #tpu.memory_space<vmem_shared>>)
    %dma_wait3A_121 = arith.constant 0 : i32
    %dma_wait3A_122 = arith.constant 0 : i32
    %dma_wait3A_123 = tpu.memref_slice %arg6[%dma_wait3A_121, %dma_wait3A_122] : memref<79x128xi32, #tpu.memory_space<vmem>> -> memref<1x128xi32, #tpu.memory_space<vmem>>
    %dma_wait3A_124 = tpu.memref_squeeze %dma_wait3A_123 : memref<1x128xi32, #tpu.memory_space<vmem>> -> memref<128xi32, #tpu.memory_space<vmem>>
    %dma_wait3A_125 = arith.constant 0 : i32
    %dma_wait3A_126 = arith.constant 0 : i32
    %dma_wait3A_127 = tpu.memref_slice %arg15[%dma_wait3A_125, %dma_wait3A_126] : memref<10000x64xf32, #tpu.memory_space<vmem_shared>> -> memref<10000x64xf32, #tpu.memory_space<vmem_shared>>
    tpu.wait_indirect_dma semaphore(%arg17 : memref<!tpu.dma_semaphore, #tpu.memory_space<semaphore_mem>>) src(%arg8 : memref<128x64xf32, #tpu.memory_space<vmem>>) dst(%dma_wait3A_127 : memref<10000x64xf32, #tpu.memory_space<vmem_shared>>)
    %dma_wait3A_128 = arith.constant 0 : i32
    %dma_wait3A_129 = arith.constant 0 : i32
    %dma_wait3A_130 = tpu.memref_slice %arg6[%dma_wait3A_128, %dma_wait3A_129] : memref<79x128xi32, #tpu.memory_space<vmem>> -> memref<1x128xi32, #tpu.memory_space<vmem>>
    %dma_wait3A_131 = tpu.memref_squeeze %dma_wait3A_130 : memref<1x128xi32, #tpu.memory_space<vmem>> -> memref<128xi32, #tpu.memory_space<vmem>>
    %dma_wait3A_132 = arith.constant 0 : i32
    %dma_wait3A_133 = arith.constant 0 : i32
    %dma_wait3A_134 = tpu.memref_slice %arg15[%dma_wait3A_132, %dma_wait3A_133] : memref<10000x64xf32, #tpu.memory_space<vmem_shared>> -> memref<10000x64xf32, #tpu.memory_space<vmem_shared>>
    tpu.wait_indirect_dma semaphore(%arg17 : memref<!tpu.dma_semaphore, #tpu.memory_space<semaphore_mem>>) src(%arg9 : memref<128x64xf32, #tpu.memory_space<vmem>>) dst(%dma_wait3A_134 : memref<10000x64xf32, #tpu.memory_space<vmem_shared>>)
    %dma_wait3A_135 = arith.constant 0 : i32
    %dma_wait3A_136 = arith.constant 0 : i32
    %dma_wait3A_137 = tpu.memref_slice %arg6[%dma_wait3A_135, %dma_wait3A_136] : memref<79x128xi32, #tpu.memory_space<vmem>> -> memref<1x128xi32, #tpu.memory_space<vmem>>
    %dma_wait3A_138 = tpu.memref_squeeze %dma_wait3A_137 : memref<1x128xi32, #tpu.memory_space<vmem>> -> memref<128xi32, #tpu.memory_space<vmem>>
    %dma_wait3A_139 = arith.constant 0 : i32
    %dma_wait3A_140 = arith.constant 0 : i32
    %dma_wait3A_141 = tpu.memref_slice %arg15[%dma_wait3A_139, %dma_wait3A_140] : memref<10000x64xf32, #tpu.memory_space<vmem_shared>> -> memref<10000x64xf32, #tpu.memory_space<vmem_shared>>
    tpu.wait_indirect_dma semaphore(%arg17 : memref<!tpu.dma_semaphore, #tpu.memory_space<semaphore_mem>>) src(%arg10 : memref<128x64xf32, #tpu.memory_space<vmem>>) dst(%dma_wait3A_141 : memref<10000x64xf32, #tpu.memory_space<vmem_shared>>)
    %dma_wait3A_142 = arith.constant 0 : i32
    %dma_wait3A_143 = arith.constant 0 : i32
    %dma_wait3A_144 = tpu.memref_slice %arg6[%dma_wait3A_142, %dma_wait3A_143] : memref<79x128xi32, #tpu.memory_space<vmem>> -> memref<1x128xi32, #tpu.memory_space<vmem>>
    %dma_wait3A_145 = tpu.memref_squeeze %dma_wait3A_144 : memref<1x128xi32, #tpu.memory_space<vmem>> -> memref<128xi32, #tpu.memory_space<vmem>>
    %dma_wait3A_146 = arith.constant 0 : i32
    %dma_wait3A_147 = arith.constant 0 : i32
    %dma_wait3A_148 = tpu.memref_slice %arg15[%dma_wait3A_146, %dma_wait3A_147] : memref<10000x64xf32, #tpu.memory_space<vmem_shared>> -> memref<10000x64xf32, #tpu.memory_space<vmem_shared>>
    tpu.wait_indirect_dma semaphore(%arg19 : memref<!tpu.dma_semaphore, #tpu.memory_space<semaphore_mem>>) src(%arg11 : memref<128x64xf32, #tpu.memory_space<vmem>>) dst(%dma_wait3A_148 : memref<10000x64xf32, #tpu.memory_space<vmem_shared>>)
    %dma_wait3A_149 = arith.constant 0 : i32
    %dma_wait3A_150 = arith.constant 0 : i32
    %dma_wait3A_151 = tpu.memref_slice %arg6[%dma_wait3A_149, %dma_wait3A_150] : memref<79x128xi32, #tpu.memory_space<vmem>> -> memref<1x128xi32, #tpu.memory_space<vmem>>
    %dma_wait3A_152 = tpu.memref_squeeze %dma_wait3A_151 : memref<1x128xi32, #tpu.memory_space<vmem>> -> memref<128xi32, #tpu.memory_space<vmem>>
    %dma_wait3A_153 = arith.constant 0 : i32
    %dma_wait3A_154 = arith.constant 0 : i32
    %dma_wait3A_155 = tpu.memref_slice %arg15[%dma_wait3A_153, %dma_wait3A_154] : memref<10000x64xf32, #tpu.memory_space<vmem_shared>> -> memref<10000x64xf32, #tpu.memory_space<vmem_shared>>
    tpu.wait_indirect_dma semaphore(%arg19 : memref<!tpu.dma_semaphore, #tpu.memory_space<semaphore_mem>>) src(%arg12 : memref<128x64xf32, #tpu.memory_space<vmem>>) dst(%dma_wait3A_155 : memref<10000x64xf32, #tpu.memory_space<vmem_shared>>)
    %dma_wait3A_156 = arith.constant 0 : i32
    %dma_wait3A_157 = arith.constant 0 : i32
    %dma_wait3A_158 = tpu.memref_slice %arg6[%dma_wait3A_156, %dma_wait3A_157] : memref<79x128xi32, #tpu.memory_space<vmem>> -> memref<1x128xi32, #tpu.memory_space<vmem>>
    %dma_wait3A_159 = tpu.memref_squeeze %dma_wait3A_158 : memref<1x128xi32, #tpu.memory_space<vmem>> -> memref<128xi32, #tpu.memory_space<vmem>>
    %dma_wait3A_160 = arith.constant 0 : i32
    %dma_wait3A_161 = arith.constant 0 : i32
    %dma_wait3A_162 = tpu.memref_slice %arg15[%dma_wait3A_160, %dma_wait3A_161] : memref<10000x64xf32, #tpu.memory_space<vmem_shared>> -> memref<10000x64xf32, #tpu.memory_space<vmem_shared>>
    tpu.wait_indirect_dma semaphore(%arg19 : memref<!tpu.dma_semaphore, #tpu.memory_space<semaphore_mem>>) src(%arg13 : memref<128x64xf32, #tpu.memory_space<vmem>>) dst(%dma_wait3A_162 : memref<10000x64xf32, #tpu.memory_space<vmem_shared>>)
    %dma_wait3A_163 = arith.constant 0 : i32
    %dma_wait3A_164 = arith.constant 0 : i32
    %dma_wait3A_165 = tpu.memref_slice %arg6[%dma_wait3A_163, %dma_wait3A_164] : memref<79x128xi32, #tpu.memory_space<vmem>> -> memref<1x128xi32, #tpu.memory_space<vmem>>
    %dma_wait3A_166 = tpu.memref_squeeze %dma_wait3A_165 : memref<1x128xi32, #tpu.memory_space<vmem>> -> memref<128xi32, #tpu.memory_space<vmem>>
    %dma_wait3A_167 = arith.constant 0 : i32
    %dma_wait3A_168 = arith.constant 0 : i32
    %dma_wait3A_169 = tpu.memref_slice %arg15[%dma_wait3A_167, %dma_wait3A_168] : memref<10000x64xf32, #tpu.memory_space<vmem_shared>> -> memref<10000x64xf32, #tpu.memory_space<vmem_shared>>
    tpu.wait_indirect_dma semaphore(%arg19 : memref<!tpu.dma_semaphore, #tpu.memory_space<semaphore_mem>>) src(%arg14 : memref<128x64xf32, #tpu.memory_space<vmem>>) dst(%dma_wait3A_169 : memref<10000x64xf32, #tpu.memory_space<vmem_shared>>)
    %while3A = arith.constant 0 : i32
    %while3A_170 = arith.constant 72 : i32
    %while3A_171 = arith.subi %add3A_8, %while3A_170 : i32
    %while3A_172 = arith.addi %while3A_170, %while3A_171 : i32
    %while3A_173 = arith.constant 1 : i32
    %while3A_174 = arith.divsi %while3A_171, %while3A_173 : i32
    %while3A_175 = arith.muli %while3A_174, %while3A_173 : i32
    %while3A_176 = arith.addi %while3A_170, %while3A_175 : i32
    %while3A_177 = arith.constant 1 : i32
    scf.for %while3A_189 = %while3A_170 to %while3A_176 step %while3A_177  : i32 {
      %dma_start3A_190 = arith.constant 0 : i32
      %dma_start3A_191 = tpu.memref_slice %arg5[%while3A_189, %dma_start3A_190] : memref<79x128xi32, #tpu.memory_space<vmem>> -> memref<1x128xi32, #tpu.memory_space<vmem>>
      %dma_start3A_192 = tpu.memref_squeeze %dma_start3A_191 : memref<1x128xi32, #tpu.memory_space<vmem>> -> memref<128xi32, #tpu.memory_space<vmem>>
      %dma_start3A_193 = arith.constant 0 : i32
      %dma_start3A_194 = arith.constant 0 : i32
      %dma_start3A_195 = tpu.memref_slice %arg2[%dma_start3A_193, %dma_start3A_194] : memref<10000x64xf32, #tpu.memory_space<hbm>> -> memref<10000x64xf32, #tpu.memory_space<hbm>>
      tpu.enqueue_indirect_dma source(%dma_start3A_195 : memref<10000x64xf32, #tpu.memory_space<hbm>>) target(%arg7 : memref<128x64xf32, #tpu.memory_space<vmem>>) offsets(%dma_start3A_192 : memref<128xi32, #tpu.memory_space<vmem>>) semaphore(%arg16 : memref<!tpu.dma_semaphore, #tpu.memory_space<semaphore_mem>>)
      %dma_wait3A_196 = arith.constant 0 : i32
      %dma_wait3A_197 = arith.constant 0 : i32
      %dma_wait3A_198 = tpu.memref_slice %arg5[%dma_wait3A_196, %dma_wait3A_197] : memref<79x128xi32, #tpu.memory_space<vmem>> -> memref<1x128xi32, #tpu.memory_space<vmem>>
      %dma_wait3A_199 = tpu.memref_squeeze %dma_wait3A_198 : memref<1x128xi32, #tpu.memory_space<vmem>> -> memref<128xi32, #tpu.memory_space<vmem>>
      %dma_wait3A_200 = arith.constant 0 : i32
      %dma_wait3A_201 = arith.constant 0 : i32
      %dma_wait3A_202 = tpu.memref_slice %arg2[%dma_wait3A_200, %dma_wait3A_201] : memref<10000x64xf32, #tpu.memory_space<hbm>> -> memref<10000x64xf32, #tpu.memory_space<hbm>>
      tpu.wait_indirect_dma semaphore(%arg16 : memref<!tpu.dma_semaphore, #tpu.memory_space<semaphore_mem>>) src(%dma_wait3A_202 : memref<10000x64xf32, #tpu.memory_space<hbm>>) dst(%arg7 : memref<128x64xf32, #tpu.memory_space<vmem>>)
      %dma_start3A_203 = arith.constant 0 : i32
      %dma_start3A_204 = tpu.memref_slice %arg6[%while3A_189, %dma_start3A_203] : memref<79x128xi32, #tpu.memory_space<vmem>> -> memref<1x128xi32, #tpu.memory_space<vmem>>
      %dma_start3A_205 = tpu.memref_squeeze %dma_start3A_204 : memref<1x128xi32, #tpu.memory_space<vmem>> -> memref<128xi32, #tpu.memory_space<vmem>>
      %dma_start3A_206 = arith.constant 0 : i32
      %dma_start3A_207 = arith.constant 0 : i32
      %dma_start3A_208 = tpu.memref_slice %arg15[%dma_start3A_206, %dma_start3A_207] : memref<10000x64xf32, #tpu.memory_space<vmem_shared>> -> memref<10000x64xf32, #tpu.memory_space<vmem_shared>>
      tpu.enqueue_indirect_dma source(%arg7 : memref<128x64xf32, #tpu.memory_space<vmem>>) target(%dma_start3A_208 : memref<10000x64xf32, #tpu.memory_space<vmem_shared>>) offsets(%dma_start3A_205 : memref<128xi32, #tpu.memory_space<vmem>>) semaphore(%arg17 : memref<!tpu.dma_semaphore, #tpu.memory_space<semaphore_mem>>) {add = true}
      %dma_wait3A_209 = arith.constant 0 : i32
      %dma_wait3A_210 = arith.constant 0 : i32
      %dma_wait3A_211 = tpu.memref_slice %arg6[%dma_wait3A_209, %dma_wait3A_210] : memref<79x128xi32, #tpu.memory_space<vmem>> -> memref<1x128xi32, #tpu.memory_space<vmem>>
      %dma_wait3A_212 = tpu.memref_squeeze %dma_wait3A_211 : memref<1x128xi32, #tpu.memory_space<vmem>> -> memref<128xi32, #tpu.memory_space<vmem>>
      %dma_wait3A_213 = arith.constant 0 : i32
      %dma_wait3A_214 = arith.constant 0 : i32
      %dma_wait3A_215 = tpu.memref_slice %arg15[%dma_wait3A_213, %dma_wait3A_214] : memref<10000x64xf32, #tpu.memory_space<vmem_shared>> -> memref<10000x64xf32, #tpu.memory_space<vmem_shared>>
      tpu.wait_indirect_dma semaphore(%arg17 : memref<!tpu.dma_semaphore, #tpu.memory_space<semaphore_mem>>) src(%arg7 : memref<128x64xf32, #tpu.memory_space<vmem>>) dst(%dma_wait3A_215 : memref<10000x64xf32, #tpu.memory_space<vmem_shared>>)
    }
    %while3A_178 = arith.constant 1 : i32
    scf.for %while3A_189 = %while3A_176 to %while3A_172 step %while3A_178  : i32 {
      %dma_start3A_190 = arith.constant 0 : i32
      %dma_start3A_191 = tpu.memref_slice %arg5[%while3A_189, %dma_start3A_190] : memref<79x128xi32, #tpu.memory_space<vmem>> -> memref<1x128xi32, #tpu.memory_space<vmem>>
      %dma_start3A_192 = tpu.memref_squeeze %dma_start3A_191 : memref<1x128xi32, #tpu.memory_space<vmem>> -> memref<128xi32, #tpu.memory_space<vmem>>
      %dma_start3A_193 = arith.constant 0 : i32
      %dma_start3A_194 = arith.constant 0 : i32
      %dma_start3A_195 = tpu.memref_slice %arg2[%dma_start3A_193, %dma_start3A_194] : memref<10000x64xf32, #tpu.memory_space<hbm>> -> memref<10000x64xf32, #tpu.memory_space<hbm>>
      tpu.enqueue_indirect_dma source(%dma_start3A_195 : memref<10000x64xf32, #tpu.memory_space<hbm>>) target(%arg7 : memref<128x64xf32, #tpu.memory_space<vmem>>) offsets(%dma_start3A_192 : memref<128xi32, #tpu.memory_space<vmem>>) semaphore(%arg16 : memref<!tpu.dma_semaphore, #tpu.memory_space<semaphore_mem>>)
      %dma_wait3A_196 = arith.constant 0 : i32
      %dma_wait3A_197 = arith.constant 0 : i32
      %dma_wait3A_198 = tpu.memref_slice %arg5[%dma_wait3A_196, %dma_wait3A_197] : memref<79x128xi32, #tpu.memory_space<vmem>> -> memref<1x128xi32, #tpu.memory_space<vmem>>
      %dma_wait3A_199 = tpu.memref_squeeze %dma_wait3A_198 : memref<1x128xi32, #tpu.memory_space<vmem>> -> memref<128xi32, #tpu.memory_space<vmem>>
      %dma_wait3A_200 = arith.constant 0 : i32
      %dma_wait3A_201 = arith.constant 0 : i32
      %dma_wait3A_202 = tpu.memref_slice %arg2[%dma_wait3A_200, %dma_wait3A_201] : memref<10000x64xf32, #tpu.memory_space<hbm>> -> memref<10000x64xf32, #tpu.memory_space<hbm>>
      tpu.wait_indirect_dma semaphore(%arg16 : memref<!tpu.dma_semaphore, #tpu.memory_space<semaphore_mem>>) src(%dma_wait3A_202 : memref<10000x64xf32, #tpu.memory_space<hbm>>) dst(%arg7 : memref<128x64xf32, #tpu.memory_space<vmem>>)
      %dma_start3A_203 = arith.constant 0 : i32
      %dma_start3A_204 = tpu.memref_slice %arg6[%while3A_189, %dma_start3A_203] : memref<79x128xi32, #tpu.memory_space<vmem>> -> memref<1x128xi32, #tpu.memory_space<vmem>>
      %dma_start3A_205 = tpu.memref_squeeze %dma_start3A_204 : memref<1x128xi32, #tpu.memory_space<vmem>> -> memref<128xi32, #tpu.memory_space<vmem>>
      %dma_start3A_206 = arith.constant 0 : i32
      %dma_start3A_207 = arith.constant 0 : i32
      %dma_start3A_208 = tpu.memref_slice %arg15[%dma_start3A_206, %dma_start3A_207] : memref<10000x64xf32, #tpu.memory_space<vmem_shared>> -> memref<10000x64xf32, #tpu.memory_space<vmem_shared>>
      tpu.enqueue_indirect_dma source(%arg7 : memref<128x64xf32, #tpu.memory_space<vmem>>) target(%dma_start3A_208 : memref<10000x64xf32, #tpu.memory_space<vmem_shared>>) offsets(%dma_start3A_205 : memref<128xi32, #tpu.memory_space<vmem>>) semaphore(%arg17 : memref<!tpu.dma_semaphore, #tpu.memory_space<semaphore_mem>>) {add = true}
      %dma_wait3A_209 = arith.constant 0 : i32
      %dma_wait3A_210 = arith.constant 0 : i32
      %dma_wait3A_211 = tpu.memref_slice %arg6[%dma_wait3A_209, %dma_wait3A_210] : memref<79x128xi32, #tpu.memory_space<vmem>> -> memref<1x128xi32, #tpu.memory_space<vmem>>
      %dma_wait3A_212 = tpu.memref_squeeze %dma_wait3A_211 : memref<1x128xi32, #tpu.memory_space<vmem>> -> memref<128xi32, #tpu.memory_space<vmem>>
      %dma_wait3A_213 = arith.constant 0 : i32
      %dma_wait3A_214 = arith.constant 0 : i32
      %dma_wait3A_215 = tpu.memref_slice %arg15[%dma_wait3A_213, %dma_wait3A_214] : memref<10000x64xf32, #tpu.memory_space<vmem_shared>> -> memref<10000x64xf32, #tpu.memory_space<vmem_shared>>
      tpu.wait_indirect_dma semaphore(%arg17 : memref<!tpu.dma_semaphore, #tpu.memory_space<semaphore_mem>>) src(%arg7 : memref<128x64xf32, #tpu.memory_space<vmem>>) dst(%dma_wait3A_215 : memref<10000x64xf32, #tpu.memory_space<vmem_shared>>)
    }
    %barrier3A_179 = arith.constant 0 : index
    tpu.barrier barrier_id(%barrier3A_179)
    %mul3A_180 = arith.constant 624 : i32
    %mul3A_181 = arith.muli %arg1, %mul3A_180 : i32
    %mul3A_182 = arith.constant 624 : i32
    %mul3A_183 = arith.muli %arg1, %mul3A_182 : i32
    "tpu.region"() ({
      %run_scoped3A = tpu.sem_alloc : memref<!tpu.dma_semaphore, #tpu.memory_space<semaphore_mem>>
      %dma_start3A_189 = tpu.memref_slice %arg4[%mul3A_183, %mul3A_38] : memref<10000x128xf32, #tpu.memory_space<hbm>> -> memref<624x64xf32, #tpu.memory_space<hbm>>
      %dma_start3A_190 = arith.constant 0 : i32
      %dma_start3A_191 = tpu.memref_slice %arg15[%mul3A_181, %dma_start3A_190] : memref<10000x64xf32, #tpu.memory_space<vmem_shared>> -> memref<624x64xf32, #tpu.memory_space<vmem_shared>>
      tpu.enqueue_dma source(%dma_start3A_191 : memref<624x64xf32, #tpu.memory_space<vmem_shared>>) target(%dma_start3A_189 : memref<624x64xf32, #tpu.memory_space<hbm>>) target_semaphore(%run_scoped3A : memref<!tpu.dma_semaphore, #tpu.memory_space<semaphore_mem>>)
      %dma_wait3A_192 = tpu.memref_slice %arg4[%mul3A_183, %mul3A_38] : memref<10000x128xf32, #tpu.memory_space<hbm>> -> memref<624x64xf32, #tpu.memory_space<hbm>>
      %dma_wait3A_193 = arith.constant 0 : i32
      %dma_wait3A_194 = tpu.memref_slice %arg15[%mul3A_181, %dma_wait3A_193] : memref<10000x64xf32, #tpu.memory_space<vmem_shared>> -> memref<624x64xf32, #tpu.memory_space<vmem_shared>>
      tpu.wait_dma2 semaphore(%run_scoped3A : memref<!tpu.dma_semaphore, #tpu.memory_space<semaphore_mem>>) src(%dma_wait3A_194 : memref<624x64xf32, #tpu.memory_space<vmem_shared>>) dst(%dma_wait3A_192 : memref<624x64xf32, #tpu.memory_space<hbm>>)
      tpu.yield
    }) : () -> ()
    %eq3A_184 = arith.constant 15 : i32
    %eq3A_185 = arith.cmpi eq, %arg1, %eq3A_184 : i32
    %convert_element_type3A_186 = arith.extui %eq3A_185 : i1 to i32
    %cond3A_187 = arith.constant 0 : i32
    %cond3A_188 = arith.cmpi ne, %convert_element_type3A_186, %cond3A_187 : i32
    scf.if %cond3A_188 {
      "tpu.region"() ({
        %run_scoped3A = tpu.sem_alloc : memref<!tpu.dma_semaphore, #tpu.memory_space<semaphore_mem>>
        %dma_start3A_189 = arith.constant 9984 : i32
        %dma_start3A_190 = tpu.memref_slice %arg4[%dma_start3A_189, %mul3A_38] : memref<10000x128xf32, #tpu.memory_space<hbm>> -> memref<16x64xf32, #tpu.memory_space<hbm>>
        %dma_start3A_191 = arith.constant 9984 : i32
        %dma_start3A_192 = arith.constant 0 : i32
        %dma_start3A_193 = tpu.memref_slice %arg15[%dma_start3A_191, %dma_start3A_192] : memref<10000x64xf32, #tpu.memory_space<vmem_shared>> -> memref<16x64xf32, #tpu.memory_space<vmem_shared>>
        tpu.enqueue_dma source(%dma_start3A_193 : memref<16x64xf32, #tpu.memory_space<vmem_shared>>) target(%dma_start3A_190 : memref<16x64xf32, #tpu.memory_space<hbm>>) target_semaphore(%run_scoped3A : memref<!tpu.dma_semaphore, #tpu.memory_space<semaphore_mem>>)
        %dma_wait3A_194 = arith.constant 9984 : i32
        %dma_wait3A_195 = tpu.memref_slice %arg4[%dma_wait3A_194, %mul3A_38] : memref<10000x128xf32, #tpu.memory_space<hbm>> -> memref<16x64xf32, #tpu.memory_space<hbm>>
        %dma_wait3A_196 = arith.constant 9984 : i32
        %dma_wait3A_197 = arith.constant 0 : i32
        %dma_wait3A_198 = tpu.memref_slice %arg15[%dma_wait3A_196, %dma_wait3A_197] : memref<10000x64xf32, #tpu.memory_space<vmem_shared>> -> memref<16x64xf32, #tpu.memory_space<vmem_shared>>
        tpu.wait_dma2 semaphore(%run_scoped3A : memref<!tpu.dma_semaphore, #tpu.memory_space<semaphore_mem>>) src(%dma_wait3A_198 : memref<16x64xf32, #tpu.memory_space<vmem_shared>>) dst(%dma_wait3A_195 : memref<16x64xf32, #tpu.memory_space<hbm>>)
        tpu.yield
      }) : () -> ()
    } else {
    }
    return
  }
}

#map = affine_map<(d0, d1) -> (0, 0)>
#map1 = affine_map<(d0, d1) -> (0, 0, 0)>
module attributes {stable_mosaic.version = 14 : i64} {
  func.func @body(%arg0: i32, %arg1: i32, %arg2: memref<10000x64xf32, #tpu.memory_space<hbm>>, %arg3: memref<2x2500x128xi32, #tpu.memory_space<hbm>>, %arg4: memref<10000x128xf32, #tpu.memory_space<hbm>>, %arg5: memref<79x128xi32, #tpu.memory_space<vmem>>, %arg6: memref<79x128xi32, #tpu.memory_space<vmem>>, %arg7: memref<128x64xf32, #tpu.memory_space<vmem>>, %arg8: memref<128x64xf32, #tpu.memory_space<vmem>>, %arg9: memref<128x64xf32, #tpu.memory_space<vmem>>, %arg10: memref<128x64xf32, #tpu.memory_space<vmem>>, %arg11: memref<128x64xf32, #tpu.memory_space<vmem>>, %arg12: memref<128x64xf32, #tpu.memory_space<vmem>>, %arg13: memref<128x64xf32, #tpu.memory_space<vmem>>, %arg14: memref<128x64xf32, #tpu.memory_space<vmem>>, %arg15: memref<10000x64xf32, #tpu.memory_space<vmem_shared>>, %arg16: memref<!tpu.dma_semaphore, #tpu.memory_space<semaphore_mem>>, %arg17: memref<!tpu.dma_semaphore, #tpu.memory_space<semaphore_mem>>, %arg18: memref<!tpu.dma_semaphore, #tpu.memory_space<semaphore_mem>>, %arg19: memref<!tpu.dma_semaphore, #tpu.memory_space<semaphore_mem>>, %arg20: memref<!tpu.dma_semaphore, #tpu.memory_space<semaphore_mem>>) attributes {dimension_semantics = [#tpu.dimension_semantics<core_parallel>, #tpu.dimension_semantics<subcore_parallel>], iteration_bounds = array<i64: 2, 16>, scalar_prefetch = 0 : i64, scratch_operands = 16 : i64, tpu.core_type = #tpu.core_type<sc_vector_subcore>, window_params = [{transform_indices = #map}, {transform_indices = #map1}, {transform_indices = #map}]} {
    %mul3A = arith.constant 2 : i32
    %mul3A_0 = arith.muli %arg1, %mul3A : i32
    %add3A = arith.addi %mul3A_0, %arg0 : i32
    %mul3A_1 = arith.constant 78 : i32
    %mul3A_2 = arith.muli %add3A, %mul3A_1 : i32
    %min3A = arith.constant 4 : i32
    %min3A_3 = arith.minsi %add3A, %min3A : i32
    %add3A_4 = arith.addi %mul3A_2, %min3A_3 : i32
    %lt3A = arith.constant 4 : i32
    %lt3A_5 = arith.cmpi slt, %add3A, %lt3A : i32
    %jit3A = arith.constant 1 : i32
    %jit3A_6 = arith.constant 0 : i32
    %select_n3A = arith.select %lt3A_5, %jit3A, %jit3A_6 : i32
    %add3A_7 = arith.constant 78 : i32
    %add3A_8 = arith.addi %add3A_7, %select_n3A : i32
    %dma_start3A = arith.constant 0 : i32
    %dma_start3A_9 = arith.constant 0 : i32
    %dma_start3A_10 = arith.constant 0 : i32
    %dma_start3A_11 = tpu.memref_slice %arg5[%dma_start3A_9, %dma_start3A_10] : memref<79x128xi32, #tpu.memory_space<vmem>> -> memref<78x128xi32, #tpu.memory_space<vmem>>
    %dma_start3A_12 = arith.constant 0 : i32
    %dma_start3A_13 = tpu.memref_slice %arg3[%dma_start3A, %add3A_4, %dma_start3A_12] : memref<2x2500x128xi32, #tpu.memory_space<hbm>> -> memref<1x78x128xi32, #tpu.memory_space<hbm>>
    %dma_start3A_14 = tpu.memref_squeeze %dma_start3A_13 : memref<1x78x128xi32, #tpu.memory_space<hbm>> -> memref<78x128xi32, #tpu.memory_space<hbm>>
    %dma_start3A_15 = arith.constant 0 : i32
    %dma_start3A_16 = arith.constant 0 : i32
    %dma_start3A_17 = tpu.memref_slice %arg5[%dma_start3A_15, %dma_start3A_16] : memref<79x128xi32, #tpu.memory_space<vmem>> -> memref<78x128xi32, #tpu.memory_space<vmem>>
    %dma_start3A_18 = arith.constant 0 : i32
    %dma_start3A_19 = tpu.memref_slice %arg3[%dma_start3A, %add3A_4, %dma_start3A_18] : memref<2x2500x128xi32, #tpu.memory_space<hbm>> -> memref<1x78x128xi32, #tpu.memory_space<hbm>>
    %dma_start3A_20 = tpu.memref_squeeze %dma_start3A_19 : memref<1x78x128xi32, #tpu.memory_space<hbm>> -> memref<78x128xi32, #tpu.memory_space<hbm>>
    tpu.enqueue_dma source(%dma_start3A_20 : memref<78x128xi32, #tpu.memory_space<hbm>>) target(%dma_start3A_17 : memref<78x128xi32, #tpu.memory_space<vmem>>) target_semaphore(%arg20 : memref<!tpu.dma_semaphore, #tpu.memory_space<semaphore_mem>>)
    %dma_start3A_21 = arith.constant 1 : i32
    %dma_start3A_22 = arith.constant 0 : i32
    %dma_start3A_23 = arith.constant 0 : i32
    %dma_start3A_24 = tpu.memref_slice %arg6[%dma_start3A_22, %dma_start3A_23] : memref<79x128xi32, #tpu.memory_space<vmem>> -> memref<78x128xi32, #tpu.memory_space<vmem>>
    %dma_start3A_25 = arith.constant 0 : i32
    %dma_start3A_26 = tpu.memref_slice %arg3[%dma_start3A_21, %add3A_4, %dma_start3A_25] : memref<2x2500x128xi32, #tpu.memory_space<hbm>> -> memref<1x78x128xi32, #tpu.memory_space<hbm>>
    %dma_start3A_27 = tpu.memref_squeeze %dma_start3A_26 : memref<1x78x128xi32, #tpu.memory_space<hbm>> -> memref<78x128xi32, #tpu.memory_space<hbm>>
    %dma_start3A_28 = arith.constant 0 : i32
    %dma_start3A_29 = arith.constant 0 : i32
    %dma_start3A_30 = tpu.memref_slice %arg6[%dma_start3A_28, %dma_start3A_29] : memref<79x128xi32, #tpu.memory_space<vmem>> -> memref<78x128xi32, #tpu.memory_space<vmem>>
    %dma_start3A_31 = arith.constant 0 : i32
    %dma_start3A_32 = tpu.memref_slice %arg3[%dma_start3A_21, %add3A_4, %dma_start3A_31] : memref<2x2500x128xi32, #tpu.memory_space<hbm>> -> memref<1x78x128xi32, #tpu.memory_space<hbm>>
    %dma_start3A_33 = tpu.memref_squeeze %dma_start3A_32 : memref<1x78x128xi32, #tpu.memory_space<hbm>> -> memref<78x128xi32, #tpu.memory_space<hbm>>
    tpu.enqueue_dma source(%dma_start3A_33 : memref<78x128xi32, #tpu.memory_space<hbm>>) target(%dma_start3A_30 : memref<78x128xi32, #tpu.memory_space<vmem>>) target_semaphore(%arg20 : memref<!tpu.dma_semaphore, #tpu.memory_space<semaphore_mem>>)
    %lt3A_34 = arith.constant 4 : i32
    %lt3A_35 = arith.cmpi slt, %add3A, %lt3A_34 : i32
    %convert_element_type3A = arith.extui %lt3A_35 : i1 to i32
    %cond3A = arith.constant 0 : i32
    %cond3A_36 = arith.cmpi ne, %convert_element_type3A, %cond3A : i32
    scf.if %cond3A_36 {
      %add3A_189 = arith.constant 78 : i32
      %add3A_190 = arith.addi %add3A_4, %add3A_189 : i32
      %dma_start3A_191 = arith.constant 0 : i32
      %dma_start3A_192 = arith.constant 78 : i32
      %dma_start3A_193 = arith.constant 0 : i32
      %dma_start3A_194 = tpu.memref_slice %arg5[%dma_start3A_192, %dma_start3A_193] : memref<79x128xi32, #tpu.memory_space<vmem>> -> memref<1x128xi32, #tpu.memory_space<vmem>>
      %dma_start3A_195 = arith.constant 0 : i32
      %dma_start3A_196 = tpu.memref_slice %arg3[%dma_start3A_191, %add3A_190, %dma_start3A_195] : memref<2x2500x128xi32, #tpu.memory_space<hbm>> -> memref<1x1x128xi32, #tpu.memory_space<hbm>>
      %dma_start3A_197 = tpu.memref_squeeze %dma_start3A_196 : memref<1x1x128xi32, #tpu.memory_space<hbm>> -> memref<1x128xi32, #tpu.memory_space<hbm>>
      %dma_start3A_198 = arith.constant 78 : i32
      %dma_start3A_199 = arith.constant 0 : i32
      %dma_start3A_200 = tpu.memref_slice %arg5[%dma_start3A_198, %dma_start3A_199] : memref<79x128xi32, #tpu.memory_space<vmem>> -> memref<1x128xi32, #tpu.memory_space<vmem>>
      %dma_start3A_201 = arith.constant 0 : i32
      %dma_start3A_202 = tpu.memref_slice %arg3[%dma_start3A_191, %add3A_190, %dma_start3A_201] : memref<2x2500x128xi32, #tpu.memory_space<hbm>> -> memref<1x1x128xi32, #tpu.memory_space<hbm>>
      %dma_start3A_203 = tpu.memref_squeeze %dma_start3A_202 : memref<1x1x128xi32, #tpu.memory_space<hbm>> -> memref<1x128xi32, #tpu.memory_space<hbm>>
      tpu.enqueue_dma source(%dma_start3A_203 : memref<1x128xi32, #tpu.memory_space<hbm>>) target(%dma_start3A_200 : memref<1x128xi32, #tpu.memory_space<vmem>>) target_semaphore(%arg20 : memref<!tpu.dma_semaphore, #tpu.memory_space<semaphore_mem>>)
      %add3A_204 = arith.constant 78 : i32
      %add3A_205 = arith.addi %add3A_4, %add3A_204 : i32
      %dma_start3A_206 = arith.constant 1 : i32
      %dma_start3A_207 = arith.constant 78 : i32
      %dma_start3A_208 = arith.constant 0 : i32
      %dma_start3A_209 = tpu.memref_slice %arg6[%dma_start3A_207, %dma_start3A_208] : memref<79x128xi32, #tpu.memory_space<vmem>> -> memref<1x128xi32, #tpu.memory_space<vmem>>
      %dma_start3A_210 = arith.constant 0 : i32
      %dma_start3A_211 = tpu.memref_slice %arg3[%dma_start3A_206, %add3A_205, %dma_start3A_210] : memref<2x2500x128xi32, #tpu.memory_space<hbm>> -> memref<1x1x128xi32, #tpu.memory_space<hbm>>
      %dma_start3A_212 = tpu.memref_squeeze %dma_start3A_211 : memref<1x1x128xi32, #tpu.memory_space<hbm>> -> memref<1x128xi32, #tpu.memory_space<hbm>>
      %dma_start3A_213 = arith.constant 78 : i32
      %dma_start3A_214 = arith.constant 0 : i32
      %dma_start3A_215 = tpu.memref_slice %arg6[%dma_start3A_213, %dma_start3A_214] : memref<79x128xi32, #tpu.memory_space<vmem>> -> memref<1x128xi32, #tpu.memory_space<vmem>>
      %dma_start3A_216 = arith.constant 0 : i32
      %dma_start3A_217 = tpu.memref_slice %arg3[%dma_start3A_206, %add3A_205, %dma_start3A_216] : memref<2x2500x128xi32, #tpu.memory_space<hbm>> -> memref<1x1x128xi32, #tpu.memory_space<hbm>>
      %dma_start3A_218 = tpu.memref_squeeze %dma_start3A_217 : memref<1x1x128xi32, #tpu.memory_space<hbm>> -> memref<1x128xi32, #tpu.memory_space<hbm>>
      tpu.enqueue_dma source(%dma_start3A_218 : memref<1x128xi32, #tpu.memory_space<hbm>>) target(%dma_start3A_215 : memref<1x128xi32, #tpu.memory_space<vmem>>) target_semaphore(%arg20 : memref<!tpu.dma_semaphore, #tpu.memory_space<semaphore_mem>>)
    } else {
    }
    %mul3A_37 = arith.constant 64 : i32
    %mul3A_38 = arith.muli %arg0, %mul3A_37 : i32
    %mul3A_39 = arith.constant 624 : i32
    %mul3A_40 = arith.muli %arg1, %mul3A_39 : i32
    %mul3A_41 = arith.constant 624 : i32
    %mul3A_42 = arith.muli %arg1, %mul3A_41 : i32
    "tpu.region"() ({
      %run_scoped3A = tpu.sem_alloc : memref<!tpu.dma_semaphore, #tpu.memory_space<semaphore_mem>>
      %dma_start3A_189 = arith.constant 0 : i32
      %dma_start3A_190 = tpu.memref_slice %arg15[%mul3A_42, %dma_start3A_189] : memref<10000x64xf32, #tpu.memory_space<vmem_shared>> -> memref<624x64xf32, #tpu.memory_space<vmem_shared>>
      %dma_start3A_191 = arith.constant 0 : i32
      %dma_start3A_192 = tpu.memref_slice %arg2[%mul3A_40, %dma_start3A_191] : memref<10000x64xf32, #tpu.memory_space<hbm>> -> memref<624x64xf32, #tpu.memory_space<hbm>>
      tpu.enqueue_dma source(%dma_start3A_192 : memref<624x64xf32, #tpu.memory_space<hbm>>) target(%dma_start3A_190 : memref<624x64xf32, #tpu.memory_space<vmem_shared>>) target_semaphore(%run_scoped3A : memref<!tpu.dma_semaphore, #tpu.memory_space<semaphore_mem>>)
      %dma_wait3A_193 = arith.constant 0 : i32
      %dma_wait3A_194 = tpu.memref_slice %arg15[%mul3A_42, %dma_wait3A_193] : memref<10000x64xf32, #tpu.memory_space<vmem_shared>> -> memref<624x64xf32, #tpu.memory_space<vmem_shared>>
      %dma_wait3A_195 = arith.constant 0 : i32
      %dma_wait3A_196 = tpu.memref_slice %arg2[%mul3A_40, %dma_wait3A_195] : memref<10000x64xf32, #tpu.memory_space<hbm>> -> memref<624x64xf32, #tpu.memory_space<hbm>>
      tpu.wait_dma2 semaphore(%run_scoped3A : memref<!tpu.dma_semaphore, #tpu.memory_space<semaphore_mem>>) src(%dma_wait3A_196 : memref<624x64xf32, #tpu.memory_space<hbm>>) dst(%dma_wait3A_194 : memref<624x64xf32, #tpu.memory_space<vmem_shared>>)
      tpu.yield
    }) : () -> ()
    %eq3A = arith.constant 15 : i32
    %eq3A_43 = arith.cmpi eq, %arg1, %eq3A : i32
    %convert_element_type3A_44 = arith.extui %eq3A_43 : i1 to i32
    %cond3A_45 = arith.constant 0 : i32
    %cond3A_46 = arith.cmpi ne, %convert_element_type3A_44, %cond3A_45 : i32
    scf.if %cond3A_46 {
      "tpu.region"() ({
        %run_scoped3A = tpu.sem_alloc : memref<!tpu.dma_semaphore, #tpu.memory_space<semaphore_mem>>
        %dma_start3A_189 = arith.constant 9984 : i32
        %dma_start3A_190 = arith.constant 0 : i32
        %dma_start3A_191 = tpu.memref_slice %arg15[%dma_start3A_189, %dma_start3A_190] : memref<10000x64xf32, #tpu.memory_space<vmem_shared>> -> memref<16x64xf32, #tpu.memory_space<vmem_shared>>
        %dma_start3A_192 = arith.constant 9984 : i32
        %dma_start3A_193 = arith.constant 0 : i32
        %dma_start3A_194 = tpu.memref_slice %arg2[%dma_start3A_192, %dma_start3A_193] : memref<10000x64xf32, #tpu.memory_space<hbm>> -> memref<16x64xf32, #tpu.memory_space<hbm>>
        tpu.enqueue_dma source(%dma_start3A_194 : memref<16x64xf32, #tpu.memory_space<hbm>>) target(%dma_start3A_191 : memref<16x64xf32, #tpu.memory_space<vmem_shared>>) target_semaphore(%run_scoped3A : memref<!tpu.dma_semaphore, #tpu.memory_space<semaphore_mem>>)
        %dma_wait3A_195 = arith.constant 9984 : i32
        %dma_wait3A_196 = arith.constant 0 : i32
        %dma_wait3A_197 = tpu.memref_slice %arg15[%dma_wait3A_195, %dma_wait3A_196] : memref<10000x64xf32, #tpu.memory_space<vmem_shared>> -> memref<16x64xf32, #tpu.memory_space<vmem_shared>>
        %dma_wait3A_198 = arith.constant 9984 : i32
        %dma_wait3A_199 = arith.constant 0 : i32
        %dma_wait3A_200 = tpu.memref_slice %arg2[%dma_wait3A_198, %dma_wait3A_199] : memref<10000x64xf32, #tpu.memory_space<hbm>> -> memref<16x64xf32, #tpu.memory_space<hbm>>
        tpu.wait_dma2 semaphore(%run_scoped3A : memref<!tpu.dma_semaphore, #tpu.memory_space<semaphore_mem>>) src(%dma_wait3A_200 : memref<16x64xf32, #tpu.memory_space<hbm>>) dst(%dma_wait3A_197 : memref<16x64xf32, #tpu.memory_space<vmem_shared>>)
        tpu.yield
      }) : () -> ()
    } else {
    }
    %dma_wait3A = arith.constant 0 : i32
    %dma_wait3A_47 = arith.constant 0 : i32
    %dma_wait3A_48 = arith.constant 0 : i32
    %dma_wait3A_49 = tpu.memref_slice %arg5[%dma_wait3A_47, %dma_wait3A_48] : memref<79x128xi32, #tpu.memory_space<vmem>> -> memref<78x128xi32, #tpu.memory_space<vmem>>
    %dma_wait3A_50 = arith.constant 0 : i32
    %dma_wait3A_51 = arith.constant 0 : i32
    %dma_wait3A_52 = tpu.memref_slice %arg3[%dma_wait3A, %dma_wait3A_50, %dma_wait3A_51] : memref<2x2500x128xi32, #tpu.memory_space<hbm>> -> memref<1x78x128xi32, #tpu.memory_space<hbm>>
    %dma_wait3A_53 = tpu.memref_squeeze %dma_wait3A_52 : memref<1x78x128xi32, #tpu.memory_space<hbm>> -> memref<78x128xi32, #tpu.memory_space<hbm>>
    %dma_wait3A_54 = arith.constant 0 : i32
    %dma_wait3A_55 = arith.constant 0 : i32
    %dma_wait3A_56 = tpu.memref_slice %arg5[%dma_wait3A_54, %dma_wait3A_55] : memref<79x128xi32, #tpu.memory_space<vmem>> -> memref<78x128xi32, #tpu.memory_space<vmem>>
    %dma_wait3A_57 = arith.constant 0 : i32
    %dma_wait3A_58 = arith.constant 0 : i32
    %dma_wait3A_59 = tpu.memref_slice %arg3[%dma_wait3A, %dma_wait3A_57, %dma_wait3A_58] : memref<2x2500x128xi32, #tpu.memory_space<hbm>> -> memref<1x78x128xi32, #tpu.memory_space<hbm>>
    %dma_wait3A_60 = tpu.memref_squeeze %dma_wait3A_59 : memref<1x78x128xi32, #tpu.memory_space<hbm>> -> memref<78x128xi32, #tpu.memory_space<hbm>>
    tpu.wait_dma2 semaphore(%arg20 : memref<!tpu.dma_semaphore, #tpu.memory_space<semaphore_mem>>) src(%dma_wait3A_60 : memref<78x128xi32, #tpu.memory_space<hbm>>) dst(%dma_wait3A_56 : memref<78x128xi32, #tpu.memory_space<vmem>>)
    %dma_wait3A_61 = arith.constant 0 : i32
    %dma_wait3A_62 = arith.constant 0 : i32
    %dma_wait3A_63 = arith.constant 0 : i32
    %dma_wait3A_64 = tpu.memref_slice %arg6[%dma_wait3A_62, %dma_wait3A_63] : memref<79x128xi32, #tpu.memory_space<vmem>> -> memref<78x128xi32, #tpu.memory_space<vmem>>
    %dma_wait3A_65 = arith.constant 0 : i32
    %dma_wait3A_66 = arith.constant 0 : i32
    %dma_wait3A_67 = tpu.memref_slice %arg3[%dma_wait3A_61, %dma_wait3A_65, %dma_wait3A_66] : memref<2x2500x128xi32, #tpu.memory_space<hbm>> -> memref<1x78x128xi32, #tpu.memory_space<hbm>>
    %dma_wait3A_68 = tpu.memref_squeeze %dma_wait3A_67 : memref<1x78x128xi32, #tpu.memory_space<hbm>> -> memref<78x128xi32, #tpu.memory_space<hbm>>
    %dma_wait3A_69 = arith.constant 0 : i32
    %dma_wait3A_70 = arith.constant 0 : i32
    %dma_wait3A_71 = tpu.memref_slice %arg6[%dma_wait3A_69, %dma_wait3A_70] : memref<79x128xi32, #tpu.memory_space<vmem>> -> memref<78x128xi32, #tpu.memory_space<vmem>>
    %dma_wait3A_72 = arith.constant 0 : i32
    %dma_wait3A_73 = arith.constant 0 : i32
    %dma_wait3A_74 = tpu.memref_slice %arg3[%dma_wait3A_61, %dma_wait3A_72, %dma_wait3A_73] : memref<2x2500x128xi32, #tpu.memory_space<hbm>> -> memref<1x78x128xi32, #tpu.memory_space<hbm>>
    %dma_wait3A_75 = tpu.memref_squeeze %dma_wait3A_74 : memref<1x78x128xi32, #tpu.memory_space<hbm>> -> memref<78x128xi32, #tpu.memory_space<hbm>>
    tpu.wait_dma2 semaphore(%arg20 : memref<!tpu.dma_semaphore, #tpu.memory_space<semaphore_mem>>) src(%dma_wait3A_75 : memref<78x128xi32, #tpu.memory_space<hbm>>) dst(%dma_wait3A_71 : memref<78x128xi32, #tpu.memory_space<vmem>>)
    %lt3A_76 = arith.constant 4 : i32
    %lt3A_77 = arith.cmpi slt, %add3A, %lt3A_76 : i32
    %convert_element_type3A_78 = arith.extui %lt3A_77 : i1 to i32
    %cond3A_79 = arith.constant 0 : i32
    %cond3A_80 = arith.cmpi ne, %convert_element_type3A_78, %cond3A_79 : i32
    scf.if %cond3A_80 {
      %dma_wait3A_189 = arith.constant 0 : i32
      %dma_wait3A_190 = arith.constant 0 : i32
      %dma_wait3A_191 = arith.constant 0 : i32
      %dma_wait3A_192 = tpu.memref_slice %arg5[%dma_wait3A_190, %dma_wait3A_191] : memref<79x128xi32, #tpu.memory_space<vmem>> -> memref<1x128xi32, #tpu.memory_space<vmem>>
      %dma_wait3A_193 = arith.constant 0 : i32
      %dma_wait3A_194 = arith.constant 0 : i32
      %dma_wait3A_195 = tpu.memref_slice %arg3[%dma_wait3A_189, %dma_wait3A_193, %dma_wait3A_194] : memref<2x2500x128xi32, #tpu.memory_space<hbm>> -> memref<1x1x128xi32, #tpu.memory_space<hbm>>
      %dma_wait3A_196 = tpu.memref_squeeze %dma_wait3A_195 : memref<1x1x128xi32, #tpu.memory_space<hbm>> -> memref<1x128xi32, #tpu.memory_space<hbm>>
      %dma_wait3A_197 = arith.constant 0 : i32
      %dma_wait3A_198 = arith.constant 0 : i32
      %dma_wait3A_199 = tpu.memref_slice %arg5[%dma_wait3A_197, %dma_wait3A_198] : memref<79x128xi32, #tpu.memory_space<vmem>> -> memref<1x128xi32, #tpu.memory_space<vmem>>
      %dma_wait3A_200 = arith.constant 0 : i32
      %dma_wait3A_201 = arith.constant 0 : i32
      %dma_wait3A_202 = tpu.memref_slice %arg3[%dma_wait3A_189, %dma_wait3A_200, %dma_wait3A_201] : memref<2x2500x128xi32, #tpu.memory_space<hbm>> -> memref<1x1x128xi32, #tpu.memory_space<hbm>>
      %dma_wait3A_203 = tpu.memref_squeeze %dma_wait3A_202 : memref<1x1x128xi32, #tpu.memory_space<hbm>> -> memref<1x128xi32, #tpu.memory_space<hbm>>
      tpu.wait_dma2 semaphore(%arg20 : memref<!tpu.dma_semaphore, #tpu.memory_space<semaphore_mem>>) src(%dma_wait3A_203 : memref<1x128xi32, #tpu.memory_space<hbm>>) dst(%dma_wait3A_199 : memref<1x128xi32, #tpu.memory_space<vmem>>)
      %dma_wait3A_204 = arith.constant 0 : i32
      %dma_wait3A_205 = arith.constant 0 : i32
      %dma_wait3A_206 = arith.constant 0 : i32
      %dma_wait3A_207 = tpu.memref_slice %arg6[%dma_wait3A_205, %dma_wait3A_206] : memref<79x128xi32, #tpu.memory_space<vmem>> -> memref<1x128xi32, #tpu.memory_space<vmem>>
      %dma_wait3A_208 = arith.constant 0 : i32
      %dma_wait3A_209 = arith.constant 0 : i32
      %dma_wait3A_210 = tpu.memref_slice %arg3[%dma_wait3A_204, %dma_wait3A_208, %dma_wait3A_209] : memref<2x2500x128xi32, #tpu.memory_space<hbm>> -> memref<1x1x128xi32, #tpu.memory_space<hbm>>
      %dma_wait3A_211 = tpu.memref_squeeze %dma_wait3A_210 : memref<1x1x128xi32, #tpu.memory_space<hbm>> -> memref<1x128xi32, #tpu.memory_space<hbm>>
      %dma_wait3A_212 = arith.constant 0 : i32
      %dma_wait3A_213 = arith.constant 0 : i32
      %dma_wait3A_214 = tpu.memref_slice %arg6[%dma_wait3A_212, %dma_wait3A_213] : memref<79x128xi32, #tpu.memory_space<vmem>> -> memref<1x128xi32, #tpu.memory_space<vmem>>
      %dma_wait3A_215 = arith.constant 0 : i32
      %dma_wait3A_216 = arith.constant 0 : i32
      %dma_wait3A_217 = tpu.memref_slice %arg3[%dma_wait3A_204, %dma_wait3A_215, %dma_wait3A_216] : memref<2x2500x128xi32, #tpu.memory_space<hbm>> -> memref<1x1x128xi32, #tpu.memory_space<hbm>>
      %dma_wait3A_218 = tpu.memref_squeeze %dma_wait3A_217 : memref<1x1x128xi32, #tpu.memory_space<hbm>> -> memref<1x128xi32, #tpu.memory_space<hbm>>
      tpu.wait_dma2 semaphore(%arg20 : memref<!tpu.dma_semaphore, #tpu.memory_space<semaphore_mem>>) src(%dma_wait3A_218 : memref<1x128xi32, #tpu.memory_space<hbm>>) dst(%dma_wait3A_214 : memref<1x128xi32, #tpu.memory_space<vmem>>)
    } else {
    }
    %dma_start3A_81 = arith.constant 0 : i32
    %dma_start3A_82 = arith.constant 0 : i32
    %dma_start3A_83 = tpu.memref_slice %arg5[%dma_start3A_81, %dma_start3A_82] : memref<79x128xi32, #tpu.memory_space<vmem>> -> memref<1x128xi32, #tpu.memory_space<vmem>>
    %dma_start3A_84 = tpu.memref_squeeze %dma_start3A_83 : memref<1x128xi32, #tpu.memory_space<vmem>> -> memref<128xi32, #tpu.memory_space<vmem>>
    %dma_start3A_85 = arith.constant 0 : i32
    %dma_start3A_86 = arith.constant 0 : i32
    %dma_start3A_87 = tpu.memref_slice %arg2[%dma_start3A_85, %dma_start3A_86] : memref<10000x64xf32, #tpu.memory_space<hbm>> -> memref<10000x64xf32, #tpu.memory_space<hbm>>
    tpu.enqueue_indirect_dma source(%dma_start3A_87 : memref<10000x64xf32, #tpu.memory_space<hbm>>) target(%arg7 : memref<128x64xf32, #tpu.memory_space<vmem>>) offsets(%dma_start3A_84 : memref<128xi32, #tpu.memory_space<vmem>>) semaphore(%arg16 : memref<!tpu.dma_semaphore, #tpu.memory_space<semaphore_mem>>)
    %dma_start3A_88 = arith.constant 1 : i32
    %dma_start3A_89 = arith.constant 0 : i32
    %dma_start3A_90 = tpu.memref_slice %arg5[%dma_start3A_88, %dma_start3A_89] : memref<79x128xi32, #tpu.memory_space<vmem>> -> memref<1x128xi32, #tpu.memory_space<vmem>>
    %dma_start3A_91 = tpu.memref_squeeze %dma_start3A_90 : memref<1x128xi32, #tpu.memory_space<vmem>> -> memref<128xi32, #tpu.memory_space<vmem>>
    %dma_start3A_92 = arith.constant 0 : i32
    %dma_start3A_93 = arith.constant 0 : i32
    %dma_start3A_94 = tpu.memref_slice %arg2[%dma_start3A_92, %dma_start3A_93] : memref<10000x64xf32, #tpu.memory_space<hbm>> -> memref<10000x64xf32, #tpu.memory_space<hbm>>
    tpu.enqueue_indirect_dma source(%dma_start3A_94 : memref<10000x64xf32, #tpu.memory_space<hbm>>) target(%arg8 : memref<128x64xf32, #tpu.memory_space<vmem>>) offsets(%dma_start3A_91 : memref<128xi32, #tpu.memory_space<vmem>>) semaphore(%arg16 : memref<!tpu.dma_semaphore, #tpu.memory_space<semaphore_mem>>)
    %dma_start3A_95 = arith.constant 2 : i32
    %dma_start3A_96 = arith.constant 0 : i32
    %dma_start3A_97 = tpu.memref_slice %arg5[%dma_start3A_95, %dma_start3A_96] : memref<79x128xi32, #tpu.memory_space<vmem>> -> memref<1x128xi32, #tpu.memory_space<vmem>>
    %dma_start3A_98 = tpu.memref_squeeze %dma_start3A_97 : memref<1x128xi32, #tpu.memory_space<vmem>> -> memref<128xi32, #tpu.memory_space<vmem>>
    %dma_start3A_99 = arith.constant 0 : i32
    %dma_start3A_100 = arith.constant 0 : i32
    %dma_start3A_101 = tpu.memref_slice %arg2[%dma_start3A_99, %dma_start3A_100] : memref<10000x64xf32, #tpu.memory_space<hbm>> -> memref<10000x64xf32, #tpu.memory_space<hbm>>
    tpu.enqueue_indirect_dma source(%dma_start3A_101 : memref<10000x64xf32, #tpu.memory_space<hbm>>) target(%arg9 : memref<128x64xf32, #tpu.memory_space<vmem>>) offsets(%dma_start3A_98 : memref<128xi32, #tpu.memory_space<vmem>>) semaphore(%arg16 : memref<!tpu.dma_semaphore, #tpu.memory_space<semaphore_mem>>)
    %dma_start3A_102 = arith.constant 3 : i32
    %dma_start3A_103 = arith.constant 0 : i32
    %dma_start3A_104 = tpu.memref_slice %arg5[%dma_start3A_102, %dma_start3A_103] : memref<79x128xi32, #tpu.memory_space<vmem>> -> memref<1x128xi32, #tpu.memory_space<vmem>>
    %dma_start3A_105 = tpu.memref_squeeze %dma_start3A_104 : memref<1x128xi32, #tpu.memory_space<vmem>> -> memref<128xi32, #tpu.memory_space<vmem>>
    %dma_start3A_106 = arith.constant 0 : i32
    %dma_start3A_107 = arith.constant 0 : i32
    %dma_start3A_108 = tpu.memref_slice %arg2[%dma_start3A_106, %dma_start3A_107] : memref<10000x64xf32, #tpu.memory_space<hbm>> -> memref<10000x64xf32, #tpu.memory_space<hbm>>
    tpu.enqueue_indirect_dma source(%dma_start3A_108 : memref<10000x64xf32, #tpu.memory_space<hbm>>) target(%arg10 : memref<128x64xf32, #tpu.memory_space<vmem>>) offsets(%dma_start3A_105 : memref<128xi32, #tpu.memory_space<vmem>>) semaphore(%arg16 : memref<!tpu.dma_semaphore, #tpu.memory_space<semaphore_mem>>)
    %barrier3A = arith.constant 0 : index
    tpu.barrier barrier_id(%barrier3A)
    %scan3A = arith.constant 0 : i32
    %scan3A_109 = arith.constant 0 : i32
    %scan3A_110 = arith.constant 9 : i32
    %scan3A_111 = arith.addi %scan3A_109, %scan3A_110 : i32
    %scan3A_112 = arith.constant 1 : i32
    scf.for %scan3A_189 = %scan3A_109 to %scan3A_111 step %scan3A_112  : i32 {
      %gt3A = arith.constant 0 : i32
      %gt3A_190 = arith.cmpi sgt, %scan3A_189, %gt3A : i32
      %convert_element_type3A_191 = arith.extui %gt3A_190 : i1 to i32
      %cond3A_192 = arith.constant 0 : i32
      %cond3A_193 = arith.cmpi ne, %convert_element_type3A_191, %cond3A_192 : i32
      scf.if %cond3A_193 {
        %dma_wait3A_391 = arith.constant 0 : i32
        %dma_wait3A_392 = arith.constant 0 : i32
        %dma_wait3A_393 = tpu.memref_slice %arg6[%dma_wait3A_391, %dma_wait3A_392] : memref<79x128xi32, #tpu.memory_space<vmem>> -> memref<1x128xi32, #tpu.memory_space<vmem>>
        %dma_wait3A_394 = tpu.memref_squeeze %dma_wait3A_393 : memref<1x128xi32, #tpu.memory_space<vmem>> -> memref<128xi32, #tpu.memory_space<vmem>>
        %dma_wait3A_395 = arith.constant 0 : i32
        %dma_wait3A_396 = arith.constant 0 : i32
        %dma_wait3A_397 = tpu.memref_slice %arg15[%dma_wait3A_395, %dma_wait3A_396] : memref<10000x64xf32, #tpu.memory_space<vmem_shared>> -> memref<10000x64xf32, #tpu.memory_space<vmem_shared>>
        tpu.wait_indirect_dma semaphore(%arg19 : memref<!tpu.dma_semaphore, #tpu.memory_space<semaphore_mem>>) src(%arg11 : memref<128x64xf32, #tpu.memory_space<vmem>>) dst(%dma_wait3A_397 : memref<10000x64xf32, #tpu.memory_space<vmem_shared>>)
        %dma_wait3A_398 = arith.constant 0 : i32
        %dma_wait3A_399 = arith.constant 0 : i32
        %dma_wait3A_400 = tpu.memref_slice %arg6[%dma_wait3A_398, %dma_wait3A_399] : memref<79x128xi32, #tpu.memory_space<vmem>> -> memref<1x128xi32, #tpu.memory_space<vmem>>
        %dma_wait3A_401 = tpu.memref_squeeze %dma_wait3A_400 : memref<1x128xi32, #tpu.memory_space<vmem>> -> memref<128xi32, #tpu.memory_space<vmem>>
        %dma_wait3A_402 = arith.constant 0 : i32
        %dma_wait3A_403 = arith.constant 0 : i32
        %dma_wait3A_404 = tpu.memref_slice %arg15[%dma_wait3A_402, %dma_wait3A_403] : memref<10000x64xf32, #tpu.memory_space<vmem_shared>> -> memref<10000x64xf32, #tpu.memory_space<vmem_shared>>
        tpu.wait_indirect_dma semaphore(%arg19 : memref<!tpu.dma_semaphore, #tpu.memory_space<semaphore_mem>>) src(%arg12 : memref<128x64xf32, #tpu.memory_space<vmem>>) dst(%dma_wait3A_404 : memref<10000x64xf32, #tpu.memory_space<vmem_shared>>)
        %dma_wait3A_405 = arith.constant 0 : i32
        %dma_wait3A_406 = arith.constant 0 : i32
        %dma_wait3A_407 = tpu.memref_slice %arg6[%dma_wait3A_405, %dma_wait3A_406] : memref<79x128xi32, #tpu.memory_space<vmem>> -> memref<1x128xi32, #tpu.memory_space<vmem>>
        %dma_wait3A_408 = tpu.memref_squeeze %dma_wait3A_407 : memref<1x128xi32, #tpu.memory_space<vmem>> -> memref<128xi32, #tpu.memory_space<vmem>>
        %dma_wait3A_409 = arith.constant 0 : i32
        %dma_wait3A_410 = arith.constant 0 : i32
        %dma_wait3A_411 = tpu.memref_slice %arg15[%dma_wait3A_409, %dma_wait3A_410] : memref<10000x64xf32, #tpu.memory_space<vmem_shared>> -> memref<10000x64xf32, #tpu.memory_space<vmem_shared>>
        tpu.wait_indirect_dma semaphore(%arg19 : memref<!tpu.dma_semaphore, #tpu.memory_space<semaphore_mem>>) src(%arg13 : memref<128x64xf32, #tpu.memory_space<vmem>>) dst(%dma_wait3A_411 : memref<10000x64xf32, #tpu.memory_space<vmem_shared>>)
        %dma_wait3A_412 = arith.constant 0 : i32
        %dma_wait3A_413 = arith.constant 0 : i32
        %dma_wait3A_414 = tpu.memref_slice %arg6[%dma_wait3A_412, %dma_wait3A_413] : memref<79x128xi32, #tpu.memory_space<vmem>> -> memref<1x128xi32, #tpu.memory_space<vmem>>
        %dma_wait3A_415 = tpu.memref_squeeze %dma_wait3A_414 : memref<1x128xi32, #tpu.memory_space<vmem>> -> memref<128xi32, #tpu.memory_space<vmem>>
        %dma_wait3A_416 = arith.constant 0 : i32
        %dma_wait3A_417 = arith.constant 0 : i32
        %dma_wait3A_418 = tpu.memref_slice %arg15[%dma_wait3A_416, %dma_wait3A_417] : memref<10000x64xf32, #tpu.memory_space<vmem_shared>> -> memref<10000x64xf32, #tpu.memory_space<vmem_shared>>
        tpu.wait_indirect_dma semaphore(%arg19 : memref<!tpu.dma_semaphore, #tpu.memory_space<semaphore_mem>>) src(%arg14 : memref<128x64xf32, #tpu.memory_space<vmem>>) dst(%dma_wait3A_418 : memref<10000x64xf32, #tpu.memory_space<vmem_shared>>)
      } else {
      }
      %mul3A_194 = arith.constant 8 : i32
      %mul3A_195 = arith.muli %mul3A_194, %scan3A_189 : i32
      %add3A_196 = arith.constant 4 : i32
      %add3A_197 = arith.addi %mul3A_195, %add3A_196 : i32
      %add3A_198 = arith.constant 0 : i32
      %add3A_199 = arith.addi %add3A_197, %add3A_198 : i32
      %dma_start3A_200 = arith.constant 0 : i32
      %dma_start3A_201 = tpu.memref_slice %arg5[%add3A_199, %dma_start3A_200] : memref<79x128xi32, #tpu.memory_space<vmem>> -> memref<1x128xi32, #tpu.memory_space<vmem>>
      %dma_start3A_202 = tpu.memref_squeeze %dma_start3A_201 : memref<1x128xi32, #tpu.memory_space<vmem>> -> memref<128xi32, #tpu.memory_space<vmem>>
      %dma_start3A_203 = arith.constant 0 : i32
      %dma_start3A_204 = arith.constant 0 : i32
      %dma_start3A_205 = tpu.memref_slice %arg2[%dma_start3A_203, %dma_start3A_204] : memref<10000x64xf32, #tpu.memory_space<hbm>> -> memref<10000x64xf32, #tpu.memory_space<hbm>>
      tpu.enqueue_indirect_dma source(%dma_start3A_205 : memref<10000x64xf32, #tpu.memory_space<hbm>>) target(%arg11 : memref<128x64xf32, #tpu.memory_space<vmem>>) offsets(%dma_start3A_202 : memref<128xi32, #tpu.memory_space<vmem>>) semaphore(%arg18 : memref<!tpu.dma_semaphore, #tpu.memory_space<semaphore_mem>>)
      %mul3A_206 = arith.constant 8 : i32
      %mul3A_207 = arith.muli %mul3A_206, %scan3A_189 : i32
      %add3A_208 = arith.constant 4 : i32
      %add3A_209 = arith.addi %mul3A_207, %add3A_208 : i32
      %add3A_210 = arith.constant 1 : i32
      %add3A_211 = arith.addi %add3A_209, %add3A_210 : i32
      %dma_start3A_212 = arith.constant 0 : i32
      %dma_start3A_213 = tpu.memref_slice %arg5[%add3A_211, %dma_start3A_212] : memref<79x128xi32, #tpu.memory_space<vmem>> -> memref<1x128xi32, #tpu.memory_space<vmem>>
      %dma_start3A_214 = tpu.memref_squeeze %dma_start3A_213 : memref<1x128xi32, #tpu.memory_space<vmem>> -> memref<128xi32, #tpu.memory_space<vmem>>
      %dma_start3A_215 = arith.constant 0 : i32
      %dma_start3A_216 = arith.constant 0 : i32
      %dma_start3A_217 = tpu.memref_slice %arg2[%dma_start3A_215, %dma_start3A_216] : memref<10000x64xf32, #tpu.memory_space<hbm>> -> memref<10000x64xf32, #tpu.memory_space<hbm>>
      tpu.enqueue_indirect_dma source(%dma_start3A_217 : memref<10000x64xf32, #tpu.memory_space<hbm>>) target(%arg12 : memref<128x64xf32, #tpu.memory_space<vmem>>) offsets(%dma_start3A_214 : memref<128xi32, #tpu.memory_space<vmem>>) semaphore(%arg18 : memref<!tpu.dma_semaphore, #tpu.memory_space<semaphore_mem>>)
      %mul3A_218 = arith.constant 8 : i32
      %mul3A_219 = arith.muli %mul3A_218, %scan3A_189 : i32
      %add3A_220 = arith.constant 4 : i32
      %add3A_221 = arith.addi %mul3A_219, %add3A_220 : i32
      %add3A_222 = arith.constant 2 : i32
      %add3A_223 = arith.addi %add3A_221, %add3A_222 : i32
      %dma_start3A_224 = arith.constant 0 : i32
      %dma_start3A_225 = tpu.memref_slice %arg5[%add3A_223, %dma_start3A_224] : memref<79x128xi32, #tpu.memory_space<vmem>> -> memref<1x128xi32, #tpu.memory_space<vmem>>
      %dma_start3A_226 = tpu.memref_squeeze %dma_start3A_225 : memref<1x128xi32, #tpu.memory_space<vmem>> -> memref<128xi32, #tpu.memory_space<vmem>>
      %dma_start3A_227 = arith.constant 0 : i32
      %dma_start3A_228 = arith.constant 0 : i32
      %dma_start3A_229 = tpu.memref_slice %arg2[%dma_start3A_227, %dma_start3A_228] : memref<10000x64xf32, #tpu.memory_space<hbm>> -> memref<10000x64xf32, #tpu.memory_space<hbm>>
      tpu.enqueue_indirect_dma source(%dma_start3A_229 : memref<10000x64xf32, #tpu.memory_space<hbm>>) target(%arg13 : memref<128x64xf32, #tpu.memory_space<vmem>>) offsets(%dma_start3A_226 : memref<128xi32, #tpu.memory_space<vmem>>) semaphore(%arg18 : memref<!tpu.dma_semaphore, #tpu.memory_space<semaphore_mem>>)
      %mul3A_230 = arith.constant 8 : i32
      %mul3A_231 = arith.muli %mul3A_230, %scan3A_189 : i32
      %add3A_232 = arith.constant 4 : i32
      %add3A_233 = arith.addi %mul3A_231, %add3A_232 : i32
      %add3A_234 = arith.constant 3 : i32
      %add3A_235 = arith.addi %add3A_233, %add3A_234 : i32
      %dma_start3A_236 = arith.constant 0 : i32
      %dma_start3A_237 = tpu.memref_slice %arg5[%add3A_235, %dma_start3A_236] : memref<79x128xi32, #tpu.memory_space<vmem>> -> memref<1x128xi32, #tpu.memory_space<vmem>>
      %dma_start3A_238 = tpu.memref_squeeze %dma_start3A_237 : memref<1x128xi32, #tpu.memory_space<vmem>> -> memref<128xi32, #tpu.memory_space<vmem>>
      %dma_start3A_239 = arith.constant 0 : i32
      %dma_start3A_240 = arith.constant 0 : i32
      %dma_start3A_241 = tpu.memref_slice %arg2[%dma_start3A_239, %dma_start3A_240] : memref<10000x64xf32, #tpu.memory_space<hbm>> -> memref<10000x64xf32, #tpu.memory_space<hbm>>
      tpu.enqueue_indirect_dma source(%dma_start3A_241 : memref<10000x64xf32, #tpu.memory_space<hbm>>) target(%arg14 : memref<128x64xf32, #tpu.memory_space<vmem>>) offsets(%dma_start3A_238 : memref<128xi32, #tpu.memory_space<vmem>>) semaphore(%arg18 : memref<!tpu.dma_semaphore, #tpu.memory_space<semaphore_mem>>)
      %dma_wait3A_242 = arith.constant 0 : i32
      %dma_wait3A_243 = arith.constant 0 : i32
      %dma_wait3A_244 = tpu.memref_slice %arg5[%dma_wait3A_242, %dma_wait3A_243] : memref<79x128xi32, #tpu.memory_space<vmem>> -> memref<1x128xi32, #tpu.memory_space<vmem>>
      %dma_wait3A_245 = tpu.memref_squeeze %dma_wait3A_244 : memref<1x128xi32, #tpu.memory_space<vmem>> -> memref<128xi32, #tpu.memory_space<vmem>>
      %dma_wait3A_246 = arith.constant 0 : i32
      %dma_wait3A_247 = arith.constant 0 : i32
      %dma_wait3A_248 = tpu.memref_slice %arg2[%dma_wait3A_246, %dma_wait3A_247] : memref<10000x64xf32, #tpu.memory_space<hbm>> -> memref<10000x64xf32, #tpu.memory_space<hbm>>
      tpu.wait_indirect_dma semaphore(%arg16 : memref<!tpu.dma_semaphore, #tpu.memory_space<semaphore_mem>>) src(%dma_wait3A_248 : memref<10000x64xf32, #tpu.memory_space<hbm>>) dst(%arg7 : memref<128x64xf32, #tpu.memory_space<vmem>>)
      %dma_wait3A_249 = arith.constant 0 : i32
      %dma_wait3A_250 = arith.constant 0 : i32
      %dma_wait3A_251 = tpu.memref_slice %arg5[%dma_wait3A_249, %dma_wait3A_250] : memref<79x128xi32, #tpu.memory_space<vmem>> -> memref<1x128xi32, #tpu.memory_space<vmem>>
      %dma_wait3A_252 = tpu.memref_squeeze %dma_wait3A_251 : memref<1x128xi32, #tpu.memory_space<vmem>> -> memref<128xi32, #tpu.memory_space<vmem>>
      %dma_wait3A_253 = arith.constant 0 : i32
      %dma_wait3A_254 = arith.constant 0 : i32
      %dma_wait3A_255 = tpu.memref_slice %arg2[%dma_wait3A_253, %dma_wait3A_254] : memref<10000x64xf32, #tpu.memory_space<hbm>> -> memref<10000x64xf32, #tpu.memory_space<hbm>>
      tpu.wait_indirect_dma semaphore(%arg16 : memref<!tpu.dma_semaphore, #tpu.memory_space<semaphore_mem>>) src(%dma_wait3A_255 : memref<10000x64xf32, #tpu.memory_space<hbm>>) dst(%arg8 : memref<128x64xf32, #tpu.memory_space<vmem>>)
      %dma_wait3A_256 = arith.constant 0 : i32
      %dma_wait3A_257 = arith.constant 0 : i32
      %dma_wait3A_258 = tpu.memref_slice %arg5[%dma_wait3A_256, %dma_wait3A_257] : memref<79x128xi32, #tpu.memory_space<vmem>> -> memref<1x128xi32, #tpu.memory_space<vmem>>
      %dma_wait3A_259 = tpu.memref_squeeze %dma_wait3A_258 : memref<1x128xi32, #tpu.memory_space<vmem>> -> memref<128xi32, #tpu.memory_space<vmem>>
      %dma_wait3A_260 = arith.constant 0 : i32
      %dma_wait3A_261 = arith.constant 0 : i32
      %dma_wait3A_262 = tpu.memref_slice %arg2[%dma_wait3A_260, %dma_wait3A_261] : memref<10000x64xf32, #tpu.memory_space<hbm>> -> memref<10000x64xf32, #tpu.memory_space<hbm>>
      tpu.wait_indirect_dma semaphore(%arg16 : memref<!tpu.dma_semaphore, #tpu.memory_space<semaphore_mem>>) src(%dma_wait3A_262 : memref<10000x64xf32, #tpu.memory_space<hbm>>) dst(%arg9 : memref<128x64xf32, #tpu.memory_space<vmem>>)
      %dma_wait3A_263 = arith.constant 0 : i32
      %dma_wait3A_264 = arith.constant 0 : i32
      %dma_wait3A_265 = tpu.memref_slice %arg5[%dma_wait3A_263, %dma_wait3A_264] : memref<79x128xi32, #tpu.memory_space<vmem>> -> memref<1x128xi32, #tpu.memory_space<vmem>>
      %dma_wait3A_266 = tpu.memref_squeeze %dma_wait3A_265 : memref<1x128xi32, #tpu.memory_space<vmem>> -> memref<128xi32, #tpu.memory_space<vmem>>
      %dma_wait3A_267 = arith.constant 0 : i32
      %dma_wait3A_268 = arith.constant 0 : i32
      %dma_wait3A_269 = tpu.memref_slice %arg2[%dma_wait3A_267, %dma_wait3A_268] : memref<10000x64xf32, #tpu.memory_space<hbm>> -> memref<10000x64xf32, #tpu.memory_space<hbm>>
      tpu.wait_indirect_dma semaphore(%arg16 : memref<!tpu.dma_semaphore, #tpu.memory_space<semaphore_mem>>) src(%dma_wait3A_269 : memref<10000x64xf32, #tpu.memory_space<hbm>>) dst(%arg10 : memref<128x64xf32, #tpu.memory_space<vmem>>)
      %mul3A_270 = arith.constant 8 : i32
      %mul3A_271 = arith.muli %mul3A_270, %scan3A_189 : i32
      %add3A_272 = arith.constant 0 : i32
      %add3A_273 = arith.addi %mul3A_271, %add3A_272 : i32
      %dma_start3A_274 = arith.constant 0 : i32
      %dma_start3A_275 = tpu.memref_slice %arg6[%add3A_273, %dma_start3A_274] : memref<79x128xi32, #tpu.memory_space<vmem>> -> memref<1x128xi32, #tpu.memory_space<vmem>>
      %dma_start3A_276 = tpu.memref_squeeze %dma_start3A_275 : memref<1x128xi32, #tpu.memory_space<vmem>> -> memref<128xi32, #tpu.memory_space<vmem>>
      %dma_start3A_277 = arith.constant 0 : i32
      %dma_start3A_278 = arith.constant 0 : i32
      %dma_start3A_279 = tpu.memref_slice %arg15[%dma_start3A_277, %dma_start3A_278] : memref<10000x64xf32, #tpu.memory_space<vmem_shared>> -> memref<10000x64xf32, #tpu.memory_space<vmem_shared>>
      tpu.enqueue_indirect_dma source(%arg7 : memref<128x64xf32, #tpu.memory_space<vmem>>) target(%dma_start3A_279 : memref<10000x64xf32, #tpu.memory_space<vmem_shared>>) offsets(%dma_start3A_276 : memref<128xi32, #tpu.memory_space<vmem>>) semaphore(%arg17 : memref<!tpu.dma_semaphore, #tpu.memory_space<semaphore_mem>>) {add = true}
      %mul3A_280 = arith.constant 8 : i32
      %mul3A_281 = arith.muli %mul3A_280, %scan3A_189 : i32
      %add3A_282 = arith.constant 1 : i32
      %add3A_283 = arith.addi %mul3A_281, %add3A_282 : i32
      %dma_start3A_284 = arith.constant 0 : i32
      %dma_start3A_285 = tpu.memref_slice %arg6[%add3A_283, %dma_start3A_284] : memref<79x128xi32, #tpu.memory_space<vmem>> -> memref<1x128xi32, #tpu.memory_space<vmem>>
      %dma_start3A_286 = tpu.memref_squeeze %dma_start3A_285 : memref<1x128xi32, #tpu.memory_space<vmem>> -> memref<128xi32, #tpu.memory_space<vmem>>
      %dma_start3A_287 = arith.constant 0 : i32
      %dma_start3A_288 = arith.constant 0 : i32
      %dma_start3A_289 = tpu.memref_slice %arg15[%dma_start3A_287, %dma_start3A_288] : memref<10000x64xf32, #tpu.memory_space<vmem_shared>> -> memref<10000x64xf32, #tpu.memory_space<vmem_shared>>
      tpu.enqueue_indirect_dma source(%arg8 : memref<128x64xf32, #tpu.memory_space<vmem>>) target(%dma_start3A_289 : memref<10000x64xf32, #tpu.memory_space<vmem_shared>>) offsets(%dma_start3A_286 : memref<128xi32, #tpu.memory_space<vmem>>) semaphore(%arg17 : memref<!tpu.dma_semaphore, #tpu.memory_space<semaphore_mem>>) {add = true}
      %mul3A_290 = arith.constant 8 : i32
      %mul3A_291 = arith.muli %mul3A_290, %scan3A_189 : i32
      %add3A_292 = arith.constant 2 : i32
      %add3A_293 = arith.addi %mul3A_291, %add3A_292 : i32
      %dma_start3A_294 = arith.constant 0 : i32
      %dma_start3A_295 = tpu.memref_slice %arg6[%add3A_293, %dma_start3A_294] : memref<79x128xi32, #tpu.memory_space<vmem>> -> memref<1x128xi32, #tpu.memory_space<vmem>>
      %dma_start3A_296 = tpu.memref_squeeze %dma_start3A_295 : memref<1x128xi32, #tpu.memory_space<vmem>> -> memref<128xi32, #tpu.memory_space<vmem>>
      %dma_start3A_297 = arith.constant 0 : i32
      %dma_start3A_298 = arith.constant 0 : i32
      %dma_start3A_299 = tpu.memref_slice %arg15[%dma_start3A_297, %dma_start3A_298] : memref<10000x64xf32, #tpu.memory_space<vmem_shared>> -> memref<10000x64xf32, #tpu.memory_space<vmem_shared>>
      tpu.enqueue_indirect_dma source(%arg9 : memref<128x64xf32, #tpu.memory_space<vmem>>) target(%dma_start3A_299 : memref<10000x64xf32, #tpu.memory_space<vmem_shared>>) offsets(%dma_start3A_296 : memref<128xi32, #tpu.memory_space<vmem>>) semaphore(%arg17 : memref<!tpu.dma_semaphore, #tpu.memory_space<semaphore_mem>>) {add = true}
      %mul3A_300 = arith.constant 8 : i32
      %mul3A_301 = arith.muli %mul3A_300, %scan3A_189 : i32
      %add3A_302 = arith.constant 3 : i32
      %add3A_303 = arith.addi %mul3A_301, %add3A_302 : i32
      %dma_start3A_304 = arith.constant 0 : i32
      %dma_start3A_305 = tpu.memref_slice %arg6[%add3A_303, %dma_start3A_304] : memref<79x128xi32, #tpu.memory_space<vmem>> -> memref<1x128xi32, #tpu.memory_space<vmem>>
      %dma_start3A_306 = tpu.memref_squeeze %dma_start3A_305 : memref<1x128xi32, #tpu.memory_space<vmem>> -> memref<128xi32, #tpu.memory_space<vmem>>
      %dma_start3A_307 = arith.constant 0 : i32
      %dma_start3A_308 = arith.constant 0 : i32
      %dma_start3A_309 = tpu.memref_slice %arg15[%dma_start3A_307, %dma_start3A_308] : memref<10000x64xf32, #tpu.memory_space<vmem_shared>> -> memref<10000x64xf32, #tpu.memory_space<vmem_shared>>
      tpu.enqueue_indirect_dma source(%arg10 : memref<128x64xf32, #tpu.memory_space<vmem>>) target(%dma_start3A_309 : memref<10000x64xf32, #tpu.memory_space<vmem_shared>>) offsets(%dma_start3A_306 : memref<128xi32, #tpu.memory_space<vmem>>) semaphore(%arg17 : memref<!tpu.dma_semaphore, #tpu.memory_space<semaphore_mem>>) {add = true}
      %lt3A_310 = arith.constant 8 : i32
      %lt3A_311 = arith.cmpi slt, %scan3A_189, %lt3A_310 : i32
      %convert_element_type3A_312 = arith.extui %lt3A_311 : i1 to i32
      %cond3A_313 = arith.constant 0 : i32
      %cond3A_314 = arith.cmpi ne, %convert_element_type3A_312, %cond3A_313 : i32
      scf.if %cond3A_314 {
        %dma_wait3A_391 = arith.constant 0 : i32
        %dma_wait3A_392 = arith.constant 0 : i32
        %dma_wait3A_393 = tpu.memref_slice %arg6[%dma_wait3A_391, %dma_wait3A_392] : memref<79x128xi32, #tpu.memory_space<vmem>> -> memref<1x128xi32, #tpu.memory_space<vmem>>
        %dma_wait3A_394 = tpu.memref_squeeze %dma_wait3A_393 : memref<1x128xi32, #tpu.memory_space<vmem>> -> memref<128xi32, #tpu.memory_space<vmem>>
        %dma_wait3A_395 = arith.constant 0 : i32
        %dma_wait3A_396 = arith.constant 0 : i32
        %dma_wait3A_397 = tpu.memref_slice %arg15[%dma_wait3A_395, %dma_wait3A_396] : memref<10000x64xf32, #tpu.memory_space<vmem_shared>> -> memref<10000x64xf32, #tpu.memory_space<vmem_shared>>
        tpu.wait_indirect_dma semaphore(%arg17 : memref<!tpu.dma_semaphore, #tpu.memory_space<semaphore_mem>>) src(%arg7 : memref<128x64xf32, #tpu.memory_space<vmem>>) dst(%dma_wait3A_397 : memref<10000x64xf32, #tpu.memory_space<vmem_shared>>)
        %dma_wait3A_398 = arith.constant 0 : i32
        %dma_wait3A_399 = arith.constant 0 : i32
        %dma_wait3A_400 = tpu.memref_slice %arg6[%dma_wait3A_398, %dma_wait3A_399] : memref<79x128xi32, #tpu.memory_space<vmem>> -> memref<1x128xi32, #tpu.memory_space<vmem>>
        %dma_wait3A_401 = tpu.memref_squeeze %dma_wait3A_400 : memref<1x128xi32, #tpu.memory_space<vmem>> -> memref<128xi32, #tpu.memory_space<vmem>>
        %dma_wait3A_402 = arith.constant 0 : i32
        %dma_wait3A_403 = arith.constant 0 : i32
        %dma_wait3A_404 = tpu.memref_slice %arg15[%dma_wait3A_402, %dma_wait3A_403] : memref<10000x64xf32, #tpu.memory_space<vmem_shared>> -> memref<10000x64xf32, #tpu.memory_space<vmem_shared>>
        tpu.wait_indirect_dma semaphore(%arg17 : memref<!tpu.dma_semaphore, #tpu.memory_space<semaphore_mem>>) src(%arg8 : memref<128x64xf32, #tpu.memory_space<vmem>>) dst(%dma_wait3A_404 : memref<10000x64xf32, #tpu.memory_space<vmem_shared>>)
        %dma_wait3A_405 = arith.constant 0 : i32
        %dma_wait3A_406 = arith.constant 0 : i32
        %dma_wait3A_407 = tpu.memref_slice %arg6[%dma_wait3A_405, %dma_wait3A_406] : memref<79x128xi32, #tpu.memory_space<vmem>> -> memref<1x128xi32, #tpu.memory_space<vmem>>
        %dma_wait3A_408 = tpu.memref_squeeze %dma_wait3A_407 : memref<1x128xi32, #tpu.memory_space<vmem>> -> memref<128xi32, #tpu.memory_space<vmem>>
        %dma_wait3A_409 = arith.constant 0 : i32
        %dma_wait3A_410 = arith.constant 0 : i32
        %dma_wait3A_411 = tpu.memref_slice %arg15[%dma_wait3A_409, %dma_wait3A_410] : memref<10000x64xf32, #tpu.memory_space<vmem_shared>> -> memref<10000x64xf32, #tpu.memory_space<vmem_shared>>
        tpu.wait_indirect_dma semaphore(%arg17 : memref<!tpu.dma_semaphore, #tpu.memory_space<semaphore_mem>>) src(%arg9 : memref<128x64xf32, #tpu.memory_space<vmem>>) dst(%dma_wait3A_411 : memref<10000x64xf32, #tpu.memory_space<vmem_shared>>)
        %dma_wait3A_412 = arith.constant 0 : i32
        %dma_wait3A_413 = arith.constant 0 : i32
        %dma_wait3A_414 = tpu.memref_slice %arg6[%dma_wait3A_412, %dma_wait3A_413] : memref<79x128xi32, #tpu.memory_space<vmem>> -> memref<1x128xi32, #tpu.memory_space<vmem>>
        %dma_wait3A_415 = tpu.memref_squeeze %dma_wait3A_414 : memref<1x128xi32, #tpu.memory_space<vmem>> -> memref<128xi32, #tpu.memory_space<vmem>>
        %dma_wait3A_416 = arith.constant 0 : i32
        %dma_wait3A_417 = arith.constant 0 : i32
        %dma_wait3A_418 = tpu.memref_slice %arg15[%dma_wait3A_416, %dma_wait3A_417] : memref<10000x64xf32, #tpu.memory_space<vmem_shared>> -> memref<10000x64xf32, #tpu.memory_space<vmem_shared>>
        tpu.wait_indirect_dma semaphore(%arg17 : memref<!tpu.dma_semaphore, #tpu.memory_space<semaphore_mem>>) src(%arg10 : memref<128x64xf32, #tpu.memory_space<vmem>>) dst(%dma_wait3A_418 : memref<10000x64xf32, #tpu.memory_space<vmem_shared>>)
        %add3A_419 = arith.constant 1 : i32
        %add3A_420 = arith.addi %scan3A_189, %add3A_419 : i32
        %mul3A_421 = arith.constant 8 : i32
        %mul3A_422 = arith.muli %mul3A_421, %add3A_420 : i32
        %add3A_423 = arith.constant 0 : i32
        %add3A_424 = arith.addi %mul3A_422, %add3A_423 : i32
        %dma_start3A_425 = arith.constant 0 : i32
        %dma_start3A_426 = tpu.memref_slice %arg5[%add3A_424, %dma_start3A_425] : memref<79x128xi32, #tpu.memory_space<vmem>> -> memref<1x128xi32, #tpu.memory_space<vmem>>
        %dma_start3A_427 = tpu.memref_squeeze %dma_start3A_426 : memref<1x128xi32, #tpu.memory_space<vmem>> -> memref<128xi32, #tpu.memory_space<vmem>>
        %dma_start3A_428 = arith.constant 0 : i32
        %dma_start3A_429 = arith.constant 0 : i32
        %dma_start3A_430 = tpu.memref_slice %arg2[%dma_start3A_428, %dma_start3A_429] : memref<10000x64xf32, #tpu.memory_space<hbm>> -> memref<10000x64xf32, #tpu.memory_space<hbm>>
        tpu.enqueue_indirect_dma source(%dma_start3A_430 : memref<10000x64xf32, #tpu.memory_space<hbm>>) target(%arg7 : memref<128x64xf32, #tpu.memory_space<vmem>>) offsets(%dma_start3A_427 : memref<128xi32, #tpu.memory_space<vmem>>) semaphore(%arg16 : memref<!tpu.dma_semaphore, #tpu.memory_space<semaphore_mem>>)
        %add3A_431 = arith.constant 1 : i32
        %add3A_432 = arith.addi %scan3A_189, %add3A_431 : i32
        %mul3A_433 = arith.constant 8 : i32
        %mul3A_434 = arith.muli %mul3A_433, %add3A_432 : i32
        %add3A_435 = arith.constant 1 : i32
        %add3A_436 = arith.addi %mul3A_434, %add3A_435 : i32
        %dma_start3A_437 = arith.constant 0 : i32
        %dma_start3A_438 = tpu.memref_slice %arg5[%add3A_436, %dma_start3A_437] : memref<79x128xi32, #tpu.memory_space<vmem>> -> memref<1x128xi32, #tpu.memory_space<vmem>>
        %dma_start3A_439 = tpu.memref_squeeze %dma_start3A_438 : memref<1x128xi32, #tpu.memory_space<vmem>> -> memref<128xi32, #tpu.memory_space<vmem>>
        %dma_start3A_440 = arith.constant 0 : i32
        %dma_start3A_441 = arith.constant 0 : i32
        %dma_start3A_442 = tpu.memref_slice %arg2[%dma_start3A_440, %dma_start3A_441] : memref<10000x64xf32, #tpu.memory_space<hbm>> -> memref<10000x64xf32, #tpu.memory_space<hbm>>
        tpu.enqueue_indirect_dma source(%dma_start3A_442 : memref<10000x64xf32, #tpu.memory_space<hbm>>) target(%arg8 : memref<128x64xf32, #tpu.memory_space<vmem>>) offsets(%dma_start3A_439 : memref<128xi32, #tpu.memory_space<vmem>>) semaphore(%arg16 : memref<!tpu.dma_semaphore, #tpu.memory_space<semaphore_mem>>)
        %add3A_443 = arith.constant 1 : i32
        %add3A_444 = arith.addi %scan3A_189, %add3A_443 : i32
        %mul3A_445 = arith.constant 8 : i32
        %mul3A_446 = arith.muli %mul3A_445, %add3A_444 : i32
        %add3A_447 = arith.constant 2 : i32
        %add3A_448 = arith.addi %mul3A_446, %add3A_447 : i32
        %dma_start3A_449 = arith.constant 0 : i32
        %dma_start3A_450 = tpu.memref_slice %arg5[%add3A_448, %dma_start3A_449] : memref<79x128xi32, #tpu.memory_space<vmem>> -> memref<1x128xi32, #tpu.memory_space<vmem>>
        %dma_start3A_451 = tpu.memref_squeeze %dma_start3A_450 : memref<1x128xi32, #tpu.memory_space<vmem>> -> memref<128xi32, #tpu.memory_space<vmem>>
        %dma_start3A_452 = arith.constant 0 : i32
        %dma_start3A_453 = arith.constant 0 : i32
        %dma_start3A_454 = tpu.memref_slice %arg2[%dma_start3A_452, %dma_start3A_453] : memref<10000x64xf32, #tpu.memory_space<hbm>> -> memref<10000x64xf32, #tpu.memory_space<hbm>>
        tpu.enqueue_indirect_dma source(%dma_start3A_454 : memref<10000x64xf32, #tpu.memory_space<hbm>>) target(%arg9 : memref<128x64xf32, #tpu.memory_space<vmem>>) offsets(%dma_start3A_451 : memref<128xi32, #tpu.memory_space<vmem>>) semaphore(%arg16 : memref<!tpu.dma_semaphore, #tpu.memory_space<semaphore_mem>>)
        %add3A_455 = arith.constant 1 : i32
        %add3A_456 = arith.addi %scan3A_189, %add3A_455 : i32
        %mul3A_457 = arith.constant 8 : i32
        %mul3A_458 = arith.muli %mul3A_457, %add3A_456 : i32
        %add3A_459 = arith.constant 3 : i32
        %add3A_460 = arith.addi %mul3A_458, %add3A_459 : i32
        %dma_start3A_461 = arith.constant 0 : i32
        %dma_start3A_462 = tpu.memref_slice %arg5[%add3A_460, %dma_start3A_461] : memref<79x128xi32, #tpu.memory_space<vmem>> -> memref<1x128xi32, #tpu.memory_space<vmem>>
        %dma_start3A_463 = tpu.memref_squeeze %dma_start3A_462 : memref<1x128xi32, #tpu.memory_space<vmem>> -> memref<128xi32, #tpu.memory_space<vmem>>
        %dma_start3A_464 = arith.constant 0 : i32
        %dma_start3A_465 = arith.constant 0 : i32
        %dma_start3A_466 = tpu.memref_slice %arg2[%dma_start3A_464, %dma_start3A_465] : memref<10000x64xf32, #tpu.memory_space<hbm>> -> memref<10000x64xf32, #tpu.memory_space<hbm>>
        tpu.enqueue_indirect_dma source(%dma_start3A_466 : memref<10000x64xf32, #tpu.memory_space<hbm>>) target(%arg10 : memref<128x64xf32, #tpu.memory_space<vmem>>) offsets(%dma_start3A_463 : memref<128xi32, #tpu.memory_space<vmem>>) semaphore(%arg16 : memref<!tpu.dma_semaphore, #tpu.memory_space<semaphore_mem>>)
      } else {
      }
      %dma_wait3A_315 = arith.constant 0 : i32
      %dma_wait3A_316 = arith.constant 0 : i32
      %dma_wait3A_317 = tpu.memref_slice %arg5[%dma_wait3A_315, %dma_wait3A_316] : memref<79x128xi32, #tpu.memory_space<vmem>> -> memref<1x128xi32, #tpu.memory_space<vmem>>
      %dma_wait3A_318 = tpu.memref_squeeze %dma_wait3A_317 : memref<1x128xi32, #tpu.memory_space<vmem>> -> memref<128xi32, #tpu.memory_space<vmem>>
      %dma_wait3A_319 = arith.constant 0 : i32
      %dma_wait3A_320 = arith.constant 0 : i32
      %dma_wait3A_321 = tpu.memref_slice %arg2[%dma_wait3A_319, %dma_wait3A_320] : memref<10000x64xf32, #tpu.memory_space<hbm>> -> memref<10000x64xf32, #tpu.memory_space<hbm>>
      tpu.wait_indirect_dma semaphore(%arg18 : memref<!tpu.dma_semaphore, #tpu.memory_space<semaphore_mem>>) src(%dma_wait3A_321 : memref<10000x64xf32, #tpu.memory_space<hbm>>) dst(%arg11 : memref<128x64xf32, #tpu.memory_space<vmem>>)
      %dma_wait3A_322 = arith.constant 0 : i32
      %dma_wait3A_323 = arith.constant 0 : i32
      %dma_wait3A_324 = tpu.memref_slice %arg5[%dma_wait3A_322, %dma_wait3A_323] : memref<79x128xi32, #tpu.memory_space<vmem>> -> memref<1x128xi32, #tpu.memory_space<vmem>>
      %dma_wait3A_325 = tpu.memref_squeeze %dma_wait3A_324 : memref<1x128xi32, #tpu.memory_space<vmem>> -> memref<128xi32, #tpu.memory_space<vmem>>
      %dma_wait3A_326 = arith.constant 0 : i32
      %dma_wait3A_327 = arith.constant 0 : i32
      %dma_wait3A_328 = tpu.memref_slice %arg2[%dma_wait3A_326, %dma_wait3A_327] : memref<10000x64xf32, #tpu.memory_space<hbm>> -> memref<10000x64xf32, #tpu.memory_space<hbm>>
      tpu.wait_indirect_dma semaphore(%arg18 : memref<!tpu.dma_semaphore, #tpu.memory_space<semaphore_mem>>) src(%dma_wait3A_328 : memref<10000x64xf32, #tpu.memory_space<hbm>>) dst(%arg12 : memref<128x64xf32, #tpu.memory_space<vmem>>)
      %dma_wait3A_329 = arith.constant 0 : i32
      %dma_wait3A_330 = arith.constant 0 : i32
      %dma_wait3A_331 = tpu.memref_slice %arg5[%dma_wait3A_329, %dma_wait3A_330] : memref<79x128xi32, #tpu.memory_space<vmem>> -> memref<1x128xi32, #tpu.memory_space<vmem>>
      %dma_wait3A_332 = tpu.memref_squeeze %dma_wait3A_331 : memref<1x128xi32, #tpu.memory_space<vmem>> -> memref<128xi32, #tpu.memory_space<vmem>>
      %dma_wait3A_333 = arith.constant 0 : i32
      %dma_wait3A_334 = arith.constant 0 : i32
      %dma_wait3A_335 = tpu.memref_slice %arg2[%dma_wait3A_333, %dma_wait3A_334] : memref<10000x64xf32, #tpu.memory_space<hbm>> -> memref<10000x64xf32, #tpu.memory_space<hbm>>
      tpu.wait_indirect_dma semaphore(%arg18 : memref<!tpu.dma_semaphore, #tpu.memory_space<semaphore_mem>>) src(%dma_wait3A_335 : memref<10000x64xf32, #tpu.memory_space<hbm>>) dst(%arg13 : memref<128x64xf32, #tpu.memory_space<vmem>>)
      %dma_wait3A_336 = arith.constant 0 : i32
      %dma_wait3A_337 = arith.constant 0 : i32
      %dma_wait3A_338 = tpu.memref_slice %arg5[%dma_wait3A_336, %dma_wait3A_337] : memref<79x128xi32, #tpu.memory_space<vmem>> -> memref<1x128xi32, #tpu.memory_space<vmem>>
      %dma_wait3A_339 = tpu.memref_squeeze %dma_wait3A_338 : memref<1x128xi32, #tpu.memory_space<vmem>> -> memref<128xi32, #tpu.memory_space<vmem>>
      %dma_wait3A_340 = arith.constant 0 : i32
      %dma_wait3A_341 = arith.constant 0 : i32
      %dma_wait3A_342 = tpu.memref_slice %arg2[%dma_wait3A_340, %dma_wait3A_341] : memref<10000x64xf32, #tpu.memory_space<hbm>> -> memref<10000x64xf32, #tpu.memory_space<hbm>>
      tpu.wait_indirect_dma semaphore(%arg18 : memref<!tpu.dma_semaphore, #tpu.memory_space<semaphore_mem>>) src(%dma_wait3A_342 : memref<10000x64xf32, #tpu.memory_space<hbm>>) dst(%arg14 : memref<128x64xf32, #tpu.memory_space<vmem>>)
      %mul3A_343 = arith.constant 8 : i32
      %mul3A_344 = arith.muli %mul3A_343, %scan3A_189 : i32
      %add3A_345 = arith.constant 4 : i32
      %add3A_346 = arith.addi %mul3A_344, %add3A_345 : i32
      %add3A_347 = arith.constant 0 : i32
      %add3A_348 = arith.addi %add3A_346, %add3A_347 : i32
      %dma_start3A_349 = arith.constant 0 : i32
      %dma_start3A_350 = tpu.memref_slice %arg6[%add3A_348, %dma_start3A_349] : memref<79x128xi32, #tpu.memory_space<vmem>> -> memref<1x128xi32, #tpu.memory_space<vmem>>
      %dma_start3A_351 = tpu.memref_squeeze %dma_start3A_350 : memref<1x128xi32, #tpu.memory_space<vmem>> -> memref<128xi32, #tpu.memory_space<vmem>>
      %dma_start3A_352 = arith.constant 0 : i32
      %dma_start3A_353 = arith.constant 0 : i32
      %dma_start3A_354 = tpu.memref_slice %arg15[%dma_start3A_352, %dma_start3A_353] : memref<10000x64xf32, #tpu.memory_space<vmem_shared>> -> memref<10000x64xf32, #tpu.memory_space<vmem_shared>>
      tpu.enqueue_indirect_dma source(%arg11 : memref<128x64xf32, #tpu.memory_space<vmem>>) target(%dma_start3A_354 : memref<10000x64xf32, #tpu.memory_space<vmem_shared>>) offsets(%dma_start3A_351 : memref<128xi32, #tpu.memory_space<vmem>>) semaphore(%arg19 : memref<!tpu.dma_semaphore, #tpu.memory_space<semaphore_mem>>) {add = true}
      %mul3A_355 = arith.constant 8 : i32
      %mul3A_356 = arith.muli %mul3A_355, %scan3A_189 : i32
      %add3A_357 = arith.constant 4 : i32
      %add3A_358 = arith.addi %mul3A_356, %add3A_357 : i32
      %add3A_359 = arith.constant 1 : i32
      %add3A_360 = arith.addi %add3A_358, %add3A_359 : i32
      %dma_start3A_361 = arith.constant 0 : i32
      %dma_start3A_362 = tpu.memref_slice %arg6[%add3A_360, %dma_start3A_361] : memref<79x128xi32, #tpu.memory_space<vmem>> -> memref<1x128xi32, #tpu.memory_space<vmem>>
      %dma_start3A_363 = tpu.memref_squeeze %dma_start3A_362 : memref<1x128xi32, #tpu.memory_space<vmem>> -> memref<128xi32, #tpu.memory_space<vmem>>
      %dma_start3A_364 = arith.constant 0 : i32
      %dma_start3A_365 = arith.constant 0 : i32
      %dma_start3A_366 = tpu.memref_slice %arg15[%dma_start3A_364, %dma_start3A_365] : memref<10000x64xf32, #tpu.memory_space<vmem_shared>> -> memref<10000x64xf32, #tpu.memory_space<vmem_shared>>
      tpu.enqueue_indirect_dma source(%arg12 : memref<128x64xf32, #tpu.memory_space<vmem>>) target(%dma_start3A_366 : memref<10000x64xf32, #tpu.memory_space<vmem_shared>>) offsets(%dma_start3A_363 : memref<128xi32, #tpu.memory_space<vmem>>) semaphore(%arg19 : memref<!tpu.dma_semaphore, #tpu.memory_space<semaphore_mem>>) {add = true}
      %mul3A_367 = arith.constant 8 : i32
      %mul3A_368 = arith.muli %mul3A_367, %scan3A_189 : i32
      %add3A_369 = arith.constant 4 : i32
      %add3A_370 = arith.addi %mul3A_368, %add3A_369 : i32
      %add3A_371 = arith.constant 2 : i32
      %add3A_372 = arith.addi %add3A_370, %add3A_371 : i32
      %dma_start3A_373 = arith.constant 0 : i32
      %dma_start3A_374 = tpu.memref_slice %arg6[%add3A_372, %dma_start3A_373] : memref<79x128xi32, #tpu.memory_space<vmem>> -> memref<1x128xi32, #tpu.memory_space<vmem>>
      %dma_start3A_375 = tpu.memref_squeeze %dma_start3A_374 : memref<1x128xi32, #tpu.memory_space<vmem>> -> memref<128xi32, #tpu.memory_space<vmem>>
      %dma_start3A_376 = arith.constant 0 : i32
      %dma_start3A_377 = arith.constant 0 : i32
      %dma_start3A_378 = tpu.memref_slice %arg15[%dma_start3A_376, %dma_start3A_377] : memref<10000x64xf32, #tpu.memory_space<vmem_shared>> -> memref<10000x64xf32, #tpu.memory_space<vmem_shared>>
      tpu.enqueue_indirect_dma source(%arg13 : memref<128x64xf32, #tpu.memory_space<vmem>>) target(%dma_start3A_378 : memref<10000x64xf32, #tpu.memory_space<vmem_shared>>) offsets(%dma_start3A_375 : memref<128xi32, #tpu.memory_space<vmem>>) semaphore(%arg19 : memref<!tpu.dma_semaphore, #tpu.memory_space<semaphore_mem>>) {add = true}
      %mul3A_379 = arith.constant 8 : i32
      %mul3A_380 = arith.muli %mul3A_379, %scan3A_189 : i32
      %add3A_381 = arith.constant 4 : i32
      %add3A_382 = arith.addi %mul3A_380, %add3A_381 : i32
      %add3A_383 = arith.constant 3 : i32
      %add3A_384 = arith.addi %add3A_382, %add3A_383 : i32
      %dma_start3A_385 = arith.constant 0 : i32
      %dma_start3A_386 = tpu.memref_slice %arg6[%add3A_384, %dma_start3A_385] : memref<79x128xi32, #tpu.memory_space<vmem>> -> memref<1x128xi32, #tpu.memory_space<vmem>>
      %dma_start3A_387 = tpu.memref_squeeze %dma_start3A_386 : memref<1x128xi32, #tpu.memory_space<vmem>> -> memref<128xi32, #tpu.memory_space<vmem>>
      %dma_start3A_388 = arith.constant 0 : i32
      %dma_start3A_389 = arith.constant 0 : i32
      %dma_start3A_390 = tpu.memref_slice %arg15[%dma_start3A_388, %dma_start3A_389] : memref<10000x64xf32, #tpu.memory_space<vmem_shared>> -> memref<10000x64xf32, #tpu.memory_space<vmem_shared>>
      tpu.enqueue_indirect_dma source(%arg14 : memref<128x64xf32, #tpu.memory_space<vmem>>) target(%dma_start3A_390 : memref<10000x64xf32, #tpu.memory_space<vmem_shared>>) offsets(%dma_start3A_387 : memref<128xi32, #tpu.memory_space<vmem>>) semaphore(%arg19 : memref<!tpu.dma_semaphore, #tpu.memory_space<semaphore_mem>>) {add = true}
    }
    %scan3A_113 = arith.constant 9 : i32
    %dma_wait3A_114 = arith.constant 0 : i32
    %dma_wait3A_115 = arith.constant 0 : i32
    %dma_wait3A_116 = tpu.memref_slice %arg6[%dma_wait3A_114, %dma_wait3A_115] : memref<79x128xi32, #tpu.memory_space<vmem>> -> memref<1x128xi32, #tpu.memory_space<vmem>>
    %dma_wait3A_117 = tpu.memref_squeeze %dma_wait3A_116 : memref<1x128xi32, #tpu.memory_space<vmem>> -> memref<128xi32, #tpu.memory_space<vmem>>
    %dma_wait3A_118 = arith.constant 0 : i32
    %dma_wait3A_119 = arith.constant 0 : i32
    %dma_wait3A_120 = tpu.memref_slice %arg15[%dma_wait3A_118, %dma_wait3A_119] : memref<10000x64xf32, #tpu.memory_space<vmem_shared>> -> memref<10000x64xf32, #tpu.memory_space<vmem_shared>>
    tpu.wait_indirect_dma semaphore(%arg17 : memref<!tpu.dma_semaphore, #tpu.memory_space<semaphore_mem>>) src(%arg7 : memref<128x64xf32, #tpu.memory_space<vmem>>) dst(%dma_wait3A_120 : memref<10000x64xf32, #tpu.memory_space<vmem_shared>>)
    %dma_wait3A_121 = arith.constant 0 : i32
    %dma_wait3A_122 = arith.constant 0 : i32
    %dma_wait3A_123 = tpu.memref_slice %arg6[%dma_wait3A_121, %dma_wait3A_122] : memref<79x128xi32, #tpu.memory_space<vmem>> -> memref<1x128xi32, #tpu.memory_space<vmem>>
    %dma_wait3A_124 = tpu.memref_squeeze %dma_wait3A_123 : memref<1x128xi32, #tpu.memory_space<vmem>> -> memref<128xi32, #tpu.memory_space<vmem>>
    %dma_wait3A_125 = arith.constant 0 : i32
    %dma_wait3A_126 = arith.constant 0 : i32
    %dma_wait3A_127 = tpu.memref_slice %arg15[%dma_wait3A_125, %dma_wait3A_126] : memref<10000x64xf32, #tpu.memory_space<vmem_shared>> -> memref<10000x64xf32, #tpu.memory_space<vmem_shared>>
    tpu.wait_indirect_dma semaphore(%arg17 : memref<!tpu.dma_semaphore, #tpu.memory_space<semaphore_mem>>) src(%arg8 : memref<128x64xf32, #tpu.memory_space<vmem>>) dst(%dma_wait3A_127 : memref<10000x64xf32, #tpu.memory_space<vmem_shared>>)
    %dma_wait3A_128 = arith.constant 0 : i32
    %dma_wait3A_129 = arith.constant 0 : i32
    %dma_wait3A_130 = tpu.memref_slice %arg6[%dma_wait3A_128, %dma_wait3A_129] : memref<79x128xi32, #tpu.memory_space<vmem>> -> memref<1x128xi32, #tpu.memory_space<vmem>>
    %dma_wait3A_131 = tpu.memref_squeeze %dma_wait3A_130 : memref<1x128xi32, #tpu.memory_space<vmem>> -> memref<128xi32, #tpu.memory_space<vmem>>
    %dma_wait3A_132 = arith.constant 0 : i32
    %dma_wait3A_133 = arith.constant 0 : i32
    %dma_wait3A_134 = tpu.memref_slice %arg15[%dma_wait3A_132, %dma_wait3A_133] : memref<10000x64xf32, #tpu.memory_space<vmem_shared>> -> memref<10000x64xf32, #tpu.memory_space<vmem_shared>>
    tpu.wait_indirect_dma semaphore(%arg17 : memref<!tpu.dma_semaphore, #tpu.memory_space<semaphore_mem>>) src(%arg9 : memref<128x64xf32, #tpu.memory_space<vmem>>) dst(%dma_wait3A_134 : memref<10000x64xf32, #tpu.memory_space<vmem_shared>>)
    %dma_wait3A_135 = arith.constant 0 : i32
    %dma_wait3A_136 = arith.constant 0 : i32
    %dma_wait3A_137 = tpu.memref_slice %arg6[%dma_wait3A_135, %dma_wait3A_136] : memref<79x128xi32, #tpu.memory_space<vmem>> -> memref<1x128xi32, #tpu.memory_space<vmem>>
    %dma_wait3A_138 = tpu.memref_squeeze %dma_wait3A_137 : memref<1x128xi32, #tpu.memory_space<vmem>> -> memref<128xi32, #tpu.memory_space<vmem>>
    %dma_wait3A_139 = arith.constant 0 : i32
    %dma_wait3A_140 = arith.constant 0 : i32
    %dma_wait3A_141 = tpu.memref_slice %arg15[%dma_wait3A_139, %dma_wait3A_140] : memref<10000x64xf32, #tpu.memory_space<vmem_shared>> -> memref<10000x64xf32, #tpu.memory_space<vmem_shared>>
    tpu.wait_indirect_dma semaphore(%arg17 : memref<!tpu.dma_semaphore, #tpu.memory_space<semaphore_mem>>) src(%arg10 : memref<128x64xf32, #tpu.memory_space<vmem>>) dst(%dma_wait3A_141 : memref<10000x64xf32, #tpu.memory_space<vmem_shared>>)
    %dma_wait3A_142 = arith.constant 0 : i32
    %dma_wait3A_143 = arith.constant 0 : i32
    %dma_wait3A_144 = tpu.memref_slice %arg6[%dma_wait3A_142, %dma_wait3A_143] : memref<79x128xi32, #tpu.memory_space<vmem>> -> memref<1x128xi32, #tpu.memory_space<vmem>>
    %dma_wait3A_145 = tpu.memref_squeeze %dma_wait3A_144 : memref<1x128xi32, #tpu.memory_space<vmem>> -> memref<128xi32, #tpu.memory_space<vmem>>
    %dma_wait3A_146 = arith.constant 0 : i32
    %dma_wait3A_147 = arith.constant 0 : i32
    %dma_wait3A_148 = tpu.memref_slice %arg15[%dma_wait3A_146, %dma_wait3A_147] : memref<10000x64xf32, #tpu.memory_space<vmem_shared>> -> memref<10000x64xf32, #tpu.memory_space<vmem_shared>>
    tpu.wait_indirect_dma semaphore(%arg19 : memref<!tpu.dma_semaphore, #tpu.memory_space<semaphore_mem>>) src(%arg11 : memref<128x64xf32, #tpu.memory_space<vmem>>) dst(%dma_wait3A_148 : memref<10000x64xf32, #tpu.memory_space<vmem_shared>>)
    %dma_wait3A_149 = arith.constant 0 : i32
    %dma_wait3A_150 = arith.constant 0 : i32
    %dma_wait3A_151 = tpu.memref_slice %arg6[%dma_wait3A_149, %dma_wait3A_150] : memref<79x128xi32, #tpu.memory_space<vmem>> -> memref<1x128xi32, #tpu.memory_space<vmem>>
    %dma_wait3A_152 = tpu.memref_squeeze %dma_wait3A_151 : memref<1x128xi32, #tpu.memory_space<vmem>> -> memref<128xi32, #tpu.memory_space<vmem>>
    %dma_wait3A_153 = arith.constant 0 : i32
    %dma_wait3A_154 = arith.constant 0 : i32
    %dma_wait3A_155 = tpu.memref_slice %arg15[%dma_wait3A_153, %dma_wait3A_154] : memref<10000x64xf32, #tpu.memory_space<vmem_shared>> -> memref<10000x64xf32, #tpu.memory_space<vmem_shared>>
    tpu.wait_indirect_dma semaphore(%arg19 : memref<!tpu.dma_semaphore, #tpu.memory_space<semaphore_mem>>) src(%arg12 : memref<128x64xf32, #tpu.memory_space<vmem>>) dst(%dma_wait3A_155 : memref<10000x64xf32, #tpu.memory_space<vmem_shared>>)
    %dma_wait3A_156 = arith.constant 0 : i32
    %dma_wait3A_157 = arith.constant 0 : i32
    %dma_wait3A_158 = tpu.memref_slice %arg6[%dma_wait3A_156, %dma_wait3A_157] : memref<79x128xi32, #tpu.memory_space<vmem>> -> memref<1x128xi32, #tpu.memory_space<vmem>>
    %dma_wait3A_159 = tpu.memref_squeeze %dma_wait3A_158 : memref<1x128xi32, #tpu.memory_space<vmem>> -> memref<128xi32, #tpu.memory_space<vmem>>
    %dma_wait3A_160 = arith.constant 0 : i32
    %dma_wait3A_161 = arith.constant 0 : i32
    %dma_wait3A_162 = tpu.memref_slice %arg15[%dma_wait3A_160, %dma_wait3A_161] : memref<10000x64xf32, #tpu.memory_space<vmem_shared>> -> memref<10000x64xf32, #tpu.memory_space<vmem_shared>>
    tpu.wait_indirect_dma semaphore(%arg19 : memref<!tpu.dma_semaphore, #tpu.memory_space<semaphore_mem>>) src(%arg13 : memref<128x64xf32, #tpu.memory_space<vmem>>) dst(%dma_wait3A_162 : memref<10000x64xf32, #tpu.memory_space<vmem_shared>>)
    %dma_wait3A_163 = arith.constant 0 : i32
    %dma_wait3A_164 = arith.constant 0 : i32
    %dma_wait3A_165 = tpu.memref_slice %arg6[%dma_wait3A_163, %dma_wait3A_164] : memref<79x128xi32, #tpu.memory_space<vmem>> -> memref<1x128xi32, #tpu.memory_space<vmem>>
    %dma_wait3A_166 = tpu.memref_squeeze %dma_wait3A_165 : memref<1x128xi32, #tpu.memory_space<vmem>> -> memref<128xi32, #tpu.memory_space<vmem>>
    %dma_wait3A_167 = arith.constant 0 : i32
    %dma_wait3A_168 = arith.constant 0 : i32
    %dma_wait3A_169 = tpu.memref_slice %arg15[%dma_wait3A_167, %dma_wait3A_168] : memref<10000x64xf32, #tpu.memory_space<vmem_shared>> -> memref<10000x64xf32, #tpu.memory_space<vmem_shared>>
    tpu.wait_indirect_dma semaphore(%arg19 : memref<!tpu.dma_semaphore, #tpu.memory_space<semaphore_mem>>) src(%arg14 : memref<128x64xf32, #tpu.memory_space<vmem>>) dst(%dma_wait3A_169 : memref<10000x64xf32, #tpu.memory_space<vmem_shared>>)
    %while3A = arith.constant 0 : i32
    %while3A_170 = arith.constant 72 : i32
    %while3A_171 = arith.subi %add3A_8, %while3A_170 : i32
    %while3A_172 = arith.addi %while3A_170, %while3A_171 : i32
    %while3A_173 = arith.constant 1 : i32
    %while3A_174 = arith.divsi %while3A_171, %while3A_173 : i32
    %while3A_175 = arith.muli %while3A_174, %while3A_173 : i32
    %while3A_176 = arith.addi %while3A_170, %while3A_175 : i32
    %while3A_177 = arith.constant 1 : i32
    scf.for %while3A_189 = %while3A_170 to %while3A_176 step %while3A_177  : i32 {
      %dma_start3A_190 = arith.constant 0 : i32
      %dma_start3A_191 = tpu.memref_slice %arg5[%while3A_189, %dma_start3A_190] : memref<79x128xi32, #tpu.memory_space<vmem>> -> memref<1x128xi32, #tpu.memory_space<vmem>>
      %dma_start3A_192 = tpu.memref_squeeze %dma_start3A_191 : memref<1x128xi32, #tpu.memory_space<vmem>> -> memref<128xi32, #tpu.memory_space<vmem>>
      %dma_start3A_193 = arith.constant 0 : i32
      %dma_start3A_194 = arith.constant 0 : i32
      %dma_start3A_195 = tpu.memref_slice %arg2[%dma_start3A_193, %dma_start3A_194] : memref<10000x64xf32, #tpu.memory_space<hbm>> -> memref<10000x64xf32, #tpu.memory_space<hbm>>
      tpu.enqueue_indirect_dma source(%dma_start3A_195 : memref<10000x64xf32, #tpu.memory_space<hbm>>) target(%arg7 : memref<128x64xf32, #tpu.memory_space<vmem>>) offsets(%dma_start3A_192 : memref<128xi32, #tpu.memory_space<vmem>>) semaphore(%arg16 : memref<!tpu.dma_semaphore, #tpu.memory_space<semaphore_mem>>)
      %dma_wait3A_196 = arith.constant 0 : i32
      %dma_wait3A_197 = arith.constant 0 : i32
      %dma_wait3A_198 = tpu.memref_slice %arg5[%dma_wait3A_196, %dma_wait3A_197] : memref<79x128xi32, #tpu.memory_space<vmem>> -> memref<1x128xi32, #tpu.memory_space<vmem>>
      %dma_wait3A_199 = tpu.memref_squeeze %dma_wait3A_198 : memref<1x128xi32, #tpu.memory_space<vmem>> -> memref<128xi32, #tpu.memory_space<vmem>>
      %dma_wait3A_200 = arith.constant 0 : i32
      %dma_wait3A_201 = arith.constant 0 : i32
      %dma_wait3A_202 = tpu.memref_slice %arg2[%dma_wait3A_200, %dma_wait3A_201] : memref<10000x64xf32, #tpu.memory_space<hbm>> -> memref<10000x64xf32, #tpu.memory_space<hbm>>
      tpu.wait_indirect_dma semaphore(%arg16 : memref<!tpu.dma_semaphore, #tpu.memory_space<semaphore_mem>>) src(%dma_wait3A_202 : memref<10000x64xf32, #tpu.memory_space<hbm>>) dst(%arg7 : memref<128x64xf32, #tpu.memory_space<vmem>>)
      %dma_start3A_203 = arith.constant 0 : i32
      %dma_start3A_204 = tpu.memref_slice %arg6[%while3A_189, %dma_start3A_203] : memref<79x128xi32, #tpu.memory_space<vmem>> -> memref<1x128xi32, #tpu.memory_space<vmem>>
      %dma_start3A_205 = tpu.memref_squeeze %dma_start3A_204 : memref<1x128xi32, #tpu.memory_space<vmem>> -> memref<128xi32, #tpu.memory_space<vmem>>
      %dma_start3A_206 = arith.constant 0 : i32
      %dma_start3A_207 = arith.constant 0 : i32
      %dma_start3A_208 = tpu.memref_slice %arg15[%dma_start3A_206, %dma_start3A_207] : memref<10000x64xf32, #tpu.memory_space<vmem_shared>> -> memref<10000x64xf32, #tpu.memory_space<vmem_shared>>
      tpu.enqueue_indirect_dma source(%arg7 : memref<128x64xf32, #tpu.memory_space<vmem>>) target(%dma_start3A_208 : memref<10000x64xf32, #tpu.memory_space<vmem_shared>>) offsets(%dma_start3A_205 : memref<128xi32, #tpu.memory_space<vmem>>) semaphore(%arg17 : memref<!tpu.dma_semaphore, #tpu.memory_space<semaphore_mem>>) {add = true}
      %dma_wait3A_209 = arith.constant 0 : i32
      %dma_wait3A_210 = arith.constant 0 : i32
      %dma_wait3A_211 = tpu.memref_slice %arg6[%dma_wait3A_209, %dma_wait3A_210] : memref<79x128xi32, #tpu.memory_space<vmem>> -> memref<1x128xi32, #tpu.memory_space<vmem>>
      %dma_wait3A_212 = tpu.memref_squeeze %dma_wait3A_211 : memref<1x128xi32, #tpu.memory_space<vmem>> -> memref<128xi32, #tpu.memory_space<vmem>>
      %dma_wait3A_213 = arith.constant 0 : i32
      %dma_wait3A_214 = arith.constant 0 : i32
      %dma_wait3A_215 = tpu.memref_slice %arg15[%dma_wait3A_213, %dma_wait3A_214] : memref<10000x64xf32, #tpu.memory_space<vmem_shared>> -> memref<10000x64xf32, #tpu.memory_space<vmem_shared>>
      tpu.wait_indirect_dma semaphore(%arg17 : memref<!tpu.dma_semaphore, #tpu.memory_space<semaphore_mem>>) src(%arg7 : memref<128x64xf32, #tpu.memory_space<vmem>>) dst(%dma_wait3A_215 : memref<10000x64xf32, #tpu.memory_space<vmem_shared>>)
    }
    %while3A_178 = arith.constant 1 : i32
    scf.for %while3A_189 = %while3A_176 to %while3A_172 step %while3A_178  : i32 {
      %dma_start3A_190 = arith.constant 0 : i32
      %dma_start3A_191 = tpu.memref_slice %arg5[%while3A_189, %dma_start3A_190] : memref<79x128xi32, #tpu.memory_space<vmem>> -> memref<1x128xi32, #tpu.memory_space<vmem>>
      %dma_start3A_192 = tpu.memref_squeeze %dma_start3A_191 : memref<1x128xi32, #tpu.memory_space<vmem>> -> memref<128xi32, #tpu.memory_space<vmem>>
      %dma_start3A_193 = arith.constant 0 : i32
      %dma_start3A_194 = arith.constant 0 : i32
      %dma_start3A_195 = tpu.memref_slice %arg2[%dma_start3A_193, %dma_start3A_194] : memref<10000x64xf32, #tpu.memory_space<hbm>> -> memref<10000x64xf32, #tpu.memory_space<hbm>>
      tpu.enqueue_indirect_dma source(%dma_start3A_195 : memref<10000x64xf32, #tpu.memory_space<hbm>>) target(%arg7 : memref<128x64xf32, #tpu.memory_space<vmem>>) offsets(%dma_start3A_192 : memref<128xi32, #tpu.memory_space<vmem>>) semaphore(%arg16 : memref<!tpu.dma_semaphore, #tpu.memory_space<semaphore_mem>>)
      %dma_wait3A_196 = arith.constant 0 : i32
      %dma_wait3A_197 = arith.constant 0 : i32
      %dma_wait3A_198 = tpu.memref_slice %arg5[%dma_wait3A_196, %dma_wait3A_197] : memref<79x128xi32, #tpu.memory_space<vmem>> -> memref<1x128xi32, #tpu.memory_space<vmem>>
      %dma_wait3A_199 = tpu.memref_squeeze %dma_wait3A_198 : memref<1x128xi32, #tpu.memory_space<vmem>> -> memref<128xi32, #tpu.memory_space<vmem>>
      %dma_wait3A_200 = arith.constant 0 : i32
      %dma_wait3A_201 = arith.constant 0 : i32
      %dma_wait3A_202 = tpu.memref_slice %arg2[%dma_wait3A_200, %dma_wait3A_201] : memref<10000x64xf32, #tpu.memory_space<hbm>> -> memref<10000x64xf32, #tpu.memory_space<hbm>>
      tpu.wait_indirect_dma semaphore(%arg16 : memref<!tpu.dma_semaphore, #tpu.memory_space<semaphore_mem>>) src(%dma_wait3A_202 : memref<10000x64xf32, #tpu.memory_space<hbm>>) dst(%arg7 : memref<128x64xf32, #tpu.memory_space<vmem>>)
      %dma_start3A_203 = arith.constant 0 : i32
      %dma_start3A_204 = tpu.memref_slice %arg6[%while3A_189, %dma_start3A_203] : memref<79x128xi32, #tpu.memory_space<vmem>> -> memref<1x128xi32, #tpu.memory_space<vmem>>
      %dma_start3A_205 = tpu.memref_squeeze %dma_start3A_204 : memref<1x128xi32, #tpu.memory_space<vmem>> -> memref<128xi32, #tpu.memory_space<vmem>>
      %dma_start3A_206 = arith.constant 0 : i32
      %dma_start3A_207 = arith.constant 0 : i32
      %dma_start3A_208 = tpu.memref_slice %arg15[%dma_start3A_206, %dma_start3A_207] : memref<10000x64xf32, #tpu.memory_space<vmem_shared>> -> memref<10000x64xf32, #tpu.memory_space<vmem_shared>>
      tpu.enqueue_indirect_dma source(%arg7 : memref<128x64xf32, #tpu.memory_space<vmem>>) target(%dma_start3A_208 : memref<10000x64xf32, #tpu.memory_space<vmem_shared>>) offsets(%dma_start3A_205 : memref<128xi32, #tpu.memory_space<vmem>>) semaphore(%arg17 : memref<!tpu.dma_semaphore, #tpu.memory_space<semaphore_mem>>) {add = true}
      %dma_wait3A_209 = arith.constant 0 : i32
      %dma_wait3A_210 = arith.constant 0 : i32
      %dma_wait3A_211 = tpu.memref_slice %arg6[%dma_wait3A_209, %dma_wait3A_210] : memref<79x128xi32, #tpu.memory_space<vmem>> -> memref<1x128xi32, #tpu.memory_space<vmem>>
      %dma_wait3A_212 = tpu.memref_squeeze %dma_wait3A_211 : memref<1x128xi32, #tpu.memory_space<vmem>> -> memref<128xi32, #tpu.memory_space<vmem>>
      %dma_wait3A_213 = arith.constant 0 : i32
      %dma_wait3A_214 = arith.constant 0 : i32
      %dma_wait3A_215 = tpu.memref_slice %arg15[%dma_wait3A_213, %dma_wait3A_214] : memref<10000x64xf32, #tpu.memory_space<vmem_shared>> -> memref<10000x64xf32, #tpu.memory_space<vmem_shared>>
      tpu.wait_indirect_dma semaphore(%arg17 : memref<!tpu.dma_semaphore, #tpu.memory_space<semaphore_mem>>) src(%arg7 : memref<128x64xf32, #tpu.memory_space<vmem>>) dst(%dma_wait3A_215 : memref<10000x64xf32, #tpu.memory_space<vmem_shared>>)
    }
    %barrier3A_179 = arith.constant 0 : index
    tpu.barrier barrier_id(%barrier3A_179)
    %mul3A_180 = arith.constant 624 : i32
    %mul3A_181 = arith.muli %arg1, %mul3A_180 : i32
    %mul3A_182 = arith.constant 624 : i32
    %mul3A_183 = arith.muli %arg1, %mul3A_182 : i32
    "tpu.region"() ({
      %run_scoped3A = tpu.sem_alloc : memref<!tpu.dma_semaphore, #tpu.memory_space<semaphore_mem>>
      %dma_start3A_189 = tpu.memref_slice %arg4[%mul3A_183, %mul3A_38] : memref<10000x128xf32, #tpu.memory_space<hbm>> -> memref<624x64xf32, #tpu.memory_space<hbm>>
      %dma_start3A_190 = arith.constant 0 : i32
      %dma_start3A_191 = tpu.memref_slice %arg15[%mul3A_181, %dma_start3A_190] : memref<10000x64xf32, #tpu.memory_space<vmem_shared>> -> memref<624x64xf32, #tpu.memory_space<vmem_shared>>
      tpu.enqueue_dma source(%dma_start3A_191 : memref<624x64xf32, #tpu.memory_space<vmem_shared>>) target(%dma_start3A_189 : memref<624x64xf32, #tpu.memory_space<hbm>>) target_semaphore(%run_scoped3A : memref<!tpu.dma_semaphore, #tpu.memory_space<semaphore_mem>>)
      %dma_wait3A_192 = tpu.memref_slice %arg4[%mul3A_183, %mul3A_38] : memref<10000x128xf32, #tpu.memory_space<hbm>> -> memref<624x64xf32, #tpu.memory_space<hbm>>
      %dma_wait3A_193 = arith.constant 0 : i32
      %dma_wait3A_194 = tpu.memref_slice %arg15[%mul3A_181, %dma_wait3A_193] : memref<10000x64xf32, #tpu.memory_space<vmem_shared>> -> memref<624x64xf32, #tpu.memory_space<vmem_shared>>
      tpu.wait_dma2 semaphore(%run_scoped3A : memref<!tpu.dma_semaphore, #tpu.memory_space<semaphore_mem>>) src(%dma_wait3A_194 : memref<624x64xf32, #tpu.memory_space<vmem_shared>>) dst(%dma_wait3A_192 : memref<624x64xf32, #tpu.memory_space<hbm>>)
      tpu.yield
    }) : () -> ()
    %eq3A_184 = arith.constant 15 : i32
    %eq3A_185 = arith.cmpi eq, %arg1, %eq3A_184 : i32
    %convert_element_type3A_186 = arith.extui %eq3A_185 : i1 to i32
    %cond3A_187 = arith.constant 0 : i32
    %cond3A_188 = arith.cmpi ne, %convert_element_type3A_186, %cond3A_187 : i32
    scf.if %cond3A_188 {
      "tpu.region"() ({
        %run_scoped3A = tpu.sem_alloc : memref<!tpu.dma_semaphore, #tpu.memory_space<semaphore_mem>>
        %dma_start3A_189 = arith.constant 9984 : i32
        %dma_start3A_190 = tpu.memref_slice %arg4[%dma_start3A_189, %mul3A_38] : memref<10000x128xf32, #tpu.memory_space<hbm>> -> memref<16x64xf32, #tpu.memory_space<hbm>>
        %dma_start3A_191 = arith.constant 9984 : i32
        %dma_start3A_192 = arith.constant 0 : i32
        %dma_start3A_193 = tpu.memref_slice %arg15[%dma_start3A_191, %dma_start3A_192] : memref<10000x64xf32, #tpu.memory_space<vmem_shared>> -> memref<16x64xf32, #tpu.memory_space<vmem_shared>>
        tpu.enqueue_dma source(%dma_start3A_193 : memref<16x64xf32, #tpu.memory_space<vmem_shared>>) target(%dma_start3A_190 : memref<16x64xf32, #tpu.memory_space<hbm>>) target_semaphore(%run_scoped3A : memref<!tpu.dma_semaphore, #tpu.memory_space<semaphore_mem>>)
        %dma_wait3A_194 = arith.constant 9984 : i32
        %dma_wait3A_195 = tpu.memref_slice %arg4[%dma_wait3A_194, %mul3A_38] : memref<10000x128xf32, #tpu.memory_space<hbm>> -> memref<16x64xf32, #tpu.memory_space<hbm>>
        %dma_wait3A_196 = arith.constant 9984 : i32
        %dma_wait3A_197 = arith.constant 0 : i32
        %dma_wait3A_198 = tpu.memref_slice %arg15[%dma_wait3A_196, %dma_wait3A_197] : memref<10000x64xf32, #tpu.memory_space<vmem_shared>> -> memref<16x64xf32, #tpu.memory_space<vmem_shared>>
        tpu.wait_dma2 semaphore(%run_scoped3A : memref<!tpu.dma_semaphore, #tpu.memory_space<semaphore_mem>>) src(%dma_wait3A_198 : memref<16x64xf32, #tpu.memory_space<vmem_shared>>) dst(%dma_wait3A_195 : memref<16x64xf32, #tpu.memory_space<hbm>>)
        tpu.yield
      }) : () -> ()
    } else {
    }
    return
  }
}

#map = affine_map<(d0, d1) -> (0, 0)>
#map1 = affine_map<(d0, d1) -> (0, 0, 0)>
module attributes {stable_mosaic.version = 14 : i64} {
  func.func @body(%arg0: i32, %arg1: i32, %arg2: memref<10000x64xf32, #tpu.memory_space<hbm>>, %arg3: memref<2x2500x128xi32, #tpu.memory_space<hbm>>, %arg4: memref<10000x128xf32, #tpu.memory_space<hbm>>, %arg5: memref<79x128xi32, #tpu.memory_space<vmem>>, %arg6: memref<79x128xi32, #tpu.memory_space<vmem>>, %arg7: memref<128x64xf32, #tpu.memory_space<vmem>>, %arg8: memref<128x64xf32, #tpu.memory_space<vmem>>, %arg9: memref<128x64xf32, #tpu.memory_space<vmem>>, %arg10: memref<128x64xf32, #tpu.memory_space<vmem>>, %arg11: memref<128x64xf32, #tpu.memory_space<vmem>>, %arg12: memref<128x64xf32, #tpu.memory_space<vmem>>, %arg13: memref<128x64xf32, #tpu.memory_space<vmem>>, %arg14: memref<128x64xf32, #tpu.memory_space<vmem>>, %arg15: memref<10000x64xf32, #tpu.memory_space<vmem_shared>>, %arg16: memref<!tpu.dma_semaphore, #tpu.memory_space<semaphore_mem>>, %arg17: memref<!tpu.dma_semaphore, #tpu.memory_space<semaphore_mem>>, %arg18: memref<!tpu.dma_semaphore, #tpu.memory_space<semaphore_mem>>, %arg19: memref<!tpu.dma_semaphore, #tpu.memory_space<semaphore_mem>>, %arg20: memref<!tpu.dma_semaphore, #tpu.memory_space<semaphore_mem>>) attributes {dimension_semantics = [#tpu.dimension_semantics<core_parallel>, #tpu.dimension_semantics<subcore_parallel>], iteration_bounds = array<i64: 2, 16>, scalar_prefetch = 0 : i64, scratch_operands = 16 : i64, tpu.core_type = #tpu.core_type<sc_vector_subcore>, window_params = [{transform_indices = #map}, {transform_indices = #map1}, {transform_indices = #map}]} {
    %mul3A = arith.constant 2 : i32
    %mul3A_0 = arith.muli %arg1, %mul3A : i32
    %add3A = arith.addi %mul3A_0, %arg0 : i32
    %mul3A_1 = arith.constant 78 : i32
    %mul3A_2 = arith.muli %add3A, %mul3A_1 : i32
    %min3A = arith.constant 4 : i32
    %min3A_3 = arith.minsi %add3A, %min3A : i32
    %add3A_4 = arith.addi %mul3A_2, %min3A_3 : i32
    %lt3A = arith.constant 4 : i32
    %lt3A_5 = arith.cmpi slt, %add3A, %lt3A : i32
    %jit3A = arith.constant 1 : i32
    %jit3A_6 = arith.constant 0 : i32
    %select_n3A = arith.select %lt3A_5, %jit3A, %jit3A_6 : i32
    %add3A_7 = arith.constant 78 : i32
    %add3A_8 = arith.addi %add3A_7, %select_n3A : i32
    %dma_start3A = arith.constant 0 : i32
    %dma_start3A_9 = arith.constant 0 : i32
    %dma_start3A_10 = arith.constant 0 : i32
    %dma_start3A_11 = tpu.memref_slice %arg5[%dma_start3A_9, %dma_start3A_10] : memref<79x128xi32, #tpu.memory_space<vmem>> -> memref<78x128xi32, #tpu.memory_space<vmem>>
    %dma_start3A_12 = arith.constant 0 : i32
    %dma_start3A_13 = tpu.memref_slice %arg3[%dma_start3A, %add3A_4, %dma_start3A_12] : memref<2x2500x128xi32, #tpu.memory_space<hbm>> -> memref<1x78x128xi32, #tpu.memory_space<hbm>>
    %dma_start3A_14 = tpu.memref_squeeze %dma_start3A_13 : memref<1x78x128xi32, #tpu.memory_space<hbm>> -> memref<78x128xi32, #tpu.memory_space<hbm>>
    %dma_start3A_15 = arith.constant 0 : i32
    %dma_start3A_16 = arith.constant 0 : i32
    %dma_start3A_17 = tpu.memref_slice %arg5[%dma_start3A_15, %dma_start3A_16] : memref<79x128xi32, #tpu.memory_space<vmem>> -> memref<78x128xi32, #tpu.memory_space<vmem>>
    %dma_start3A_18 = arith.constant 0 : i32
    %dma_start3A_19 = tpu.memref_slice %arg3[%dma_start3A, %add3A_4, %dma_start3A_18] : memref<2x2500x128xi32, #tpu.memory_space<hbm>> -> memref<1x78x128xi32, #tpu.memory_space<hbm>>
    %dma_start3A_20 = tpu.memref_squeeze %dma_start3A_19 : memref<1x78x128xi32, #tpu.memory_space<hbm>> -> memref<78x128xi32, #tpu.memory_space<hbm>>
    tpu.enqueue_dma source(%dma_start3A_20 : memref<78x128xi32, #tpu.memory_space<hbm>>) target(%dma_start3A_17 : memref<78x128xi32, #tpu.memory_space<vmem>>) target_semaphore(%arg20 : memref<!tpu.dma_semaphore, #tpu.memory_space<semaphore_mem>>)
    %dma_start3A_21 = arith.constant 1 : i32
    %dma_start3A_22 = arith.constant 0 : i32
    %dma_start3A_23 = arith.constant 0 : i32
    %dma_start3A_24 = tpu.memref_slice %arg6[%dma_start3A_22, %dma_start3A_23] : memref<79x128xi32, #tpu.memory_space<vmem>> -> memref<78x128xi32, #tpu.memory_space<vmem>>
    %dma_start3A_25 = arith.constant 0 : i32
    %dma_start3A_26 = tpu.memref_slice %arg3[%dma_start3A_21, %add3A_4, %dma_start3A_25] : memref<2x2500x128xi32, #tpu.memory_space<hbm>> -> memref<1x78x128xi32, #tpu.memory_space<hbm>>
    %dma_start3A_27 = tpu.memref_squeeze %dma_start3A_26 : memref<1x78x128xi32, #tpu.memory_space<hbm>> -> memref<78x128xi32, #tpu.memory_space<hbm>>
    %dma_start3A_28 = arith.constant 0 : i32
    %dma_start3A_29 = arith.constant 0 : i32
    %dma_start3A_30 = tpu.memref_slice %arg6[%dma_start3A_28, %dma_start3A_29] : memref<79x128xi32, #tpu.memory_space<vmem>> -> memref<78x128xi32, #tpu.memory_space<vmem>>
    %dma_start3A_31 = arith.constant 0 : i32
    %dma_start3A_32 = tpu.memref_slice %arg3[%dma_start3A_21, %add3A_4, %dma_start3A_31] : memref<2x2500x128xi32, #tpu.memory_space<hbm>> -> memref<1x78x128xi32, #tpu.memory_space<hbm>>
    %dma_start3A_33 = tpu.memref_squeeze %dma_start3A_32 : memref<1x78x128xi32, #tpu.memory_space<hbm>> -> memref<78x128xi32, #tpu.memory_space<hbm>>
    tpu.enqueue_dma source(%dma_start3A_33 : memref<78x128xi32, #tpu.memory_space<hbm>>) target(%dma_start3A_30 : memref<78x128xi32, #tpu.memory_space<vmem>>) target_semaphore(%arg20 : memref<!tpu.dma_semaphore, #tpu.memory_space<semaphore_mem>>)
    %lt3A_34 = arith.constant 4 : i32
    %lt3A_35 = arith.cmpi slt, %add3A, %lt3A_34 : i32
    %convert_element_type3A = arith.extui %lt3A_35 : i1 to i32
    %cond3A = arith.constant 0 : i32
    %cond3A_36 = arith.cmpi ne, %convert_element_type3A, %cond3A : i32
    scf.if %cond3A_36 {
      %add3A_189 = arith.constant 78 : i32
      %add3A_190 = arith.addi %add3A_4, %add3A_189 : i32
      %dma_start3A_191 = arith.constant 0 : i32
      %dma_start3A_192 = arith.constant 78 : i32
      %dma_start3A_193 = arith.constant 0 : i32
      %dma_start3A_194 = tpu.memref_slice %arg5[%dma_start3A_192, %dma_start3A_193] : memref<79x128xi32, #tpu.memory_space<vmem>> -> memref<1x128xi32, #tpu.memory_space<vmem>>
      %dma_start3A_195 = arith.constant 0 : i32
      %dma_start3A_196 = tpu.memref_slice %arg3[%dma_start3A_191, %add3A_190, %dma_start3A_195] : memref<2x2500x128xi32, #tpu.memory_space<hbm>> -> memref<1x1x128xi32, #tpu.memory_space<hbm>>
      %dma_start3A_197 = tpu.memref_squeeze %dma_start3A_196 : memref<1x1x128xi32, #tpu.memory_space<hbm>> -> memref<1x128xi32, #tpu.memory_space<hbm>>
      %dma_start3A_198 = arith.constant 78 : i32
      %dma_start3A_199 = arith.constant 0 : i32
      %dma_start3A_200 = tpu.memref_slice %arg5[%dma_start3A_198, %dma_start3A_199] : memref<79x128xi32, #tpu.memory_space<vmem>> -> memref<1x128xi32, #tpu.memory_space<vmem>>
      %dma_start3A_201 = arith.constant 0 : i32
      %dma_start3A_202 = tpu.memref_slice %arg3[%dma_start3A_191, %add3A_190, %dma_start3A_201] : memref<2x2500x128xi32, #tpu.memory_space<hbm>> -> memref<1x1x128xi32, #tpu.memory_space<hbm>>
      %dma_start3A_203 = tpu.memref_squeeze %dma_start3A_202 : memref<1x1x128xi32, #tpu.memory_space<hbm>> -> memref<1x128xi32, #tpu.memory_space<hbm>>
      tpu.enqueue_dma source(%dma_start3A_203 : memref<1x128xi32, #tpu.memory_space<hbm>>) target(%dma_start3A_200 : memref<1x128xi32, #tpu.memory_space<vmem>>) target_semaphore(%arg20 : memref<!tpu.dma_semaphore, #tpu.memory_space<semaphore_mem>>)
      %add3A_204 = arith.constant 78 : i32
      %add3A_205 = arith.addi %add3A_4, %add3A_204 : i32
      %dma_start3A_206 = arith.constant 1 : i32
      %dma_start3A_207 = arith.constant 78 : i32
      %dma_start3A_208 = arith.constant 0 : i32
      %dma_start3A_209 = tpu.memref_slice %arg6[%dma_start3A_207, %dma_start3A_208] : memref<79x128xi32, #tpu.memory_space<vmem>> -> memref<1x128xi32, #tpu.memory_space<vmem>>
      %dma_start3A_210 = arith.constant 0 : i32
      %dma_start3A_211 = tpu.memref_slice %arg3[%dma_start3A_206, %add3A_205, %dma_start3A_210] : memref<2x2500x128xi32, #tpu.memory_space<hbm>> -> memref<1x1x128xi32, #tpu.memory_space<hbm>>
      %dma_start3A_212 = tpu.memref_squeeze %dma_start3A_211 : memref<1x1x128xi32, #tpu.memory_space<hbm>> -> memref<1x128xi32, #tpu.memory_space<hbm>>
      %dma_start3A_213 = arith.constant 78 : i32
      %dma_start3A_214 = arith.constant 0 : i32
      %dma_start3A_215 = tpu.memref_slice %arg6[%dma_start3A_213, %dma_start3A_214] : memref<79x128xi32, #tpu.memory_space<vmem>> -> memref<1x128xi32, #tpu.memory_space<vmem>>
      %dma_start3A_216 = arith.constant 0 : i32
      %dma_start3A_217 = tpu.memref_slice %arg3[%dma_start3A_206, %add3A_205, %dma_start3A_216] : memref<2x2500x128xi32, #tpu.memory_space<hbm>> -> memref<1x1x128xi32, #tpu.memory_space<hbm>>
      %dma_start3A_218 = tpu.memref_squeeze %dma_start3A_217 : memref<1x1x128xi32, #tpu.memory_space<hbm>> -> memref<1x128xi32, #tpu.memory_space<hbm>>
      tpu.enqueue_dma source(%dma_start3A_218 : memref<1x128xi32, #tpu.memory_space<hbm>>) target(%dma_start3A_215 : memref<1x128xi32, #tpu.memory_space<vmem>>) target_semaphore(%arg20 : memref<!tpu.dma_semaphore, #tpu.memory_space<semaphore_mem>>)
    } else {
    }
    %mul3A_37 = arith.constant 64 : i32
    %mul3A_38 = arith.muli %arg0, %mul3A_37 : i32
    %mul3A_39 = arith.constant 624 : i32
    %mul3A_40 = arith.muli %arg1, %mul3A_39 : i32
    %mul3A_41 = arith.constant 624 : i32
    %mul3A_42 = arith.muli %arg1, %mul3A_41 : i32
    "tpu.region"() ({
      %run_scoped3A = tpu.sem_alloc : memref<!tpu.dma_semaphore, #tpu.memory_space<semaphore_mem>>
      %dma_start3A_189 = arith.constant 0 : i32
      %dma_start3A_190 = tpu.memref_slice %arg15[%mul3A_42, %dma_start3A_189] : memref<10000x64xf32, #tpu.memory_space<vmem_shared>> -> memref<624x64xf32, #tpu.memory_space<vmem_shared>>
      %dma_start3A_191 = arith.constant 0 : i32
      %dma_start3A_192 = tpu.memref_slice %arg2[%mul3A_40, %dma_start3A_191] : memref<10000x64xf32, #tpu.memory_space<hbm>> -> memref<624x64xf32, #tpu.memory_space<hbm>>
      tpu.enqueue_dma source(%dma_start3A_192 : memref<624x64xf32, #tpu.memory_space<hbm>>) target(%dma_start3A_190 : memref<624x64xf32, #tpu.memory_space<vmem_shared>>) target_semaphore(%run_scoped3A : memref<!tpu.dma_semaphore, #tpu.memory_space<semaphore_mem>>)
      %dma_wait3A_193 = arith.constant 0 : i32
      %dma_wait3A_194 = tpu.memref_slice %arg15[%mul3A_42, %dma_wait3A_193] : memref<10000x64xf32, #tpu.memory_space<vmem_shared>> -> memref<624x64xf32, #tpu.memory_space<vmem_shared>>
      %dma_wait3A_195 = arith.constant 0 : i32
      %dma_wait3A_196 = tpu.memref_slice %arg2[%mul3A_40, %dma_wait3A_195] : memref<10000x64xf32, #tpu.memory_space<hbm>> -> memref<624x64xf32, #tpu.memory_space<hbm>>
      tpu.wait_dma2 semaphore(%run_scoped3A : memref<!tpu.dma_semaphore, #tpu.memory_space<semaphore_mem>>) src(%dma_wait3A_196 : memref<624x64xf32, #tpu.memory_space<hbm>>) dst(%dma_wait3A_194 : memref<624x64xf32, #tpu.memory_space<vmem_shared>>)
      tpu.yield
    }) : () -> ()
    %eq3A = arith.constant 15 : i32
    %eq3A_43 = arith.cmpi eq, %arg1, %eq3A : i32
    %convert_element_type3A_44 = arith.extui %eq3A_43 : i1 to i32
    %cond3A_45 = arith.constant 0 : i32
    %cond3A_46 = arith.cmpi ne, %convert_element_type3A_44, %cond3A_45 : i32
    scf.if %cond3A_46 {
      "tpu.region"() ({
        %run_scoped3A = tpu.sem_alloc : memref<!tpu.dma_semaphore, #tpu.memory_space<semaphore_mem>>
        %dma_start3A_189 = arith.constant 9984 : i32
        %dma_start3A_190 = arith.constant 0 : i32
        %dma_start3A_191 = tpu.memref_slice %arg15[%dma_start3A_189, %dma_start3A_190] : memref<10000x64xf32, #tpu.memory_space<vmem_shared>> -> memref<16x64xf32, #tpu.memory_space<vmem_shared>>
        %dma_start3A_192 = arith.constant 9984 : i32
        %dma_start3A_193 = arith.constant 0 : i32
        %dma_start3A_194 = tpu.memref_slice %arg2[%dma_start3A_192, %dma_start3A_193] : memref<10000x64xf32, #tpu.memory_space<hbm>> -> memref<16x64xf32, #tpu.memory_space<hbm>>
        tpu.enqueue_dma source(%dma_start3A_194 : memref<16x64xf32, #tpu.memory_space<hbm>>) target(%dma_start3A_191 : memref<16x64xf32, #tpu.memory_space<vmem_shared>>) target_semaphore(%run_scoped3A : memref<!tpu.dma_semaphore, #tpu.memory_space<semaphore_mem>>)
        %dma_wait3A_195 = arith.constant 9984 : i32
        %dma_wait3A_196 = arith.constant 0 : i32
        %dma_wait3A_197 = tpu.memref_slice %arg15[%dma_wait3A_195, %dma_wait3A_196] : memref<10000x64xf32, #tpu.memory_space<vmem_shared>> -> memref<16x64xf32, #tpu.memory_space<vmem_shared>>
        %dma_wait3A_198 = arith.constant 9984 : i32
        %dma_wait3A_199 = arith.constant 0 : i32
        %dma_wait3A_200 = tpu.memref_slice %arg2[%dma_wait3A_198, %dma_wait3A_199] : memref<10000x64xf32, #tpu.memory_space<hbm>> -> memref<16x64xf32, #tpu.memory_space<hbm>>
        tpu.wait_dma2 semaphore(%run_scoped3A : memref<!tpu.dma_semaphore, #tpu.memory_space<semaphore_mem>>) src(%dma_wait3A_200 : memref<16x64xf32, #tpu.memory_space<hbm>>) dst(%dma_wait3A_197 : memref<16x64xf32, #tpu.memory_space<vmem_shared>>)
        tpu.yield
      }) : () -> ()
    } else {
    }
    %dma_wait3A = arith.constant 0 : i32
    %dma_wait3A_47 = arith.constant 0 : i32
    %dma_wait3A_48 = arith.constant 0 : i32
    %dma_wait3A_49 = tpu.memref_slice %arg5[%dma_wait3A_47, %dma_wait3A_48] : memref<79x128xi32, #tpu.memory_space<vmem>> -> memref<78x128xi32, #tpu.memory_space<vmem>>
    %dma_wait3A_50 = arith.constant 0 : i32
    %dma_wait3A_51 = arith.constant 0 : i32
    %dma_wait3A_52 = tpu.memref_slice %arg3[%dma_wait3A, %dma_wait3A_50, %dma_wait3A_51] : memref<2x2500x128xi32, #tpu.memory_space<hbm>> -> memref<1x78x128xi32, #tpu.memory_space<hbm>>
    %dma_wait3A_53 = tpu.memref_squeeze %dma_wait3A_52 : memref<1x78x128xi32, #tpu.memory_space<hbm>> -> memref<78x128xi32, #tpu.memory_space<hbm>>
    %dma_wait3A_54 = arith.constant 0 : i32
    %dma_wait3A_55 = arith.constant 0 : i32
    %dma_wait3A_56 = tpu.memref_slice %arg5[%dma_wait3A_54, %dma_wait3A_55] : memref<79x128xi32, #tpu.memory_space<vmem>> -> memref<78x128xi32, #tpu.memory_space<vmem>>
    %dma_wait3A_57 = arith.constant 0 : i32
    %dma_wait3A_58 = arith.constant 0 : i32
    %dma_wait3A_59 = tpu.memref_slice %arg3[%dma_wait3A, %dma_wait3A_57, %dma_wait3A_58] : memref<2x2500x128xi32, #tpu.memory_space<hbm>> -> memref<1x78x128xi32, #tpu.memory_space<hbm>>
    %dma_wait3A_60 = tpu.memref_squeeze %dma_wait3A_59 : memref<1x78x128xi32, #tpu.memory_space<hbm>> -> memref<78x128xi32, #tpu.memory_space<hbm>>
    tpu.wait_dma2 semaphore(%arg20 : memref<!tpu.dma_semaphore, #tpu.memory_space<semaphore_mem>>) src(%dma_wait3A_60 : memref<78x128xi32, #tpu.memory_space<hbm>>) dst(%dma_wait3A_56 : memref<78x128xi32, #tpu.memory_space<vmem>>)
    %dma_wait3A_61 = arith.constant 0 : i32
    %dma_wait3A_62 = arith.constant 0 : i32
    %dma_wait3A_63 = arith.constant 0 : i32
    %dma_wait3A_64 = tpu.memref_slice %arg6[%dma_wait3A_62, %dma_wait3A_63] : memref<79x128xi32, #tpu.memory_space<vmem>> -> memref<78x128xi32, #tpu.memory_space<vmem>>
    %dma_wait3A_65 = arith.constant 0 : i32
    %dma_wait3A_66 = arith.constant 0 : i32
    %dma_wait3A_67 = tpu.memref_slice %arg3[%dma_wait3A_61, %dma_wait3A_65, %dma_wait3A_66] : memref<2x2500x128xi32, #tpu.memory_space<hbm>> -> memref<1x78x128xi32, #tpu.memory_space<hbm>>
    %dma_wait3A_68 = tpu.memref_squeeze %dma_wait3A_67 : memref<1x78x128xi32, #tpu.memory_space<hbm>> -> memref<78x128xi32, #tpu.memory_space<hbm>>
    %dma_wait3A_69 = arith.constant 0 : i32
    %dma_wait3A_70 = arith.constant 0 : i32
    %dma_wait3A_71 = tpu.memref_slice %arg6[%dma_wait3A_69, %dma_wait3A_70] : memref<79x128xi32, #tpu.memory_space<vmem>> -> memref<78x128xi32, #tpu.memory_space<vmem>>
    %dma_wait3A_72 = arith.constant 0 : i32
    %dma_wait3A_73 = arith.constant 0 : i32
    %dma_wait3A_74 = tpu.memref_slice %arg3[%dma_wait3A_61, %dma_wait3A_72, %dma_wait3A_73] : memref<2x2500x128xi32, #tpu.memory_space<hbm>> -> memref<1x78x128xi32, #tpu.memory_space<hbm>>
    %dma_wait3A_75 = tpu.memref_squeeze %dma_wait3A_74 : memref<1x78x128xi32, #tpu.memory_space<hbm>> -> memref<78x128xi32, #tpu.memory_space<hbm>>
    tpu.wait_dma2 semaphore(%arg20 : memref<!tpu.dma_semaphore, #tpu.memory_space<semaphore_mem>>) src(%dma_wait3A_75 : memref<78x128xi32, #tpu.memory_space<hbm>>) dst(%dma_wait3A_71 : memref<78x128xi32, #tpu.memory_space<vmem>>)
    %lt3A_76 = arith.constant 4 : i32
    %lt3A_77 = arith.cmpi slt, %add3A, %lt3A_76 : i32
    %convert_element_type3A_78 = arith.extui %lt3A_77 : i1 to i32
    %cond3A_79 = arith.constant 0 : i32
    %cond3A_80 = arith.cmpi ne, %convert_element_type3A_78, %cond3A_79 : i32
    scf.if %cond3A_80 {
      %dma_wait3A_189 = arith.constant 0 : i32
      %dma_wait3A_190 = arith.constant 0 : i32
      %dma_wait3A_191 = arith.constant 0 : i32
      %dma_wait3A_192 = tpu.memref_slice %arg5[%dma_wait3A_190, %dma_wait3A_191] : memref<79x128xi32, #tpu.memory_space<vmem>> -> memref<1x128xi32, #tpu.memory_space<vmem>>
      %dma_wait3A_193 = arith.constant 0 : i32
      %dma_wait3A_194 = arith.constant 0 : i32
      %dma_wait3A_195 = tpu.memref_slice %arg3[%dma_wait3A_189, %dma_wait3A_193, %dma_wait3A_194] : memref<2x2500x128xi32, #tpu.memory_space<hbm>> -> memref<1x1x128xi32, #tpu.memory_space<hbm>>
      %dma_wait3A_196 = tpu.memref_squeeze %dma_wait3A_195 : memref<1x1x128xi32, #tpu.memory_space<hbm>> -> memref<1x128xi32, #tpu.memory_space<hbm>>
      %dma_wait3A_197 = arith.constant 0 : i32
      %dma_wait3A_198 = arith.constant 0 : i32
      %dma_wait3A_199 = tpu.memref_slice %arg5[%dma_wait3A_197, %dma_wait3A_198] : memref<79x128xi32, #tpu.memory_space<vmem>> -> memref<1x128xi32, #tpu.memory_space<vmem>>
      %dma_wait3A_200 = arith.constant 0 : i32
      %dma_wait3A_201 = arith.constant 0 : i32
      %dma_wait3A_202 = tpu.memref_slice %arg3[%dma_wait3A_189, %dma_wait3A_200, %dma_wait3A_201] : memref<2x2500x128xi32, #tpu.memory_space<hbm>> -> memref<1x1x128xi32, #tpu.memory_space<hbm>>
      %dma_wait3A_203 = tpu.memref_squeeze %dma_wait3A_202 : memref<1x1x128xi32, #tpu.memory_space<hbm>> -> memref<1x128xi32, #tpu.memory_space<hbm>>
      tpu.wait_dma2 semaphore(%arg20 : memref<!tpu.dma_semaphore, #tpu.memory_space<semaphore_mem>>) src(%dma_wait3A_203 : memref<1x128xi32, #tpu.memory_space<hbm>>) dst(%dma_wait3A_199 : memref<1x128xi32, #tpu.memory_space<vmem>>)
      %dma_wait3A_204 = arith.constant 0 : i32
      %dma_wait3A_205 = arith.constant 0 : i32
      %dma_wait3A_206 = arith.constant 0 : i32
      %dma_wait3A_207 = tpu.memref_slice %arg6[%dma_wait3A_205, %dma_wait3A_206] : memref<79x128xi32, #tpu.memory_space<vmem>> -> memref<1x128xi32, #tpu.memory_space<vmem>>
      %dma_wait3A_208 = arith.constant 0 : i32
      %dma_wait3A_209 = arith.constant 0 : i32
      %dma_wait3A_210 = tpu.memref_slice %arg3[%dma_wait3A_204, %dma_wait3A_208, %dma_wait3A_209] : memref<2x2500x128xi32, #tpu.memory_space<hbm>> -> memref<1x1x128xi32, #tpu.memory_space<hbm>>
      %dma_wait3A_211 = tpu.memref_squeeze %dma_wait3A_210 : memref<1x1x128xi32, #tpu.memory_space<hbm>> -> memref<1x128xi32, #tpu.memory_space<hbm>>
      %dma_wait3A_212 = arith.constant 0 : i32
      %dma_wait3A_213 = arith.constant 0 : i32
      %dma_wait3A_214 = tpu.memref_slice %arg6[%dma_wait3A_212, %dma_wait3A_213] : memref<79x128xi32, #tpu.memory_space<vmem>> -> memref<1x128xi32, #tpu.memory_space<vmem>>
      %dma_wait3A_215 = arith.constant 0 : i32
      %dma_wait3A_216 = arith.constant 0 : i32
      %dma_wait3A_217 = tpu.memref_slice %arg3[%dma_wait3A_204, %dma_wait3A_215, %dma_wait3A_216] : memref<2x2500x128xi32, #tpu.memory_space<hbm>> -> memref<1x1x128xi32, #tpu.memory_space<hbm>>
      %dma_wait3A_218 = tpu.memref_squeeze %dma_wait3A_217 : memref<1x1x128xi32, #tpu.memory_space<hbm>> -> memref<1x128xi32, #tpu.memory_space<hbm>>
      tpu.wait_dma2 semaphore(%arg20 : memref<!tpu.dma_semaphore, #tpu.memory_space<semaphore_mem>>) src(%dma_wait3A_218 : memref<1x128xi32, #tpu.memory_space<hbm>>) dst(%dma_wait3A_214 : memref<1x128xi32, #tpu.memory_space<vmem>>)
    } else {
    }
    %dma_start3A_81 = arith.constant 0 : i32
    %dma_start3A_82 = arith.constant 0 : i32
    %dma_start3A_83 = tpu.memref_slice %arg5[%dma_start3A_81, %dma_start3A_82] : memref<79x128xi32, #tpu.memory_space<vmem>> -> memref<1x128xi32, #tpu.memory_space<vmem>>
    %dma_start3A_84 = tpu.memref_squeeze %dma_start3A_83 : memref<1x128xi32, #tpu.memory_space<vmem>> -> memref<128xi32, #tpu.memory_space<vmem>>
    %dma_start3A_85 = arith.constant 0 : i32
    %dma_start3A_86 = arith.constant 0 : i32
    %dma_start3A_87 = tpu.memref_slice %arg2[%dma_start3A_85, %dma_start3A_86] : memref<10000x64xf32, #tpu.memory_space<hbm>> -> memref<10000x64xf32, #tpu.memory_space<hbm>>
    tpu.enqueue_indirect_dma source(%dma_start3A_87 : memref<10000x64xf32, #tpu.memory_space<hbm>>) target(%arg7 : memref<128x64xf32, #tpu.memory_space<vmem>>) offsets(%dma_start3A_84 : memref<128xi32, #tpu.memory_space<vmem>>) semaphore(%arg16 : memref<!tpu.dma_semaphore, #tpu.memory_space<semaphore_mem>>)
    %dma_start3A_88 = arith.constant 1 : i32
    %dma_start3A_89 = arith.constant 0 : i32
    %dma_start3A_90 = tpu.memref_slice %arg5[%dma_start3A_88, %dma_start3A_89] : memref<79x128xi32, #tpu.memory_space<vmem>> -> memref<1x128xi32, #tpu.memory_space<vmem>>
    %dma_start3A_91 = tpu.memref_squeeze %dma_start3A_90 : memref<1x128xi32, #tpu.memory_space<vmem>> -> memref<128xi32, #tpu.memory_space<vmem>>
    %dma_start3A_92 = arith.constant 0 : i32
    %dma_start3A_93 = arith.constant 0 : i32
    %dma_start3A_94 = tpu.memref_slice %arg2[%dma_start3A_92, %dma_start3A_93] : memref<10000x64xf32, #tpu.memory_space<hbm>> -> memref<10000x64xf32, #tpu.memory_space<hbm>>
    tpu.enqueue_indirect_dma source(%dma_start3A_94 : memref<10000x64xf32, #tpu.memory_space<hbm>>) target(%arg8 : memref<128x64xf32, #tpu.memory_space<vmem>>) offsets(%dma_start3A_91 : memref<128xi32, #tpu.memory_space<vmem>>) semaphore(%arg16 : memref<!tpu.dma_semaphore, #tpu.memory_space<semaphore_mem>>)
    %dma_start3A_95 = arith.constant 2 : i32
    %dma_start3A_96 = arith.constant 0 : i32
    %dma_start3A_97 = tpu.memref_slice %arg5[%dma_start3A_95, %dma_start3A_96] : memref<79x128xi32, #tpu.memory_space<vmem>> -> memref<1x128xi32, #tpu.memory_space<vmem>>
    %dma_start3A_98 = tpu.memref_squeeze %dma_start3A_97 : memref<1x128xi32, #tpu.memory_space<vmem>> -> memref<128xi32, #tpu.memory_space<vmem>>
    %dma_start3A_99 = arith.constant 0 : i32
    %dma_start3A_100 = arith.constant 0 : i32
    %dma_start3A_101 = tpu.memref_slice %arg2[%dma_start3A_99, %dma_start3A_100] : memref<10000x64xf32, #tpu.memory_space<hbm>> -> memref<10000x64xf32, #tpu.memory_space<hbm>>
    tpu.enqueue_indirect_dma source(%dma_start3A_101 : memref<10000x64xf32, #tpu.memory_space<hbm>>) target(%arg9 : memref<128x64xf32, #tpu.memory_space<vmem>>) offsets(%dma_start3A_98 : memref<128xi32, #tpu.memory_space<vmem>>) semaphore(%arg16 : memref<!tpu.dma_semaphore, #tpu.memory_space<semaphore_mem>>)
    %dma_start3A_102 = arith.constant 3 : i32
    %dma_start3A_103 = arith.constant 0 : i32
    %dma_start3A_104 = tpu.memref_slice %arg5[%dma_start3A_102, %dma_start3A_103] : memref<79x128xi32, #tpu.memory_space<vmem>> -> memref<1x128xi32, #tpu.memory_space<vmem>>
    %dma_start3A_105 = tpu.memref_squeeze %dma_start3A_104 : memref<1x128xi32, #tpu.memory_space<vmem>> -> memref<128xi32, #tpu.memory_space<vmem>>
    %dma_start3A_106 = arith.constant 0 : i32
    %dma_start3A_107 = arith.constant 0 : i32
    %dma_start3A_108 = tpu.memref_slice %arg2[%dma_start3A_106, %dma_start3A_107] : memref<10000x64xf32, #tpu.memory_space<hbm>> -> memref<10000x64xf32, #tpu.memory_space<hbm>>
    tpu.enqueue_indirect_dma source(%dma_start3A_108 : memref<10000x64xf32, #tpu.memory_space<hbm>>) target(%arg10 : memref<128x64xf32, #tpu.memory_space<vmem>>) offsets(%dma_start3A_105 : memref<128xi32, #tpu.memory_space<vmem>>) semaphore(%arg16 : memref<!tpu.dma_semaphore, #tpu.memory_space<semaphore_mem>>)
    %barrier3A = arith.constant 0 : index
    tpu.barrier barrier_id(%barrier3A)
    %scan3A = arith.constant 0 : i32
    %scan3A_109 = arith.constant 0 : i32
    %scan3A_110 = arith.constant 9 : i32
    %scan3A_111 = arith.addi %scan3A_109, %scan3A_110 : i32
    %scan3A_112 = arith.constant 1 : i32
    scf.for %scan3A_189 = %scan3A_109 to %scan3A_111 step %scan3A_112  : i32 {
      %gt3A = arith.constant 0 : i32
      %gt3A_190 = arith.cmpi sgt, %scan3A_189, %gt3A : i32
      %convert_element_type3A_191 = arith.extui %gt3A_190 : i1 to i32
      %cond3A_192 = arith.constant 0 : i32
      %cond3A_193 = arith.cmpi ne, %convert_element_type3A_191, %cond3A_192 : i32
      scf.if %cond3A_193 {
        %dma_wait3A_391 = arith.constant 0 : i32
        %dma_wait3A_392 = arith.constant 0 : i32
        %dma_wait3A_393 = tpu.memref_slice %arg6[%dma_wait3A_391, %dma_wait3A_392] : memref<79x128xi32, #tpu.memory_space<vmem>> -> memref<1x128xi32, #tpu.memory_space<vmem>>
        %dma_wait3A_394 = tpu.memref_squeeze %dma_wait3A_393 : memref<1x128xi32, #tpu.memory_space<vmem>> -> memref<128xi32, #tpu.memory_space<vmem>>
        %dma_wait3A_395 = arith.constant 0 : i32
        %dma_wait3A_396 = arith.constant 0 : i32
        %dma_wait3A_397 = tpu.memref_slice %arg15[%dma_wait3A_395, %dma_wait3A_396] : memref<10000x64xf32, #tpu.memory_space<vmem_shared>> -> memref<10000x64xf32, #tpu.memory_space<vmem_shared>>
        tpu.wait_indirect_dma semaphore(%arg19 : memref<!tpu.dma_semaphore, #tpu.memory_space<semaphore_mem>>) src(%arg11 : memref<128x64xf32, #tpu.memory_space<vmem>>) dst(%dma_wait3A_397 : memref<10000x64xf32, #tpu.memory_space<vmem_shared>>)
        %dma_wait3A_398 = arith.constant 0 : i32
        %dma_wait3A_399 = arith.constant 0 : i32
        %dma_wait3A_400 = tpu.memref_slice %arg6[%dma_wait3A_398, %dma_wait3A_399] : memref<79x128xi32, #tpu.memory_space<vmem>> -> memref<1x128xi32, #tpu.memory_space<vmem>>
        %dma_wait3A_401 = tpu.memref_squeeze %dma_wait3A_400 : memref<1x128xi32, #tpu.memory_space<vmem>> -> memref<128xi32, #tpu.memory_space<vmem>>
        %dma_wait3A_402 = arith.constant 0 : i32
        %dma_wait3A_403 = arith.constant 0 : i32
        %dma_wait3A_404 = tpu.memref_slice %arg15[%dma_wait3A_402, %dma_wait3A_403] : memref<10000x64xf32, #tpu.memory_space<vmem_shared>> -> memref<10000x64xf32, #tpu.memory_space<vmem_shared>>
        tpu.wait_indirect_dma semaphore(%arg19 : memref<!tpu.dma_semaphore, #tpu.memory_space<semaphore_mem>>) src(%arg12 : memref<128x64xf32, #tpu.memory_space<vmem>>) dst(%dma_wait3A_404 : memref<10000x64xf32, #tpu.memory_space<vmem_shared>>)
        %dma_wait3A_405 = arith.constant 0 : i32
        %dma_wait3A_406 = arith.constant 0 : i32
        %dma_wait3A_407 = tpu.memref_slice %arg6[%dma_wait3A_405, %dma_wait3A_406] : memref<79x128xi32, #tpu.memory_space<vmem>> -> memref<1x128xi32, #tpu.memory_space<vmem>>
        %dma_wait3A_408 = tpu.memref_squeeze %dma_wait3A_407 : memref<1x128xi32, #tpu.memory_space<vmem>> -> memref<128xi32, #tpu.memory_space<vmem>>
        %dma_wait3A_409 = arith.constant 0 : i32
        %dma_wait3A_410 = arith.constant 0 : i32
        %dma_wait3A_411 = tpu.memref_slice %arg15[%dma_wait3A_409, %dma_wait3A_410] : memref<10000x64xf32, #tpu.memory_space<vmem_shared>> -> memref<10000x64xf32, #tpu.memory_space<vmem_shared>>
        tpu.wait_indirect_dma semaphore(%arg19 : memref<!tpu.dma_semaphore, #tpu.memory_space<semaphore_mem>>) src(%arg13 : memref<128x64xf32, #tpu.memory_space<vmem>>) dst(%dma_wait3A_411 : memref<10000x64xf32, #tpu.memory_space<vmem_shared>>)
        %dma_wait3A_412 = arith.constant 0 : i32
        %dma_wait3A_413 = arith.constant 0 : i32
        %dma_wait3A_414 = tpu.memref_slice %arg6[%dma_wait3A_412, %dma_wait3A_413] : memref<79x128xi32, #tpu.memory_space<vmem>> -> memref<1x128xi32, #tpu.memory_space<vmem>>
        %dma_wait3A_415 = tpu.memref_squeeze %dma_wait3A_414 : memref<1x128xi32, #tpu.memory_space<vmem>> -> memref<128xi32, #tpu.memory_space<vmem>>
        %dma_wait3A_416 = arith.constant 0 : i32
        %dma_wait3A_417 = arith.constant 0 : i32
        %dma_wait3A_418 = tpu.memref_slice %arg15[%dma_wait3A_416, %dma_wait3A_417] : memref<10000x64xf32, #tpu.memory_space<vmem_shared>> -> memref<10000x64xf32, #tpu.memory_space<vmem_shared>>
        tpu.wait_indirect_dma semaphore(%arg19 : memref<!tpu.dma_semaphore, #tpu.memory_space<semaphore_mem>>) src(%arg14 : memref<128x64xf32, #tpu.memory_space<vmem>>) dst(%dma_wait3A_418 : memref<10000x64xf32, #tpu.memory_space<vmem_shared>>)
      } else {
      }
      %mul3A_194 = arith.constant 8 : i32
      %mul3A_195 = arith.muli %mul3A_194, %scan3A_189 : i32
      %add3A_196 = arith.constant 4 : i32
      %add3A_197 = arith.addi %mul3A_195, %add3A_196 : i32
      %add3A_198 = arith.constant 0 : i32
      %add3A_199 = arith.addi %add3A_197, %add3A_198 : i32
      %dma_start3A_200 = arith.constant 0 : i32
      %dma_start3A_201 = tpu.memref_slice %arg5[%add3A_199, %dma_start3A_200] : memref<79x128xi32, #tpu.memory_space<vmem>> -> memref<1x128xi32, #tpu.memory_space<vmem>>
      %dma_start3A_202 = tpu.memref_squeeze %dma_start3A_201 : memref<1x128xi32, #tpu.memory_space<vmem>> -> memref<128xi32, #tpu.memory_space<vmem>>
      %dma_start3A_203 = arith.constant 0 : i32
      %dma_start3A_204 = arith.constant 0 : i32
      %dma_start3A_205 = tpu.memref_slice %arg2[%dma_start3A_203, %dma_start3A_204] : memref<10000x64xf32, #tpu.memory_space<hbm>> -> memref<10000x64xf32, #tpu.memory_space<hbm>>
      tpu.enqueue_indirect_dma source(%dma_start3A_205 : memref<10000x64xf32, #tpu.memory_space<hbm>>) target(%arg11 : memref<128x64xf32, #tpu.memory_space<vmem>>) offsets(%dma_start3A_202 : memref<128xi32, #tpu.memory_space<vmem>>) semaphore(%arg18 : memref<!tpu.dma_semaphore, #tpu.memory_space<semaphore_mem>>)
      %mul3A_206 = arith.constant 8 : i32
      %mul3A_207 = arith.muli %mul3A_206, %scan3A_189 : i32
      %add3A_208 = arith.constant 4 : i32
      %add3A_209 = arith.addi %mul3A_207, %add3A_208 : i32
      %add3A_210 = arith.constant 1 : i32
      %add3A_211 = arith.addi %add3A_209, %add3A_210 : i32
      %dma_start3A_212 = arith.constant 0 : i32
      %dma_start3A_213 = tpu.memref_slice %arg5[%add3A_211, %dma_start3A_212] : memref<79x128xi32, #tpu.memory_space<vmem>> -> memref<1x128xi32, #tpu.memory_space<vmem>>
      %dma_start3A_214 = tpu.memref_squeeze %dma_start3A_213 : memref<1x128xi32, #tpu.memory_space<vmem>> -> memref<128xi32, #tpu.memory_space<vmem>>
      %dma_start3A_215 = arith.constant 0 : i32
      %dma_start3A_216 = arith.constant 0 : i32
      %dma_start3A_217 = tpu.memref_slice %arg2[%dma_start3A_215, %dma_start3A_216] : memref<10000x64xf32, #tpu.memory_space<hbm>> -> memref<10000x64xf32, #tpu.memory_space<hbm>>
      tpu.enqueue_indirect_dma source(%dma_start3A_217 : memref<10000x64xf32, #tpu.memory_space<hbm>>) target(%arg12 : memref<128x64xf32, #tpu.memory_space<vmem>>) offsets(%dma_start3A_214 : memref<128xi32, #tpu.memory_space<vmem>>) semaphore(%arg18 : memref<!tpu.dma_semaphore, #tpu.memory_space<semaphore_mem>>)
      %mul3A_218 = arith.constant 8 : i32
      %mul3A_219 = arith.muli %mul3A_218, %scan3A_189 : i32
      %add3A_220 = arith.constant 4 : i32
      %add3A_221 = arith.addi %mul3A_219, %add3A_220 : i32
      %add3A_222 = arith.constant 2 : i32
      %add3A_223 = arith.addi %add3A_221, %add3A_222 : i32
      %dma_start3A_224 = arith.constant 0 : i32
      %dma_start3A_225 = tpu.memref_slice %arg5[%add3A_223, %dma_start3A_224] : memref<79x128xi32, #tpu.memory_space<vmem>> -> memref<1x128xi32, #tpu.memory_space<vmem>>
      %dma_start3A_226 = tpu.memref_squeeze %dma_start3A_225 : memref<1x128xi32, #tpu.memory_space<vmem>> -> memref<128xi32, #tpu.memory_space<vmem>>
      %dma_start3A_227 = arith.constant 0 : i32
      %dma_start3A_228 = arith.constant 0 : i32
      %dma_start3A_229 = tpu.memref_slice %arg2[%dma_start3A_227, %dma_start3A_228] : memref<10000x64xf32, #tpu.memory_space<hbm>> -> memref<10000x64xf32, #tpu.memory_space<hbm>>
      tpu.enqueue_indirect_dma source(%dma_start3A_229 : memref<10000x64xf32, #tpu.memory_space<hbm>>) target(%arg13 : memref<128x64xf32, #tpu.memory_space<vmem>>) offsets(%dma_start3A_226 : memref<128xi32, #tpu.memory_space<vmem>>) semaphore(%arg18 : memref<!tpu.dma_semaphore, #tpu.memory_space<semaphore_mem>>)
      %mul3A_230 = arith.constant 8 : i32
      %mul3A_231 = arith.muli %mul3A_230, %scan3A_189 : i32
      %add3A_232 = arith.constant 4 : i32
      %add3A_233 = arith.addi %mul3A_231, %add3A_232 : i32
      %add3A_234 = arith.constant 3 : i32
      %add3A_235 = arith.addi %add3A_233, %add3A_234 : i32
      %dma_start3A_236 = arith.constant 0 : i32
      %dma_start3A_237 = tpu.memref_slice %arg5[%add3A_235, %dma_start3A_236] : memref<79x128xi32, #tpu.memory_space<vmem>> -> memref<1x128xi32, #tpu.memory_space<vmem>>
      %dma_start3A_238 = tpu.memref_squeeze %dma_start3A_237 : memref<1x128xi32, #tpu.memory_space<vmem>> -> memref<128xi32, #tpu.memory_space<vmem>>
      %dma_start3A_239 = arith.constant 0 : i32
      %dma_start3A_240 = arith.constant 0 : i32
      %dma_start3A_241 = tpu.memref_slice %arg2[%dma_start3A_239, %dma_start3A_240] : memref<10000x64xf32, #tpu.memory_space<hbm>> -> memref<10000x64xf32, #tpu.memory_space<hbm>>
      tpu.enqueue_indirect_dma source(%dma_start3A_241 : memref<10000x64xf32, #tpu.memory_space<hbm>>) target(%arg14 : memref<128x64xf32, #tpu.memory_space<vmem>>) offsets(%dma_start3A_238 : memref<128xi32, #tpu.memory_space<vmem>>) semaphore(%arg18 : memref<!tpu.dma_semaphore, #tpu.memory_space<semaphore_mem>>)
      %dma_wait3A_242 = arith.constant 0 : i32
      %dma_wait3A_243 = arith.constant 0 : i32
      %dma_wait3A_244 = tpu.memref_slice %arg5[%dma_wait3A_242, %dma_wait3A_243] : memref<79x128xi32, #tpu.memory_space<vmem>> -> memref<1x128xi32, #tpu.memory_space<vmem>>
      %dma_wait3A_245 = tpu.memref_squeeze %dma_wait3A_244 : memref<1x128xi32, #tpu.memory_space<vmem>> -> memref<128xi32, #tpu.memory_space<vmem>>
      %dma_wait3A_246 = arith.constant 0 : i32
      %dma_wait3A_247 = arith.constant 0 : i32
      %dma_wait3A_248 = tpu.memref_slice %arg2[%dma_wait3A_246, %dma_wait3A_247] : memref<10000x64xf32, #tpu.memory_space<hbm>> -> memref<10000x64xf32, #tpu.memory_space<hbm>>
      tpu.wait_indirect_dma semaphore(%arg16 : memref<!tpu.dma_semaphore, #tpu.memory_space<semaphore_mem>>) src(%dma_wait3A_248 : memref<10000x64xf32, #tpu.memory_space<hbm>>) dst(%arg7 : memref<128x64xf32, #tpu.memory_space<vmem>>)
      %dma_wait3A_249 = arith.constant 0 : i32
      %dma_wait3A_250 = arith.constant 0 : i32
      %dma_wait3A_251 = tpu.memref_slice %arg5[%dma_wait3A_249, %dma_wait3A_250] : memref<79x128xi32, #tpu.memory_space<vmem>> -> memref<1x128xi32, #tpu.memory_space<vmem>>
      %dma_wait3A_252 = tpu.memref_squeeze %dma_wait3A_251 : memref<1x128xi32, #tpu.memory_space<vmem>> -> memref<128xi32, #tpu.memory_space<vmem>>
      %dma_wait3A_253 = arith.constant 0 : i32
      %dma_wait3A_254 = arith.constant 0 : i32
      %dma_wait3A_255 = tpu.memref_slice %arg2[%dma_wait3A_253, %dma_wait3A_254] : memref<10000x64xf32, #tpu.memory_space<hbm>> -> memref<10000x64xf32, #tpu.memory_space<hbm>>
      tpu.wait_indirect_dma semaphore(%arg16 : memref<!tpu.dma_semaphore, #tpu.memory_space<semaphore_mem>>) src(%dma_wait3A_255 : memref<10000x64xf32, #tpu.memory_space<hbm>>) dst(%arg8 : memref<128x64xf32, #tpu.memory_space<vmem>>)
      %dma_wait3A_256 = arith.constant 0 : i32
      %dma_wait3A_257 = arith.constant 0 : i32
      %dma_wait3A_258 = tpu.memref_slice %arg5[%dma_wait3A_256, %dma_wait3A_257] : memref<79x128xi32, #tpu.memory_space<vmem>> -> memref<1x128xi32, #tpu.memory_space<vmem>>
      %dma_wait3A_259 = tpu.memref_squeeze %dma_wait3A_258 : memref<1x128xi32, #tpu.memory_space<vmem>> -> memref<128xi32, #tpu.memory_space<vmem>>
      %dma_wait3A_260 = arith.constant 0 : i32
      %dma_wait3A_261 = arith.constant 0 : i32
      %dma_wait3A_262 = tpu.memref_slice %arg2[%dma_wait3A_260, %dma_wait3A_261] : memref<10000x64xf32, #tpu.memory_space<hbm>> -> memref<10000x64xf32, #tpu.memory_space<hbm>>
      tpu.wait_indirect_dma semaphore(%arg16 : memref<!tpu.dma_semaphore, #tpu.memory_space<semaphore_mem>>) src(%dma_wait3A_262 : memref<10000x64xf32, #tpu.memory_space<hbm>>) dst(%arg9 : memref<128x64xf32, #tpu.memory_space<vmem>>)
      %dma_wait3A_263 = arith.constant 0 : i32
      %dma_wait3A_264 = arith.constant 0 : i32
      %dma_wait3A_265 = tpu.memref_slice %arg5[%dma_wait3A_263, %dma_wait3A_264] : memref<79x128xi32, #tpu.memory_space<vmem>> -> memref<1x128xi32, #tpu.memory_space<vmem>>
      %dma_wait3A_266 = tpu.memref_squeeze %dma_wait3A_265 : memref<1x128xi32, #tpu.memory_space<vmem>> -> memref<128xi32, #tpu.memory_space<vmem>>
      %dma_wait3A_267 = arith.constant 0 : i32
      %dma_wait3A_268 = arith.constant 0 : i32
      %dma_wait3A_269 = tpu.memref_slice %arg2[%dma_wait3A_267, %dma_wait3A_268] : memref<10000x64xf32, #tpu.memory_space<hbm>> -> memref<10000x64xf32, #tpu.memory_space<hbm>>
      tpu.wait_indirect_dma semaphore(%arg16 : memref<!tpu.dma_semaphore, #tpu.memory_space<semaphore_mem>>) src(%dma_wait3A_269 : memref<10000x64xf32, #tpu.memory_space<hbm>>) dst(%arg10 : memref<128x64xf32, #tpu.memory_space<vmem>>)
      %mul3A_270 = arith.constant 8 : i32
      %mul3A_271 = arith.muli %mul3A_270, %scan3A_189 : i32
      %add3A_272 = arith.constant 0 : i32
      %add3A_273 = arith.addi %mul3A_271, %add3A_272 : i32
      %dma_start3A_274 = arith.constant 0 : i32
      %dma_start3A_275 = tpu.memref_slice %arg6[%add3A_273, %dma_start3A_274] : memref<79x128xi32, #tpu.memory_space<vmem>> -> memref<1x128xi32, #tpu.memory_space<vmem>>
      %dma_start3A_276 = tpu.memref_squeeze %dma_start3A_275 : memref<1x128xi32, #tpu.memory_space<vmem>> -> memref<128xi32, #tpu.memory_space<vmem>>
      %dma_start3A_277 = arith.constant 0 : i32
      %dma_start3A_278 = arith.constant 0 : i32
      %dma_start3A_279 = tpu.memref_slice %arg15[%dma_start3A_277, %dma_start3A_278] : memref<10000x64xf32, #tpu.memory_space<vmem_shared>> -> memref<10000x64xf32, #tpu.memory_space<vmem_shared>>
      tpu.enqueue_indirect_dma source(%arg7 : memref<128x64xf32, #tpu.memory_space<vmem>>) target(%dma_start3A_279 : memref<10000x64xf32, #tpu.memory_space<vmem_shared>>) offsets(%dma_start3A_276 : memref<128xi32, #tpu.memory_space<vmem>>) semaphore(%arg17 : memref<!tpu.dma_semaphore, #tpu.memory_space<semaphore_mem>>) {add = true}
      %mul3A_280 = arith.constant 8 : i32
      %mul3A_281 = arith.muli %mul3A_280, %scan3A_189 : i32
      %add3A_282 = arith.constant 1 : i32
      %add3A_283 = arith.addi %mul3A_281, %add3A_282 : i32
      %dma_start3A_284 = arith.constant 0 : i32
      %dma_start3A_285 = tpu.memref_slice %arg6[%add3A_283, %dma_start3A_284] : memref<79x128xi32, #tpu.memory_space<vmem>> -> memref<1x128xi32, #tpu.memory_space<vmem>>
      %dma_start3A_286 = tpu.memref_squeeze %dma_start3A_285 : memref<1x128xi32, #tpu.memory_space<vmem>> -> memref<128xi32, #tpu.memory_space<vmem>>
      %dma_start3A_287 = arith.constant 0 : i32
      %dma_start3A_288 = arith.constant 0 : i32
      %dma_start3A_289 = tpu.memref_slice %arg15[%dma_start3A_287, %dma_start3A_288] : memref<10000x64xf32, #tpu.memory_space<vmem_shared>> -> memref<10000x64xf32, #tpu.memory_space<vmem_shared>>
      tpu.enqueue_indirect_dma source(%arg8 : memref<128x64xf32, #tpu.memory_space<vmem>>) target(%dma_start3A_289 : memref<10000x64xf32, #tpu.memory_space<vmem_shared>>) offsets(%dma_start3A_286 : memref<128xi32, #tpu.memory_space<vmem>>) semaphore(%arg17 : memref<!tpu.dma_semaphore, #tpu.memory_space<semaphore_mem>>) {add = true}
      %mul3A_290 = arith.constant 8 : i32
      %mul3A_291 = arith.muli %mul3A_290, %scan3A_189 : i32
      %add3A_292 = arith.constant 2 : i32
      %add3A_293 = arith.addi %mul3A_291, %add3A_292 : i32
      %dma_start3A_294 = arith.constant 0 : i32
      %dma_start3A_295 = tpu.memref_slice %arg6[%add3A_293, %dma_start3A_294] : memref<79x128xi32, #tpu.memory_space<vmem>> -> memref<1x128xi32, #tpu.memory_space<vmem>>
      %dma_start3A_296 = tpu.memref_squeeze %dma_start3A_295 : memref<1x128xi32, #tpu.memory_space<vmem>> -> memref<128xi32, #tpu.memory_space<vmem>>
      %dma_start3A_297 = arith.constant 0 : i32
      %dma_start3A_298 = arith.constant 0 : i32
      %dma_start3A_299 = tpu.memref_slice %arg15[%dma_start3A_297, %dma_start3A_298] : memref<10000x64xf32, #tpu.memory_space<vmem_shared>> -> memref<10000x64xf32, #tpu.memory_space<vmem_shared>>
      tpu.enqueue_indirect_dma source(%arg9 : memref<128x64xf32, #tpu.memory_space<vmem>>) target(%dma_start3A_299 : memref<10000x64xf32, #tpu.memory_space<vmem_shared>>) offsets(%dma_start3A_296 : memref<128xi32, #tpu.memory_space<vmem>>) semaphore(%arg17 : memref<!tpu.dma_semaphore, #tpu.memory_space<semaphore_mem>>) {add = true}
      %mul3A_300 = arith.constant 8 : i32
      %mul3A_301 = arith.muli %mul3A_300, %scan3A_189 : i32
      %add3A_302 = arith.constant 3 : i32
      %add3A_303 = arith.addi %mul3A_301, %add3A_302 : i32
      %dma_start3A_304 = arith.constant 0 : i32
      %dma_start3A_305 = tpu.memref_slice %arg6[%add3A_303, %dma_start3A_304] : memref<79x128xi32, #tpu.memory_space<vmem>> -> memref<1x128xi32, #tpu.memory_space<vmem>>
      %dma_start3A_306 = tpu.memref_squeeze %dma_start3A_305 : memref<1x128xi32, #tpu.memory_space<vmem>> -> memref<128xi32, #tpu.memory_space<vmem>>
      %dma_start3A_307 = arith.constant 0 : i32
      %dma_start3A_308 = arith.constant 0 : i32
      %dma_start3A_309 = tpu.memref_slice %arg15[%dma_start3A_307, %dma_start3A_308] : memref<10000x64xf32, #tpu.memory_space<vmem_shared>> -> memref<10000x64xf32, #tpu.memory_space<vmem_shared>>
      tpu.enqueue_indirect_dma source(%arg10 : memref<128x64xf32, #tpu.memory_space<vmem>>) target(%dma_start3A_309 : memref<10000x64xf32, #tpu.memory_space<vmem_shared>>) offsets(%dma_start3A_306 : memref<128xi32, #tpu.memory_space<vmem>>) semaphore(%arg17 : memref<!tpu.dma_semaphore, #tpu.memory_space<semaphore_mem>>) {add = true}
      %lt3A_310 = arith.constant 8 : i32
      %lt3A_311 = arith.cmpi slt, %scan3A_189, %lt3A_310 : i32
      %convert_element_type3A_312 = arith.extui %lt3A_311 : i1 to i32
      %cond3A_313 = arith.constant 0 : i32
      %cond3A_314 = arith.cmpi ne, %convert_element_type3A_312, %cond3A_313 : i32
      scf.if %cond3A_314 {
        %dma_wait3A_391 = arith.constant 0 : i32
        %dma_wait3A_392 = arith.constant 0 : i32
        %dma_wait3A_393 = tpu.memref_slice %arg6[%dma_wait3A_391, %dma_wait3A_392] : memref<79x128xi32, #tpu.memory_space<vmem>> -> memref<1x128xi32, #tpu.memory_space<vmem>>
        %dma_wait3A_394 = tpu.memref_squeeze %dma_wait3A_393 : memref<1x128xi32, #tpu.memory_space<vmem>> -> memref<128xi32, #tpu.memory_space<vmem>>
        %dma_wait3A_395 = arith.constant 0 : i32
        %dma_wait3A_396 = arith.constant 0 : i32
        %dma_wait3A_397 = tpu.memref_slice %arg15[%dma_wait3A_395, %dma_wait3A_396] : memref<10000x64xf32, #tpu.memory_space<vmem_shared>> -> memref<10000x64xf32, #tpu.memory_space<vmem_shared>>
        tpu.wait_indirect_dma semaphore(%arg17 : memref<!tpu.dma_semaphore, #tpu.memory_space<semaphore_mem>>) src(%arg7 : memref<128x64xf32, #tpu.memory_space<vmem>>) dst(%dma_wait3A_397 : memref<10000x64xf32, #tpu.memory_space<vmem_shared>>)
        %dma_wait3A_398 = arith.constant 0 : i32
        %dma_wait3A_399 = arith.constant 0 : i32
        %dma_wait3A_400 = tpu.memref_slice %arg6[%dma_wait3A_398, %dma_wait3A_399] : memref<79x128xi32, #tpu.memory_space<vmem>> -> memref<1x128xi32, #tpu.memory_space<vmem>>
        %dma_wait3A_401 = tpu.memref_squeeze %dma_wait3A_400 : memref<1x128xi32, #tpu.memory_space<vmem>> -> memref<128xi32, #tpu.memory_space<vmem>>
        %dma_wait3A_402 = arith.constant 0 : i32
        %dma_wait3A_403 = arith.constant 0 : i32
        %dma_wait3A_404 = tpu.memref_slice %arg15[%dma_wait3A_402, %dma_wait3A_403] : memref<10000x64xf32, #tpu.memory_space<vmem_shared>> -> memref<10000x64xf32, #tpu.memory_space<vmem_shared>>
        tpu.wait_indirect_dma semaphore(%arg17 : memref<!tpu.dma_semaphore, #tpu.memory_space<semaphore_mem>>) src(%arg8 : memref<128x64xf32, #tpu.memory_space<vmem>>) dst(%dma_wait3A_404 : memref<10000x64xf32, #tpu.memory_space<vmem_shared>>)
        %dma_wait3A_405 = arith.constant 0 : i32
        %dma_wait3A_406 = arith.constant 0 : i32
        %dma_wait3A_407 = tpu.memref_slice %arg6[%dma_wait3A_405, %dma_wait3A_406] : memref<79x128xi32, #tpu.memory_space<vmem>> -> memref<1x128xi32, #tpu.memory_space<vmem>>
        %dma_wait3A_408 = tpu.memref_squeeze %dma_wait3A_407 : memref<1x128xi32, #tpu.memory_space<vmem>> -> memref<128xi32, #tpu.memory_space<vmem>>
        %dma_wait3A_409 = arith.constant 0 : i32
        %dma_wait3A_410 = arith.constant 0 : i32
        %dma_wait3A_411 = tpu.memref_slice %arg15[%dma_wait3A_409, %dma_wait3A_410] : memref<10000x64xf32, #tpu.memory_space<vmem_shared>> -> memref<10000x64xf32, #tpu.memory_space<vmem_shared>>
        tpu.wait_indirect_dma semaphore(%arg17 : memref<!tpu.dma_semaphore, #tpu.memory_space<semaphore_mem>>) src(%arg9 : memref<128x64xf32, #tpu.memory_space<vmem>>) dst(%dma_wait3A_411 : memref<10000x64xf32, #tpu.memory_space<vmem_shared>>)
        %dma_wait3A_412 = arith.constant 0 : i32
        %dma_wait3A_413 = arith.constant 0 : i32
        %dma_wait3A_414 = tpu.memref_slice %arg6[%dma_wait3A_412, %dma_wait3A_413] : memref<79x128xi32, #tpu.memory_space<vmem>> -> memref<1x128xi32, #tpu.memory_space<vmem>>
        %dma_wait3A_415 = tpu.memref_squeeze %dma_wait3A_414 : memref<1x128xi32, #tpu.memory_space<vmem>> -> memref<128xi32, #tpu.memory_space<vmem>>
        %dma_wait3A_416 = arith.constant 0 : i32
        %dma_wait3A_417 = arith.constant 0 : i32
        %dma_wait3A_418 = tpu.memref_slice %arg15[%dma_wait3A_416, %dma_wait3A_417] : memref<10000x64xf32, #tpu.memory_space<vmem_shared>> -> memref<10000x64xf32, #tpu.memory_space<vmem_shared>>
        tpu.wait_indirect_dma semaphore(%arg17 : memref<!tpu.dma_semaphore, #tpu.memory_space<semaphore_mem>>) src(%arg10 : memref<128x64xf32, #tpu.memory_space<vmem>>) dst(%dma_wait3A_418 : memref<10000x64xf32, #tpu.memory_space<vmem_shared>>)
        %add3A_419 = arith.constant 1 : i32
        %add3A_420 = arith.addi %scan3A_189, %add3A_419 : i32
        %mul3A_421 = arith.constant 8 : i32
        %mul3A_422 = arith.muli %mul3A_421, %add3A_420 : i32
        %add3A_423 = arith.constant 0 : i32
        %add3A_424 = arith.addi %mul3A_422, %add3A_423 : i32
        %dma_start3A_425 = arith.constant 0 : i32
        %dma_start3A_426 = tpu.memref_slice %arg5[%add3A_424, %dma_start3A_425] : memref<79x128xi32, #tpu.memory_space<vmem>> -> memref<1x128xi32, #tpu.memory_space<vmem>>
        %dma_start3A_427 = tpu.memref_squeeze %dma_start3A_426 : memref<1x128xi32, #tpu.memory_space<vmem>> -> memref<128xi32, #tpu.memory_space<vmem>>
        %dma_start3A_428 = arith.constant 0 : i32
        %dma_start3A_429 = arith.constant 0 : i32
        %dma_start3A_430 = tpu.memref_slice %arg2[%dma_start3A_428, %dma_start3A_429] : memref<10000x64xf32, #tpu.memory_space<hbm>> -> memref<10000x64xf32, #tpu.memory_space<hbm>>
        tpu.enqueue_indirect_dma source(%dma_start3A_430 : memref<10000x64xf32, #tpu.memory_space<hbm>>) target(%arg7 : memref<128x64xf32, #tpu.memory_space<vmem>>) offsets(%dma_start3A_427 : memref<128xi32, #tpu.memory_space<vmem>>) semaphore(%arg16 : memref<!tpu.dma_semaphore, #tpu.memory_space<semaphore_mem>>)
        %add3A_431 = arith.constant 1 : i32
        %add3A_432 = arith.addi %scan3A_189, %add3A_431 : i32
        %mul3A_433 = arith.constant 8 : i32
        %mul3A_434 = arith.muli %mul3A_433, %add3A_432 : i32
        %add3A_435 = arith.constant 1 : i32
        %add3A_436 = arith.addi %mul3A_434, %add3A_435 : i32
        %dma_start3A_437 = arith.constant 0 : i32
        %dma_start3A_438 = tpu.memref_slice %arg5[%add3A_436, %dma_start3A_437] : memref<79x128xi32, #tpu.memory_space<vmem>> -> memref<1x128xi32, #tpu.memory_space<vmem>>
        %dma_start3A_439 = tpu.memref_squeeze %dma_start3A_438 : memref<1x128xi32, #tpu.memory_space<vmem>> -> memref<128xi32, #tpu.memory_space<vmem>>
        %dma_start3A_440 = arith.constant 0 : i32
        %dma_start3A_441 = arith.constant 0 : i32
        %dma_start3A_442 = tpu.memref_slice %arg2[%dma_start3A_440, %dma_start3A_441] : memref<10000x64xf32, #tpu.memory_space<hbm>> -> memref<10000x64xf32, #tpu.memory_space<hbm>>
        tpu.enqueue_indirect_dma source(%dma_start3A_442 : memref<10000x64xf32, #tpu.memory_space<hbm>>) target(%arg8 : memref<128x64xf32, #tpu.memory_space<vmem>>) offsets(%dma_start3A_439 : memref<128xi32, #tpu.memory_space<vmem>>) semaphore(%arg16 : memref<!tpu.dma_semaphore, #tpu.memory_space<semaphore_mem>>)
        %add3A_443 = arith.constant 1 : i32
        %add3A_444 = arith.addi %scan3A_189, %add3A_443 : i32
        %mul3A_445 = arith.constant 8 : i32
        %mul3A_446 = arith.muli %mul3A_445, %add3A_444 : i32
        %add3A_447 = arith.constant 2 : i32
        %add3A_448 = arith.addi %mul3A_446, %add3A_447 : i32
        %dma_start3A_449 = arith.constant 0 : i32
        %dma_start3A_450 = tpu.memref_slice %arg5[%add3A_448, %dma_start3A_449] : memref<79x128xi32, #tpu.memory_space<vmem>> -> memref<1x128xi32, #tpu.memory_space<vmem>>
        %dma_start3A_451 = tpu.memref_squeeze %dma_start3A_450 : memref<1x128xi32, #tpu.memory_space<vmem>> -> memref<128xi32, #tpu.memory_space<vmem>>
        %dma_start3A_452 = arith.constant 0 : i32
        %dma_start3A_453 = arith.constant 0 : i32
        %dma_start3A_454 = tpu.memref_slice %arg2[%dma_start3A_452, %dma_start3A_453] : memref<10000x64xf32, #tpu.memory_space<hbm>> -> memref<10000x64xf32, #tpu.memory_space<hbm>>
        tpu.enqueue_indirect_dma source(%dma_start3A_454 : memref<10000x64xf32, #tpu.memory_space<hbm>>) target(%arg9 : memref<128x64xf32, #tpu.memory_space<vmem>>) offsets(%dma_start3A_451 : memref<128xi32, #tpu.memory_space<vmem>>) semaphore(%arg16 : memref<!tpu.dma_semaphore, #tpu.memory_space<semaphore_mem>>)
        %add3A_455 = arith.constant 1 : i32
        %add3A_456 = arith.addi %scan3A_189, %add3A_455 : i32
        %mul3A_457 = arith.constant 8 : i32
        %mul3A_458 = arith.muli %mul3A_457, %add3A_456 : i32
        %add3A_459 = arith.constant 3 : i32
        %add3A_460 = arith.addi %mul3A_458, %add3A_459 : i32
        %dma_start3A_461 = arith.constant 0 : i32
        %dma_start3A_462 = tpu.memref_slice %arg5[%add3A_460, %dma_start3A_461] : memref<79x128xi32, #tpu.memory_space<vmem>> -> memref<1x128xi32, #tpu.memory_space<vmem>>
        %dma_start3A_463 = tpu.memref_squeeze %dma_start3A_462 : memref<1x128xi32, #tpu.memory_space<vmem>> -> memref<128xi32, #tpu.memory_space<vmem>>
        %dma_start3A_464 = arith.constant 0 : i32
        %dma_start3A_465 = arith.constant 0 : i32
        %dma_start3A_466 = tpu.memref_slice %arg2[%dma_start3A_464, %dma_start3A_465] : memref<10000x64xf32, #tpu.memory_space<hbm>> -> memref<10000x64xf32, #tpu.memory_space<hbm>>
        tpu.enqueue_indirect_dma source(%dma_start3A_466 : memref<10000x64xf32, #tpu.memory_space<hbm>>) target(%arg10 : memref<128x64xf32, #tpu.memory_space<vmem>>) offsets(%dma_start3A_463 : memref<128xi32, #tpu.memory_space<vmem>>) semaphore(%arg16 : memref<!tpu.dma_semaphore, #tpu.memory_space<semaphore_mem>>)
      } else {
      }
      %dma_wait3A_315 = arith.constant 0 : i32
      %dma_wait3A_316 = arith.constant 0 : i32
      %dma_wait3A_317 = tpu.memref_slice %arg5[%dma_wait3A_315, %dma_wait3A_316] : memref<79x128xi32, #tpu.memory_space<vmem>> -> memref<1x128xi32, #tpu.memory_space<vmem>>
      %dma_wait3A_318 = tpu.memref_squeeze %dma_wait3A_317 : memref<1x128xi32, #tpu.memory_space<vmem>> -> memref<128xi32, #tpu.memory_space<vmem>>
      %dma_wait3A_319 = arith.constant 0 : i32
      %dma_wait3A_320 = arith.constant 0 : i32
      %dma_wait3A_321 = tpu.memref_slice %arg2[%dma_wait3A_319, %dma_wait3A_320] : memref<10000x64xf32, #tpu.memory_space<hbm>> -> memref<10000x64xf32, #tpu.memory_space<hbm>>
      tpu.wait_indirect_dma semaphore(%arg18 : memref<!tpu.dma_semaphore, #tpu.memory_space<semaphore_mem>>) src(%dma_wait3A_321 : memref<10000x64xf32, #tpu.memory_space<hbm>>) dst(%arg11 : memref<128x64xf32, #tpu.memory_space<vmem>>)
      %dma_wait3A_322 = arith.constant 0 : i32
      %dma_wait3A_323 = arith.constant 0 : i32
      %dma_wait3A_324 = tpu.memref_slice %arg5[%dma_wait3A_322, %dma_wait3A_323] : memref<79x128xi32, #tpu.memory_space<vmem>> -> memref<1x128xi32, #tpu.memory_space<vmem>>
      %dma_wait3A_325 = tpu.memref_squeeze %dma_wait3A_324 : memref<1x128xi32, #tpu.memory_space<vmem>> -> memref<128xi32, #tpu.memory_space<vmem>>
      %dma_wait3A_326 = arith.constant 0 : i32
      %dma_wait3A_327 = arith.constant 0 : i32
      %dma_wait3A_328 = tpu.memref_slice %arg2[%dma_wait3A_326, %dma_wait3A_327] : memref<10000x64xf32, #tpu.memory_space<hbm>> -> memref<10000x64xf32, #tpu.memory_space<hbm>>
      tpu.wait_indirect_dma semaphore(%arg18 : memref<!tpu.dma_semaphore, #tpu.memory_space<semaphore_mem>>) src(%dma_wait3A_328 : memref<10000x64xf32, #tpu.memory_space<hbm>>) dst(%arg12 : memref<128x64xf32, #tpu.memory_space<vmem>>)
      %dma_wait3A_329 = arith.constant 0 : i32
      %dma_wait3A_330 = arith.constant 0 : i32
      %dma_wait3A_331 = tpu.memref_slice %arg5[%dma_wait3A_329, %dma_wait3A_330] : memref<79x128xi32, #tpu.memory_space<vmem>> -> memref<1x128xi32, #tpu.memory_space<vmem>>
      %dma_wait3A_332 = tpu.memref_squeeze %dma_wait3A_331 : memref<1x128xi32, #tpu.memory_space<vmem>> -> memref<128xi32, #tpu.memory_space<vmem>>
      %dma_wait3A_333 = arith.constant 0 : i32
      %dma_wait3A_334 = arith.constant 0 : i32
      %dma_wait3A_335 = tpu.memref_slice %arg2[%dma_wait3A_333, %dma_wait3A_334] : memref<10000x64xf32, #tpu.memory_space<hbm>> -> memref<10000x64xf32, #tpu.memory_space<hbm>>
      tpu.wait_indirect_dma semaphore(%arg18 : memref<!tpu.dma_semaphore, #tpu.memory_space<semaphore_mem>>) src(%dma_wait3A_335 : memref<10000x64xf32, #tpu.memory_space<hbm>>) dst(%arg13 : memref<128x64xf32, #tpu.memory_space<vmem>>)
      %dma_wait3A_336 = arith.constant 0 : i32
      %dma_wait3A_337 = arith.constant 0 : i32
      %dma_wait3A_338 = tpu.memref_slice %arg5[%dma_wait3A_336, %dma_wait3A_337] : memref<79x128xi32, #tpu.memory_space<vmem>> -> memref<1x128xi32, #tpu.memory_space<vmem>>
      %dma_wait3A_339 = tpu.memref_squeeze %dma_wait3A_338 : memref<1x128xi32, #tpu.memory_space<vmem>> -> memref<128xi32, #tpu.memory_space<vmem>>
      %dma_wait3A_340 = arith.constant 0 : i32
      %dma_wait3A_341 = arith.constant 0 : i32
      %dma_wait3A_342 = tpu.memref_slice %arg2[%dma_wait3A_340, %dma_wait3A_341] : memref<10000x64xf32, #tpu.memory_space<hbm>> -> memref<10000x64xf32, #tpu.memory_space<hbm>>
      tpu.wait_indirect_dma semaphore(%arg18 : memref<!tpu.dma_semaphore, #tpu.memory_space<semaphore_mem>>) src(%dma_wait3A_342 : memref<10000x64xf32, #tpu.memory_space<hbm>>) dst(%arg14 : memref<128x64xf32, #tpu.memory_space<vmem>>)
      %mul3A_343 = arith.constant 8 : i32
      %mul3A_344 = arith.muli %mul3A_343, %scan3A_189 : i32
      %add3A_345 = arith.constant 4 : i32
      %add3A_346 = arith.addi %mul3A_344, %add3A_345 : i32
      %add3A_347 = arith.constant 0 : i32
      %add3A_348 = arith.addi %add3A_346, %add3A_347 : i32
      %dma_start3A_349 = arith.constant 0 : i32
      %dma_start3A_350 = tpu.memref_slice %arg6[%add3A_348, %dma_start3A_349] : memref<79x128xi32, #tpu.memory_space<vmem>> -> memref<1x128xi32, #tpu.memory_space<vmem>>
      %dma_start3A_351 = tpu.memref_squeeze %dma_start3A_350 : memref<1x128xi32, #tpu.memory_space<vmem>> -> memref<128xi32, #tpu.memory_space<vmem>>
      %dma_start3A_352 = arith.constant 0 : i32
      %dma_start3A_353 = arith.constant 0 : i32
      %dma_start3A_354 = tpu.memref_slice %arg15[%dma_start3A_352, %dma_start3A_353] : memref<10000x64xf32, #tpu.memory_space<vmem_shared>> -> memref<10000x64xf32, #tpu.memory_space<vmem_shared>>
      tpu.enqueue_indirect_dma source(%arg11 : memref<128x64xf32, #tpu.memory_space<vmem>>) target(%dma_start3A_354 : memref<10000x64xf32, #tpu.memory_space<vmem_shared>>) offsets(%dma_start3A_351 : memref<128xi32, #tpu.memory_space<vmem>>) semaphore(%arg19 : memref<!tpu.dma_semaphore, #tpu.memory_space<semaphore_mem>>) {add = true}
      %mul3A_355 = arith.constant 8 : i32
      %mul3A_356 = arith.muli %mul3A_355, %scan3A_189 : i32
      %add3A_357 = arith.constant 4 : i32
      %add3A_358 = arith.addi %mul3A_356, %add3A_357 : i32
      %add3A_359 = arith.constant 1 : i32
      %add3A_360 = arith.addi %add3A_358, %add3A_359 : i32
      %dma_start3A_361 = arith.constant 0 : i32
      %dma_start3A_362 = tpu.memref_slice %arg6[%add3A_360, %dma_start3A_361] : memref<79x128xi32, #tpu.memory_space<vmem>> -> memref<1x128xi32, #tpu.memory_space<vmem>>
      %dma_start3A_363 = tpu.memref_squeeze %dma_start3A_362 : memref<1x128xi32, #tpu.memory_space<vmem>> -> memref<128xi32, #tpu.memory_space<vmem>>
      %dma_start3A_364 = arith.constant 0 : i32
      %dma_start3A_365 = arith.constant 0 : i32
      %dma_start3A_366 = tpu.memref_slice %arg15[%dma_start3A_364, %dma_start3A_365] : memref<10000x64xf32, #tpu.memory_space<vmem_shared>> -> memref<10000x64xf32, #tpu.memory_space<vmem_shared>>
      tpu.enqueue_indirect_dma source(%arg12 : memref<128x64xf32, #tpu.memory_space<vmem>>) target(%dma_start3A_366 : memref<10000x64xf32, #tpu.memory_space<vmem_shared>>) offsets(%dma_start3A_363 : memref<128xi32, #tpu.memory_space<vmem>>) semaphore(%arg19 : memref<!tpu.dma_semaphore, #tpu.memory_space<semaphore_mem>>) {add = true}
      %mul3A_367 = arith.constant 8 : i32
      %mul3A_368 = arith.muli %mul3A_367, %scan3A_189 : i32
      %add3A_369 = arith.constant 4 : i32
      %add3A_370 = arith.addi %mul3A_368, %add3A_369 : i32
      %add3A_371 = arith.constant 2 : i32
      %add3A_372 = arith.addi %add3A_370, %add3A_371 : i32
      %dma_start3A_373 = arith.constant 0 : i32
      %dma_start3A_374 = tpu.memref_slice %arg6[%add3A_372, %dma_start3A_373] : memref<79x128xi32, #tpu.memory_space<vmem>> -> memref<1x128xi32, #tpu.memory_space<vmem>>
      %dma_start3A_375 = tpu.memref_squeeze %dma_start3A_374 : memref<1x128xi32, #tpu.memory_space<vmem>> -> memref<128xi32, #tpu.memory_space<vmem>>
      %dma_start3A_376 = arith.constant 0 : i32
      %dma_start3A_377 = arith.constant 0 : i32
      %dma_start3A_378 = tpu.memref_slice %arg15[%dma_start3A_376, %dma_start3A_377] : memref<10000x64xf32, #tpu.memory_space<vmem_shared>> -> memref<10000x64xf32, #tpu.memory_space<vmem_shared>>
      tpu.enqueue_indirect_dma source(%arg13 : memref<128x64xf32, #tpu.memory_space<vmem>>) target(%dma_start3A_378 : memref<10000x64xf32, #tpu.memory_space<vmem_shared>>) offsets(%dma_start3A_375 : memref<128xi32, #tpu.memory_space<vmem>>) semaphore(%arg19 : memref<!tpu.dma_semaphore, #tpu.memory_space<semaphore_mem>>) {add = true}
      %mul3A_379 = arith.constant 8 : i32
      %mul3A_380 = arith.muli %mul3A_379, %scan3A_189 : i32
      %add3A_381 = arith.constant 4 : i32
      %add3A_382 = arith.addi %mul3A_380, %add3A_381 : i32
      %add3A_383 = arith.constant 3 : i32
      %add3A_384 = arith.addi %add3A_382, %add3A_383 : i32
      %dma_start3A_385 = arith.constant 0 : i32
      %dma_start3A_386 = tpu.memref_slice %arg6[%add3A_384, %dma_start3A_385] : memref<79x128xi32, #tpu.memory_space<vmem>> -> memref<1x128xi32, #tpu.memory_space<vmem>>
      %dma_start3A_387 = tpu.memref_squeeze %dma_start3A_386 : memref<1x128xi32, #tpu.memory_space<vmem>> -> memref<128xi32, #tpu.memory_space<vmem>>
      %dma_start3A_388 = arith.constant 0 : i32
      %dma_start3A_389 = arith.constant 0 : i32
      %dma_start3A_390 = tpu.memref_slice %arg15[%dma_start3A_388, %dma_start3A_389] : memref<10000x64xf32, #tpu.memory_space<vmem_shared>> -> memref<10000x64xf32, #tpu.memory_space<vmem_shared>>
      tpu.enqueue_indirect_dma source(%arg14 : memref<128x64xf32, #tpu.memory_space<vmem>>) target(%dma_start3A_390 : memref<10000x64xf32, #tpu.memory_space<vmem_shared>>) offsets(%dma_start3A_387 : memref<128xi32, #tpu.memory_space<vmem>>) semaphore(%arg19 : memref<!tpu.dma_semaphore, #tpu.memory_space<semaphore_mem>>) {add = true}
    }
    %scan3A_113 = arith.constant 9 : i32
    %dma_wait3A_114 = arith.constant 0 : i32
    %dma_wait3A_115 = arith.constant 0 : i32
    %dma_wait3A_116 = tpu.memref_slice %arg6[%dma_wait3A_114, %dma_wait3A_115] : memref<79x128xi32, #tpu.memory_space<vmem>> -> memref<1x128xi32, #tpu.memory_space<vmem>>
    %dma_wait3A_117 = tpu.memref_squeeze %dma_wait3A_116 : memref<1x128xi32, #tpu.memory_space<vmem>> -> memref<128xi32, #tpu.memory_space<vmem>>
    %dma_wait3A_118 = arith.constant 0 : i32
    %dma_wait3A_119 = arith.constant 0 : i32
    %dma_wait3A_120 = tpu.memref_slice %arg15[%dma_wait3A_118, %dma_wait3A_119] : memref<10000x64xf32, #tpu.memory_space<vmem_shared>> -> memref<10000x64xf32, #tpu.memory_space<vmem_shared>>
    tpu.wait_indirect_dma semaphore(%arg17 : memref<!tpu.dma_semaphore, #tpu.memory_space<semaphore_mem>>) src(%arg7 : memref<128x64xf32, #tpu.memory_space<vmem>>) dst(%dma_wait3A_120 : memref<10000x64xf32, #tpu.memory_space<vmem_shared>>)
    %dma_wait3A_121 = arith.constant 0 : i32
    %dma_wait3A_122 = arith.constant 0 : i32
    %dma_wait3A_123 = tpu.memref_slice %arg6[%dma_wait3A_121, %dma_wait3A_122] : memref<79x128xi32, #tpu.memory_space<vmem>> -> memref<1x128xi32, #tpu.memory_space<vmem>>
    %dma_wait3A_124 = tpu.memref_squeeze %dma_wait3A_123 : memref<1x128xi32, #tpu.memory_space<vmem>> -> memref<128xi32, #tpu.memory_space<vmem>>
    %dma_wait3A_125 = arith.constant 0 : i32
    %dma_wait3A_126 = arith.constant 0 : i32
    %dma_wait3A_127 = tpu.memref_slice %arg15[%dma_wait3A_125, %dma_wait3A_126] : memref<10000x64xf32, #tpu.memory_space<vmem_shared>> -> memref<10000x64xf32, #tpu.memory_space<vmem_shared>>
    tpu.wait_indirect_dma semaphore(%arg17 : memref<!tpu.dma_semaphore, #tpu.memory_space<semaphore_mem>>) src(%arg8 : memref<128x64xf32, #tpu.memory_space<vmem>>) dst(%dma_wait3A_127 : memref<10000x64xf32, #tpu.memory_space<vmem_shared>>)
    %dma_wait3A_128 = arith.constant 0 : i32
    %dma_wait3A_129 = arith.constant 0 : i32
    %dma_wait3A_130 = tpu.memref_slice %arg6[%dma_wait3A_128, %dma_wait3A_129] : memref<79x128xi32, #tpu.memory_space<vmem>> -> memref<1x128xi32, #tpu.memory_space<vmem>>
    %dma_wait3A_131 = tpu.memref_squeeze %dma_wait3A_130 : memref<1x128xi32, #tpu.memory_space<vmem>> -> memref<128xi32, #tpu.memory_space<vmem>>
    %dma_wait3A_132 = arith.constant 0 : i32
    %dma_wait3A_133 = arith.constant 0 : i32
    %dma_wait3A_134 = tpu.memref_slice %arg15[%dma_wait3A_132, %dma_wait3A_133] : memref<10000x64xf32, #tpu.memory_space<vmem_shared>> -> memref<10000x64xf32, #tpu.memory_space<vmem_shared>>
    tpu.wait_indirect_dma semaphore(%arg17 : memref<!tpu.dma_semaphore, #tpu.memory_space<semaphore_mem>>) src(%arg9 : memref<128x64xf32, #tpu.memory_space<vmem>>) dst(%dma_wait3A_134 : memref<10000x64xf32, #tpu.memory_space<vmem_shared>>)
    %dma_wait3A_135 = arith.constant 0 : i32
    %dma_wait3A_136 = arith.constant 0 : i32
    %dma_wait3A_137 = tpu.memref_slice %arg6[%dma_wait3A_135, %dma_wait3A_136] : memref<79x128xi32, #tpu.memory_space<vmem>> -> memref<1x128xi32, #tpu.memory_space<vmem>>
    %dma_wait3A_138 = tpu.memref_squeeze %dma_wait3A_137 : memref<1x128xi32, #tpu.memory_space<vmem>> -> memref<128xi32, #tpu.memory_space<vmem>>
    %dma_wait3A_139 = arith.constant 0 : i32
    %dma_wait3A_140 = arith.constant 0 : i32
    %dma_wait3A_141 = tpu.memref_slice %arg15[%dma_wait3A_139, %dma_wait3A_140] : memref<10000x64xf32, #tpu.memory_space<vmem_shared>> -> memref<10000x64xf32, #tpu.memory_space<vmem_shared>>
    tpu.wait_indirect_dma semaphore(%arg17 : memref<!tpu.dma_semaphore, #tpu.memory_space<semaphore_mem>>) src(%arg10 : memref<128x64xf32, #tpu.memory_space<vmem>>) dst(%dma_wait3A_141 : memref<10000x64xf32, #tpu.memory_space<vmem_shared>>)
    %dma_wait3A_142 = arith.constant 0 : i32
    %dma_wait3A_143 = arith.constant 0 : i32
    %dma_wait3A_144 = tpu.memref_slice %arg6[%dma_wait3A_142, %dma_wait3A_143] : memref<79x128xi32, #tpu.memory_space<vmem>> -> memref<1x128xi32, #tpu.memory_space<vmem>>
    %dma_wait3A_145 = tpu.memref_squeeze %dma_wait3A_144 : memref<1x128xi32, #tpu.memory_space<vmem>> -> memref<128xi32, #tpu.memory_space<vmem>>
    %dma_wait3A_146 = arith.constant 0 : i32
    %dma_wait3A_147 = arith.constant 0 : i32
    %dma_wait3A_148 = tpu.memref_slice %arg15[%dma_wait3A_146, %dma_wait3A_147] : memref<10000x64xf32, #tpu.memory_space<vmem_shared>> -> memref<10000x64xf32, #tpu.memory_space<vmem_shared>>
    tpu.wait_indirect_dma semaphore(%arg19 : memref<!tpu.dma_semaphore, #tpu.memory_space<semaphore_mem>>) src(%arg11 : memref<128x64xf32, #tpu.memory_space<vmem>>) dst(%dma_wait3A_148 : memref<10000x64xf32, #tpu.memory_space<vmem_shared>>)
    %dma_wait3A_149 = arith.constant 0 : i32
    %dma_wait3A_150 = arith.constant 0 : i32
    %dma_wait3A_151 = tpu.memref_slice %arg6[%dma_wait3A_149, %dma_wait3A_150] : memref<79x128xi32, #tpu.memory_space<vmem>> -> memref<1x128xi32, #tpu.memory_space<vmem>>
    %dma_wait3A_152 = tpu.memref_squeeze %dma_wait3A_151 : memref<1x128xi32, #tpu.memory_space<vmem>> -> memref<128xi32, #tpu.memory_space<vmem>>
    %dma_wait3A_153 = arith.constant 0 : i32
    %dma_wait3A_154 = arith.constant 0 : i32
    %dma_wait3A_155 = tpu.memref_slice %arg15[%dma_wait3A_153, %dma_wait3A_154] : memref<10000x64xf32, #tpu.memory_space<vmem_shared>> -> memref<10000x64xf32, #tpu.memory_space<vmem_shared>>
    tpu.wait_indirect_dma semaphore(%arg19 : memref<!tpu.dma_semaphore, #tpu.memory_space<semaphore_mem>>) src(%arg12 : memref<128x64xf32, #tpu.memory_space<vmem>>) dst(%dma_wait3A_155 : memref<10000x64xf32, #tpu.memory_space<vmem_shared>>)
    %dma_wait3A_156 = arith.constant 0 : i32
    %dma_wait3A_157 = arith.constant 0 : i32
    %dma_wait3A_158 = tpu.memref_slice %arg6[%dma_wait3A_156, %dma_wait3A_157] : memref<79x128xi32, #tpu.memory_space<vmem>> -> memref<1x128xi32, #tpu.memory_space<vmem>>
    %dma_wait3A_159 = tpu.memref_squeeze %dma_wait3A_158 : memref<1x128xi32, #tpu.memory_space<vmem>> -> memref<128xi32, #tpu.memory_space<vmem>>
    %dma_wait3A_160 = arith.constant 0 : i32
    %dma_wait3A_161 = arith.constant 0 : i32
    %dma_wait3A_162 = tpu.memref_slice %arg15[%dma_wait3A_160, %dma_wait3A_161] : memref<10000x64xf32, #tpu.memory_space<vmem_shared>> -> memref<10000x64xf32, #tpu.memory_space<vmem_shared>>
    tpu.wait_indirect_dma semaphore(%arg19 : memref<!tpu.dma_semaphore, #tpu.memory_space<semaphore_mem>>) src(%arg13 : memref<128x64xf32, #tpu.memory_space<vmem>>) dst(%dma_wait3A_162 : memref<10000x64xf32, #tpu.memory_space<vmem_shared>>)
    %dma_wait3A_163 = arith.constant 0 : i32
    %dma_wait3A_164 = arith.constant 0 : i32
    %dma_wait3A_165 = tpu.memref_slice %arg6[%dma_wait3A_163, %dma_wait3A_164] : memref<79x128xi32, #tpu.memory_space<vmem>> -> memref<1x128xi32, #tpu.memory_space<vmem>>
    %dma_wait3A_166 = tpu.memref_squeeze %dma_wait3A_165 : memref<1x128xi32, #tpu.memory_space<vmem>> -> memref<128xi32, #tpu.memory_space<vmem>>
    %dma_wait3A_167 = arith.constant 0 : i32
    %dma_wait3A_168 = arith.constant 0 : i32
    %dma_wait3A_169 = tpu.memref_slice %arg15[%dma_wait3A_167, %dma_wait3A_168] : memref<10000x64xf32, #tpu.memory_space<vmem_shared>> -> memref<10000x64xf32, #tpu.memory_space<vmem_shared>>
    tpu.wait_indirect_dma semaphore(%arg19 : memref<!tpu.dma_semaphore, #tpu.memory_space<semaphore_mem>>) src(%arg14 : memref<128x64xf32, #tpu.memory_space<vmem>>) dst(%dma_wait3A_169 : memref<10000x64xf32, #tpu.memory_space<vmem_shared>>)
    %while3A = arith.constant 0 : i32
    %while3A_170 = arith.constant 72 : i32
    %while3A_171 = arith.subi %add3A_8, %while3A_170 : i32
    %while3A_172 = arith.addi %while3A_170, %while3A_171 : i32
    %while3A_173 = arith.constant 1 : i32
    %while3A_174 = arith.divsi %while3A_171, %while3A_173 : i32
    %while3A_175 = arith.muli %while3A_174, %while3A_173 : i32
    %while3A_176 = arith.addi %while3A_170, %while3A_175 : i32
    %while3A_177 = arith.constant 1 : i32
    scf.for %while3A_189 = %while3A_170 to %while3A_176 step %while3A_177  : i32 {
      %dma_start3A_190 = arith.constant 0 : i32
      %dma_start3A_191 = tpu.memref_slice %arg5[%while3A_189, %dma_start3A_190] : memref<79x128xi32, #tpu.memory_space<vmem>> -> memref<1x128xi32, #tpu.memory_space<vmem>>
      %dma_start3A_192 = tpu.memref_squeeze %dma_start3A_191 : memref<1x128xi32, #tpu.memory_space<vmem>> -> memref<128xi32, #tpu.memory_space<vmem>>
      %dma_start3A_193 = arith.constant 0 : i32
      %dma_start3A_194 = arith.constant 0 : i32
      %dma_start3A_195 = tpu.memref_slice %arg2[%dma_start3A_193, %dma_start3A_194] : memref<10000x64xf32, #tpu.memory_space<hbm>> -> memref<10000x64xf32, #tpu.memory_space<hbm>>
      tpu.enqueue_indirect_dma source(%dma_start3A_195 : memref<10000x64xf32, #tpu.memory_space<hbm>>) target(%arg7 : memref<128x64xf32, #tpu.memory_space<vmem>>) offsets(%dma_start3A_192 : memref<128xi32, #tpu.memory_space<vmem>>) semaphore(%arg16 : memref<!tpu.dma_semaphore, #tpu.memory_space<semaphore_mem>>)
      %dma_wait3A_196 = arith.constant 0 : i32
      %dma_wait3A_197 = arith.constant 0 : i32
      %dma_wait3A_198 = tpu.memref_slice %arg5[%dma_wait3A_196, %dma_wait3A_197] : memref<79x128xi32, #tpu.memory_space<vmem>> -> memref<1x128xi32, #tpu.memory_space<vmem>>
      %dma_wait3A_199 = tpu.memref_squeeze %dma_wait3A_198 : memref<1x128xi32, #tpu.memory_space<vmem>> -> memref<128xi32, #tpu.memory_space<vmem>>
      %dma_wait3A_200 = arith.constant 0 : i32
      %dma_wait3A_201 = arith.constant 0 : i32
      %dma_wait3A_202 = tpu.memref_slice %arg2[%dma_wait3A_200, %dma_wait3A_201] : memref<10000x64xf32, #tpu.memory_space<hbm>> -> memref<10000x64xf32, #tpu.memory_space<hbm>>
      tpu.wait_indirect_dma semaphore(%arg16 : memref<!tpu.dma_semaphore, #tpu.memory_space<semaphore_mem>>) src(%dma_wait3A_202 : memref<10000x64xf32, #tpu.memory_space<hbm>>) dst(%arg7 : memref<128x64xf32, #tpu.memory_space<vmem>>)
      %dma_start3A_203 = arith.constant 0 : i32
      %dma_start3A_204 = tpu.memref_slice %arg6[%while3A_189, %dma_start3A_203] : memref<79x128xi32, #tpu.memory_space<vmem>> -> memref<1x128xi32, #tpu.memory_space<vmem>>
      %dma_start3A_205 = tpu.memref_squeeze %dma_start3A_204 : memref<1x128xi32, #tpu.memory_space<vmem>> -> memref<128xi32, #tpu.memory_space<vmem>>
      %dma_start3A_206 = arith.constant 0 : i32
      %dma_start3A_207 = arith.constant 0 : i32
      %dma_start3A_208 = tpu.memref_slice %arg15[%dma_start3A_206, %dma_start3A_207] : memref<10000x64xf32, #tpu.memory_space<vmem_shared>> -> memref<10000x64xf32, #tpu.memory_space<vmem_shared>>
      tpu.enqueue_indirect_dma source(%arg7 : memref<128x64xf32, #tpu.memory_space<vmem>>) target(%dma_start3A_208 : memref<10000x64xf32, #tpu.memory_space<vmem_shared>>) offsets(%dma_start3A_205 : memref<128xi32, #tpu.memory_space<vmem>>) semaphore(%arg17 : memref<!tpu.dma_semaphore, #tpu.memory_space<semaphore_mem>>) {add = true}
      %dma_wait3A_209 = arith.constant 0 : i32
      %dma_wait3A_210 = arith.constant 0 : i32
      %dma_wait3A_211 = tpu.memref_slice %arg6[%dma_wait3A_209, %dma_wait3A_210] : memref<79x128xi32, #tpu.memory_space<vmem>> -> memref<1x128xi32, #tpu.memory_space<vmem>>
      %dma_wait3A_212 = tpu.memref_squeeze %dma_wait3A_211 : memref<1x128xi32, #tpu.memory_space<vmem>> -> memref<128xi32, #tpu.memory_space<vmem>>
      %dma_wait3A_213 = arith.constant 0 : i32
      %dma_wait3A_214 = arith.constant 0 : i32
      %dma_wait3A_215 = tpu.memref_slice %arg15[%dma_wait3A_213, %dma_wait3A_214] : memref<10000x64xf32, #tpu.memory_space<vmem_shared>> -> memref<10000x64xf32, #tpu.memory_space<vmem_shared>>
      tpu.wait_indirect_dma semaphore(%arg17 : memref<!tpu.dma_semaphore, #tpu.memory_space<semaphore_mem>>) src(%arg7 : memref<128x64xf32, #tpu.memory_space<vmem>>) dst(%dma_wait3A_215 : memref<10000x64xf32, #tpu.memory_space<vmem_shared>>)
    }
    %while3A_178 = arith.constant 1 : i32
    scf.for %while3A_189 = %while3A_176 to %while3A_172 step %while3A_178  : i32 {
      %dma_start3A_190 = arith.constant 0 : i32
      %dma_start3A_191 = tpu.memref_slice %arg5[%while3A_189, %dma_start3A_190] : memref<79x128xi32, #tpu.memory_space<vmem>> -> memref<1x128xi32, #tpu.memory_space<vmem>>
      %dma_start3A_192 = tpu.memref_squeeze %dma_start3A_191 : memref<1x128xi32, #tpu.memory_space<vmem>> -> memref<128xi32, #tpu.memory_space<vmem>>
      %dma_start3A_193 = arith.constant 0 : i32
      %dma_start3A_194 = arith.constant 0 : i32
      %dma_start3A_195 = tpu.memref_slice %arg2[%dma_start3A_193, %dma_start3A_194] : memref<10000x64xf32, #tpu.memory_space<hbm>> -> memref<10000x64xf32, #tpu.memory_space<hbm>>
      tpu.enqueue_indirect_dma source(%dma_start3A_195 : memref<10000x64xf32, #tpu.memory_space<hbm>>) target(%arg7 : memref<128x64xf32, #tpu.memory_space<vmem>>) offsets(%dma_start3A_192 : memref<128xi32, #tpu.memory_space<vmem>>) semaphore(%arg16 : memref<!tpu.dma_semaphore, #tpu.memory_space<semaphore_mem>>)
      %dma_wait3A_196 = arith.constant 0 : i32
      %dma_wait3A_197 = arith.constant 0 : i32
      %dma_wait3A_198 = tpu.memref_slice %arg5[%dma_wait3A_196, %dma_wait3A_197] : memref<79x128xi32, #tpu.memory_space<vmem>> -> memref<1x128xi32, #tpu.memory_space<vmem>>
      %dma_wait3A_199 = tpu.memref_squeeze %dma_wait3A_198 : memref<1x128xi32, #tpu.memory_space<vmem>> -> memref<128xi32, #tpu.memory_space<vmem>>
      %dma_wait3A_200 = arith.constant 0 : i32
      %dma_wait3A_201 = arith.constant 0 : i32
      %dma_wait3A_202 = tpu.memref_slice %arg2[%dma_wait3A_200, %dma_wait3A_201] : memref<10000x64xf32, #tpu.memory_space<hbm>> -> memref<10000x64xf32, #tpu.memory_space<hbm>>
      tpu.wait_indirect_dma semaphore(%arg16 : memref<!tpu.dma_semaphore, #tpu.memory_space<semaphore_mem>>) src(%dma_wait3A_202 : memref<10000x64xf32, #tpu.memory_space<hbm>>) dst(%arg7 : memref<128x64xf32, #tpu.memory_space<vmem>>)
      %dma_start3A_203 = arith.constant 0 : i32
      %dma_start3A_204 = tpu.memref_slice %arg6[%while3A_189, %dma_start3A_203] : memref<79x128xi32, #tpu.memory_space<vmem>> -> memref<1x128xi32, #tpu.memory_space<vmem>>
      %dma_start3A_205 = tpu.memref_squeeze %dma_start3A_204 : memref<1x128xi32, #tpu.memory_space<vmem>> -> memref<128xi32, #tpu.memory_space<vmem>>
      %dma_start3A_206 = arith.constant 0 : i32
      %dma_start3A_207 = arith.constant 0 : i32
      %dma_start3A_208 = tpu.memref_slice %arg15[%dma_start3A_206, %dma_start3A_207] : memref<10000x64xf32, #tpu.memory_space<vmem_shared>> -> memref<10000x64xf32, #tpu.memory_space<vmem_shared>>
      tpu.enqueue_indirect_dma source(%arg7 : memref<128x64xf32, #tpu.memory_space<vmem>>) target(%dma_start3A_208 : memref<10000x64xf32, #tpu.memory_space<vmem_shared>>) offsets(%dma_start3A_205 : memref<128xi32, #tpu.memory_space<vmem>>) semaphore(%arg17 : memref<!tpu.dma_semaphore, #tpu.memory_space<semaphore_mem>>) {add = true}
      %dma_wait3A_209 = arith.constant 0 : i32
      %dma_wait3A_210 = arith.constant 0 : i32
      %dma_wait3A_211 = tpu.memref_slice %arg6[%dma_wait3A_209, %dma_wait3A_210] : memref<79x128xi32, #tpu.memory_space<vmem>> -> memref<1x128xi32, #tpu.memory_space<vmem>>
      %dma_wait3A_212 = tpu.memref_squeeze %dma_wait3A_211 : memref<1x128xi32, #tpu.memory_space<vmem>> -> memref<128xi32, #tpu.memory_space<vmem>>
      %dma_wait3A_213 = arith.constant 0 : i32
      %dma_wait3A_214 = arith.constant 0 : i32
      %dma_wait3A_215 = tpu.memref_slice %arg15[%dma_wait3A_213, %dma_wait3A_214] : memref<10000x64xf32, #tpu.memory_space<vmem_shared>> -> memref<10000x64xf32, #tpu.memory_space<vmem_shared>>
      tpu.wait_indirect_dma semaphore(%arg17 : memref<!tpu.dma_semaphore, #tpu.memory_space<semaphore_mem>>) src(%arg7 : memref<128x64xf32, #tpu.memory_space<vmem>>) dst(%dma_wait3A_215 : memref<10000x64xf32, #tpu.memory_space<vmem_shared>>)
    }
    %barrier3A_179 = arith.constant 0 : index
    tpu.barrier barrier_id(%barrier3A_179)
    %mul3A_180 = arith.constant 624 : i32
    %mul3A_181 = arith.muli %arg1, %mul3A_180 : i32
    %mul3A_182 = arith.constant 624 : i32
    %mul3A_183 = arith.muli %arg1, %mul3A_182 : i32
    "tpu.region"() ({
      %run_scoped3A = tpu.sem_alloc : memref<!tpu.dma_semaphore, #tpu.memory_space<semaphore_mem>>
      %dma_start3A_189 = tpu.memref_slice %arg4[%mul3A_183, %mul3A_38] : memref<10000x128xf32, #tpu.memory_space<hbm>> -> memref<624x64xf32, #tpu.memory_space<hbm>>
      %dma_start3A_190 = arith.constant 0 : i32
      %dma_start3A_191 = tpu.memref_slice %arg15[%mul3A_181, %dma_start3A_190] : memref<10000x64xf32, #tpu.memory_space<vmem_shared>> -> memref<624x64xf32, #tpu.memory_space<vmem_shared>>
      tpu.enqueue_dma source(%dma_start3A_191 : memref<624x64xf32, #tpu.memory_space<vmem_shared>>) target(%dma_start3A_189 : memref<624x64xf32, #tpu.memory_space<hbm>>) target_semaphore(%run_scoped3A : memref<!tpu.dma_semaphore, #tpu.memory_space<semaphore_mem>>)
      %dma_wait3A_192 = tpu.memref_slice %arg4[%mul3A_183, %mul3A_38] : memref<10000x128xf32, #tpu.memory_space<hbm>> -> memref<624x64xf32, #tpu.memory_space<hbm>>
      %dma_wait3A_193 = arith.constant 0 : i32
      %dma_wait3A_194 = tpu.memref_slice %arg15[%mul3A_181, %dma_wait3A_193] : memref<10000x64xf32, #tpu.memory_space<vmem_shared>> -> memref<624x64xf32, #tpu.memory_space<vmem_shared>>
      tpu.wait_dma2 semaphore(%run_scoped3A : memref<!tpu.dma_semaphore, #tpu.memory_space<semaphore_mem>>) src(%dma_wait3A_194 : memref<624x64xf32, #tpu.memory_space<vmem_shared>>) dst(%dma_wait3A_192 : memref<624x64xf32, #tpu.memory_space<hbm>>)
      tpu.yield
    }) : () -> ()
    %eq3A_184 = arith.constant 15 : i32
    %eq3A_185 = arith.cmpi eq, %arg1, %eq3A_184 : i32
    %convert_element_type3A_186 = arith.extui %eq3A_185 : i1 to i32
    %cond3A_187 = arith.constant 0 : i32
    %cond3A_188 = arith.cmpi ne, %convert_element_type3A_186, %cond3A_187 : i32
    scf.if %cond3A_188 {
      "tpu.region"() ({
        %run_scoped3A = tpu.sem_alloc : memref<!tpu.dma_semaphore, #tpu.memory_space<semaphore_mem>>
        %dma_start3A_189 = arith.constant 9984 : i32
        %dma_start3A_190 = tpu.memref_slice %arg4[%dma_start3A_189, %mul3A_38] : memref<10000x128xf32, #tpu.memory_space<hbm>> -> memref<16x64xf32, #tpu.memory_space<hbm>>
        %dma_start3A_191 = arith.constant 9984 : i32
        %dma_start3A_192 = arith.constant 0 : i32
        %dma_start3A_193 = tpu.memref_slice %arg15[%dma_start3A_191, %dma_start3A_192] : memref<10000x64xf32, #tpu.memory_space<vmem_shared>> -> memref<16x64xf32, #tpu.memory_space<vmem_shared>>
        tpu.enqueue_dma source(%dma_start3A_193 : memref<16x64xf32, #tpu.memory_space<vmem_shared>>) target(%dma_start3A_190 : memref<16x64xf32, #tpu.memory_space<hbm>>) target_semaphore(%run_scoped3A : memref<!tpu.dma_semaphore, #tpu.memory_space<semaphore_mem>>)
        %dma_wait3A_194 = arith.constant 9984 : i32
        %dma_wait3A_195 = tpu.memref_slice %arg4[%dma_wait3A_194, %mul3A_38] : memref<10000x128xf32, #tpu.memory_space<hbm>> -> memref<16x64xf32, #tpu.memory_space<hbm>>
        %dma_wait3A_196 = arith.constant 9984 : i32
        %dma_wait3A_197 = arith.constant 0 : i32
        %dma_wait3A_198 = tpu.memref_slice %arg15[%dma_wait3A_196, %dma_wait3A_197] : memref<10000x64xf32, #tpu.memory_space<vmem_shared>> -> memref<16x64xf32, #tpu.memory_space<vmem_shared>>
        tpu.wait_dma2 semaphore(%run_scoped3A : memref<!tpu.dma_semaphore, #tpu.memory_space<semaphore_mem>>) src(%dma_wait3A_198 : memref<16x64xf32, #tpu.memory_space<vmem_shared>>) dst(%dma_wait3A_195 : memref<16x64xf32, #tpu.memory_space<hbm>>)
        tpu.yield
      }) : () -> ()
    } else {
    }
    return
  }
}

#map = affine_map<(d0, d1) -> (0, 0)>
#map1 = affine_map<(d0, d1) -> (0, 0, 0)>
module attributes {stable_mosaic.version = 14 : i64} {
  func.func @body(%arg0: i32, %arg1: i32, %arg2: memref<10000x64xf32, #tpu.memory_space<hbm>>, %arg3: memref<2x2500x128xi32, #tpu.memory_space<hbm>>, %arg4: memref<10000x128xf32, #tpu.memory_space<hbm>>, %arg5: memref<79x128xi32, #tpu.memory_space<vmem>>, %arg6: memref<79x128xi32, #tpu.memory_space<vmem>>, %arg7: memref<128x64xf32, #tpu.memory_space<vmem>>, %arg8: memref<128x64xf32, #tpu.memory_space<vmem>>, %arg9: memref<128x64xf32, #tpu.memory_space<vmem>>, %arg10: memref<128x64xf32, #tpu.memory_space<vmem>>, %arg11: memref<128x64xf32, #tpu.memory_space<vmem>>, %arg12: memref<128x64xf32, #tpu.memory_space<vmem>>, %arg13: memref<128x64xf32, #tpu.memory_space<vmem>>, %arg14: memref<128x64xf32, #tpu.memory_space<vmem>>, %arg15: memref<10000x64xf32, #tpu.memory_space<vmem_shared>>, %arg16: memref<!tpu.dma_semaphore, #tpu.memory_space<semaphore_mem>>, %arg17: memref<!tpu.dma_semaphore, #tpu.memory_space<semaphore_mem>>, %arg18: memref<!tpu.dma_semaphore, #tpu.memory_space<semaphore_mem>>, %arg19: memref<!tpu.dma_semaphore, #tpu.memory_space<semaphore_mem>>, %arg20: memref<!tpu.dma_semaphore, #tpu.memory_space<semaphore_mem>>) attributes {dimension_semantics = [#tpu.dimension_semantics<core_parallel>, #tpu.dimension_semantics<subcore_parallel>], iteration_bounds = array<i64: 2, 16>, scalar_prefetch = 0 : i64, scratch_operands = 16 : i64, tpu.core_type = #tpu.core_type<sc_vector_subcore>, window_params = [{transform_indices = #map}, {transform_indices = #map1}, {transform_indices = #map}]} {
    %mul3A = arith.constant 2 : i32
    %mul3A_0 = arith.muli %arg1, %mul3A : i32
    %add3A = arith.addi %mul3A_0, %arg0 : i32
    %mul3A_1 = arith.constant 78 : i32
    %mul3A_2 = arith.muli %add3A, %mul3A_1 : i32
    %min3A = arith.constant 4 : i32
    %min3A_3 = arith.minsi %add3A, %min3A : i32
    %add3A_4 = arith.addi %mul3A_2, %min3A_3 : i32
    %lt3A = arith.constant 4 : i32
    %lt3A_5 = arith.cmpi slt, %add3A, %lt3A : i32
    %jit3A = arith.constant 1 : i32
    %jit3A_6 = arith.constant 0 : i32
    %select_n3A = arith.select %lt3A_5, %jit3A, %jit3A_6 : i32
    %add3A_7 = arith.constant 78 : i32
    %add3A_8 = arith.addi %add3A_7, %select_n3A : i32
    %dma_start3A = arith.constant 0 : i32
    %dma_start3A_9 = arith.constant 0 : i32
    %dma_start3A_10 = arith.constant 0 : i32
    %dma_start3A_11 = tpu.memref_slice %arg5[%dma_start3A_9, %dma_start3A_10] : memref<79x128xi32, #tpu.memory_space<vmem>> -> memref<78x128xi32, #tpu.memory_space<vmem>>
    %dma_start3A_12 = arith.constant 0 : i32
    %dma_start3A_13 = tpu.memref_slice %arg3[%dma_start3A, %add3A_4, %dma_start3A_12] : memref<2x2500x128xi32, #tpu.memory_space<hbm>> -> memref<1x78x128xi32, #tpu.memory_space<hbm>>
    %dma_start3A_14 = tpu.memref_squeeze %dma_start3A_13 : memref<1x78x128xi32, #tpu.memory_space<hbm>> -> memref<78x128xi32, #tpu.memory_space<hbm>>
    %dma_start3A_15 = arith.constant 0 : i32
    %dma_start3A_16 = arith.constant 0 : i32
    %dma_start3A_17 = tpu.memref_slice %arg5[%dma_start3A_15, %dma_start3A_16] : memref<79x128xi32, #tpu.memory_space<vmem>> -> memref<78x128xi32, #tpu.memory_space<vmem>>
    %dma_start3A_18 = arith.constant 0 : i32
    %dma_start3A_19 = tpu.memref_slice %arg3[%dma_start3A, %add3A_4, %dma_start3A_18] : memref<2x2500x128xi32, #tpu.memory_space<hbm>> -> memref<1x78x128xi32, #tpu.memory_space<hbm>>
    %dma_start3A_20 = tpu.memref_squeeze %dma_start3A_19 : memref<1x78x128xi32, #tpu.memory_space<hbm>> -> memref<78x128xi32, #tpu.memory_space<hbm>>
    tpu.enqueue_dma source(%dma_start3A_20 : memref<78x128xi32, #tpu.memory_space<hbm>>) target(%dma_start3A_17 : memref<78x128xi32, #tpu.memory_space<vmem>>) target_semaphore(%arg20 : memref<!tpu.dma_semaphore, #tpu.memory_space<semaphore_mem>>)
    %dma_start3A_21 = arith.constant 1 : i32
    %dma_start3A_22 = arith.constant 0 : i32
    %dma_start3A_23 = arith.constant 0 : i32
    %dma_start3A_24 = tpu.memref_slice %arg6[%dma_start3A_22, %dma_start3A_23] : memref<79x128xi32, #tpu.memory_space<vmem>> -> memref<78x128xi32, #tpu.memory_space<vmem>>
    %dma_start3A_25 = arith.constant 0 : i32
    %dma_start3A_26 = tpu.memref_slice %arg3[%dma_start3A_21, %add3A_4, %dma_start3A_25] : memref<2x2500x128xi32, #tpu.memory_space<hbm>> -> memref<1x78x128xi32, #tpu.memory_space<hbm>>
    %dma_start3A_27 = tpu.memref_squeeze %dma_start3A_26 : memref<1x78x128xi32, #tpu.memory_space<hbm>> -> memref<78x128xi32, #tpu.memory_space<hbm>>
    %dma_start3A_28 = arith.constant 0 : i32
    %dma_start3A_29 = arith.constant 0 : i32
    %dma_start3A_30 = tpu.memref_slice %arg6[%dma_start3A_28, %dma_start3A_29] : memref<79x128xi32, #tpu.memory_space<vmem>> -> memref<78x128xi32, #tpu.memory_space<vmem>>
    %dma_start3A_31 = arith.constant 0 : i32
    %dma_start3A_32 = tpu.memref_slice %arg3[%dma_start3A_21, %add3A_4, %dma_start3A_31] : memref<2x2500x128xi32, #tpu.memory_space<hbm>> -> memref<1x78x128xi32, #tpu.memory_space<hbm>>
    %dma_start3A_33 = tpu.memref_squeeze %dma_start3A_32 : memref<1x78x128xi32, #tpu.memory_space<hbm>> -> memref<78x128xi32, #tpu.memory_space<hbm>>
    tpu.enqueue_dma source(%dma_start3A_33 : memref<78x128xi32, #tpu.memory_space<hbm>>) target(%dma_start3A_30 : memref<78x128xi32, #tpu.memory_space<vmem>>) target_semaphore(%arg20 : memref<!tpu.dma_semaphore, #tpu.memory_space<semaphore_mem>>)
    %lt3A_34 = arith.constant 4 : i32
    %lt3A_35 = arith.cmpi slt, %add3A, %lt3A_34 : i32
    %convert_element_type3A = arith.extui %lt3A_35 : i1 to i32
    %cond3A = arith.constant 0 : i32
    %cond3A_36 = arith.cmpi ne, %convert_element_type3A, %cond3A : i32
    scf.if %cond3A_36 {
      %add3A_189 = arith.constant 78 : i32
      %add3A_190 = arith.addi %add3A_4, %add3A_189 : i32
      %dma_start3A_191 = arith.constant 0 : i32
      %dma_start3A_192 = arith.constant 78 : i32
      %dma_start3A_193 = arith.constant 0 : i32
      %dma_start3A_194 = tpu.memref_slice %arg5[%dma_start3A_192, %dma_start3A_193] : memref<79x128xi32, #tpu.memory_space<vmem>> -> memref<1x128xi32, #tpu.memory_space<vmem>>
      %dma_start3A_195 = arith.constant 0 : i32
      %dma_start3A_196 = tpu.memref_slice %arg3[%dma_start3A_191, %add3A_190, %dma_start3A_195] : memref<2x2500x128xi32, #tpu.memory_space<hbm>> -> memref<1x1x128xi32, #tpu.memory_space<hbm>>
      %dma_start3A_197 = tpu.memref_squeeze %dma_start3A_196 : memref<1x1x128xi32, #tpu.memory_space<hbm>> -> memref<1x128xi32, #tpu.memory_space<hbm>>
      %dma_start3A_198 = arith.constant 78 : i32
      %dma_start3A_199 = arith.constant 0 : i32
      %dma_start3A_200 = tpu.memref_slice %arg5[%dma_start3A_198, %dma_start3A_199] : memref<79x128xi32, #tpu.memory_space<vmem>> -> memref<1x128xi32, #tpu.memory_space<vmem>>
      %dma_start3A_201 = arith.constant 0 : i32
      %dma_start3A_202 = tpu.memref_slice %arg3[%dma_start3A_191, %add3A_190, %dma_start3A_201] : memref<2x2500x128xi32, #tpu.memory_space<hbm>> -> memref<1x1x128xi32, #tpu.memory_space<hbm>>
      %dma_start3A_203 = tpu.memref_squeeze %dma_start3A_202 : memref<1x1x128xi32, #tpu.memory_space<hbm>> -> memref<1x128xi32, #tpu.memory_space<hbm>>
      tpu.enqueue_dma source(%dma_start3A_203 : memref<1x128xi32, #tpu.memory_space<hbm>>) target(%dma_start3A_200 : memref<1x128xi32, #tpu.memory_space<vmem>>) target_semaphore(%arg20 : memref<!tpu.dma_semaphore, #tpu.memory_space<semaphore_mem>>)
      %add3A_204 = arith.constant 78 : i32
      %add3A_205 = arith.addi %add3A_4, %add3A_204 : i32
      %dma_start3A_206 = arith.constant 1 : i32
      %dma_start3A_207 = arith.constant 78 : i32
      %dma_start3A_208 = arith.constant 0 : i32
      %dma_start3A_209 = tpu.memref_slice %arg6[%dma_start3A_207, %dma_start3A_208] : memref<79x128xi32, #tpu.memory_space<vmem>> -> memref<1x128xi32, #tpu.memory_space<vmem>>
      %dma_start3A_210 = arith.constant 0 : i32
      %dma_start3A_211 = tpu.memref_slice %arg3[%dma_start3A_206, %add3A_205, %dma_start3A_210] : memref<2x2500x128xi32, #tpu.memory_space<hbm>> -> memref<1x1x128xi32, #tpu.memory_space<hbm>>
      %dma_start3A_212 = tpu.memref_squeeze %dma_start3A_211 : memref<1x1x128xi32, #tpu.memory_space<hbm>> -> memref<1x128xi32, #tpu.memory_space<hbm>>
      %dma_start3A_213 = arith.constant 78 : i32
      %dma_start3A_214 = arith.constant 0 : i32
      %dma_start3A_215 = tpu.memref_slice %arg6[%dma_start3A_213, %dma_start3A_214] : memref<79x128xi32, #tpu.memory_space<vmem>> -> memref<1x128xi32, #tpu.memory_space<vmem>>
      %dma_start3A_216 = arith.constant 0 : i32
      %dma_start3A_217 = tpu.memref_slice %arg3[%dma_start3A_206, %add3A_205, %dma_start3A_216] : memref<2x2500x128xi32, #tpu.memory_space<hbm>> -> memref<1x1x128xi32, #tpu.memory_space<hbm>>
      %dma_start3A_218 = tpu.memref_squeeze %dma_start3A_217 : memref<1x1x128xi32, #tpu.memory_space<hbm>> -> memref<1x128xi32, #tpu.memory_space<hbm>>
      tpu.enqueue_dma source(%dma_start3A_218 : memref<1x128xi32, #tpu.memory_space<hbm>>) target(%dma_start3A_215 : memref<1x128xi32, #tpu.memory_space<vmem>>) target_semaphore(%arg20 : memref<!tpu.dma_semaphore, #tpu.memory_space<semaphore_mem>>)
    } else {
    }
    %mul3A_37 = arith.constant 64 : i32
    %mul3A_38 = arith.muli %arg0, %mul3A_37 : i32
    %mul3A_39 = arith.constant 624 : i32
    %mul3A_40 = arith.muli %arg1, %mul3A_39 : i32
    %mul3A_41 = arith.constant 624 : i32
    %mul3A_42 = arith.muli %arg1, %mul3A_41 : i32
    "tpu.region"() ({
      %run_scoped3A = tpu.sem_alloc : memref<!tpu.dma_semaphore, #tpu.memory_space<semaphore_mem>>
      %dma_start3A_189 = arith.constant 0 : i32
      %dma_start3A_190 = tpu.memref_slice %arg15[%mul3A_42, %dma_start3A_189] : memref<10000x64xf32, #tpu.memory_space<vmem_shared>> -> memref<624x64xf32, #tpu.memory_space<vmem_shared>>
      %dma_start3A_191 = arith.constant 0 : i32
      %dma_start3A_192 = tpu.memref_slice %arg2[%mul3A_40, %dma_start3A_191] : memref<10000x64xf32, #tpu.memory_space<hbm>> -> memref<624x64xf32, #tpu.memory_space<hbm>>
      tpu.enqueue_dma source(%dma_start3A_192 : memref<624x64xf32, #tpu.memory_space<hbm>>) target(%dma_start3A_190 : memref<624x64xf32, #tpu.memory_space<vmem_shared>>) target_semaphore(%run_scoped3A : memref<!tpu.dma_semaphore, #tpu.memory_space<semaphore_mem>>)
      %dma_wait3A_193 = arith.constant 0 : i32
      %dma_wait3A_194 = tpu.memref_slice %arg15[%mul3A_42, %dma_wait3A_193] : memref<10000x64xf32, #tpu.memory_space<vmem_shared>> -> memref<624x64xf32, #tpu.memory_space<vmem_shared>>
      %dma_wait3A_195 = arith.constant 0 : i32
      %dma_wait3A_196 = tpu.memref_slice %arg2[%mul3A_40, %dma_wait3A_195] : memref<10000x64xf32, #tpu.memory_space<hbm>> -> memref<624x64xf32, #tpu.memory_space<hbm>>
      tpu.wait_dma2 semaphore(%run_scoped3A : memref<!tpu.dma_semaphore, #tpu.memory_space<semaphore_mem>>) src(%dma_wait3A_196 : memref<624x64xf32, #tpu.memory_space<hbm>>) dst(%dma_wait3A_194 : memref<624x64xf32, #tpu.memory_space<vmem_shared>>)
      tpu.yield
    }) : () -> ()
    %eq3A = arith.constant 15 : i32
    %eq3A_43 = arith.cmpi eq, %arg1, %eq3A : i32
    %convert_element_type3A_44 = arith.extui %eq3A_43 : i1 to i32
    %cond3A_45 = arith.constant 0 : i32
    %cond3A_46 = arith.cmpi ne, %convert_element_type3A_44, %cond3A_45 : i32
    scf.if %cond3A_46 {
      "tpu.region"() ({
        %run_scoped3A = tpu.sem_alloc : memref<!tpu.dma_semaphore, #tpu.memory_space<semaphore_mem>>
        %dma_start3A_189 = arith.constant 9984 : i32
        %dma_start3A_190 = arith.constant 0 : i32
        %dma_start3A_191 = tpu.memref_slice %arg15[%dma_start3A_189, %dma_start3A_190] : memref<10000x64xf32, #tpu.memory_space<vmem_shared>> -> memref<16x64xf32, #tpu.memory_space<vmem_shared>>
        %dma_start3A_192 = arith.constant 9984 : i32
        %dma_start3A_193 = arith.constant 0 : i32
        %dma_start3A_194 = tpu.memref_slice %arg2[%dma_start3A_192, %dma_start3A_193] : memref<10000x64xf32, #tpu.memory_space<hbm>> -> memref<16x64xf32, #tpu.memory_space<hbm>>
        tpu.enqueue_dma source(%dma_start3A_194 : memref<16x64xf32, #tpu.memory_space<hbm>>) target(%dma_start3A_191 : memref<16x64xf32, #tpu.memory_space<vmem_shared>>) target_semaphore(%run_scoped3A : memref<!tpu.dma_semaphore, #tpu.memory_space<semaphore_mem>>)
        %dma_wait3A_195 = arith.constant 9984 : i32
        %dma_wait3A_196 = arith.constant 0 : i32
        %dma_wait3A_197 = tpu.memref_slice %arg15[%dma_wait3A_195, %dma_wait3A_196] : memref<10000x64xf32, #tpu.memory_space<vmem_shared>> -> memref<16x64xf32, #tpu.memory_space<vmem_shared>>
        %dma_wait3A_198 = arith.constant 9984 : i32
        %dma_wait3A_199 = arith.constant 0 : i32
        %dma_wait3A_200 = tpu.memref_slice %arg2[%dma_wait3A_198, %dma_wait3A_199] : memref<10000x64xf32, #tpu.memory_space<hbm>> -> memref<16x64xf32, #tpu.memory_space<hbm>>
        tpu.wait_dma2 semaphore(%run_scoped3A : memref<!tpu.dma_semaphore, #tpu.memory_space<semaphore_mem>>) src(%dma_wait3A_200 : memref<16x64xf32, #tpu.memory_space<hbm>>) dst(%dma_wait3A_197 : memref<16x64xf32, #tpu.memory_space<vmem_shared>>)
        tpu.yield
      }) : () -> ()
    } else {
    }
    %dma_wait3A = arith.constant 0 : i32
    %dma_wait3A_47 = arith.constant 0 : i32
    %dma_wait3A_48 = arith.constant 0 : i32
    %dma_wait3A_49 = tpu.memref_slice %arg5[%dma_wait3A_47, %dma_wait3A_48] : memref<79x128xi32, #tpu.memory_space<vmem>> -> memref<78x128xi32, #tpu.memory_space<vmem>>
    %dma_wait3A_50 = arith.constant 0 : i32
    %dma_wait3A_51 = arith.constant 0 : i32
    %dma_wait3A_52 = tpu.memref_slice %arg3[%dma_wait3A, %dma_wait3A_50, %dma_wait3A_51] : memref<2x2500x128xi32, #tpu.memory_space<hbm>> -> memref<1x78x128xi32, #tpu.memory_space<hbm>>
    %dma_wait3A_53 = tpu.memref_squeeze %dma_wait3A_52 : memref<1x78x128xi32, #tpu.memory_space<hbm>> -> memref<78x128xi32, #tpu.memory_space<hbm>>
    %dma_wait3A_54 = arith.constant 0 : i32
    %dma_wait3A_55 = arith.constant 0 : i32
    %dma_wait3A_56 = tpu.memref_slice %arg5[%dma_wait3A_54, %dma_wait3A_55] : memref<79x128xi32, #tpu.memory_space<vmem>> -> memref<78x128xi32, #tpu.memory_space<vmem>>
    %dma_wait3A_57 = arith.constant 0 : i32
    %dma_wait3A_58 = arith.constant 0 : i32
    %dma_wait3A_59 = tpu.memref_slice %arg3[%dma_wait3A, %dma_wait3A_57, %dma_wait3A_58] : memref<2x2500x128xi32, #tpu.memory_space<hbm>> -> memref<1x78x128xi32, #tpu.memory_space<hbm>>
    %dma_wait3A_60 = tpu.memref_squeeze %dma_wait3A_59 : memref<1x78x128xi32, #tpu.memory_space<hbm>> -> memref<78x128xi32, #tpu.memory_space<hbm>>
    tpu.wait_dma2 semaphore(%arg20 : memref<!tpu.dma_semaphore, #tpu.memory_space<semaphore_mem>>) src(%dma_wait3A_60 : memref<78x128xi32, #tpu.memory_space<hbm>>) dst(%dma_wait3A_56 : memref<78x128xi32, #tpu.memory_space<vmem>>)
    %dma_wait3A_61 = arith.constant 0 : i32
    %dma_wait3A_62 = arith.constant 0 : i32
    %dma_wait3A_63 = arith.constant 0 : i32
    %dma_wait3A_64 = tpu.memref_slice %arg6[%dma_wait3A_62, %dma_wait3A_63] : memref<79x128xi32, #tpu.memory_space<vmem>> -> memref<78x128xi32, #tpu.memory_space<vmem>>
    %dma_wait3A_65 = arith.constant 0 : i32
    %dma_wait3A_66 = arith.constant 0 : i32
    %dma_wait3A_67 = tpu.memref_slice %arg3[%dma_wait3A_61, %dma_wait3A_65, %dma_wait3A_66] : memref<2x2500x128xi32, #tpu.memory_space<hbm>> -> memref<1x78x128xi32, #tpu.memory_space<hbm>>
    %dma_wait3A_68 = tpu.memref_squeeze %dma_wait3A_67 : memref<1x78x128xi32, #tpu.memory_space<hbm>> -> memref<78x128xi32, #tpu.memory_space<hbm>>
    %dma_wait3A_69 = arith.constant 0 : i32
    %dma_wait3A_70 = arith.constant 0 : i32
    %dma_wait3A_71 = tpu.memref_slice %arg6[%dma_wait3A_69, %dma_wait3A_70] : memref<79x128xi32, #tpu.memory_space<vmem>> -> memref<78x128xi32, #tpu.memory_space<vmem>>
    %dma_wait3A_72 = arith.constant 0 : i32
    %dma_wait3A_73 = arith.constant 0 : i32
    %dma_wait3A_74 = tpu.memref_slice %arg3[%dma_wait3A_61, %dma_wait3A_72, %dma_wait3A_73] : memref<2x2500x128xi32, #tpu.memory_space<hbm>> -> memref<1x78x128xi32, #tpu.memory_space<hbm>>
    %dma_wait3A_75 = tpu.memref_squeeze %dma_wait3A_74 : memref<1x78x128xi32, #tpu.memory_space<hbm>> -> memref<78x128xi32, #tpu.memory_space<hbm>>
    tpu.wait_dma2 semaphore(%arg20 : memref<!tpu.dma_semaphore, #tpu.memory_space<semaphore_mem>>) src(%dma_wait3A_75 : memref<78x128xi32, #tpu.memory_space<hbm>>) dst(%dma_wait3A_71 : memref<78x128xi32, #tpu.memory_space<vmem>>)
    %lt3A_76 = arith.constant 4 : i32
    %lt3A_77 = arith.cmpi slt, %add3A, %lt3A_76 : i32
    %convert_element_type3A_78 = arith.extui %lt3A_77 : i1 to i32
    %cond3A_79 = arith.constant 0 : i32
    %cond3A_80 = arith.cmpi ne, %convert_element_type3A_78, %cond3A_79 : i32
    scf.if %cond3A_80 {
      %dma_wait3A_189 = arith.constant 0 : i32
      %dma_wait3A_190 = arith.constant 0 : i32
      %dma_wait3A_191 = arith.constant 0 : i32
      %dma_wait3A_192 = tpu.memref_slice %arg5[%dma_wait3A_190, %dma_wait3A_191] : memref<79x128xi32, #tpu.memory_space<vmem>> -> memref<1x128xi32, #tpu.memory_space<vmem>>
      %dma_wait3A_193 = arith.constant 0 : i32
      %dma_wait3A_194 = arith.constant 0 : i32
      %dma_wait3A_195 = tpu.memref_slice %arg3[%dma_wait3A_189, %dma_wait3A_193, %dma_wait3A_194] : memref<2x2500x128xi32, #tpu.memory_space<hbm>> -> memref<1x1x128xi32, #tpu.memory_space<hbm>>
      %dma_wait3A_196 = tpu.memref_squeeze %dma_wait3A_195 : memref<1x1x128xi32, #tpu.memory_space<hbm>> -> memref<1x128xi32, #tpu.memory_space<hbm>>
      %dma_wait3A_197 = arith.constant 0 : i32
      %dma_wait3A_198 = arith.constant 0 : i32
      %dma_wait3A_199 = tpu.memref_slice %arg5[%dma_wait3A_197, %dma_wait3A_198] : memref<79x128xi32, #tpu.memory_space<vmem>> -> memref<1x128xi32, #tpu.memory_space<vmem>>
      %dma_wait3A_200 = arith.constant 0 : i32
      %dma_wait3A_201 = arith.constant 0 : i32
      %dma_wait3A_202 = tpu.memref_slice %arg3[%dma_wait3A_189, %dma_wait3A_200, %dma_wait3A_201] : memref<2x2500x128xi32, #tpu.memory_space<hbm>> -> memref<1x1x128xi32, #tpu.memory_space<hbm>>
      %dma_wait3A_203 = tpu.memref_squeeze %dma_wait3A_202 : memref<1x1x128xi32, #tpu.memory_space<hbm>> -> memref<1x128xi32, #tpu.memory_space<hbm>>
      tpu.wait_dma2 semaphore(%arg20 : memref<!tpu.dma_semaphore, #tpu.memory_space<semaphore_mem>>) src(%dma_wait3A_203 : memref<1x128xi32, #tpu.memory_space<hbm>>) dst(%dma_wait3A_199 : memref<1x128xi32, #tpu.memory_space<vmem>>)
      %dma_wait3A_204 = arith.constant 0 : i32
      %dma_wait3A_205 = arith.constant 0 : i32
      %dma_wait3A_206 = arith.constant 0 : i32
      %dma_wait3A_207 = tpu.memref_slice %arg6[%dma_wait3A_205, %dma_wait3A_206] : memref<79x128xi32, #tpu.memory_space<vmem>> -> memref<1x128xi32, #tpu.memory_space<vmem>>
      %dma_wait3A_208 = arith.constant 0 : i32
      %dma_wait3A_209 = arith.constant 0 : i32
      %dma_wait3A_210 = tpu.memref_slice %arg3[%dma_wait3A_204, %dma_wait3A_208, %dma_wait3A_209] : memref<2x2500x128xi32, #tpu.memory_space<hbm>> -> memref<1x1x128xi32, #tpu.memory_space<hbm>>
      %dma_wait3A_211 = tpu.memref_squeeze %dma_wait3A_210 : memref<1x1x128xi32, #tpu.memory_space<hbm>> -> memref<1x128xi32, #tpu.memory_space<hbm>>
      %dma_wait3A_212 = arith.constant 0 : i32
      %dma_wait3A_213 = arith.constant 0 : i32
      %dma_wait3A_214 = tpu.memref_slice %arg6[%dma_wait3A_212, %dma_wait3A_213] : memref<79x128xi32, #tpu.memory_space<vmem>> -> memref<1x128xi32, #tpu.memory_space<vmem>>
      %dma_wait3A_215 = arith.constant 0 : i32
      %dma_wait3A_216 = arith.constant 0 : i32
      %dma_wait3A_217 = tpu.memref_slice %arg3[%dma_wait3A_204, %dma_wait3A_215, %dma_wait3A_216] : memref<2x2500x128xi32, #tpu.memory_space<hbm>> -> memref<1x1x128xi32, #tpu.memory_space<hbm>>
      %dma_wait3A_218 = tpu.memref_squeeze %dma_wait3A_217 : memref<1x1x128xi32, #tpu.memory_space<hbm>> -> memref<1x128xi32, #tpu.memory_space<hbm>>
      tpu.wait_dma2 semaphore(%arg20 : memref<!tpu.dma_semaphore, #tpu.memory_space<semaphore_mem>>) src(%dma_wait3A_218 : memref<1x128xi32, #tpu.memory_space<hbm>>) dst(%dma_wait3A_214 : memref<1x128xi32, #tpu.memory_space<vmem>>)
    } else {
    }
    %dma_start3A_81 = arith.constant 0 : i32
    %dma_start3A_82 = arith.constant 0 : i32
    %dma_start3A_83 = tpu.memref_slice %arg5[%dma_start3A_81, %dma_start3A_82] : memref<79x128xi32, #tpu.memory_space<vmem>> -> memref<1x128xi32, #tpu.memory_space<vmem>>
    %dma_start3A_84 = tpu.memref_squeeze %dma_start3A_83 : memref<1x128xi32, #tpu.memory_space<vmem>> -> memref<128xi32, #tpu.memory_space<vmem>>
    %dma_start3A_85 = arith.constant 0 : i32
    %dma_start3A_86 = arith.constant 0 : i32
    %dma_start3A_87 = tpu.memref_slice %arg2[%dma_start3A_85, %dma_start3A_86] : memref<10000x64xf32, #tpu.memory_space<hbm>> -> memref<10000x64xf32, #tpu.memory_space<hbm>>
    tpu.enqueue_indirect_dma source(%dma_start3A_87 : memref<10000x64xf32, #tpu.memory_space<hbm>>) target(%arg7 : memref<128x64xf32, #tpu.memory_space<vmem>>) offsets(%dma_start3A_84 : memref<128xi32, #tpu.memory_space<vmem>>) semaphore(%arg16 : memref<!tpu.dma_semaphore, #tpu.memory_space<semaphore_mem>>)
    %dma_start3A_88 = arith.constant 1 : i32
    %dma_start3A_89 = arith.constant 0 : i32
    %dma_start3A_90 = tpu.memref_slice %arg5[%dma_start3A_88, %dma_start3A_89] : memref<79x128xi32, #tpu.memory_space<vmem>> -> memref<1x128xi32, #tpu.memory_space<vmem>>
    %dma_start3A_91 = tpu.memref_squeeze %dma_start3A_90 : memref<1x128xi32, #tpu.memory_space<vmem>> -> memref<128xi32, #tpu.memory_space<vmem>>
    %dma_start3A_92 = arith.constant 0 : i32
    %dma_start3A_93 = arith.constant 0 : i32
    %dma_start3A_94 = tpu.memref_slice %arg2[%dma_start3A_92, %dma_start3A_93] : memref<10000x64xf32, #tpu.memory_space<hbm>> -> memref<10000x64xf32, #tpu.memory_space<hbm>>
    tpu.enqueue_indirect_dma source(%dma_start3A_94 : memref<10000x64xf32, #tpu.memory_space<hbm>>) target(%arg8 : memref<128x64xf32, #tpu.memory_space<vmem>>) offsets(%dma_start3A_91 : memref<128xi32, #tpu.memory_space<vmem>>) semaphore(%arg16 : memref<!tpu.dma_semaphore, #tpu.memory_space<semaphore_mem>>)
    %dma_start3A_95 = arith.constant 2 : i32
    %dma_start3A_96 = arith.constant 0 : i32
    %dma_start3A_97 = tpu.memref_slice %arg5[%dma_start3A_95, %dma_start3A_96] : memref<79x128xi32, #tpu.memory_space<vmem>> -> memref<1x128xi32, #tpu.memory_space<vmem>>
    %dma_start3A_98 = tpu.memref_squeeze %dma_start3A_97 : memref<1x128xi32, #tpu.memory_space<vmem>> -> memref<128xi32, #tpu.memory_space<vmem>>
    %dma_start3A_99 = arith.constant 0 : i32
    %dma_start3A_100 = arith.constant 0 : i32
    %dma_start3A_101 = tpu.memref_slice %arg2[%dma_start3A_99, %dma_start3A_100] : memref<10000x64xf32, #tpu.memory_space<hbm>> -> memref<10000x64xf32, #tpu.memory_space<hbm>>
    tpu.enqueue_indirect_dma source(%dma_start3A_101 : memref<10000x64xf32, #tpu.memory_space<hbm>>) target(%arg9 : memref<128x64xf32, #tpu.memory_space<vmem>>) offsets(%dma_start3A_98 : memref<128xi32, #tpu.memory_space<vmem>>) semaphore(%arg16 : memref<!tpu.dma_semaphore, #tpu.memory_space<semaphore_mem>>)
    %dma_start3A_102 = arith.constant 3 : i32
    %dma_start3A_103 = arith.constant 0 : i32
    %dma_start3A_104 = tpu.memref_slice %arg5[%dma_start3A_102, %dma_start3A_103] : memref<79x128xi32, #tpu.memory_space<vmem>> -> memref<1x128xi32, #tpu.memory_space<vmem>>
    %dma_start3A_105 = tpu.memref_squeeze %dma_start3A_104 : memref<1x128xi32, #tpu.memory_space<vmem>> -> memref<128xi32, #tpu.memory_space<vmem>>
    %dma_start3A_106 = arith.constant 0 : i32
    %dma_start3A_107 = arith.constant 0 : i32
    %dma_start3A_108 = tpu.memref_slice %arg2[%dma_start3A_106, %dma_start3A_107] : memref<10000x64xf32, #tpu.memory_space<hbm>> -> memref<10000x64xf32, #tpu.memory_space<hbm>>
    tpu.enqueue_indirect_dma source(%dma_start3A_108 : memref<10000x64xf32, #tpu.memory_space<hbm>>) target(%arg10 : memref<128x64xf32, #tpu.memory_space<vmem>>) offsets(%dma_start3A_105 : memref<128xi32, #tpu.memory_space<vmem>>) semaphore(%arg16 : memref<!tpu.dma_semaphore, #tpu.memory_space<semaphore_mem>>)
    %barrier3A = arith.constant 0 : index
    tpu.barrier barrier_id(%barrier3A)
    %scan3A = arith.constant 0 : i32
    %scan3A_109 = arith.constant 0 : i32
    %scan3A_110 = arith.constant 9 : i32
    %scan3A_111 = arith.addi %scan3A_109, %scan3A_110 : i32
    %scan3A_112 = arith.constant 1 : i32
    scf.for %scan3A_189 = %scan3A_109 to %scan3A_111 step %scan3A_112  : i32 {
      %gt3A = arith.constant 0 : i32
      %gt3A_190 = arith.cmpi sgt, %scan3A_189, %gt3A : i32
      %convert_element_type3A_191 = arith.extui %gt3A_190 : i1 to i32
      %cond3A_192 = arith.constant 0 : i32
      %cond3A_193 = arith.cmpi ne, %convert_element_type3A_191, %cond3A_192 : i32
      scf.if %cond3A_193 {
        %dma_wait3A_391 = arith.constant 0 : i32
        %dma_wait3A_392 = arith.constant 0 : i32
        %dma_wait3A_393 = tpu.memref_slice %arg6[%dma_wait3A_391, %dma_wait3A_392] : memref<79x128xi32, #tpu.memory_space<vmem>> -> memref<1x128xi32, #tpu.memory_space<vmem>>
        %dma_wait3A_394 = tpu.memref_squeeze %dma_wait3A_393 : memref<1x128xi32, #tpu.memory_space<vmem>> -> memref<128xi32, #tpu.memory_space<vmem>>
        %dma_wait3A_395 = arith.constant 0 : i32
        %dma_wait3A_396 = arith.constant 0 : i32
        %dma_wait3A_397 = tpu.memref_slice %arg15[%dma_wait3A_395, %dma_wait3A_396] : memref<10000x64xf32, #tpu.memory_space<vmem_shared>> -> memref<10000x64xf32, #tpu.memory_space<vmem_shared>>
        tpu.wait_indirect_dma semaphore(%arg19 : memref<!tpu.dma_semaphore, #tpu.memory_space<semaphore_mem>>) src(%arg11 : memref<128x64xf32, #tpu.memory_space<vmem>>) dst(%dma_wait3A_397 : memref<10000x64xf32, #tpu.memory_space<vmem_shared>>)
        %dma_wait3A_398 = arith.constant 0 : i32
        %dma_wait3A_399 = arith.constant 0 : i32
        %dma_wait3A_400 = tpu.memref_slice %arg6[%dma_wait3A_398, %dma_wait3A_399] : memref<79x128xi32, #tpu.memory_space<vmem>> -> memref<1x128xi32, #tpu.memory_space<vmem>>
        %dma_wait3A_401 = tpu.memref_squeeze %dma_wait3A_400 : memref<1x128xi32, #tpu.memory_space<vmem>> -> memref<128xi32, #tpu.memory_space<vmem>>
        %dma_wait3A_402 = arith.constant 0 : i32
        %dma_wait3A_403 = arith.constant 0 : i32
        %dma_wait3A_404 = tpu.memref_slice %arg15[%dma_wait3A_402, %dma_wait3A_403] : memref<10000x64xf32, #tpu.memory_space<vmem_shared>> -> memref<10000x64xf32, #tpu.memory_space<vmem_shared>>
        tpu.wait_indirect_dma semaphore(%arg19 : memref<!tpu.dma_semaphore, #tpu.memory_space<semaphore_mem>>) src(%arg12 : memref<128x64xf32, #tpu.memory_space<vmem>>) dst(%dma_wait3A_404 : memref<10000x64xf32, #tpu.memory_space<vmem_shared>>)
        %dma_wait3A_405 = arith.constant 0 : i32
        %dma_wait3A_406 = arith.constant 0 : i32
        %dma_wait3A_407 = tpu.memref_slice %arg6[%dma_wait3A_405, %dma_wait3A_406] : memref<79x128xi32, #tpu.memory_space<vmem>> -> memref<1x128xi32, #tpu.memory_space<vmem>>
        %dma_wait3A_408 = tpu.memref_squeeze %dma_wait3A_407 : memref<1x128xi32, #tpu.memory_space<vmem>> -> memref<128xi32, #tpu.memory_space<vmem>>
        %dma_wait3A_409 = arith.constant 0 : i32
        %dma_wait3A_410 = arith.constant 0 : i32
        %dma_wait3A_411 = tpu.memref_slice %arg15[%dma_wait3A_409, %dma_wait3A_410] : memref<10000x64xf32, #tpu.memory_space<vmem_shared>> -> memref<10000x64xf32, #tpu.memory_space<vmem_shared>>
        tpu.wait_indirect_dma semaphore(%arg19 : memref<!tpu.dma_semaphore, #tpu.memory_space<semaphore_mem>>) src(%arg13 : memref<128x64xf32, #tpu.memory_space<vmem>>) dst(%dma_wait3A_411 : memref<10000x64xf32, #tpu.memory_space<vmem_shared>>)
        %dma_wait3A_412 = arith.constant 0 : i32
        %dma_wait3A_413 = arith.constant 0 : i32
        %dma_wait3A_414 = tpu.memref_slice %arg6[%dma_wait3A_412, %dma_wait3A_413] : memref<79x128xi32, #tpu.memory_space<vmem>> -> memref<1x128xi32, #tpu.memory_space<vmem>>
        %dma_wait3A_415 = tpu.memref_squeeze %dma_wait3A_414 : memref<1x128xi32, #tpu.memory_space<vmem>> -> memref<128xi32, #tpu.memory_space<vmem>>
        %dma_wait3A_416 = arith.constant 0 : i32
        %dma_wait3A_417 = arith.constant 0 : i32
        %dma_wait3A_418 = tpu.memref_slice %arg15[%dma_wait3A_416, %dma_wait3A_417] : memref<10000x64xf32, #tpu.memory_space<vmem_shared>> -> memref<10000x64xf32, #tpu.memory_space<vmem_shared>>
        tpu.wait_indirect_dma semaphore(%arg19 : memref<!tpu.dma_semaphore, #tpu.memory_space<semaphore_mem>>) src(%arg14 : memref<128x64xf32, #tpu.memory_space<vmem>>) dst(%dma_wait3A_418 : memref<10000x64xf32, #tpu.memory_space<vmem_shared>>)
      } else {
      }
      %mul3A_194 = arith.constant 8 : i32
      %mul3A_195 = arith.muli %mul3A_194, %scan3A_189 : i32
      %add3A_196 = arith.constant 4 : i32
      %add3A_197 = arith.addi %mul3A_195, %add3A_196 : i32
      %add3A_198 = arith.constant 0 : i32
      %add3A_199 = arith.addi %add3A_197, %add3A_198 : i32
      %dma_start3A_200 = arith.constant 0 : i32
      %dma_start3A_201 = tpu.memref_slice %arg5[%add3A_199, %dma_start3A_200] : memref<79x128xi32, #tpu.memory_space<vmem>> -> memref<1x128xi32, #tpu.memory_space<vmem>>
      %dma_start3A_202 = tpu.memref_squeeze %dma_start3A_201 : memref<1x128xi32, #tpu.memory_space<vmem>> -> memref<128xi32, #tpu.memory_space<vmem>>
      %dma_start3A_203 = arith.constant 0 : i32
      %dma_start3A_204 = arith.constant 0 : i32
      %dma_start3A_205 = tpu.memref_slice %arg2[%dma_start3A_203, %dma_start3A_204] : memref<10000x64xf32, #tpu.memory_space<hbm>> -> memref<10000x64xf32, #tpu.memory_space<hbm>>
      tpu.enqueue_indirect_dma source(%dma_start3A_205 : memref<10000x64xf32, #tpu.memory_space<hbm>>) target(%arg11 : memref<128x64xf32, #tpu.memory_space<vmem>>) offsets(%dma_start3A_202 : memref<128xi32, #tpu.memory_space<vmem>>) semaphore(%arg18 : memref<!tpu.dma_semaphore, #tpu.memory_space<semaphore_mem>>)
      %mul3A_206 = arith.constant 8 : i32
      %mul3A_207 = arith.muli %mul3A_206, %scan3A_189 : i32
      %add3A_208 = arith.constant 4 : i32
      %add3A_209 = arith.addi %mul3A_207, %add3A_208 : i32
      %add3A_210 = arith.constant 1 : i32
      %add3A_211 = arith.addi %add3A_209, %add3A_210 : i32
      %dma_start3A_212 = arith.constant 0 : i32
      %dma_start3A_213 = tpu.memref_slice %arg5[%add3A_211, %dma_start3A_212] : memref<79x128xi32, #tpu.memory_space<vmem>> -> memref<1x128xi32, #tpu.memory_space<vmem>>
      %dma_start3A_214 = tpu.memref_squeeze %dma_start3A_213 : memref<1x128xi32, #tpu.memory_space<vmem>> -> memref<128xi32, #tpu.memory_space<vmem>>
      %dma_start3A_215 = arith.constant 0 : i32
      %dma_start3A_216 = arith.constant 0 : i32
      %dma_start3A_217 = tpu.memref_slice %arg2[%dma_start3A_215, %dma_start3A_216] : memref<10000x64xf32, #tpu.memory_space<hbm>> -> memref<10000x64xf32, #tpu.memory_space<hbm>>
      tpu.enqueue_indirect_dma source(%dma_start3A_217 : memref<10000x64xf32, #tpu.memory_space<hbm>>) target(%arg12 : memref<128x64xf32, #tpu.memory_space<vmem>>) offsets(%dma_start3A_214 : memref<128xi32, #tpu.memory_space<vmem>>) semaphore(%arg18 : memref<!tpu.dma_semaphore, #tpu.memory_space<semaphore_mem>>)
      %mul3A_218 = arith.constant 8 : i32
      %mul3A_219 = arith.muli %mul3A_218, %scan3A_189 : i32
      %add3A_220 = arith.constant 4 : i32
      %add3A_221 = arith.addi %mul3A_219, %add3A_220 : i32
      %add3A_222 = arith.constant 2 : i32
      %add3A_223 = arith.addi %add3A_221, %add3A_222 : i32
      %dma_start3A_224 = arith.constant 0 : i32
      %dma_start3A_225 = tpu.memref_slice %arg5[%add3A_223, %dma_start3A_224] : memref<79x128xi32, #tpu.memory_space<vmem>> -> memref<1x128xi32, #tpu.memory_space<vmem>>
      %dma_start3A_226 = tpu.memref_squeeze %dma_start3A_225 : memref<1x128xi32, #tpu.memory_space<vmem>> -> memref<128xi32, #tpu.memory_space<vmem>>
      %dma_start3A_227 = arith.constant 0 : i32
      %dma_start3A_228 = arith.constant 0 : i32
      %dma_start3A_229 = tpu.memref_slice %arg2[%dma_start3A_227, %dma_start3A_228] : memref<10000x64xf32, #tpu.memory_space<hbm>> -> memref<10000x64xf32, #tpu.memory_space<hbm>>
      tpu.enqueue_indirect_dma source(%dma_start3A_229 : memref<10000x64xf32, #tpu.memory_space<hbm>>) target(%arg13 : memref<128x64xf32, #tpu.memory_space<vmem>>) offsets(%dma_start3A_226 : memref<128xi32, #tpu.memory_space<vmem>>) semaphore(%arg18 : memref<!tpu.dma_semaphore, #tpu.memory_space<semaphore_mem>>)
      %mul3A_230 = arith.constant 8 : i32
      %mul3A_231 = arith.muli %mul3A_230, %scan3A_189 : i32
      %add3A_232 = arith.constant 4 : i32
      %add3A_233 = arith.addi %mul3A_231, %add3A_232 : i32
      %add3A_234 = arith.constant 3 : i32
      %add3A_235 = arith.addi %add3A_233, %add3A_234 : i32
      %dma_start3A_236 = arith.constant 0 : i32
      %dma_start3A_237 = tpu.memref_slice %arg5[%add3A_235, %dma_start3A_236] : memref<79x128xi32, #tpu.memory_space<vmem>> -> memref<1x128xi32, #tpu.memory_space<vmem>>
      %dma_start3A_238 = tpu.memref_squeeze %dma_start3A_237 : memref<1x128xi32, #tpu.memory_space<vmem>> -> memref<128xi32, #tpu.memory_space<vmem>>
      %dma_start3A_239 = arith.constant 0 : i32
      %dma_start3A_240 = arith.constant 0 : i32
      %dma_start3A_241 = tpu.memref_slice %arg2[%dma_start3A_239, %dma_start3A_240] : memref<10000x64xf32, #tpu.memory_space<hbm>> -> memref<10000x64xf32, #tpu.memory_space<hbm>>
      tpu.enqueue_indirect_dma source(%dma_start3A_241 : memref<10000x64xf32, #tpu.memory_space<hbm>>) target(%arg14 : memref<128x64xf32, #tpu.memory_space<vmem>>) offsets(%dma_start3A_238 : memref<128xi32, #tpu.memory_space<vmem>>) semaphore(%arg18 : memref<!tpu.dma_semaphore, #tpu.memory_space<semaphore_mem>>)
      %dma_wait3A_242 = arith.constant 0 : i32
      %dma_wait3A_243 = arith.constant 0 : i32
      %dma_wait3A_244 = tpu.memref_slice %arg5[%dma_wait3A_242, %dma_wait3A_243] : memref<79x128xi32, #tpu.memory_space<vmem>> -> memref<1x128xi32, #tpu.memory_space<vmem>>
      %dma_wait3A_245 = tpu.memref_squeeze %dma_wait3A_244 : memref<1x128xi32, #tpu.memory_space<vmem>> -> memref<128xi32, #tpu.memory_space<vmem>>
      %dma_wait3A_246 = arith.constant 0 : i32
      %dma_wait3A_247 = arith.constant 0 : i32
      %dma_wait3A_248 = tpu.memref_slice %arg2[%dma_wait3A_246, %dma_wait3A_247] : memref<10000x64xf32, #tpu.memory_space<hbm>> -> memref<10000x64xf32, #tpu.memory_space<hbm>>
      tpu.wait_indirect_dma semaphore(%arg16 : memref<!tpu.dma_semaphore, #tpu.memory_space<semaphore_mem>>) src(%dma_wait3A_248 : memref<10000x64xf32, #tpu.memory_space<hbm>>) dst(%arg7 : memref<128x64xf32, #tpu.memory_space<vmem>>)
      %dma_wait3A_249 = arith.constant 0 : i32
      %dma_wait3A_250 = arith.constant 0 : i32
      %dma_wait3A_251 = tpu.memref_slice %arg5[%dma_wait3A_249, %dma_wait3A_250] : memref<79x128xi32, #tpu.memory_space<vmem>> -> memref<1x128xi32, #tpu.memory_space<vmem>>
      %dma_wait3A_252 = tpu.memref_squeeze %dma_wait3A_251 : memref<1x128xi32, #tpu.memory_space<vmem>> -> memref<128xi32, #tpu.memory_space<vmem>>
      %dma_wait3A_253 = arith.constant 0 : i32
      %dma_wait3A_254 = arith.constant 0 : i32
      %dma_wait3A_255 = tpu.memref_slice %arg2[%dma_wait3A_253, %dma_wait3A_254] : memref<10000x64xf32, #tpu.memory_space<hbm>> -> memref<10000x64xf32, #tpu.memory_space<hbm>>
      tpu.wait_indirect_dma semaphore(%arg16 : memref<!tpu.dma_semaphore, #tpu.memory_space<semaphore_mem>>) src(%dma_wait3A_255 : memref<10000x64xf32, #tpu.memory_space<hbm>>) dst(%arg8 : memref<128x64xf32, #tpu.memory_space<vmem>>)
      %dma_wait3A_256 = arith.constant 0 : i32
      %dma_wait3A_257 = arith.constant 0 : i32
      %dma_wait3A_258 = tpu.memref_slice %arg5[%dma_wait3A_256, %dma_wait3A_257] : memref<79x128xi32, #tpu.memory_space<vmem>> -> memref<1x128xi32, #tpu.memory_space<vmem>>
      %dma_wait3A_259 = tpu.memref_squeeze %dma_wait3A_258 : memref<1x128xi32, #tpu.memory_space<vmem>> -> memref<128xi32, #tpu.memory_space<vmem>>
      %dma_wait3A_260 = arith.constant 0 : i32
      %dma_wait3A_261 = arith.constant 0 : i32
      %dma_wait3A_262 = tpu.memref_slice %arg2[%dma_wait3A_260, %dma_wait3A_261] : memref<10000x64xf32, #tpu.memory_space<hbm>> -> memref<10000x64xf32, #tpu.memory_space<hbm>>
      tpu.wait_indirect_dma semaphore(%arg16 : memref<!tpu.dma_semaphore, #tpu.memory_space<semaphore_mem>>) src(%dma_wait3A_262 : memref<10000x64xf32, #tpu.memory_space<hbm>>) dst(%arg9 : memref<128x64xf32, #tpu.memory_space<vmem>>)
      %dma_wait3A_263 = arith.constant 0 : i32
      %dma_wait3A_264 = arith.constant 0 : i32
      %dma_wait3A_265 = tpu.memref_slice %arg5[%dma_wait3A_263, %dma_wait3A_264] : memref<79x128xi32, #tpu.memory_space<vmem>> -> memref<1x128xi32, #tpu.memory_space<vmem>>
      %dma_wait3A_266 = tpu.memref_squeeze %dma_wait3A_265 : memref<1x128xi32, #tpu.memory_space<vmem>> -> memref<128xi32, #tpu.memory_space<vmem>>
      %dma_wait3A_267 = arith.constant 0 : i32
      %dma_wait3A_268 = arith.constant 0 : i32
      %dma_wait3A_269 = tpu.memref_slice %arg2[%dma_wait3A_267, %dma_wait3A_268] : memref<10000x64xf32, #tpu.memory_space<hbm>> -> memref<10000x64xf32, #tpu.memory_space<hbm>>
      tpu.wait_indirect_dma semaphore(%arg16 : memref<!tpu.dma_semaphore, #tpu.memory_space<semaphore_mem>>) src(%dma_wait3A_269 : memref<10000x64xf32, #tpu.memory_space<hbm>>) dst(%arg10 : memref<128x64xf32, #tpu.memory_space<vmem>>)
      %mul3A_270 = arith.constant 8 : i32
      %mul3A_271 = arith.muli %mul3A_270, %scan3A_189 : i32
      %add3A_272 = arith.constant 0 : i32
      %add3A_273 = arith.addi %mul3A_271, %add3A_272 : i32
      %dma_start3A_274 = arith.constant 0 : i32
      %dma_start3A_275 = tpu.memref_slice %arg6[%add3A_273, %dma_start3A_274] : memref<79x128xi32, #tpu.memory_space<vmem>> -> memref<1x128xi32, #tpu.memory_space<vmem>>
      %dma_start3A_276 = tpu.memref_squeeze %dma_start3A_275 : memref<1x128xi32, #tpu.memory_space<vmem>> -> memref<128xi32, #tpu.memory_space<vmem>>
      %dma_start3A_277 = arith.constant 0 : i32
      %dma_start3A_278 = arith.constant 0 : i32
      %dma_start3A_279 = tpu.memref_slice %arg15[%dma_start3A_277, %dma_start3A_278] : memref<10000x64xf32, #tpu.memory_space<vmem_shared>> -> memref<10000x64xf32, #tpu.memory_space<vmem_shared>>
      tpu.enqueue_indirect_dma source(%arg7 : memref<128x64xf32, #tpu.memory_space<vmem>>) target(%dma_start3A_279 : memref<10000x64xf32, #tpu.memory_space<vmem_shared>>) offsets(%dma_start3A_276 : memref<128xi32, #tpu.memory_space<vmem>>) semaphore(%arg17 : memref<!tpu.dma_semaphore, #tpu.memory_space<semaphore_mem>>) {add = true}
      %mul3A_280 = arith.constant 8 : i32
      %mul3A_281 = arith.muli %mul3A_280, %scan3A_189 : i32
      %add3A_282 = arith.constant 1 : i32
      %add3A_283 = arith.addi %mul3A_281, %add3A_282 : i32
      %dma_start3A_284 = arith.constant 0 : i32
      %dma_start3A_285 = tpu.memref_slice %arg6[%add3A_283, %dma_start3A_284] : memref<79x128xi32, #tpu.memory_space<vmem>> -> memref<1x128xi32, #tpu.memory_space<vmem>>
      %dma_start3A_286 = tpu.memref_squeeze %dma_start3A_285 : memref<1x128xi32, #tpu.memory_space<vmem>> -> memref<128xi32, #tpu.memory_space<vmem>>
      %dma_start3A_287 = arith.constant 0 : i32
      %dma_start3A_288 = arith.constant 0 : i32
      %dma_start3A_289 = tpu.memref_slice %arg15[%dma_start3A_287, %dma_start3A_288] : memref<10000x64xf32, #tpu.memory_space<vmem_shared>> -> memref<10000x64xf32, #tpu.memory_space<vmem_shared>>
      tpu.enqueue_indirect_dma source(%arg8 : memref<128x64xf32, #tpu.memory_space<vmem>>) target(%dma_start3A_289 : memref<10000x64xf32, #tpu.memory_space<vmem_shared>>) offsets(%dma_start3A_286 : memref<128xi32, #tpu.memory_space<vmem>>) semaphore(%arg17 : memref<!tpu.dma_semaphore, #tpu.memory_space<semaphore_mem>>) {add = true}
      %mul3A_290 = arith.constant 8 : i32
      %mul3A_291 = arith.muli %mul3A_290, %scan3A_189 : i32
      %add3A_292 = arith.constant 2 : i32
      %add3A_293 = arith.addi %mul3A_291, %add3A_292 : i32
      %dma_start3A_294 = arith.constant 0 : i32
      %dma_start3A_295 = tpu.memref_slice %arg6[%add3A_293, %dma_start3A_294] : memref<79x128xi32, #tpu.memory_space<vmem>> -> memref<1x128xi32, #tpu.memory_space<vmem>>
      %dma_start3A_296 = tpu.memref_squeeze %dma_start3A_295 : memref<1x128xi32, #tpu.memory_space<vmem>> -> memref<128xi32, #tpu.memory_space<vmem>>
      %dma_start3A_297 = arith.constant 0 : i32
      %dma_start3A_298 = arith.constant 0 : i32
      %dma_start3A_299 = tpu.memref_slice %arg15[%dma_start3A_297, %dma_start3A_298] : memref<10000x64xf32, #tpu.memory_space<vmem_shared>> -> memref<10000x64xf32, #tpu.memory_space<vmem_shared>>
      tpu.enqueue_indirect_dma source(%arg9 : memref<128x64xf32, #tpu.memory_space<vmem>>) target(%dma_start3A_299 : memref<10000x64xf32, #tpu.memory_space<vmem_shared>>) offsets(%dma_start3A_296 : memref<128xi32, #tpu.memory_space<vmem>>) semaphore(%arg17 : memref<!tpu.dma_semaphore, #tpu.memory_space<semaphore_mem>>) {add = true}
      %mul3A_300 = arith.constant 8 : i32
      %mul3A_301 = arith.muli %mul3A_300, %scan3A_189 : i32
      %add3A_302 = arith.constant 3 : i32
      %add3A_303 = arith.addi %mul3A_301, %add3A_302 : i32
      %dma_start3A_304 = arith.constant 0 : i32
      %dma_start3A_305 = tpu.memref_slice %arg6[%add3A_303, %dma_start3A_304] : memref<79x128xi32, #tpu.memory_space<vmem>> -> memref<1x128xi32, #tpu.memory_space<vmem>>
      %dma_start3A_306 = tpu.memref_squeeze %dma_start3A_305 : memref<1x128xi32, #tpu.memory_space<vmem>> -> memref<128xi32, #tpu.memory_space<vmem>>
      %dma_start3A_307 = arith.constant 0 : i32
      %dma_start3A_308 = arith.constant 0 : i32
      %dma_start3A_309 = tpu.memref_slice %arg15[%dma_start3A_307, %dma_start3A_308] : memref<10000x64xf32, #tpu.memory_space<vmem_shared>> -> memref<10000x64xf32, #tpu.memory_space<vmem_shared>>
      tpu.enqueue_indirect_dma source(%arg10 : memref<128x64xf32, #tpu.memory_space<vmem>>) target(%dma_start3A_309 : memref<10000x64xf32, #tpu.memory_space<vmem_shared>>) offsets(%dma_start3A_306 : memref<128xi32, #tpu.memory_space<vmem>>) semaphore(%arg17 : memref<!tpu.dma_semaphore, #tpu.memory_space<semaphore_mem>>) {add = true}
      %lt3A_310 = arith.constant 8 : i32
      %lt3A_311 = arith.cmpi slt, %scan3A_189, %lt3A_310 : i32
      %convert_element_type3A_312 = arith.extui %lt3A_311 : i1 to i32
      %cond3A_313 = arith.constant 0 : i32
      %cond3A_314 = arith.cmpi ne, %convert_element_type3A_312, %cond3A_313 : i32
      scf.if %cond3A_314 {
        %dma_wait3A_391 = arith.constant 0 : i32
        %dma_wait3A_392 = arith.constant 0 : i32
        %dma_wait3A_393 = tpu.memref_slice %arg6[%dma_wait3A_391, %dma_wait3A_392] : memref<79x128xi32, #tpu.memory_space<vmem>> -> memref<1x128xi32, #tpu.memory_space<vmem>>
        %dma_wait3A_394 = tpu.memref_squeeze %dma_wait3A_393 : memref<1x128xi32, #tpu.memory_space<vmem>> -> memref<128xi32, #tpu.memory_space<vmem>>
        %dma_wait3A_395 = arith.constant 0 : i32
        %dma_wait3A_396 = arith.constant 0 : i32
        %dma_wait3A_397 = tpu.memref_slice %arg15[%dma_wait3A_395, %dma_wait3A_396] : memref<10000x64xf32, #tpu.memory_space<vmem_shared>> -> memref<10000x64xf32, #tpu.memory_space<vmem_shared>>
        tpu.wait_indirect_dma semaphore(%arg17 : memref<!tpu.dma_semaphore, #tpu.memory_space<semaphore_mem>>) src(%arg7 : memref<128x64xf32, #tpu.memory_space<vmem>>) dst(%dma_wait3A_397 : memref<10000x64xf32, #tpu.memory_space<vmem_shared>>)
        %dma_wait3A_398 = arith.constant 0 : i32
        %dma_wait3A_399 = arith.constant 0 : i32
        %dma_wait3A_400 = tpu.memref_slice %arg6[%dma_wait3A_398, %dma_wait3A_399] : memref<79x128xi32, #tpu.memory_space<vmem>> -> memref<1x128xi32, #tpu.memory_space<vmem>>
        %dma_wait3A_401 = tpu.memref_squeeze %dma_wait3A_400 : memref<1x128xi32, #tpu.memory_space<vmem>> -> memref<128xi32, #tpu.memory_space<vmem>>
        %dma_wait3A_402 = arith.constant 0 : i32
        %dma_wait3A_403 = arith.constant 0 : i32
        %dma_wait3A_404 = tpu.memref_slice %arg15[%dma_wait3A_402, %dma_wait3A_403] : memref<10000x64xf32, #tpu.memory_space<vmem_shared>> -> memref<10000x64xf32, #tpu.memory_space<vmem_shared>>
        tpu.wait_indirect_dma semaphore(%arg17 : memref<!tpu.dma_semaphore, #tpu.memory_space<semaphore_mem>>) src(%arg8 : memref<128x64xf32, #tpu.memory_space<vmem>>) dst(%dma_wait3A_404 : memref<10000x64xf32, #tpu.memory_space<vmem_shared>>)
        %dma_wait3A_405 = arith.constant 0 : i32
        %dma_wait3A_406 = arith.constant 0 : i32
        %dma_wait3A_407 = tpu.memref_slice %arg6[%dma_wait3A_405, %dma_wait3A_406] : memref<79x128xi32, #tpu.memory_space<vmem>> -> memref<1x128xi32, #tpu.memory_space<vmem>>
        %dma_wait3A_408 = tpu.memref_squeeze %dma_wait3A_407 : memref<1x128xi32, #tpu.memory_space<vmem>> -> memref<128xi32, #tpu.memory_space<vmem>>
        %dma_wait3A_409 = arith.constant 0 : i32
        %dma_wait3A_410 = arith.constant 0 : i32
        %dma_wait3A_411 = tpu.memref_slice %arg15[%dma_wait3A_409, %dma_wait3A_410] : memref<10000x64xf32, #tpu.memory_space<vmem_shared>> -> memref<10000x64xf32, #tpu.memory_space<vmem_shared>>
        tpu.wait_indirect_dma semaphore(%arg17 : memref<!tpu.dma_semaphore, #tpu.memory_space<semaphore_mem>>) src(%arg9 : memref<128x64xf32, #tpu.memory_space<vmem>>) dst(%dma_wait3A_411 : memref<10000x64xf32, #tpu.memory_space<vmem_shared>>)
        %dma_wait3A_412 = arith.constant 0 : i32
        %dma_wait3A_413 = arith.constant 0 : i32
        %dma_wait3A_414 = tpu.memref_slice %arg6[%dma_wait3A_412, %dma_wait3A_413] : memref<79x128xi32, #tpu.memory_space<vmem>> -> memref<1x128xi32, #tpu.memory_space<vmem>>
        %dma_wait3A_415 = tpu.memref_squeeze %dma_wait3A_414 : memref<1x128xi32, #tpu.memory_space<vmem>> -> memref<128xi32, #tpu.memory_space<vmem>>
        %dma_wait3A_416 = arith.constant 0 : i32
        %dma_wait3A_417 = arith.constant 0 : i32
        %dma_wait3A_418 = tpu.memref_slice %arg15[%dma_wait3A_416, %dma_wait3A_417] : memref<10000x64xf32, #tpu.memory_space<vmem_shared>> -> memref<10000x64xf32, #tpu.memory_space<vmem_shared>>
        tpu.wait_indirect_dma semaphore(%arg17 : memref<!tpu.dma_semaphore, #tpu.memory_space<semaphore_mem>>) src(%arg10 : memref<128x64xf32, #tpu.memory_space<vmem>>) dst(%dma_wait3A_418 : memref<10000x64xf32, #tpu.memory_space<vmem_shared>>)
        %add3A_419 = arith.constant 1 : i32
        %add3A_420 = arith.addi %scan3A_189, %add3A_419 : i32
        %mul3A_421 = arith.constant 8 : i32
        %mul3A_422 = arith.muli %mul3A_421, %add3A_420 : i32
        %add3A_423 = arith.constant 0 : i32
        %add3A_424 = arith.addi %mul3A_422, %add3A_423 : i32
        %dma_start3A_425 = arith.constant 0 : i32
        %dma_start3A_426 = tpu.memref_slice %arg5[%add3A_424, %dma_start3A_425] : memref<79x128xi32, #tpu.memory_space<vmem>> -> memref<1x128xi32, #tpu.memory_space<vmem>>
        %dma_start3A_427 = tpu.memref_squeeze %dma_start3A_426 : memref<1x128xi32, #tpu.memory_space<vmem>> -> memref<128xi32, #tpu.memory_space<vmem>>
        %dma_start3A_428 = arith.constant 0 : i32
        %dma_start3A_429 = arith.constant 0 : i32
        %dma_start3A_430 = tpu.memref_slice %arg2[%dma_start3A_428, %dma_start3A_429] : memref<10000x64xf32, #tpu.memory_space<hbm>> -> memref<10000x64xf32, #tpu.memory_space<hbm>>
        tpu.enqueue_indirect_dma source(%dma_start3A_430 : memref<10000x64xf32, #tpu.memory_space<hbm>>) target(%arg7 : memref<128x64xf32, #tpu.memory_space<vmem>>) offsets(%dma_start3A_427 : memref<128xi32, #tpu.memory_space<vmem>>) semaphore(%arg16 : memref<!tpu.dma_semaphore, #tpu.memory_space<semaphore_mem>>)
        %add3A_431 = arith.constant 1 : i32
        %add3A_432 = arith.addi %scan3A_189, %add3A_431 : i32
        %mul3A_433 = arith.constant 8 : i32
        %mul3A_434 = arith.muli %mul3A_433, %add3A_432 : i32
        %add3A_435 = arith.constant 1 : i32
        %add3A_436 = arith.addi %mul3A_434, %add3A_435 : i32
        %dma_start3A_437 = arith.constant 0 : i32
        %dma_start3A_438 = tpu.memref_slice %arg5[%add3A_436, %dma_start3A_437] : memref<79x128xi32, #tpu.memory_space<vmem>> -> memref<1x128xi32, #tpu.memory_space<vmem>>
        %dma_start3A_439 = tpu.memref_squeeze %dma_start3A_438 : memref<1x128xi32, #tpu.memory_space<vmem>> -> memref<128xi32, #tpu.memory_space<vmem>>
        %dma_start3A_440 = arith.constant 0 : i32
        %dma_start3A_441 = arith.constant 0 : i32
        %dma_start3A_442 = tpu.memref_slice %arg2[%dma_start3A_440, %dma_start3A_441] : memref<10000x64xf32, #tpu.memory_space<hbm>> -> memref<10000x64xf32, #tpu.memory_space<hbm>>
        tpu.enqueue_indirect_dma source(%dma_start3A_442 : memref<10000x64xf32, #tpu.memory_space<hbm>>) target(%arg8 : memref<128x64xf32, #tpu.memory_space<vmem>>) offsets(%dma_start3A_439 : memref<128xi32, #tpu.memory_space<vmem>>) semaphore(%arg16 : memref<!tpu.dma_semaphore, #tpu.memory_space<semaphore_mem>>)
        %add3A_443 = arith.constant 1 : i32
        %add3A_444 = arith.addi %scan3A_189, %add3A_443 : i32
        %mul3A_445 = arith.constant 8 : i32
        %mul3A_446 = arith.muli %mul3A_445, %add3A_444 : i32
        %add3A_447 = arith.constant 2 : i32
        %add3A_448 = arith.addi %mul3A_446, %add3A_447 : i32
        %dma_start3A_449 = arith.constant 0 : i32
        %dma_start3A_450 = tpu.memref_slice %arg5[%add3A_448, %dma_start3A_449] : memref<79x128xi32, #tpu.memory_space<vmem>> -> memref<1x128xi32, #tpu.memory_space<vmem>>
        %dma_start3A_451 = tpu.memref_squeeze %dma_start3A_450 : memref<1x128xi32, #tpu.memory_space<vmem>> -> memref<128xi32, #tpu.memory_space<vmem>>
        %dma_start3A_452 = arith.constant 0 : i32
        %dma_start3A_453 = arith.constant 0 : i32
        %dma_start3A_454 = tpu.memref_slice %arg2[%dma_start3A_452, %dma_start3A_453] : memref<10000x64xf32, #tpu.memory_space<hbm>> -> memref<10000x64xf32, #tpu.memory_space<hbm>>
        tpu.enqueue_indirect_dma source(%dma_start3A_454 : memref<10000x64xf32, #tpu.memory_space<hbm>>) target(%arg9 : memref<128x64xf32, #tpu.memory_space<vmem>>) offsets(%dma_start3A_451 : memref<128xi32, #tpu.memory_space<vmem>>) semaphore(%arg16 : memref<!tpu.dma_semaphore, #tpu.memory_space<semaphore_mem>>)
        %add3A_455 = arith.constant 1 : i32
        %add3A_456 = arith.addi %scan3A_189, %add3A_455 : i32
        %mul3A_457 = arith.constant 8 : i32
        %mul3A_458 = arith.muli %mul3A_457, %add3A_456 : i32
        %add3A_459 = arith.constant 3 : i32
        %add3A_460 = arith.addi %mul3A_458, %add3A_459 : i32
        %dma_start3A_461 = arith.constant 0 : i32
        %dma_start3A_462 = tpu.memref_slice %arg5[%add3A_460, %dma_start3A_461] : memref<79x128xi32, #tpu.memory_space<vmem>> -> memref<1x128xi32, #tpu.memory_space<vmem>>
        %dma_start3A_463 = tpu.memref_squeeze %dma_start3A_462 : memref<1x128xi32, #tpu.memory_space<vmem>> -> memref<128xi32, #tpu.memory_space<vmem>>
        %dma_start3A_464 = arith.constant 0 : i32
        %dma_start3A_465 = arith.constant 0 : i32
        %dma_start3A_466 = tpu.memref_slice %arg2[%dma_start3A_464, %dma_start3A_465] : memref<10000x64xf32, #tpu.memory_space<hbm>> -> memref<10000x64xf32, #tpu.memory_space<hbm>>
        tpu.enqueue_indirect_dma source(%dma_start3A_466 : memref<10000x64xf32, #tpu.memory_space<hbm>>) target(%arg10 : memref<128x64xf32, #tpu.memory_space<vmem>>) offsets(%dma_start3A_463 : memref<128xi32, #tpu.memory_space<vmem>>) semaphore(%arg16 : memref<!tpu.dma_semaphore, #tpu.memory_space<semaphore_mem>>)
      } else {
      }
      %dma_wait3A_315 = arith.constant 0 : i32
      %dma_wait3A_316 = arith.constant 0 : i32
      %dma_wait3A_317 = tpu.memref_slice %arg5[%dma_wait3A_315, %dma_wait3A_316] : memref<79x128xi32, #tpu.memory_space<vmem>> -> memref<1x128xi32, #tpu.memory_space<vmem>>
      %dma_wait3A_318 = tpu.memref_squeeze %dma_wait3A_317 : memref<1x128xi32, #tpu.memory_space<vmem>> -> memref<128xi32, #tpu.memory_space<vmem>>
      %dma_wait3A_319 = arith.constant 0 : i32
      %dma_wait3A_320 = arith.constant 0 : i32
      %dma_wait3A_321 = tpu.memref_slice %arg2[%dma_wait3A_319, %dma_wait3A_320] : memref<10000x64xf32, #tpu.memory_space<hbm>> -> memref<10000x64xf32, #tpu.memory_space<hbm>>
      tpu.wait_indirect_dma semaphore(%arg18 : memref<!tpu.dma_semaphore, #tpu.memory_space<semaphore_mem>>) src(%dma_wait3A_321 : memref<10000x64xf32, #tpu.memory_space<hbm>>) dst(%arg11 : memref<128x64xf32, #tpu.memory_space<vmem>>)
      %dma_wait3A_322 = arith.constant 0 : i32
      %dma_wait3A_323 = arith.constant 0 : i32
      %dma_wait3A_324 = tpu.memref_slice %arg5[%dma_wait3A_322, %dma_wait3A_323] : memref<79x128xi32, #tpu.memory_space<vmem>> -> memref<1x128xi32, #tpu.memory_space<vmem>>
      %dma_wait3A_325 = tpu.memref_squeeze %dma_wait3A_324 : memref<1x128xi32, #tpu.memory_space<vmem>> -> memref<128xi32, #tpu.memory_space<vmem>>
      %dma_wait3A_326 = arith.constant 0 : i32
      %dma_wait3A_327 = arith.constant 0 : i32
      %dma_wait3A_328 = tpu.memref_slice %arg2[%dma_wait3A_326, %dma_wait3A_327] : memref<10000x64xf32, #tpu.memory_space<hbm>> -> memref<10000x64xf32, #tpu.memory_space<hbm>>
      tpu.wait_indirect_dma semaphore(%arg18 : memref<!tpu.dma_semaphore, #tpu.memory_space<semaphore_mem>>) src(%dma_wait3A_328 : memref<10000x64xf32, #tpu.memory_space<hbm>>) dst(%arg12 : memref<128x64xf32, #tpu.memory_space<vmem>>)
      %dma_wait3A_329 = arith.constant 0 : i32
      %dma_wait3A_330 = arith.constant 0 : i32
      %dma_wait3A_331 = tpu.memref_slice %arg5[%dma_wait3A_329, %dma_wait3A_330] : memref<79x128xi32, #tpu.memory_space<vmem>> -> memref<1x128xi32, #tpu.memory_space<vmem>>
      %dma_wait3A_332 = tpu.memref_squeeze %dma_wait3A_331 : memref<1x128xi32, #tpu.memory_space<vmem>> -> memref<128xi32, #tpu.memory_space<vmem>>
      %dma_wait3A_333 = arith.constant 0 : i32
      %dma_wait3A_334 = arith.constant 0 : i32
      %dma_wait3A_335 = tpu.memref_slice %arg2[%dma_wait3A_333, %dma_wait3A_334] : memref<10000x64xf32, #tpu.memory_space<hbm>> -> memref<10000x64xf32, #tpu.memory_space<hbm>>
      tpu.wait_indirect_dma semaphore(%arg18 : memref<!tpu.dma_semaphore, #tpu.memory_space<semaphore_mem>>) src(%dma_wait3A_335 : memref<10000x64xf32, #tpu.memory_space<hbm>>) dst(%arg13 : memref<128x64xf32, #tpu.memory_space<vmem>>)
      %dma_wait3A_336 = arith.constant 0 : i32
      %dma_wait3A_337 = arith.constant 0 : i32
      %dma_wait3A_338 = tpu.memref_slice %arg5[%dma_wait3A_336, %dma_wait3A_337] : memref<79x128xi32, #tpu.memory_space<vmem>> -> memref<1x128xi32, #tpu.memory_space<vmem>>
      %dma_wait3A_339 = tpu.memref_squeeze %dma_wait3A_338 : memref<1x128xi32, #tpu.memory_space<vmem>> -> memref<128xi32, #tpu.memory_space<vmem>>
      %dma_wait3A_340 = arith.constant 0 : i32
      %dma_wait3A_341 = arith.constant 0 : i32
      %dma_wait3A_342 = tpu.memref_slice %arg2[%dma_wait3A_340, %dma_wait3A_341] : memref<10000x64xf32, #tpu.memory_space<hbm>> -> memref<10000x64xf32, #tpu.memory_space<hbm>>
      tpu.wait_indirect_dma semaphore(%arg18 : memref<!tpu.dma_semaphore, #tpu.memory_space<semaphore_mem>>) src(%dma_wait3A_342 : memref<10000x64xf32, #tpu.memory_space<hbm>>) dst(%arg14 : memref<128x64xf32, #tpu.memory_space<vmem>>)
      %mul3A_343 = arith.constant 8 : i32
      %mul3A_344 = arith.muli %mul3A_343, %scan3A_189 : i32
      %add3A_345 = arith.constant 4 : i32
      %add3A_346 = arith.addi %mul3A_344, %add3A_345 : i32
      %add3A_347 = arith.constant 0 : i32
      %add3A_348 = arith.addi %add3A_346, %add3A_347 : i32
      %dma_start3A_349 = arith.constant 0 : i32
      %dma_start3A_350 = tpu.memref_slice %arg6[%add3A_348, %dma_start3A_349] : memref<79x128xi32, #tpu.memory_space<vmem>> -> memref<1x128xi32, #tpu.memory_space<vmem>>
      %dma_start3A_351 = tpu.memref_squeeze %dma_start3A_350 : memref<1x128xi32, #tpu.memory_space<vmem>> -> memref<128xi32, #tpu.memory_space<vmem>>
      %dma_start3A_352 = arith.constant 0 : i32
      %dma_start3A_353 = arith.constant 0 : i32
      %dma_start3A_354 = tpu.memref_slice %arg15[%dma_start3A_352, %dma_start3A_353] : memref<10000x64xf32, #tpu.memory_space<vmem_shared>> -> memref<10000x64xf32, #tpu.memory_space<vmem_shared>>
      tpu.enqueue_indirect_dma source(%arg11 : memref<128x64xf32, #tpu.memory_space<vmem>>) target(%dma_start3A_354 : memref<10000x64xf32, #tpu.memory_space<vmem_shared>>) offsets(%dma_start3A_351 : memref<128xi32, #tpu.memory_space<vmem>>) semaphore(%arg19 : memref<!tpu.dma_semaphore, #tpu.memory_space<semaphore_mem>>) {add = true}
      %mul3A_355 = arith.constant 8 : i32
      %mul3A_356 = arith.muli %mul3A_355, %scan3A_189 : i32
      %add3A_357 = arith.constant 4 : i32
      %add3A_358 = arith.addi %mul3A_356, %add3A_357 : i32
      %add3A_359 = arith.constant 1 : i32
      %add3A_360 = arith.addi %add3A_358, %add3A_359 : i32
      %dma_start3A_361 = arith.constant 0 : i32
      %dma_start3A_362 = tpu.memref_slice %arg6[%add3A_360, %dma_start3A_361] : memref<79x128xi32, #tpu.memory_space<vmem>> -> memref<1x128xi32, #tpu.memory_space<vmem>>
      %dma_start3A_363 = tpu.memref_squeeze %dma_start3A_362 : memref<1x128xi32, #tpu.memory_space<vmem>> -> memref<128xi32, #tpu.memory_space<vmem>>
      %dma_start3A_364 = arith.constant 0 : i32
      %dma_start3A_365 = arith.constant 0 : i32
      %dma_start3A_366 = tpu.memref_slice %arg15[%dma_start3A_364, %dma_start3A_365] : memref<10000x64xf32, #tpu.memory_space<vmem_shared>> -> memref<10000x64xf32, #tpu.memory_space<vmem_shared>>
      tpu.enqueue_indirect_dma source(%arg12 : memref<128x64xf32, #tpu.memory_space<vmem>>) target(%dma_start3A_366 : memref<10000x64xf32, #tpu.memory_space<vmem_shared>>) offsets(%dma_start3A_363 : memref<128xi32, #tpu.memory_space<vmem>>) semaphore(%arg19 : memref<!tpu.dma_semaphore, #tpu.memory_space<semaphore_mem>>) {add = true}
      %mul3A_367 = arith.constant 8 : i32
      %mul3A_368 = arith.muli %mul3A_367, %scan3A_189 : i32
      %add3A_369 = arith.constant 4 : i32
      %add3A_370 = arith.addi %mul3A_368, %add3A_369 : i32
      %add3A_371 = arith.constant 2 : i32
      %add3A_372 = arith.addi %add3A_370, %add3A_371 : i32
      %dma_start3A_373 = arith.constant 0 : i32
      %dma_start3A_374 = tpu.memref_slice %arg6[%add3A_372, %dma_start3A_373] : memref<79x128xi32, #tpu.memory_space<vmem>> -> memref<1x128xi32, #tpu.memory_space<vmem>>
      %dma_start3A_375 = tpu.memref_squeeze %dma_start3A_374 : memref<1x128xi32, #tpu.memory_space<vmem>> -> memref<128xi32, #tpu.memory_space<vmem>>
      %dma_start3A_376 = arith.constant 0 : i32
      %dma_start3A_377 = arith.constant 0 : i32
      %dma_start3A_378 = tpu.memref_slice %arg15[%dma_start3A_376, %dma_start3A_377] : memref<10000x64xf32, #tpu.memory_space<vmem_shared>> -> memref<10000x64xf32, #tpu.memory_space<vmem_shared>>
      tpu.enqueue_indirect_dma source(%arg13 : memref<128x64xf32, #tpu.memory_space<vmem>>) target(%dma_start3A_378 : memref<10000x64xf32, #tpu.memory_space<vmem_shared>>) offsets(%dma_start3A_375 : memref<128xi32, #tpu.memory_space<vmem>>) semaphore(%arg19 : memref<!tpu.dma_semaphore, #tpu.memory_space<semaphore_mem>>) {add = true}
      %mul3A_379 = arith.constant 8 : i32
      %mul3A_380 = arith.muli %mul3A_379, %scan3A_189 : i32
      %add3A_381 = arith.constant 4 : i32
      %add3A_382 = arith.addi %mul3A_380, %add3A_381 : i32
      %add3A_383 = arith.constant 3 : i32
      %add3A_384 = arith.addi %add3A_382, %add3A_383 : i32
      %dma_start3A_385 = arith.constant 0 : i32
      %dma_start3A_386 = tpu.memref_slice %arg6[%add3A_384, %dma_start3A_385] : memref<79x128xi32, #tpu.memory_space<vmem>> -> memref<1x128xi32, #tpu.memory_space<vmem>>
      %dma_start3A_387 = tpu.memref_squeeze %dma_start3A_386 : memref<1x128xi32, #tpu.memory_space<vmem>> -> memref<128xi32, #tpu.memory_space<vmem>>
      %dma_start3A_388 = arith.constant 0 : i32
      %dma_start3A_389 = arith.constant 0 : i32
      %dma_start3A_390 = tpu.memref_slice %arg15[%dma_start3A_388, %dma_start3A_389] : memref<10000x64xf32, #tpu.memory_space<vmem_shared>> -> memref<10000x64xf32, #tpu.memory_space<vmem_shared>>
      tpu.enqueue_indirect_dma source(%arg14 : memref<128x64xf32, #tpu.memory_space<vmem>>) target(%dma_start3A_390 : memref<10000x64xf32, #tpu.memory_space<vmem_shared>>) offsets(%dma_start3A_387 : memref<128xi32, #tpu.memory_space<vmem>>) semaphore(%arg19 : memref<!tpu.dma_semaphore, #tpu.memory_space<semaphore_mem>>) {add = true}
    }
    %scan3A_113 = arith.constant 9 : i32
    %dma_wait3A_114 = arith.constant 0 : i32
    %dma_wait3A_115 = arith.constant 0 : i32
    %dma_wait3A_116 = tpu.memref_slice %arg6[%dma_wait3A_114, %dma_wait3A_115] : memref<79x128xi32, #tpu.memory_space<vmem>> -> memref<1x128xi32, #tpu.memory_space<vmem>>
    %dma_wait3A_117 = tpu.memref_squeeze %dma_wait3A_116 : memref<1x128xi32, #tpu.memory_space<vmem>> -> memref<128xi32, #tpu.memory_space<vmem>>
    %dma_wait3A_118 = arith.constant 0 : i32
    %dma_wait3A_119 = arith.constant 0 : i32
    %dma_wait3A_120 = tpu.memref_slice %arg15[%dma_wait3A_118, %dma_wait3A_119] : memref<10000x64xf32, #tpu.memory_space<vmem_shared>> -> memref<10000x64xf32, #tpu.memory_space<vmem_shared>>
    tpu.wait_indirect_dma semaphore(%arg17 : memref<!tpu.dma_semaphore, #tpu.memory_space<semaphore_mem>>) src(%arg7 : memref<128x64xf32, #tpu.memory_space<vmem>>) dst(%dma_wait3A_120 : memref<10000x64xf32, #tpu.memory_space<vmem_shared>>)
    %dma_wait3A_121 = arith.constant 0 : i32
    %dma_wait3A_122 = arith.constant 0 : i32
    %dma_wait3A_123 = tpu.memref_slice %arg6[%dma_wait3A_121, %dma_wait3A_122] : memref<79x128xi32, #tpu.memory_space<vmem>> -> memref<1x128xi32, #tpu.memory_space<vmem>>
    %dma_wait3A_124 = tpu.memref_squeeze %dma_wait3A_123 : memref<1x128xi32, #tpu.memory_space<vmem>> -> memref<128xi32, #tpu.memory_space<vmem>>
    %dma_wait3A_125 = arith.constant 0 : i32
    %dma_wait3A_126 = arith.constant 0 : i32
    %dma_wait3A_127 = tpu.memref_slice %arg15[%dma_wait3A_125, %dma_wait3A_126] : memref<10000x64xf32, #tpu.memory_space<vmem_shared>> -> memref<10000x64xf32, #tpu.memory_space<vmem_shared>>
    tpu.wait_indirect_dma semaphore(%arg17 : memref<!tpu.dma_semaphore, #tpu.memory_space<semaphore_mem>>) src(%arg8 : memref<128x64xf32, #tpu.memory_space<vmem>>) dst(%dma_wait3A_127 : memref<10000x64xf32, #tpu.memory_space<vmem_shared>>)
    %dma_wait3A_128 = arith.constant 0 : i32
    %dma_wait3A_129 = arith.constant 0 : i32
    %dma_wait3A_130 = tpu.memref_slice %arg6[%dma_wait3A_128, %dma_wait3A_129] : memref<79x128xi32, #tpu.memory_space<vmem>> -> memref<1x128xi32, #tpu.memory_space<vmem>>
    %dma_wait3A_131 = tpu.memref_squeeze %dma_wait3A_130 : memref<1x128xi32, #tpu.memory_space<vmem>> -> memref<128xi32, #tpu.memory_space<vmem>>
    %dma_wait3A_132 = arith.constant 0 : i32
    %dma_wait3A_133 = arith.constant 0 : i32
    %dma_wait3A_134 = tpu.memref_slice %arg15[%dma_wait3A_132, %dma_wait3A_133] : memref<10000x64xf32, #tpu.memory_space<vmem_shared>> -> memref<10000x64xf32, #tpu.memory_space<vmem_shared>>
    tpu.wait_indirect_dma semaphore(%arg17 : memref<!tpu.dma_semaphore, #tpu.memory_space<semaphore_mem>>) src(%arg9 : memref<128x64xf32, #tpu.memory_space<vmem>>) dst(%dma_wait3A_134 : memref<10000x64xf32, #tpu.memory_space<vmem_shared>>)
    %dma_wait3A_135 = arith.constant 0 : i32
    %dma_wait3A_136 = arith.constant 0 : i32
    %dma_wait3A_137 = tpu.memref_slice %arg6[%dma_wait3A_135, %dma_wait3A_136] : memref<79x128xi32, #tpu.memory_space<vmem>> -> memref<1x128xi32, #tpu.memory_space<vmem>>
    %dma_wait3A_138 = tpu.memref_squeeze %dma_wait3A_137 : memref<1x128xi32, #tpu.memory_space<vmem>> -> memref<128xi32, #tpu.memory_space<vmem>>
    %dma_wait3A_139 = arith.constant 0 : i32
    %dma_wait3A_140 = arith.constant 0 : i32
    %dma_wait3A_141 = tpu.memref_slice %arg15[%dma_wait3A_139, %dma_wait3A_140] : memref<10000x64xf32, #tpu.memory_space<vmem_shared>> -> memref<10000x64xf32, #tpu.memory_space<vmem_shared>>
    tpu.wait_indirect_dma semaphore(%arg17 : memref<!tpu.dma_semaphore, #tpu.memory_space<semaphore_mem>>) src(%arg10 : memref<128x64xf32, #tpu.memory_space<vmem>>) dst(%dma_wait3A_141 : memref<10000x64xf32, #tpu.memory_space<vmem_shared>>)
    %dma_wait3A_142 = arith.constant 0 : i32
    %dma_wait3A_143 = arith.constant 0 : i32
    %dma_wait3A_144 = tpu.memref_slice %arg6[%dma_wait3A_142, %dma_wait3A_143] : memref<79x128xi32, #tpu.memory_space<vmem>> -> memref<1x128xi32, #tpu.memory_space<vmem>>
    %dma_wait3A_145 = tpu.memref_squeeze %dma_wait3A_144 : memref<1x128xi32, #tpu.memory_space<vmem>> -> memref<128xi32, #tpu.memory_space<vmem>>
    %dma_wait3A_146 = arith.constant 0 : i32
    %dma_wait3A_147 = arith.constant 0 : i32
    %dma_wait3A_148 = tpu.memref_slice %arg15[%dma_wait3A_146, %dma_wait3A_147] : memref<10000x64xf32, #tpu.memory_space<vmem_shared>> -> memref<10000x64xf32, #tpu.memory_space<vmem_shared>>
    tpu.wait_indirect_dma semaphore(%arg19 : memref<!tpu.dma_semaphore, #tpu.memory_space<semaphore_mem>>) src(%arg11 : memref<128x64xf32, #tpu.memory_space<vmem>>) dst(%dma_wait3A_148 : memref<10000x64xf32, #tpu.memory_space<vmem_shared>>)
    %dma_wait3A_149 = arith.constant 0 : i32
    %dma_wait3A_150 = arith.constant 0 : i32
    %dma_wait3A_151 = tpu.memref_slice %arg6[%dma_wait3A_149, %dma_wait3A_150] : memref<79x128xi32, #tpu.memory_space<vmem>> -> memref<1x128xi32, #tpu.memory_space<vmem>>
    %dma_wait3A_152 = tpu.memref_squeeze %dma_wait3A_151 : memref<1x128xi32, #tpu.memory_space<vmem>> -> memref<128xi32, #tpu.memory_space<vmem>>
    %dma_wait3A_153 = arith.constant 0 : i32
    %dma_wait3A_154 = arith.constant 0 : i32
    %dma_wait3A_155 = tpu.memref_slice %arg15[%dma_wait3A_153, %dma_wait3A_154] : memref<10000x64xf32, #tpu.memory_space<vmem_shared>> -> memref<10000x64xf32, #tpu.memory_space<vmem_shared>>
    tpu.wait_indirect_dma semaphore(%arg19 : memref<!tpu.dma_semaphore, #tpu.memory_space<semaphore_mem>>) src(%arg12 : memref<128x64xf32, #tpu.memory_space<vmem>>) dst(%dma_wait3A_155 : memref<10000x64xf32, #tpu.memory_space<vmem_shared>>)
    %dma_wait3A_156 = arith.constant 0 : i32
    %dma_wait3A_157 = arith.constant 0 : i32
    %dma_wait3A_158 = tpu.memref_slice %arg6[%dma_wait3A_156, %dma_wait3A_157] : memref<79x128xi32, #tpu.memory_space<vmem>> -> memref<1x128xi32, #tpu.memory_space<vmem>>
    %dma_wait3A_159 = tpu.memref_squeeze %dma_wait3A_158 : memref<1x128xi32, #tpu.memory_space<vmem>> -> memref<128xi32, #tpu.memory_space<vmem>>
    %dma_wait3A_160 = arith.constant 0 : i32
    %dma_wait3A_161 = arith.constant 0 : i32
    %dma_wait3A_162 = tpu.memref_slice %arg15[%dma_wait3A_160, %dma_wait3A_161] : memref<10000x64xf32, #tpu.memory_space<vmem_shared>> -> memref<10000x64xf32, #tpu.memory_space<vmem_shared>>
    tpu.wait_indirect_dma semaphore(%arg19 : memref<!tpu.dma_semaphore, #tpu.memory_space<semaphore_mem>>) src(%arg13 : memref<128x64xf32, #tpu.memory_space<vmem>>) dst(%dma_wait3A_162 : memref<10000x64xf32, #tpu.memory_space<vmem_shared>>)
    %dma_wait3A_163 = arith.constant 0 : i32
    %dma_wait3A_164 = arith.constant 0 : i32
    %dma_wait3A_165 = tpu.memref_slice %arg6[%dma_wait3A_163, %dma_wait3A_164] : memref<79x128xi32, #tpu.memory_space<vmem>> -> memref<1x128xi32, #tpu.memory_space<vmem>>
    %dma_wait3A_166 = tpu.memref_squeeze %dma_wait3A_165 : memref<1x128xi32, #tpu.memory_space<vmem>> -> memref<128xi32, #tpu.memory_space<vmem>>
    %dma_wait3A_167 = arith.constant 0 : i32
    %dma_wait3A_168 = arith.constant 0 : i32
    %dma_wait3A_169 = tpu.memref_slice %arg15[%dma_wait3A_167, %dma_wait3A_168] : memref<10000x64xf32, #tpu.memory_space<vmem_shared>> -> memref<10000x64xf32, #tpu.memory_space<vmem_shared>>
    tpu.wait_indirect_dma semaphore(%arg19 : memref<!tpu.dma_semaphore, #tpu.memory_space<semaphore_mem>>) src(%arg14 : memref<128x64xf32, #tpu.memory_space<vmem>>) dst(%dma_wait3A_169 : memref<10000x64xf32, #tpu.memory_space<vmem_shared>>)
    %while3A = arith.constant 0 : i32
    %while3A_170 = arith.constant 72 : i32
    %while3A_171 = arith.subi %add3A_8, %while3A_170 : i32
    %while3A_172 = arith.addi %while3A_170, %while3A_171 : i32
    %while3A_173 = arith.constant 1 : i32
    %while3A_174 = arith.divsi %while3A_171, %while3A_173 : i32
    %while3A_175 = arith.muli %while3A_174, %while3A_173 : i32
    %while3A_176 = arith.addi %while3A_170, %while3A_175 : i32
    %while3A_177 = arith.constant 1 : i32
    scf.for %while3A_189 = %while3A_170 to %while3A_176 step %while3A_177  : i32 {
      %dma_start3A_190 = arith.constant 0 : i32
      %dma_start3A_191 = tpu.memref_slice %arg5[%while3A_189, %dma_start3A_190] : memref<79x128xi32, #tpu.memory_space<vmem>> -> memref<1x128xi32, #tpu.memory_space<vmem>>
      %dma_start3A_192 = tpu.memref_squeeze %dma_start3A_191 : memref<1x128xi32, #tpu.memory_space<vmem>> -> memref<128xi32, #tpu.memory_space<vmem>>
      %dma_start3A_193 = arith.constant 0 : i32
      %dma_start3A_194 = arith.constant 0 : i32
      %dma_start3A_195 = tpu.memref_slice %arg2[%dma_start3A_193, %dma_start3A_194] : memref<10000x64xf32, #tpu.memory_space<hbm>> -> memref<10000x64xf32, #tpu.memory_space<hbm>>
      tpu.enqueue_indirect_dma source(%dma_start3A_195 : memref<10000x64xf32, #tpu.memory_space<hbm>>) target(%arg7 : memref<128x64xf32, #tpu.memory_space<vmem>>) offsets(%dma_start3A_192 : memref<128xi32, #tpu.memory_space<vmem>>) semaphore(%arg16 : memref<!tpu.dma_semaphore, #tpu.memory_space<semaphore_mem>>)
      %dma_wait3A_196 = arith.constant 0 : i32
      %dma_wait3A_197 = arith.constant 0 : i32
      %dma_wait3A_198 = tpu.memref_slice %arg5[%dma_wait3A_196, %dma_wait3A_197] : memref<79x128xi32, #tpu.memory_space<vmem>> -> memref<1x128xi32, #tpu.memory_space<vmem>>
      %dma_wait3A_199 = tpu.memref_squeeze %dma_wait3A_198 : memref<1x128xi32, #tpu.memory_space<vmem>> -> memref<128xi32, #tpu.memory_space<vmem>>
      %dma_wait3A_200 = arith.constant 0 : i32
      %dma_wait3A_201 = arith.constant 0 : i32
      %dma_wait3A_202 = tpu.memref_slice %arg2[%dma_wait3A_200, %dma_wait3A_201] : memref<10000x64xf32, #tpu.memory_space<hbm>> -> memref<10000x64xf32, #tpu.memory_space<hbm>>
      tpu.wait_indirect_dma semaphore(%arg16 : memref<!tpu.dma_semaphore, #tpu.memory_space<semaphore_mem>>) src(%dma_wait3A_202 : memref<10000x64xf32, #tpu.memory_space<hbm>>) dst(%arg7 : memref<128x64xf32, #tpu.memory_space<vmem>>)
      %dma_start3A_203 = arith.constant 0 : i32
      %dma_start3A_204 = tpu.memref_slice %arg6[%while3A_189, %dma_start3A_203] : memref<79x128xi32, #tpu.memory_space<vmem>> -> memref<1x128xi32, #tpu.memory_space<vmem>>
      %dma_start3A_205 = tpu.memref_squeeze %dma_start3A_204 : memref<1x128xi32, #tpu.memory_space<vmem>> -> memref<128xi32, #tpu.memory_space<vmem>>
      %dma_start3A_206 = arith.constant 0 : i32
      %dma_start3A_207 = arith.constant 0 : i32
      %dma_start3A_208 = tpu.memref_slice %arg15[%dma_start3A_206, %dma_start3A_207] : memref<10000x64xf32, #tpu.memory_space<vmem_shared>> -> memref<10000x64xf32, #tpu.memory_space<vmem_shared>>
      tpu.enqueue_indirect_dma source(%arg7 : memref<128x64xf32, #tpu.memory_space<vmem>>) target(%dma_start3A_208 : memref<10000x64xf32, #tpu.memory_space<vmem_shared>>) offsets(%dma_start3A_205 : memref<128xi32, #tpu.memory_space<vmem>>) semaphore(%arg17 : memref<!tpu.dma_semaphore, #tpu.memory_space<semaphore_mem>>) {add = true}
      %dma_wait3A_209 = arith.constant 0 : i32
      %dma_wait3A_210 = arith.constant 0 : i32
      %dma_wait3A_211 = tpu.memref_slice %arg6[%dma_wait3A_209, %dma_wait3A_210] : memref<79x128xi32, #tpu.memory_space<vmem>> -> memref<1x128xi32, #tpu.memory_space<vmem>>
      %dma_wait3A_212 = tpu.memref_squeeze %dma_wait3A_211 : memref<1x128xi32, #tpu.memory_space<vmem>> -> memref<128xi32, #tpu.memory_space<vmem>>
      %dma_wait3A_213 = arith.constant 0 : i32
      %dma_wait3A_214 = arith.constant 0 : i32
      %dma_wait3A_215 = tpu.memref_slice %arg15[%dma_wait3A_213, %dma_wait3A_214] : memref<10000x64xf32, #tpu.memory_space<vmem_shared>> -> memref<10000x64xf32, #tpu.memory_space<vmem_shared>>
      tpu.wait_indirect_dma semaphore(%arg17 : memref<!tpu.dma_semaphore, #tpu.memory_space<semaphore_mem>>) src(%arg7 : memref<128x64xf32, #tpu.memory_space<vmem>>) dst(%dma_wait3A_215 : memref<10000x64xf32, #tpu.memory_space<vmem_shared>>)
    }
    %while3A_178 = arith.constant 1 : i32
    scf.for %while3A_189 = %while3A_176 to %while3A_172 step %while3A_178  : i32 {
      %dma_start3A_190 = arith.constant 0 : i32
      %dma_start3A_191 = tpu.memref_slice %arg5[%while3A_189, %dma_start3A_190] : memref<79x128xi32, #tpu.memory_space<vmem>> -> memref<1x128xi32, #tpu.memory_space<vmem>>
      %dma_start3A_192 = tpu.memref_squeeze %dma_start3A_191 : memref<1x128xi32, #tpu.memory_space<vmem>> -> memref<128xi32, #tpu.memory_space<vmem>>
      %dma_start3A_193 = arith.constant 0 : i32
      %dma_start3A_194 = arith.constant 0 : i32
      %dma_start3A_195 = tpu.memref_slice %arg2[%dma_start3A_193, %dma_start3A_194] : memref<10000x64xf32, #tpu.memory_space<hbm>> -> memref<10000x64xf32, #tpu.memory_space<hbm>>
      tpu.enqueue_indirect_dma source(%dma_start3A_195 : memref<10000x64xf32, #tpu.memory_space<hbm>>) target(%arg7 : memref<128x64xf32, #tpu.memory_space<vmem>>) offsets(%dma_start3A_192 : memref<128xi32, #tpu.memory_space<vmem>>) semaphore(%arg16 : memref<!tpu.dma_semaphore, #tpu.memory_space<semaphore_mem>>)
      %dma_wait3A_196 = arith.constant 0 : i32
      %dma_wait3A_197 = arith.constant 0 : i32
      %dma_wait3A_198 = tpu.memref_slice %arg5[%dma_wait3A_196, %dma_wait3A_197] : memref<79x128xi32, #tpu.memory_space<vmem>> -> memref<1x128xi32, #tpu.memory_space<vmem>>
      %dma_wait3A_199 = tpu.memref_squeeze %dma_wait3A_198 : memref<1x128xi32, #tpu.memory_space<vmem>> -> memref<128xi32, #tpu.memory_space<vmem>>
      %dma_wait3A_200 = arith.constant 0 : i32
      %dma_wait3A_201 = arith.constant 0 : i32
      %dma_wait3A_202 = tpu.memref_slice %arg2[%dma_wait3A_200, %dma_wait3A_201] : memref<10000x64xf32, #tpu.memory_space<hbm>> -> memref<10000x64xf32, #tpu.memory_space<hbm>>
      tpu.wait_indirect_dma semaphore(%arg16 : memref<!tpu.dma_semaphore, #tpu.memory_space<semaphore_mem>>) src(%dma_wait3A_202 : memref<10000x64xf32, #tpu.memory_space<hbm>>) dst(%arg7 : memref<128x64xf32, #tpu.memory_space<vmem>>)
      %dma_start3A_203 = arith.constant 0 : i32
      %dma_start3A_204 = tpu.memref_slice %arg6[%while3A_189, %dma_start3A_203] : memref<79x128xi32, #tpu.memory_space<vmem>> -> memref<1x128xi32, #tpu.memory_space<vmem>>
      %dma_start3A_205 = tpu.memref_squeeze %dma_start3A_204 : memref<1x128xi32, #tpu.memory_space<vmem>> -> memref<128xi32, #tpu.memory_space<vmem>>
      %dma_start3A_206 = arith.constant 0 : i32
      %dma_start3A_207 = arith.constant 0 : i32
      %dma_start3A_208 = tpu.memref_slice %arg15[%dma_start3A_206, %dma_start3A_207] : memref<10000x64xf32, #tpu.memory_space<vmem_shared>> -> memref<10000x64xf32, #tpu.memory_space<vmem_shared>>
      tpu.enqueue_indirect_dma source(%arg7 : memref<128x64xf32, #tpu.memory_space<vmem>>) target(%dma_start3A_208 : memref<10000x64xf32, #tpu.memory_space<vmem_shared>>) offsets(%dma_start3A_205 : memref<128xi32, #tpu.memory_space<vmem>>) semaphore(%arg17 : memref<!tpu.dma_semaphore, #tpu.memory_space<semaphore_mem>>) {add = true}
      %dma_wait3A_209 = arith.constant 0 : i32
      %dma_wait3A_210 = arith.constant 0 : i32
      %dma_wait3A_211 = tpu.memref_slice %arg6[%dma_wait3A_209, %dma_wait3A_210] : memref<79x128xi32, #tpu.memory_space<vmem>> -> memref<1x128xi32, #tpu.memory_space<vmem>>
      %dma_wait3A_212 = tpu.memref_squeeze %dma_wait3A_211 : memref<1x128xi32, #tpu.memory_space<vmem>> -> memref<128xi32, #tpu.memory_space<vmem>>
      %dma_wait3A_213 = arith.constant 0 : i32
      %dma_wait3A_214 = arith.constant 0 : i32
      %dma_wait3A_215 = tpu.memref_slice %arg15[%dma_wait3A_213, %dma_wait3A_214] : memref<10000x64xf32, #tpu.memory_space<vmem_shared>> -> memref<10000x64xf32, #tpu.memory_space<vmem_shared>>
      tpu.wait_indirect_dma semaphore(%arg17 : memref<!tpu.dma_semaphore, #tpu.memory_space<semaphore_mem>>) src(%arg7 : memref<128x64xf32, #tpu.memory_space<vmem>>) dst(%dma_wait3A_215 : memref<10000x64xf32, #tpu.memory_space<vmem_shared>>)
    }
    %barrier3A_179 = arith.constant 0 : index
    tpu.barrier barrier_id(%barrier3A_179)
    %mul3A_180 = arith.constant 624 : i32
    %mul3A_181 = arith.muli %arg1, %mul3A_180 : i32
    %mul3A_182 = arith.constant 624 : i32
    %mul3A_183 = arith.muli %arg1, %mul3A_182 : i32
    "tpu.region"() ({
      %run_scoped3A = tpu.sem_alloc : memref<!tpu.dma_semaphore, #tpu.memory_space<semaphore_mem>>
      %dma_start3A_189 = tpu.memref_slice %arg4[%mul3A_183, %mul3A_38] : memref<10000x128xf32, #tpu.memory_space<hbm>> -> memref<624x64xf32, #tpu.memory_space<hbm>>
      %dma_start3A_190 = arith.constant 0 : i32
      %dma_start3A_191 = tpu.memref_slice %arg15[%mul3A_181, %dma_start3A_190] : memref<10000x64xf32, #tpu.memory_space<vmem_shared>> -> memref<624x64xf32, #tpu.memory_space<vmem_shared>>
      tpu.enqueue_dma source(%dma_start3A_191 : memref<624x64xf32, #tpu.memory_space<vmem_shared>>) target(%dma_start3A_189 : memref<624x64xf32, #tpu.memory_space<hbm>>) target_semaphore(%run_scoped3A : memref<!tpu.dma_semaphore, #tpu.memory_space<semaphore_mem>>)
      %dma_wait3A_192 = tpu.memref_slice %arg4[%mul3A_183, %mul3A_38] : memref<10000x128xf32, #tpu.memory_space<hbm>> -> memref<624x64xf32, #tpu.memory_space<hbm>>
      %dma_wait3A_193 = arith.constant 0 : i32
      %dma_wait3A_194 = tpu.memref_slice %arg15[%mul3A_181, %dma_wait3A_193] : memref<10000x64xf32, #tpu.memory_space<vmem_shared>> -> memref<624x64xf32, #tpu.memory_space<vmem_shared>>
      tpu.wait_dma2 semaphore(%run_scoped3A : memref<!tpu.dma_semaphore, #tpu.memory_space<semaphore_mem>>) src(%dma_wait3A_194 : memref<624x64xf32, #tpu.memory_space<vmem_shared>>) dst(%dma_wait3A_192 : memref<624x64xf32, #tpu.memory_space<hbm>>)
      tpu.yield
    }) : () -> ()
    %eq3A_184 = arith.constant 15 : i32
    %eq3A_185 = arith.cmpi eq, %arg1, %eq3A_184 : i32
    %convert_element_type3A_186 = arith.extui %eq3A_185 : i1 to i32
    %cond3A_187 = arith.constant 0 : i32
    %cond3A_188 = arith.cmpi ne, %convert_element_type3A_186, %cond3A_187 : i32
    scf.if %cond3A_188 {
      "tpu.region"() ({
        %run_scoped3A = tpu.sem_alloc : memref<!tpu.dma_semaphore, #tpu.memory_space<semaphore_mem>>
        %dma_start3A_189 = arith.constant 9984 : i32
        %dma_start3A_190 = tpu.memref_slice %arg4[%dma_start3A_189, %mul3A_38] : memref<10000x128xf32, #tpu.memory_space<hbm>> -> memref<16x64xf32, #tpu.memory_space<hbm>>
        %dma_start3A_191 = arith.constant 9984 : i32
        %dma_start3A_192 = arith.constant 0 : i32
        %dma_start3A_193 = tpu.memref_slice %arg15[%dma_start3A_191, %dma_start3A_192] : memref<10000x64xf32, #tpu.memory_space<vmem_shared>> -> memref<16x64xf32, #tpu.memory_space<vmem_shared>>
        tpu.enqueue_dma source(%dma_start3A_193 : memref<16x64xf32, #tpu.memory_space<vmem_shared>>) target(%dma_start3A_190 : memref<16x64xf32, #tpu.memory_space<hbm>>) target_semaphore(%run_scoped3A : memref<!tpu.dma_semaphore, #tpu.memory_space<semaphore_mem>>)
        %dma_wait3A_194 = arith.constant 9984 : i32
        %dma_wait3A_195 = tpu.memref_slice %arg4[%dma_wait3A_194, %mul3A_38] : memref<10000x128xf32, #tpu.memory_space<hbm>> -> memref<16x64xf32, #tpu.memory_space<hbm>>
        %dma_wait3A_196 = arith.constant 9984 : i32
        %dma_wait3A_197 = arith.constant 0 : i32
        %dma_wait3A_198 = tpu.memref_slice %arg15[%dma_wait3A_196, %dma_wait3A_197] : memref<10000x64xf32, #tpu.memory_space<vmem_shared>> -> memref<16x64xf32, #tpu.memory_space<vmem_shared>>
        tpu.wait_dma2 semaphore(%run_scoped3A : memref<!tpu.dma_semaphore, #tpu.memory_space<semaphore_mem>>) src(%dma_wait3A_198 : memref<16x64xf32, #tpu.memory_space<vmem_shared>>) dst(%dma_wait3A_195 : memref<16x64xf32, #tpu.memory_space<hbm>>)
        tpu.yield
      }) : () -> ()
    } else {
    }
    return
  }
}

module attributes {stable_mosaic.version = 14 : i64} {
  func.func @_mm1_body(%arg0: i32, %arg1: memref<2000x128xf32, #tpu.memory_space<vmem>>, %arg2: memref<128x64xf32, #tpu.memory_space<vmem>>, %arg3: memref<2000x64xf32, #tpu.memory_space<vmem>>) attributes {dimension_semantics = [#tpu.dimension_semantics<arbitrary>], iteration_bounds = array<i64: 5>, scalar_prefetch = 0 : i64, scratch_operands = 0 : i64, tpu.core_type = #tpu.core_type<tc>, window_params = [{transform_indices = @transform_0, window_bounds = array<i64: 2000, 128>}, {pipeline_mode = #tpu.pipeline_mode<synchronous>, transform_indices = @transform_1, window_bounds = array<i64: 128, 64>}, {transform_indices = @transform_2, window_bounds = array<i64: 2000, 64>}]} {
    %get3A = arith.constant 0 : index
    %get3A_0 = arith.constant 0 : index
    %get3A_1 = vector.load %arg1[%get3A, %get3A_0] : memref<2000x128xf32, #tpu.memory_space<vmem>>, vector<2000x128xf32>
    %get3A_2 = arith.constant 0 : index
    %get3A_3 = arith.constant 0 : index
    %get3A_4 = vector.load %arg2[%get3A_2, %get3A_3] : memref<128x64xf32, #tpu.memory_space<vmem>>, vector<128x64xf32>
    %dot_general3A = arith.constant dense<0.000000e+00> : vector<2000x64xf32>
    %dot_general3A_5 = tpu.matmul %get3A_1, %get3A_4, %dot_general3A {dimension_numbers = #tpu.dot_dimension_numbers<[1], [0], [0], [1], [0, 0, 1, 1], [], []>, transpose_lhs_hint = false} : vector<2000x128xf32>, vector<128x64xf32>, vector<2000x64xf32> -> vector<2000x64xf32>
    %swap3A = arith.constant 0 : index
    %swap3A_6 = arith.constant 0 : index
    %swap3A_7 = vector.load %arg3[%swap3A, %swap3A_6] : memref<2000x64xf32, #tpu.memory_space<vmem>>, vector<2000x64xf32>
    tpu.vector_store %arg3[%swap3A, %swap3A_6], %dot_general3A_5 {strides = array<i32>} : memref<2000x64xf32, #tpu.memory_space<vmem>>, vector<2000x64xf32>,
    return
  }
  func.func @transform_0(%arg0: i32) -> (i32, i32) {
    %c0_i32 = arith.constant 0 : i32
    %c0_i32_0 = arith.constant 0 : i32
    return %arg0, %c0_i32 : i32, i32
  }
  func.func @transform_1(%arg0: i32) -> (i32, i32) {
    %c0_i32 = arith.constant 0 : i32
    %c0_i32_0 = arith.constant 0 : i32
    %c0_i32_1 = arith.constant 0 : i32
    return %c0_i32, %c0_i32_0 : i32, i32
  }
  func.func @transform_2(%arg0: i32) -> (i32, i32) {
    %c0_i32 = arith.constant 0 : i32
    %c0_i32_0 = arith.constant 0 : i32
    return %arg0, %c0_i32 : i32, i32
  }
}

module attributes {stable_mosaic.version = 14 : i64} {
  func.func @_post_body(%arg0: i32, %arg1: memref<2000x128xf32, #tpu.memory_space<vmem>>, %arg2: memref<2000x64xf32, #tpu.memory_space<vmem>>, %arg3: memref<1x64xf32, #tpu.memory_space<vmem>>, %arg4: memref<64x64xf32, #tpu.memory_space<vmem>>, %arg5: memref<1x64xf32, #tpu.memory_space<vmem>>, %arg6: memref<64x64xf32, #tpu.memory_space<vmem>>, %arg7: memref<2000x64xf32, #tpu.memory_space<vmem>>) attributes {dimension_semantics = [#tpu.dimension_semantics<arbitrary>], iteration_bounds = array<i64: 5>, scalar_prefetch = 0 : i64, scratch_operands = 0 : i64, tpu.core_type = #tpu.core_type<tc>, window_params = [{transform_indices = @transform_0, window_bounds = array<i64: 2000, 128>}, {transform_indices = @transform_1, window_bounds = array<i64: 2000, 64>}, {pipeline_mode = #tpu.pipeline_mode<synchronous>, transform_indices = @transform_2, window_bounds = array<i64: 1, 64>}, {pipeline_mode = #tpu.pipeline_mode<synchronous>, transform_indices = @transform_3, window_bounds = array<i64: 64, 64>}, {pipeline_mode = #tpu.pipeline_mode<synchronous>, transform_indices = @transform_4, window_bounds = array<i64: 1, 64>}, {pipeline_mode = #tpu.pipeline_mode<synchronous>, transform_indices = @transform_5, window_bounds = array<i64: 64, 64>}, {transform_indices = @transform_6, window_bounds = array<i64: 2000, 64>}]} {
    %get3A = arith.constant 0 : index
    %get3A_0 = arith.constant 0 : index
    %get3A_1 = vector.load %arg1[%get3A, %get3A_0] : memref<2000x128xf32, #tpu.memory_space<vmem>>, vector<2000x64xf32>
    %get3A_2 = arith.constant 0 : index
    %get3A_3 = arith.constant 64 : index
    %get3A_4 = vector.load %arg1[%get3A_2, %get3A_3] : memref<2000x128xf32, #tpu.memory_space<vmem>>, vector<2000x64xf32>
    %add3A = arith.addf %get3A_1, %get3A_4 : vector<2000x64xf32>
    %get3A_5 = arith.constant 0 : index
    %get3A_6 = arith.constant 0 : index
    %get3A_7 = vector.load %arg2[%get3A_5, %get3A_6] : memref<2000x64xf32, #tpu.memory_space<vmem>>, vector<2000x64xf32>
    %sub3A = arith.subf %add3A, %get3A_7 : vector<2000x64xf32>
    %get3A_8 = arith.constant 0 : index
    %get3A_9 = arith.constant 0 : index
    %get3A_10 = vector.load %arg3[%get3A_8, %get3A_9] : memref<1x64xf32, #tpu.memory_space<vmem>>, vector<1x64xf32>
    %add3A_11 = vector.broadcast %get3A_10 : vector<1x64xf32> to vector<2000x64xf32>
    %add3A_12 = arith.addf %sub3A, %add3A_11 : vector<2000x64xf32>
    %max3A = arith.constant 0.000000e+00 : f32
    %max3A_13 = vector.broadcast %max3A : f32 to vector<2000x64xf32>
    %max3A_14 = arith.maximumf %add3A_12, %max3A_13 : vector<2000x64xf32>
    %get3A_15 = arith.constant 0 : index
    %get3A_16 = arith.constant 0 : index
    %get3A_17 = vector.load %arg4[%get3A_15, %get3A_16] : memref<64x64xf32, #tpu.memory_space<vmem>>, vector<64x64xf32>
    %dot_general3A = arith.constant dense<0.000000e+00> : vector<2000x64xf32>
    %dot_general3A_18 = tpu.matmul %max3A_14, %get3A_17, %dot_general3A {dimension_numbers = #tpu.dot_dimension_numbers<[1], [0], [0], [1], [0, 0, 1, 1], [], []>, transpose_lhs_hint = false} : vector<2000x64xf32>, vector<64x64xf32>, vector<2000x64xf32> -> vector<2000x64xf32>
    %get3A_19 = arith.constant 0 : index
    %get3A_20 = arith.constant 0 : index
    %get3A_21 = vector.load %arg5[%get3A_19, %get3A_20] : memref<1x64xf32, #tpu.memory_space<vmem>>, vector<1x64xf32>
    %add3A_22 = vector.broadcast %get3A_21 : vector<1x64xf32> to vector<2000x64xf32>
    %add3A_23 = arith.addf %dot_general3A_18, %add3A_22 : vector<2000x64xf32>
    %get3A_24 = arith.constant 0 : index
    %get3A_25 = arith.constant 0 : index
    %get3A_26 = vector.load %arg6[%get3A_24, %get3A_25] : memref<64x64xf32, #tpu.memory_space<vmem>>, vector<64x64xf32>
    %dot_general3A_27 = arith.constant dense<0.000000e+00> : vector<2000x64xf32>
    %dot_general3A_28 = tpu.matmul %add3A_23, %get3A_26, %dot_general3A_27 {dimension_numbers = #tpu.dot_dimension_numbers<[1], [0], [0], [1], [0, 0, 1, 1], [], []>, transpose_lhs_hint = false} : vector<2000x64xf32>, vector<64x64xf32>, vector<2000x64xf32> -> vector<2000x64xf32>
    %swap3A = arith.constant 0 : index
    %swap3A_29 = arith.constant 0 : index
    %swap3A_30 = vector.load %arg7[%swap3A, %swap3A_29] : memref<2000x64xf32, #tpu.memory_space<vmem>>, vector<2000x64xf32>
    tpu.vector_store %arg7[%swap3A, %swap3A_29], %dot_general3A_28 {strides = array<i32>} : memref<2000x64xf32, #tpu.memory_space<vmem>>, vector<2000x64xf32>,
    return
  }
  func.func @transform_0(%arg0: i32) -> (i32, i32) {
    %c0_i32 = arith.constant 0 : i32
    %c0_i32_0 = arith.constant 0 : i32
    return %arg0, %c0_i32 : i32, i32
  }
  func.func @transform_1(%arg0: i32) -> (i32, i32) {
    %c0_i32 = arith.constant 0 : i32
    %c0_i32_0 = arith.constant 0 : i32
    return %arg0, %c0_i32 : i32, i32
  }
  func.func @transform_2(%arg0: i32) -> (i32, i32) {
    %c0_i32 = arith.constant 0 : i32
    %c0_i32_0 = arith.constant 0 : i32
    %c0_i32_1 = arith.constant 0 : i32
    return %c0_i32, %c0_i32_0 : i32, i32
  }
  func.func @transform_3(%arg0: i32) -> (i32, i32) {
    %c0_i32 = arith.constant 0 : i32
    %c0_i32_0 = arith.constant 0 : i32
    %c0_i32_1 = arith.constant 0 : i32
    return %c0_i32, %c0_i32_0 : i32, i32
  }
  func.func @transform_4(%arg0: i32) -> (i32, i32) {
    %c0_i32 = arith.constant 0 : i32
    %c0_i32_0 = arith.constant 0 : i32
    %c0_i32_1 = arith.constant 0 : i32
    return %c0_i32, %c0_i32_0 : i32, i32
  }
  func.func @transform_5(%arg0: i32) -> (i32, i32) {
    %c0_i32 = arith.constant 0 : i32
    %c0_i32_0 = arith.constant 0 : i32
    %c0_i32_1 = arith.constant 0 : i32
    return %c0_i32, %c0_i32_0 : i32, i32
  }
  func.func @transform_6(%arg0: i32) -> (i32, i32) {
    %c0_i32 = arith.constant 0 : i32
    %c0_i32_0 = arith.constant 0 : i32
    return %arg0, %c0_i32 : i32, i32
  }
}

module attributes {stable_mosaic.version = 14 : i64} {
  func.func @_post2_body(%arg0: i32, %arg1: memref<2000x128xf32, #tpu.memory_space<vmem>>, %arg2: memref<2000x64xf32, #tpu.memory_space<vmem>>, %arg3: memref<1x64xf32, #tpu.memory_space<vmem>>, %arg4: memref<64x64xf32, #tpu.memory_space<vmem>>, %arg5: memref<1x64xf32, #tpu.memory_space<vmem>>, %arg6: memref<128x64xf32, #tpu.memory_space<vmem>>, %arg7: memref<2000x128xf32, #tpu.memory_space<vmem>>, %arg8: memref<64x64xf32, #tpu.memory_space<vmem>>, %arg9: memref<2000x64xf32, #tpu.memory_space<vmem>>, %arg10: memref<2000x64xf32, #tpu.memory_space<vmem>>) attributes {dimension_semantics = [#tpu.dimension_semantics<arbitrary>], iteration_bounds = array<i64: 5>, scalar_prefetch = 0 : i64, scratch_operands = 0 : i64, tpu.core_type = #tpu.core_type<tc>, window_params = [{transform_indices = @transform_0, window_bounds = array<i64: 2000, 128>}, {transform_indices = @transform_1, window_bounds = array<i64: 2000, 64>}, {pipeline_mode = #tpu.pipeline_mode<synchronous>, transform_indices = @transform_2, window_bounds = array<i64: 1, 64>}, {pipeline_mode = #tpu.pipeline_mode<synchronous>, transform_indices = @transform_3, window_bounds = array<i64: 64, 64>}, {pipeline_mode = #tpu.pipeline_mode<synchronous>, transform_indices = @transform_4, window_bounds = array<i64: 1, 64>}, {pipeline_mode = #tpu.pipeline_mode<synchronous>, transform_indices = @transform_5, window_bounds = array<i64: 128, 64>}, {transform_indices = @transform_6, window_bounds = array<i64: 2000, 128>}, {pipeline_mode = #tpu.pipeline_mode<synchronous>, transform_indices = @transform_7, window_bounds = array<i64: 64, 64>}, {transform_indices = @transform_8, window_bounds = array<i64: 2000, 64>}, {transform_indices = @transform_9, window_bounds = array<i64: 2000, 64>}]} {
    %get3A = arith.constant 0 : index
    %get3A_0 = arith.constant 0 : index
    %get3A_1 = vector.load %arg1[%get3A, %get3A_0] : memref<2000x128xf32, #tpu.memory_space<vmem>>, vector<2000x64xf32>
    %get3A_2 = arith.constant 0 : index
    %get3A_3 = arith.constant 64 : index
    %get3A_4 = vector.load %arg1[%get3A_2, %get3A_3] : memref<2000x128xf32, #tpu.memory_space<vmem>>, vector<2000x64xf32>
    %add3A = arith.addf %get3A_1, %get3A_4 : vector<2000x64xf32>
    %get3A_5 = arith.constant 0 : index
    %get3A_6 = arith.constant 0 : index
    %get3A_7 = vector.load %arg2[%get3A_5, %get3A_6] : memref<2000x64xf32, #tpu.memory_space<vmem>>, vector<2000x64xf32>
    %sub3A = arith.subf %add3A, %get3A_7 : vector<2000x64xf32>
    %get3A_8 = arith.constant 0 : index
    %get3A_9 = arith.constant 0 : index
    %get3A_10 = vector.load %arg3[%get3A_8, %get3A_9] : memref<1x64xf32, #tpu.memory_space<vmem>>, vector<1x64xf32>
    %add3A_11 = vector.broadcast %get3A_10 : vector<1x64xf32> to vector<2000x64xf32>
    %add3A_12 = arith.addf %sub3A, %add3A_11 : vector<2000x64xf32>
    %max3A = arith.constant 0.000000e+00 : f32
    %max3A_13 = vector.broadcast %max3A : f32 to vector<2000x64xf32>
    %max3A_14 = arith.maximumf %add3A_12, %max3A_13 : vector<2000x64xf32>
    %get3A_15 = arith.constant 0 : index
    %get3A_16 = arith.constant 0 : index
    %get3A_17 = vector.load %arg4[%get3A_15, %get3A_16] : memref<64x64xf32, #tpu.memory_space<vmem>>, vector<64x64xf32>
    %dot_general3A = arith.constant dense<0.000000e+00> : vector<2000x64xf32>
    %dot_general3A_18 = tpu.matmul %max3A_14, %get3A_17, %dot_general3A {dimension_numbers = #tpu.dot_dimension_numbers<[1], [0], [0], [1], [0, 0, 1, 1], [], []>, transpose_lhs_hint = false} : vector<2000x64xf32>, vector<64x64xf32>, vector<2000x64xf32> -> vector<2000x64xf32>
    %get3A_19 = arith.constant 0 : index
    %get3A_20 = arith.constant 0 : index
    %get3A_21 = vector.load %arg5[%get3A_19, %get3A_20] : memref<1x64xf32, #tpu.memory_space<vmem>>, vector<1x64xf32>
    %add3A_22 = vector.broadcast %get3A_21 : vector<1x64xf32> to vector<2000x64xf32>
    %add3A_23 = arith.addf %dot_general3A_18, %add3A_22 : vector<2000x64xf32>
    %swap3A = arith.constant 0 : index
    %swap3A_24 = arith.constant 0 : index
    %swap3A_25 = vector.load %arg9[%swap3A, %swap3A_24] : memref<2000x64xf32, #tpu.memory_space<vmem>>, vector<2000x64xf32>
    tpu.vector_store %arg9[%swap3A, %swap3A_24], %add3A_23 {strides = array<i32>} : memref<2000x64xf32, #tpu.memory_space<vmem>>, vector<2000x64xf32>,
    %get3A_26 = arith.constant 0 : index
    %get3A_27 = arith.constant 0 : index
    %get3A_28 = vector.load %arg7[%get3A_26, %get3A_27] : memref<2000x128xf32, #tpu.memory_space<vmem>>, vector<2000x128xf32>
    %get3A_29 = arith.constant 0 : index
    %get3A_30 = arith.constant 0 : index
    %get3A_31 = vector.load %arg6[%get3A_29, %get3A_30] : memref<128x64xf32, #tpu.memory_space<vmem>>, vector<128x64xf32>
    %dot_general3A_32 = arith.constant dense<0.000000e+00> : vector<2000x64xf32>
    %dot_general3A_33 = tpu.matmul %get3A_28, %get3A_31, %dot_general3A_32 {dimension_numbers = #tpu.dot_dimension_numbers<[1], [0], [0], [1], [0, 0, 1, 1], [], []>, transpose_lhs_hint = false} : vector<2000x128xf32>, vector<128x64xf32>, vector<2000x64xf32> -> vector<2000x64xf32>
    %get3A_34 = arith.constant 0 : index
    %get3A_35 = arith.constant 0 : index
    %get3A_36 = vector.load %arg8[%get3A_34, %get3A_35] : memref<64x64xf32, #tpu.memory_space<vmem>>, vector<64x64xf32>
    %dot_general3A_37 = arith.constant dense<0.000000e+00> : vector<2000x64xf32>
    %dot_general3A_38 = tpu.matmul %add3A_23, %get3A_36, %dot_general3A_37 {dimension_numbers = #tpu.dot_dimension_numbers<[1], [0], [0], [1], [0, 0, 1, 1], [], []>, transpose_lhs_hint = false} : vector<2000x64xf32>, vector<64x64xf32>, vector<2000x64xf32> -> vector<2000x64xf32>
    %add3A_39 = arith.addf %dot_general3A_33, %dot_general3A_38 : vector<2000x64xf32>
    %swap3A_40 = arith.constant 0 : index
    %swap3A_41 = arith.constant 0 : index
    %swap3A_42 = vector.load %arg10[%swap3A_40, %swap3A_41] : memref<2000x64xf32, #tpu.memory_space<vmem>>, vector<2000x64xf32>
    tpu.vector_store %arg10[%swap3A_40, %swap3A_41], %add3A_39 {strides = array<i32>} : memref<2000x64xf32, #tpu.memory_space<vmem>>, vector<2000x64xf32>,
    return
  }
  func.func @transform_0(%arg0: i32) -> (i32, i32) {
    %c0_i32 = arith.constant 0 : i32
    %c0_i32_0 = arith.constant 0 : i32
    return %arg0, %c0_i32 : i32, i32
  }
  func.func @transform_1(%arg0: i32) -> (i32, i32) {
    %c0_i32 = arith.constant 0 : i32
    %c0_i32_0 = arith.constant 0 : i32
    return %arg0, %c0_i32 : i32, i32
  }
  func.func @transform_2(%arg0: i32) -> (i32, i32) {
    %c0_i32 = arith.constant 0 : i32
    %c0_i32_0 = arith.constant 0 : i32
    %c0_i32_1 = arith.constant 0 : i32
    return %c0_i32, %c0_i32_0 : i32, i32
  }
  func.func @transform_3(%arg0: i32) -> (i32, i32) {
    %c0_i32 = arith.constant 0 : i32
    %c0_i32_0 = arith.constant 0 : i32
    %c0_i32_1 = arith.constant 0 : i32
    return %c0_i32, %c0_i32_0 : i32, i32
  }
  func.func @transform_4(%arg0: i32) -> (i32, i32) {
    %c0_i32 = arith.constant 0 : i32
    %c0_i32_0 = arith.constant 0 : i32
    %c0_i32_1 = arith.constant 0 : i32
    return %c0_i32, %c0_i32_0 : i32, i32
  }
  func.func @transform_5(%arg0: i32) -> (i32, i32) {
    %c0_i32 = arith.constant 0 : i32
    %c0_i32_0 = arith.constant 0 : i32
    %c0_i32_1 = arith.constant 0 : i32
    return %c0_i32, %c0_i32_0 : i32, i32
  }
  func.func @transform_6(%arg0: i32) -> (i32, i32) {
    %c0_i32 = arith.constant 0 : i32
    %c0_i32_0 = arith.constant 0 : i32
    return %arg0, %c0_i32 : i32, i32
  }
  func.func @transform_7(%arg0: i32) -> (i32, i32) {
    %c0_i32 = arith.constant 0 : i32
    %c0_i32_0 = arith.constant 0 : i32
    %c0_i32_1 = arith.constant 0 : i32
    return %c0_i32, %c0_i32_0 : i32, i32
  }
  func.func @transform_8(%arg0: i32) -> (i32, i32) {
    %c0_i32 = arith.constant 0 : i32
    %c0_i32_0 = arith.constant 0 : i32
    return %arg0, %c0_i32 : i32, i32
  }
  func.func @transform_9(%arg0: i32) -> (i32, i32) {
    %c0_i32 = arith.constant 0 : i32
    %c0_i32_0 = arith.constant 0 : i32
    return %arg0, %c0_i32 : i32, i32
  }
}

module attributes {stable_mosaic.version = 14 : i64} {
  func.func @_post2_body(%arg0: i32, %arg1: memref<2000x128xf32, #tpu.memory_space<vmem>>, %arg2: memref<2000x64xf32, #tpu.memory_space<vmem>>, %arg3: memref<1x64xf32, #tpu.memory_space<vmem>>, %arg4: memref<64x64xf32, #tpu.memory_space<vmem>>, %arg5: memref<1x64xf32, #tpu.memory_space<vmem>>, %arg6: memref<64x64xf32, #tpu.memory_space<vmem>>, %arg7: memref<2000x64xf32, #tpu.memory_space<vmem>>, %arg8: memref<64x64xf32, #tpu.memory_space<vmem>>, %arg9: memref<2000x64xf32, #tpu.memory_space<vmem>>, %arg10: memref<2000x64xf32, #tpu.memory_space<vmem>>) attributes {dimension_semantics = [#tpu.dimension_semantics<arbitrary>], iteration_bounds = array<i64: 5>, scalar_prefetch = 0 : i64, scratch_operands = 0 : i64, tpu.core_type = #tpu.core_type<tc>, window_params = [{transform_indices = @transform_0, window_bounds = array<i64: 2000, 128>}, {transform_indices = @transform_1, window_bounds = array<i64: 2000, 64>}, {pipeline_mode = #tpu.pipeline_mode<synchronous>, transform_indices = @transform_2, window_bounds = array<i64: 1, 64>}, {pipeline_mode = #tpu.pipeline_mode<synchronous>, transform_indices = @transform_3, window_bounds = array<i64: 64, 64>}, {pipeline_mode = #tpu.pipeline_mode<synchronous>, transform_indices = @transform_4, window_bounds = array<i64: 1, 64>}, {pipeline_mode = #tpu.pipeline_mode<synchronous>, transform_indices = @transform_5, window_bounds = array<i64: 64, 64>}, {transform_indices = @transform_6, window_bounds = array<i64: 2000, 64>}, {pipeline_mode = #tpu.pipeline_mode<synchronous>, transform_indices = @transform_7, window_bounds = array<i64: 64, 64>}, {transform_indices = @transform_8, window_bounds = array<i64: 2000, 64>}, {transform_indices = @transform_9, window_bounds = array<i64: 2000, 64>}]} {
    %get3A = arith.constant 0 : index
    %get3A_0 = arith.constant 0 : index
    %get3A_1 = vector.load %arg1[%get3A, %get3A_0] : memref<2000x128xf32, #tpu.memory_space<vmem>>, vector<2000x64xf32>
    %get3A_2 = arith.constant 0 : index
    %get3A_3 = arith.constant 64 : index
    %get3A_4 = vector.load %arg1[%get3A_2, %get3A_3] : memref<2000x128xf32, #tpu.memory_space<vmem>>, vector<2000x64xf32>
    %add3A = arith.addf %get3A_1, %get3A_4 : vector<2000x64xf32>
    %get3A_5 = arith.constant 0 : index
    %get3A_6 = arith.constant 0 : index
    %get3A_7 = vector.load %arg2[%get3A_5, %get3A_6] : memref<2000x64xf32, #tpu.memory_space<vmem>>, vector<2000x64xf32>
    %sub3A = arith.subf %add3A, %get3A_7 : vector<2000x64xf32>
    %get3A_8 = arith.constant 0 : index
    %get3A_9 = arith.constant 0 : index
    %get3A_10 = vector.load %arg3[%get3A_8, %get3A_9] : memref<1x64xf32, #tpu.memory_space<vmem>>, vector<1x64xf32>
    %add3A_11 = vector.broadcast %get3A_10 : vector<1x64xf32> to vector<2000x64xf32>
    %add3A_12 = arith.addf %sub3A, %add3A_11 : vector<2000x64xf32>
    %max3A = arith.constant 0.000000e+00 : f32
    %max3A_13 = vector.broadcast %max3A : f32 to vector<2000x64xf32>
    %max3A_14 = arith.maximumf %add3A_12, %max3A_13 : vector<2000x64xf32>
    %get3A_15 = arith.constant 0 : index
    %get3A_16 = arith.constant 0 : index
    %get3A_17 = vector.load %arg4[%get3A_15, %get3A_16] : memref<64x64xf32, #tpu.memory_space<vmem>>, vector<64x64xf32>
    %dot_general3A = arith.constant dense<0.000000e+00> : vector<2000x64xf32>
    %dot_general3A_18 = tpu.matmul %max3A_14, %get3A_17, %dot_general3A {dimension_numbers = #tpu.dot_dimension_numbers<[1], [0], [0], [1], [0, 0, 1, 1], [], []>, transpose_lhs_hint = false} : vector<2000x64xf32>, vector<64x64xf32>, vector<2000x64xf32> -> vector<2000x64xf32>
    %get3A_19 = arith.constant 0 : index
    %get3A_20 = arith.constant 0 : index
    %get3A_21 = vector.load %arg5[%get3A_19, %get3A_20] : memref<1x64xf32, #tpu.memory_space<vmem>>, vector<1x64xf32>
    %add3A_22 = vector.broadcast %get3A_21 : vector<1x64xf32> to vector<2000x64xf32>
    %add3A_23 = arith.addf %dot_general3A_18, %add3A_22 : vector<2000x64xf32>
    %swap3A = arith.constant 0 : index
    %swap3A_24 = arith.constant 0 : index
    %swap3A_25 = vector.load %arg9[%swap3A, %swap3A_24] : memref<2000x64xf32, #tpu.memory_space<vmem>>, vector<2000x64xf32>
    tpu.vector_store %arg9[%swap3A, %swap3A_24], %add3A_23 {strides = array<i32>} : memref<2000x64xf32, #tpu.memory_space<vmem>>, vector<2000x64xf32>,
    %get3A_26 = arith.constant 0 : index
    %get3A_27 = arith.constant 0 : index
    %get3A_28 = vector.load %arg7[%get3A_26, %get3A_27] : memref<2000x64xf32, #tpu.memory_space<vmem>>, vector<2000x64xf32>
    %get3A_29 = arith.constant 0 : index
    %get3A_30 = arith.constant 0 : index
    %get3A_31 = vector.load %arg6[%get3A_29, %get3A_30] : memref<64x64xf32, #tpu.memory_space<vmem>>, vector<64x64xf32>
    %dot_general3A_32 = arith.constant dense<0.000000e+00> : vector<2000x64xf32>
    %dot_general3A_33 = tpu.matmul %get3A_28, %get3A_31, %dot_general3A_32 {dimension_numbers = #tpu.dot_dimension_numbers<[1], [0], [0], [1], [0, 0, 1, 1], [], []>, transpose_lhs_hint = false} : vector<2000x64xf32>, vector<64x64xf32>, vector<2000x64xf32> -> vector<2000x64xf32>
    %get3A_34 = arith.constant 0 : index
    %get3A_35 = arith.constant 0 : index
    %get3A_36 = vector.load %arg8[%get3A_34, %get3A_35] : memref<64x64xf32, #tpu.memory_space<vmem>>, vector<64x64xf32>
    %dot_general3A_37 = arith.constant dense<0.000000e+00> : vector<2000x64xf32>
    %dot_general3A_38 = tpu.matmul %add3A_23, %get3A_36, %dot_general3A_37 {dimension_numbers = #tpu.dot_dimension_numbers<[1], [0], [0], [1], [0, 0, 1, 1], [], []>, transpose_lhs_hint = false} : vector<2000x64xf32>, vector<64x64xf32>, vector<2000x64xf32> -> vector<2000x64xf32>
    %add3A_39 = arith.addf %dot_general3A_33, %dot_general3A_38 : vector<2000x64xf32>
    %swap3A_40 = arith.constant 0 : index
    %swap3A_41 = arith.constant 0 : index
    %swap3A_42 = vector.load %arg10[%swap3A_40, %swap3A_41] : memref<2000x64xf32, #tpu.memory_space<vmem>>, vector<2000x64xf32>
    tpu.vector_store %arg10[%swap3A_40, %swap3A_41], %add3A_39 {strides = array<i32>} : memref<2000x64xf32, #tpu.memory_space<vmem>>, vector<2000x64xf32>,
    return
  }
  func.func @transform_0(%arg0: i32) -> (i32, i32) {
    %c0_i32 = arith.constant 0 : i32
    %c0_i32_0 = arith.constant 0 : i32
    return %arg0, %c0_i32 : i32, i32
  }
  func.func @transform_1(%arg0: i32) -> (i32, i32) {
    %c0_i32 = arith.constant 0 : i32
    %c0_i32_0 = arith.constant 0 : i32
    return %arg0, %c0_i32 : i32, i32
  }
  func.func @transform_2(%arg0: i32) -> (i32, i32) {
    %c0_i32 = arith.constant 0 : i32
    %c0_i32_0 = arith.constant 0 : i32
    %c0_i32_1 = arith.constant 0 : i32
    return %c0_i32, %c0_i32_0 : i32, i32
  }
  func.func @transform_3(%arg0: i32) -> (i32, i32) {
    %c0_i32 = arith.constant 0 : i32
    %c0_i32_0 = arith.constant 0 : i32
    %c0_i32_1 = arith.constant 0 : i32
    return %c0_i32, %c0_i32_0 : i32, i32
  }
  func.func @transform_4(%arg0: i32) -> (i32, i32) {
    %c0_i32 = arith.constant 0 : i32
    %c0_i32_0 = arith.constant 0 : i32
    %c0_i32_1 = arith.constant 0 : i32
    return %c0_i32, %c0_i32_0 : i32, i32
  }
  func.func @transform_5(%arg0: i32) -> (i32, i32) {
    %c0_i32 = arith.constant 0 : i32
    %c0_i32_0 = arith.constant 0 : i32
    %c0_i32_1 = arith.constant 0 : i32
    return %c0_i32, %c0_i32_0 : i32, i32
  }
  func.func @transform_6(%arg0: i32) -> (i32, i32) {
    %c0_i32 = arith.constant 0 : i32
    %c0_i32_0 = arith.constant 0 : i32
    return %arg0, %c0_i32 : i32, i32
  }
  func.func @transform_7(%arg0: i32) -> (i32, i32) {
    %c0_i32 = arith.constant 0 : i32
    %c0_i32_0 = arith.constant 0 : i32
    %c0_i32_1 = arith.constant 0 : i32
    return %c0_i32, %c0_i32_0 : i32, i32
  }
  func.func @transform_8(%arg0: i32) -> (i32, i32) {
    %c0_i32 = arith.constant 0 : i32
    %c0_i32_0 = arith.constant 0 : i32
    return %arg0, %c0_i32 : i32, i32
  }
  func.func @transform_9(%arg0: i32) -> (i32, i32) {
    %c0_i32 = arith.constant 0 : i32
    %c0_i32_0 = arith.constant 0 : i32
    return %arg0, %c0_i32 : i32, i32
  }
}

module attributes {stable_mosaic.version = 14 : i64} {
  func.func @_pool_body(%arg0: i32, %arg1: memref<2000x128xf32, #tpu.memory_space<vmem>>, %arg2: memref<2000x64xf32, #tpu.memory_space<vmem>>, %arg3: memref<1x64xf32, #tpu.memory_space<vmem>>, %arg4: memref<64x16xf32, #tpu.memory_space<vmem>>, %arg5: memref<1x16xf32, #tpu.memory_space<vmem>>, %arg6: memref<1x1x2000xf32, #tpu.memory_space<vmem>>, %arg7: memref<64x16xf32, #tpu.memory_space<vmem>>, %arg8: memref<64x16xf32, #tpu.memory_space<vmem>>) attributes {dimension_semantics = [#tpu.dimension_semantics<arbitrary>], iteration_bounds = array<i64: 5>, scalar_prefetch = 0 : i64, scratch_operands = 1 : i64, tpu.core_type = #tpu.core_type<tc>, window_params = [{transform_indices = @transform_0, window_bounds = array<i64: 2000, 128>}, {transform_indices = @transform_1, window_bounds = array<i64: 2000, 64>}, {pipeline_mode = #tpu.pipeline_mode<synchronous>, transform_indices = @transform_2, window_bounds = array<i64: 1, 64>}, {pipeline_mode = #tpu.pipeline_mode<synchronous>, transform_indices = @transform_3, window_bounds = array<i64: 64, 16>}, {pipeline_mode = #tpu.pipeline_mode<synchronous>, transform_indices = @transform_4, window_bounds = array<i64: 1, 16>}, {transform_indices = @transform_5, window_bounds = array<i64: 1, 1, 2000>}, {pipeline_mode = #tpu.pipeline_mode<synchronous>, transform_indices = @transform_6, window_bounds = array<i64: 64, 16>}]} {
    %eq3A = arith.constant 0 : i32
    %eq3A_0 = arith.cmpi eq, %arg0, %eq3A : i32
    %convert_element_type3A = arith.extui %eq3A_0 : i1 to i32
    %cond3A = arith.constant 0 : i32
    %cond3A_1 = arith.cmpi ne, %convert_element_type3A, %cond3A : i32
    scf.if %cond3A_1 {
      %broadcast_in_dim3A_61 = arith.constant 0.000000e+00 : f32
      %broadcast_in_dim3A_62 = vector.broadcast %broadcast_in_dim3A_61 : f32 to vector<64x16xf32>
      %swap3A_63 = arith.constant 0 : index
      %swap3A_64 = arith.constant 0 : index
      %swap3A_65 = vector.load %arg7[%swap3A_63, %swap3A_64] : memref<64x16xf32, #tpu.memory_space<vmem>>, vector<64x16xf32>
      tpu.vector_store %arg7[%swap3A_63, %swap3A_64], %broadcast_in_dim3A_62 {strides = array<i32>} : memref<64x16xf32, #tpu.memory_space<vmem>>, vector<64x16xf32>,
      %broadcast_in_dim3A_66 = arith.constant 0.000000e+00 : f32
      %broadcast_in_dim3A_67 = vector.broadcast %broadcast_in_dim3A_66 : f32 to vector<64x16xf32>
      %swap3A_68 = arith.constant 0 : index
      %swap3A_69 = arith.constant 0 : index
      %swap3A_70 = vector.load %arg8[%swap3A_68, %swap3A_69] : memref<64x16xf32, #tpu.memory_space<vmem>>, vector<64x16xf32>
      tpu.vector_store %arg8[%swap3A_68, %swap3A_69], %broadcast_in_dim3A_67 {strides = array<i32>} : memref<64x16xf32, #tpu.memory_space<vmem>>, vector<64x16xf32>,
    } else {
    }
    %get3A = arith.constant 0 : index
    %get3A_2 = arith.constant 0 : index
    %get3A_3 = vector.load %arg1[%get3A, %get3A_2] : memref<2000x128xf32, #tpu.memory_space<vmem>>, vector<2000x64xf32>
    %get3A_4 = arith.constant 0 : index
    %get3A_5 = arith.constant 64 : index
    %get3A_6 = vector.load %arg1[%get3A_4, %get3A_5] : memref<2000x128xf32, #tpu.memory_space<vmem>>, vector<2000x64xf32>
    %add3A = arith.addf %get3A_3, %get3A_6 : vector<2000x64xf32>
    %get3A_7 = arith.constant 0 : index
    %get3A_8 = arith.constant 0 : index
    %get3A_9 = vector.load %arg2[%get3A_7, %get3A_8] : memref<2000x64xf32, #tpu.memory_space<vmem>>, vector<2000x64xf32>
    %sub3A = arith.subf %add3A, %get3A_9 : vector<2000x64xf32>
    %get3A_10 = arith.constant 0 : index
    %get3A_11 = arith.constant 0 : index
    %get3A_12 = vector.load %arg3[%get3A_10, %get3A_11] : memref<1x64xf32, #tpu.memory_space<vmem>>, vector<1x64xf32>
    %add3A_13 = vector.broadcast %get3A_12 : vector<1x64xf32> to vector<2000x64xf32>
    %add3A_14 = arith.addf %sub3A, %add3A_13 : vector<2000x64xf32>
    %max3A = arith.constant 0.000000e+00 : f32
    %max3A_15 = vector.broadcast %max3A : f32 to vector<2000x64xf32>
    %max3A_16 = arith.maximumf %add3A_14, %max3A_15 : vector<2000x64xf32>
    %get3A_17 = arith.constant 0 : index
    %get3A_18 = arith.constant 0 : index
    %get3A_19 = vector.load %arg4[%get3A_17, %get3A_18] : memref<64x16xf32, #tpu.memory_space<vmem>>, vector<64x16xf32>
    %dot_general3A = arith.constant dense<0.000000e+00> : vector<2000x16xf32>
    %dot_general3A_20 = tpu.matmul %max3A_16, %get3A_19, %dot_general3A {dimension_numbers = #tpu.dot_dimension_numbers<[1], [0], [0], [1], [0, 0, 1, 1], [], []>, transpose_lhs_hint = false} : vector<2000x64xf32>, vector<64x16xf32>, vector<2000x16xf32> -> vector<2000x16xf32>
    %get3A_21 = arith.constant 0 : index
    %get3A_22 = arith.constant 0 : index
    %get3A_23 = vector.load %arg5[%get3A_21, %get3A_22] : memref<1x16xf32, #tpu.memory_space<vmem>>, vector<1x16xf32>
    %add3A_24 = vector.broadcast %get3A_23 : vector<1x16xf32> to vector<2000x16xf32>
    %add3A_25 = arith.addf %dot_general3A_20, %add3A_24 : vector<2000x16xf32>
    %iota3A = tpu.iota {dimensions = array<i32: 0>} : vector<64x2000xi32>
    %convert_element_type3A_26 = arith.sitofp %iota3A : vector<64x2000xi32> to vector<64x2000xf32>
    %get3A_27 = arith.constant 0 : index
    %get3A_28 = arith.constant 0 : index
    %get3A_29 = arith.constant 0 : index
    %get3A_30 = vector.load %arg6[%get3A_27, %get3A_28, %get3A_29] : memref<1x1x2000xf32, #tpu.memory_space<vmem>>, vector<1x1x2000xf32>
    %get3A_31 = vector.shape_cast %get3A_30 : vector<1x1x2000xf32> to vector<1x2000xf32>
    %broadcast_in_dim3A = vector.shape_cast %get3A_31 : vector<1x2000xf32> to vector<1x2000xf32>
    %broadcast_in_dim3A_32 = vector.broadcast %broadcast_in_dim3A : vector<1x2000xf32> to vector<64x2000xf32>
    %eq3A_33 = arith.cmpf oeq, %broadcast_in_dim3A_32, %convert_element_type3A_26 : vector<64x2000xf32>
    %jit3A = arith.constant 1.000000e+00 : f32
    %jit3A_34 = arith.constant 0.000000e+00 : f32
    %broadcast_in_dim3A_35 = vector.broadcast %jit3A : f32 to vector<64x2000xf32>
    %broadcast_in_dim3A_36 = vector.broadcast %jit3A_34 : f32 to vector<64x2000xf32>
    %select_n3A = arith.select %eq3A_33, %broadcast_in_dim3A_35, %broadcast_in_dim3A_36 : vector<64x2000xi1>, vector<64x2000xf32>
    %get3A_37 = arith.constant 0 : index
    %get3A_38 = arith.constant 0 : index
    %get3A_39 = vector.load %arg7[%get3A_37, %get3A_38] : memref<64x16xf32, #tpu.memory_space<vmem>>, vector<64x16xf32>
    %dot_general3A_40 = arith.constant dense<0.000000e+00> : vector<64x16xf32>
    %dot_general3A_41 = tpu.matmul %select_n3A, %add3A_25, %dot_general3A_40 {dimension_numbers = #tpu.dot_dimension_numbers<[1], [0], [0], [1], [0, 0, 1, 1], [], []>, transpose_lhs_hint = false} : vector<64x2000xf32>, vector<2000x16xf32>, vector<64x16xf32> -> vector<64x16xf32>
    %add3A_42 = arith.addf %get3A_39, %dot_general3A_41 : vector<64x16xf32>
    %swap3A = arith.constant 0 : index
    %swap3A_43 = arith.constant 0 : index
    %swap3A_44 = vector.load %arg7[%swap3A, %swap3A_43] : memref<64x16xf32, #tpu.memory_space<vmem>>, vector<64x16xf32>
    tpu.vector_store %arg7[%swap3A, %swap3A_43], %add3A_42 {strides = array<i32>} : memref<64x16xf32, #tpu.memory_space<vmem>>, vector<64x16xf32>,
    %get3A_45 = arith.constant 0 : index
    %get3A_46 = arith.constant 0 : index
    %get3A_47 = vector.load %arg8[%get3A_45, %get3A_46] : memref<64x16xf32, #tpu.memory_space<vmem>>, vector<64x16xf32>
    %broadcast_in_dim3A_48 = arith.constant 1.000000e+00 : f32
    %broadcast_in_dim3A_49 = vector.broadcast %broadcast_in_dim3A_48 : f32 to vector<2000x16xf32>
    %dot_general3A_50 = arith.constant dense<0.000000e+00> : vector<64x16xf32>
    %dot_general3A_51 = tpu.matmul %select_n3A, %broadcast_in_dim3A_49, %dot_general3A_50 {dimension_numbers = #tpu.dot_dimension_numbers<[1], [0], [0], [1], [0, 0, 1, 1], [], []>, transpose_lhs_hint = false} : vector<64x2000xf32>, vector<2000x16xf32>, vector<64x16xf32> -> vector<64x16xf32>
    %add3A_52 = arith.addf %get3A_47, %dot_general3A_51 : vector<64x16xf32>
    %swap3A_53 = arith.constant 0 : index
    %swap3A_54 = arith.constant 0 : index
    %swap3A_55 = vector.load %arg8[%swap3A_53, %swap3A_54] : memref<64x16xf32, #tpu.memory_space<vmem>>, vector<64x16xf32>
    tpu.vector_store %arg8[%swap3A_53, %swap3A_54], %add3A_52 {strides = array<i32>} : memref<64x16xf32, #tpu.memory_space<vmem>>, vector<64x16xf32>,
    %eq3A_56 = arith.constant 4 : i32
    %eq3A_57 = arith.cmpi eq, %arg0, %eq3A_56 : i32
    %convert_element_type3A_58 = arith.extui %eq3A_57 : i1 to i32
    %cond3A_59 = arith.constant 0 : i32
    %cond3A_60 = arith.cmpi ne, %convert_element_type3A_58, %cond3A_59 : i32
    scf.if %cond3A_60 {
      %get3A_61 = arith.constant 0 : index
      %get3A_62 = arith.constant 0 : index
      %get3A_63 = vector.load %arg7[%get3A_61, %get3A_62] : memref<64x16xf32, #tpu.memory_space<vmem>>, vector<64x16xf32>
      %get3A_64 = arith.constant 0 : index
      %get3A_65 = arith.constant 0 : index
      %get3A_66 = vector.load %arg8[%get3A_64, %get3A_65] : memref<64x16xf32, #tpu.memory_space<vmem>>, vector<64x16xf32>
      %max3A_67 = arith.constant 1.000000e+00 : f32
      %max3A_68 = vector.broadcast %max3A_67 : f32 to vector<64x16xf32>
      %max3A_69 = arith.maximumf %get3A_66, %max3A_68 : vector<64x16xf32>
      %div3A = arith.divf %get3A_63, %max3A_69 : vector<64x16xf32>
      %swap3A_70 = arith.constant 0 : index
      %swap3A_71 = arith.constant 0 : index
      %swap3A_72 = vector.load %arg7[%swap3A_70, %swap3A_71] : memref<64x16xf32, #tpu.memory_space<vmem>>, vector<64x16xf32>
      tpu.vector_store %arg7[%swap3A_70, %swap3A_71], %div3A {strides = array<i32>} : memref<64x16xf32, #tpu.memory_space<vmem>>, vector<64x16xf32>,
    } else {
    }
    return
  }
  func.func @transform_0(%arg0: i32) -> (i32, i32) {
    %c0_i32 = arith.constant 0 : i32
    %c0_i32_0 = arith.constant 0 : i32
    return %arg0, %c0_i32 : i32, i32
  }
  func.func @transform_1(%arg0: i32) -> (i32, i32) {
    %c0_i32 = arith.constant 0 : i32
    %c0_i32_0 = arith.constant 0 : i32
    return %arg0, %c0_i32 : i32, i32
  }
  func.func @transform_2(%arg0: i32) -> (i32, i32) {
    %c0_i32 = arith.constant 0 : i32
    %c0_i32_0 = arith.constant 0 : i32
    %c0_i32_1 = arith.constant 0 : i32
    return %c0_i32, %c0_i32_0 : i32, i32
  }
  func.func @transform_3(%arg0: i32) -> (i32, i32) {
    %c0_i32 = arith.constant 0 : i32
    %c0_i32_0 = arith.constant 0 : i32
    %c0_i32_1 = arith.constant 0 : i32
    return %c0_i32, %c0_i32_0 : i32, i32
  }
  func.func @transform_4(%arg0: i32) -> (i32, i32) {
    %c0_i32 = arith.constant 0 : i32
    %c0_i32_0 = arith.constant 0 : i32
    %c0_i32_1 = arith.constant 0 : i32
    return %c0_i32, %c0_i32_0 : i32, i32
  }
  func.func @transform_5(%arg0: i32) -> (i32, i32, i32) {
    %c0_i32 = arith.constant 0 : i32
    %c0_i32_0 = arith.constant 0 : i32
    %c0_i32_1 = arith.constant 0 : i32
    return %arg0, %c0_i32, %c0_i32_0 : i32, i32, i32
  }
  func.func @transform_6(%arg0: i32) -> (i32, i32) {
    %c0_i32 = arith.constant 0 : i32
    %c0_i32_0 = arith.constant 0 : i32
    %c0_i32_1 = arith.constant 0 : i32
    return %c0_i32, %c0_i32_0 : i32, i32
  }
}

</mosaic_0001>

<sc_bundles>
// kernel: kernel.11.cloned.1.call-start
scs
__scs_entry_jumppad:
0x0: {  	(pc) =	sbr.rel $0x88, $3  }
0x1: {  	(tag) =	ssettag $0x0;
	lr =	simm.s32 $0x1  }
0x2: {  	[smem:$0x3F8E] =	sst lr;
	_ =	strace $0xD0000000  }
0x3: {  	_ = 	snop  }
0x4: {  	_ = 	snop  }
0x5: {  	_ = 	snop  }
0x6: {  	_ = 	snop  }
0x7: {  	_ = 	snop  }
__scs_overlays_trampoline_lowered:
0x8: {  	[smem:$0x3F9D] =	sst s0  }
0x9: {  	[smem:$0x3F9E] =	sst s1  }
0xa: {  	[smem:$0x3F9F] =	sst s2  }
0xb: {  	[smem:$0x3FA0] =	sst s3  }
0xc: {  	[smem:$0x3FA1] =	sst s4  }
0xd: {  	[smem:$0x3FA2] =	sst s5  }
0xe: {  	[smem:$0x3FA3] =	sst s6  }
0xf: {  	[smem:$0x3FA4] =	sst s7  }
0x10: {  	[smem:$0x3FA5] =	sst s8  }
0x11: {  	[smem:$0x3FA6] =	sst s9;
	s0 =	simm.s32 @!p0 $0x0  }
0x12: {  	s1 =	sld [smem:$0x3F8C];
	s0 =	simm.s32 @p0 $0x1  }
0x13: {  	[smem:$0x3FA7] =	sst s0;
	s0 =	simm.s32 @!p1 $0x0  }
0x14: {  	s2 =	sld [smem:$0x3F8B];
	s0 =	simm.s32 @p1 $0x1  }
0x15: {  	[smem:$0x3FA8] =	sst s0;
	s0 =	simm.s32 @!p2 $0x0  }
0x16: {  	s3 =	sld [smem:$0x3FDB];
	s0 =	simm.s32 @p2 $0x1  }
0x17: {  	s4 =	simm.s32 $0x1BF5;
	[smem:$0x3FAA] =	sst s0  }
0x18: {  	s0 =	sld [smem:$0x3F8D];
	_ =	swait.ge [sflag:s4], $0x0  }
0x19: {  	s7 =	sld [smem:$0x3F8E]  }
0x1a: {  	s8 =	sadd.s32 $0xFFFFE003, lr  }
0x1b: {  	s9 =	sadd.s32 $0xFFFFFEF7, lr;
	s5 =	simm.s32 $0xFFFFFFFF;
	p2 =	slt.u32 s8, $0xFFFFF086  }
0x1c: {  	p1 =	slt.u32 s9, $0xF7A;
	s5 =	simm.s32 @!p2 $0x0  }
0x1d: {  	s5 =	simm.s32 @p1 $0x1;
	p0 =	seq.s32 s7, s2  }
0x1e: {  	s7 =	smul.u32 @!p0 $0xF7A, s2;
	p2 =	seq.s32 @!p0 s5, $0x0  }
0x1f: {  	s9 =	smul.u32 $0xF7A, s1;
	s8 =	simm.s32 @!p0 $0x1BF5;
	p2 =	por !p2, p0  }
0x20: {  	[sflag:s8] =	ssyncset.s32 @!p0 $0xFFFFF086;
	s6 =	sadd.s32 @!p0 s3, s7;
	s7 =	simm.s32 @!p0 $0x108  }
0x21: {  	s3 =	sadd.s32 s3, s9;
	s6 =	sadd.s32 @!p0 $0x88, s6;
	s7 =	simm.s32 @p2 $0x1082  }
0x22: {  	[simem:s7], [sflag:s8] =	dma.local @!p0 [hbm:s6], $0xF7A  }
0x23: {  	s9 =	sor.u32 $0xD0000000, s2;
	s6 =	simm.s32 $0x108;
	_ =	swait.ge @!p0 [sflag:s8], $0x0  }
0x24: {  	s3 =	sadd.s32 $0x88, s3;
	s6 =	simm.s32 @!p1 $0x1082;
	[sflag:s4] =	ssyncset.s32 $0xFFFFF086  }
0x25: {  	[simem:s6], [sflag:s4] =	dma.local [hbm:s3], $0xF7A  }
0x26: {  	[smem:$0x3F8E] =	sst s1;
	(tag) =	ssettag s2;
	_ =	strace s9  }
0x27: {  	s1 =	sld [smem:$0x3F9E]  }
0x28: {  	s2 =	sld [smem:$0x3F9F]  }
0x29: {  	s4 =	sld [smem:$0x3FA1]  }
0x2a: {  	p0 =	seq.s32 s5, $0x0;
	s5 =	sld [smem:$0x3FA2]  }
0x2b: {  	s6 =	sld [smem:$0x3FA3]  }
0x2c: {  	s7 =	sld [smem:$0x3FA4]  }
0x2d: {  	s3 =	simm.s32 $0x108;
	s8 =	sld [smem:$0x3FA5]  }
0x2e: {  	s3 =	simm.s32 @!p0 $0x1082;
	s9 =	sld [smem:$0x3FA6]  }
0x2f: {  	lr =	sadd.s32 s0, s3;
	s0 =	sld [smem:$0x3F9D]  }
0x30: {  	s3 =	sld [smem:$0x3FA0]  }
0x31: {  	[smem:$0x3FA9] =	sst s10  }
0x32: {  	s10 =	sld [smem:$0x3FA7];
	_ =	sdelay $0x3  }
0x33: {  	p0 =	seq.s32 s10, $0x1;
	s10 =	sld [smem:$0x3FA9];
	_ =	sdelay $0x3  }
0x34: {  	[smem:$0x3FA9] =	sst s10  }
0x35: {  	s10 =	sld [smem:$0x3FA8];
	_ =	sdelay $0x3  }
0x36: {  	p1 =	seq.s32 s10, $0x1;
	s10 =	sld [smem:$0x3FA9];
	_ =	sdelay $0x3  }
0x37: {  	[smem:$0x3FA9] =	sst s10  }
0x38: {  	s10 =	sld [smem:$0x3FAA]  }
0x39: {  	_ = 	snop;
	(pc) =	sbr.ind lr, $3  }
0x3a: {  	_ = 	snop  }
0x3b: {  	_ = 	snop  }
0x3c: {  	p2 =	seq.s32 s10, $0x1;
	s10 =	sld [smem:$0x3FA9]  }
0x3d: {  	_ =	shalt  }
0x3e: {  	_ =	shalt  }
0x3f: {  	_ =	shalt  }
0x40: {  	_ =	shalt  }
0x41: {  	_ =	shalt  }
0x42: {  	_ =	shalt  }
0x43: {  	_ =	shalt  }
0x44: {  	_ =	shalt  }
0x45: {  	_ =	shalt  }
0x46: {  	_ =	shalt  }
0x47: {  	_ =	shalt  }
0x48: {  	_ =	shalt  }
0x49: {  	_ =	shalt  }
0x4a: {  	_ =	shalt  }
0x4b: {  	_ =	shalt  }
0x4c: {  	_ =	shalt  }
0x4d: {  	_ =	shalt  }
0x4e: {  	_ =	shalt  }
0x4f: {  	_ =	shalt  }
0x50: {  	_ =	shalt  }
0x51: {  	_ =	shalt  }
0x52: {  	_ =	shalt  }
0x53: {  	_ =	shalt  }
0x54: {  	_ =	shalt  }
0x55: {  	_ =	shalt  }
0x56: {  	_ =	shalt  }
0x57: {  	_ =	shalt  }
0x58: {  	_ =	shalt  }
0x59: {  	_ =	shalt  }
0x5a: {  	_ =	shalt  }
0x5b: {  	_ =	shalt  }
0x5c: {  	_ =	shalt  }
0x5d: {  	_ =	shalt  }
0x5e: {  	_ =	shalt  }
0x5f: {  	_ =	shalt  }
0x60: {  	_ =	shalt  }
0x61: {  	_ =	shalt  }
0x62: {  	_ =	shalt  }
0x63: {  	_ =	shalt  }
0x64: {  	_ =	shalt  }
0x65: {  	_ =	shalt  }
0x66: {  	_ =	shalt  }
0x67: {  	_ =	shalt  }
0x68: {  	_ =	shalt  }
0x69: {  	_ =	shalt  }
0x6a: {  	_ =	shalt  }
0x6b: {  	_ =	shalt  }
0x6c: {  	_ =	shalt  }
0x6d: {  	_ =	shalt  }
0x6e: {  	_ =	shalt  }
0x6f: {  	_ =	shalt  }
0x70: {  	_ =	shalt  }
0x71: {  	_ =	shalt  }
0x72: {  	_ =	shalt  }
0x73: {  	_ =	shalt  }
0x74: {  	_ =	shalt  }
0x75: {  	_ =	shalt  }
0x76: {  	_ =	shalt  }
0x77: {  	_ =	shalt  }
0x78: {  	_ =	shalt  }
0x79: {  	_ =	shalt  }
0x7a: {  	_ =	shalt  }
0x7b: {  	_ =	shalt  }
0x7c: {  	_ =	shalt  }
0x7d: {  	_ =	shalt  }
0x7e: {  	_ =	shalt  }
0x7f: {  	_ =	shalt  }
0x80: {  	_ =	shalt  }
0x81: {  	_ =	shalt  }
0x82: {  	_ =	shalt  }
0x83: {  	_ =	shalt  }
0x84: {  	_ =	shalt  }
0x85: {  	_ =	shalt  }
0x86: {  	_ =	shalt  }
0x87: {  	_ =	shalt  }
.Lfunc_end0:
.L_simem_size_0:
called_computation_lowered:
.L_overlay_start_0:
0x88: {  	s2 =	sld [smem:$0x3FD9]  }
0x89: {  	s3 =	sld [smem:$0x3FFE];
	_ =	sdelay $0x1  }
0x8a: {  	s1 =	srdreg.scid  }
0x8b: {  	s0 =	sand.u32 $0x1, s1  }
0x8c: {  	s16 =	sshll.u32 s0, $0xA;
	s2 =	sadd.s32 s3, s2  }
0x8d: {  	s2 =	sadd.s32 s2, s16  }
0x8e: {  	[smem:$0x3FB5] =	sst s2  }
0x8f: {  	_ = 	snop  }
0x90: {  	(tm) =	ssettm $0x1  }
0x91: {  	s17 =	sld [smem:$0x3FFB];
	_ =	sdelay $0x3  }
0x92: {  	_ =	strace s17  }
0x93: {  	s2 =	sld [smem:$0x3FFC];
	_ =	sdelay $0x3  }
0x94: {  	_ =	strace s2  }
0x95: {  	s2 =	sld [smem:$0x3FFD];
	_ =	sdelay $0x3  }
0x96: {  	_ =	strace s2  }
0x97: {  	_ =	strace $0x8FFFFFFF  }
0x98: {  	s18 =	sld [smem:$0x3FDB];
	_ =	sdelay $0x1  }
0x99: {  	s19 =	simm.s32 $_scs_section_size  }
0x9a: {  	s4 =	simm.s32 $_size__tile_overlayer_lowered;
	s5 =	simm.s32 $_tile_overlayer_lowered  }
0x9b: {  	s22 =	simm.s32 $0x1BFF;
	s21 =	sshll.u32 s5, $0x1;
	s2 =	sadd.s32 s19, s18  }
0x9c: {  	s6 =	simm.s32 $0x0;
	s20 =	sshll.u32 s4, $0x1;
	s4 =	sadd.s32 s21, s2  }
0x9d: {  	[timem:s6], [sflag:s22] =	dma.local [hbm:s4], s20  }
0x9e: {  	_ =	swait.ge [sflag:s22], s20  }
0x9f: {  	s3 =	ssub.s32 $0x0, s20;
	[sflag:s22] =	ssyncset.done $0x0  }
0xa0: {  	[sflag:s22] =	ssyncadd.s32 s3;
	_ =	sdelay $0x1  }
0xa1: {  	s23 =	simm.s32 $0x1B8B  }
0xa2: {  	_ =	swait.ge [sflag:s23], $0x1  }
0xa3: {  	[sflag:s23] =	ssyncset.done $0x0  }
0xa4: {  	s25 =	simm.s32 $0x1B8E;
	s24 =	sld [smem:$0x3FFE];
	[sflag:s23] =	ssyncadd.s32 $0xFFFFFFFF  }
0xa5: {  	s26 =	simm.s32 $execute0_lowered;
	[smem:$0x3FD2] =	sst s25  }
0xa6: {  	s4 =	sshll.u32 s26, $0x1;
	_ =	strace $0x80000046;
	[dreg:$0x1] =	wrdreg $0xFFFFFFFF  }
0xa7: {  	s28 =	simm.s32 $_size_execute0_lowered;
	s2 =	sadd.s32 s2, s4;
	[dreg:$0x0] =	wrdreg $0x0  }
0xa8: {  	s4 =	sshll.u32 s28, $0x1;
	[dreg:$0x2] =	wrdreg s2  }
0xa9: {  	[dreg:$0x3] =	wrdreg s4  }
0xaa: {  	[dreg:$0x4] =	wrdreg $0xC0  }
0xab: {  	_ =	task [dreg:s6], $0x5FFFF  }
0xac: {  	[dreg:$0x1] =	wrdreg $0xFFFFFFFF  }
0xad: {  	[dreg:$0x0] =	wrdreg $0x60  }
0xae: {  	[dreg:$0x2] =	wrdreg s24  }
0xaf: {  	[dreg:$0x3] =	wrdreg $0x14F000  }
0xb0: {  	[dreg:$0x4] =	wrdreg $0x9  }
0xb1: {  	_ =	task.clear_ibuf [dreg:s6], $0x5FFFF;
	_ =	strace $0x90000046  }
0xb2: {  	s29 =	simm.s32 $0x9;
	_ =	strace $0x80000048  }
0xb3: {  	_ =	swait.ge [sflag:s29], $0x1  }
0xb4: {  	[sflag:s29] =	ssyncadd.s32 $0xFFFFFFFF  }
0xb5: {  	_ =	strace $0x90000048  }
0xb6: {  	_ =	sfence  }
0xb7: {  	s30 =	sld [smem:$0x0];
	_ =	sdelay $0x2  }
0xb8: {  	s31 =	sshll.u32 s1, $0xD;
	s1 =	sshrl.u32 s1, $0x2  }
0xb9: {  	s3 =	sand.u32 $0x4000, s31;
	s1 =	sadd.s32 s1, s30  }
0xba: {  	s0 =	sor.u32 s3, s0;
	s1 =	sshll.u32 s1, $0x11  }
0xbb: {  	s0 =	sor.u32 s1, s0  }
0xbc: {  	s0 =	sadd.s32 $0x8F2B, s0  }
0xbd: {  	[sflag:s0] =	ssyncadd.remote.s32 $0x1  }
0xbe: {  	_ =	sfence.sel $0xFFFF  }
0xbf: {  	[dreg:$0x0] =	wrdreg $0xFFFFFFFF;
	(pc) =	sbr.abs _section_cstart, $3  }
0xc0: {  	[dreg:$0x1] =	wrdreg $0xFFFFFFFF  }
0xc1: {  	_ =	task.clear_ibuf [dreg:s6], $0x2FFFF;
	_ =	strace $0x9FFFFFFF  }
0xc2: {  	(tm) =	ssettm $0x7FFFFFFF  }
0xc3: {  	_ =	shalt  }
tec
execute0_lowered:
.L_overlay_start_1:
0x0: {  	(tag) =	ssettag $0x1  }
0x1: {  	s0 =	srdreg.scid  }
0x2: {  	s3 =	stileid.u32;
	s6 =	rddreg [dreg:$0x0]  }
0x3: {  	s2 =	rddreg [dreg:$0x1];
	s5 =	simm.s32 $0x0;
	s28 =	simm.s32 $0xAF00  }
0x4: {  	s29 =	simm.s32 $0xCF00;
	s30 =	simm.s32 $0xEF00;
	s31 =	simm.s32 $0x10F00  }
0x5: {  	s15 =	simm.s32 $0x3;
	s0 =	sand.u32 $0x1, s0;
	s1 =	sshll.u32 s3, $0x1  }
0x6: {  	[smem:$0x7FF] =	sst s5;
	s7 =	sadd.s32 $0x2BE00, s6;
	s18 =	smul.u32 $0x9C00, s3  }
0x7: {  	p0 =	slt.u32 s3, $0x2;
	s5 =	simm.s32 $0x7;
	s10 =	smul.u32 $0x13800, s3  }
0x8: {  	s11 =	sadd.s32 $0x9C000, s2;
	s24 =	sadd.s32 $0x2BC00, s6;
	s26 =	sshll.u32 s3, $0x6  }
0x9: {  	p1 =	sne.s32 s3, $0xF;
	s1 =	sor.u32 s0, s1;
	_ =	strace $0x80000047  }
0xa: {  	s8 =	ssub.s32 $0x2, s0;
	s5 =	simm.s32 @!p0 $0x6;
	s23 =	sshll.u32 s0, $0x6  }
0xb: {  	s0 =	sshll.u32 s0, $0x3;
	[dreg:$0x9] =	wrdreg s24;
	p0 =	sgt.u32 s3, $0x1  }
0xc: {  	s16 =	sor.u32 $0x1C06, s26;
	s24 =	simm.s32 $0x2;
	s26 =	simm.s32 $0x4  }
0xd: {  	s4 =	smul.u32 $0x4E, s1;
	s1 =	smin.u32 s1, $0x4;
	s9 =	sshrl.u32 s8, $0x1  }
0xe: {  	[dreg:$0x3] =	wrdreg s5;
	s22 =	sshrl.u32 s18, $0x3;
	s0 =	sadd.s32 s0, s7  }
0xf: {  	s8 =	ssub.s32 s8, s9;
	s9 =	sadd.s32 s18, s2;
	s1 =	sadd.s32 s1, s4  }
0x10: {  	s0 =	sadd.s32 $0x27000, s0;
	s18 =	simm.s32 $0x6;
	s1 =	sshll.u32 s1, $0x4  }
0x11: {  	[dreg:$0xb] =	wrdreg s0;
	s25 =	smax.u32 s8, $0x1;
	s1 =	sadd.s32 s1, s6  }
0x12: {  	s4 =	sadd.s32 $0x18400, s6;
	[dreg:$0xc] =	wrdreg s25;
	s19 =	sadd.s32 $0x4A00, s1  }
0x13: {  	s9 =	sshrl.u32 s9, $0x3;
	s20 =	sadd.s32 $0xE640, s1;
	[dreg:$0x4] =	wrdreg s19  }
0x14: {  	s0 =	simm.s32 $0x1;
	s21 =	sadd.s32 $0x4EE0, s1;
	[dreg:$0x5] =	wrdreg s20  }
0x15: {  	s25 =	simm.s32 $0x8F00;
	s1 =	sadd.s32 $0xEB20, s1;
	[dreg:$0x6] =	wrdreg s21  }
0x16: {  	s6 =	simm.s32 $0x0;
	[dreg:$0x7] =	wrdreg s1;
	s1 =	sadd.s32 s4, s22  }
0x17: {  	s20 =	simm.s32 $0x5;
	[dreg:$0x8] =	wrdreg s1;
	s1 =	sor.u32 s23, s10  }
0x18: {  	s21 =	simm.s32 $0x80;
	s10 =	sshrl.u32 @!p1 s11, $0x3;
	s1 =	sshrl.u32 s1, $0x3  }
0x19: {  	s22 =	simm.s32 $0x4F00;
	[dreg:$0xd] =	wrdreg s10;
	s1 =	sadd.s32 s7, s1  }
0x1a: {  	s23 =	simm.s32 $0x6F00;
	[dreg:$0xa] =	wrdreg s1;
	s1 =	simm.s32 $0x12F00  }
.LBB2_1:
0x1b: {  	s5 =	rddreg [dreg:$0x4]  }
0x1c: {  	s3 =	simm.s32 $0x0;
	s11 =	rddreg [dreg:$0x5]  }
0x1d: {  	[tilespmem:s3], [sflag:$0x5] =	stream.linear.gather [hbm4b:s5+s3], $0x2700, $0x38;
	[tilespmem:$0x1EB40] =	vst v63  }
0x1e: {  	s7 =	simm.s32 $0x2780;
	s12 =	rddreg [dreg:$0x8]  }
0x1f: {  	[tilespmem:s7], [sflag:$0x5] =	stream.linear.gather [hbm4b:s11+s3], $0x2700, $0x38;
	[tilespmem:$0x1EB40] =	vst v63  }
0x20: {  	s8 =	simm.s32 @!p0 $0x2700;
	s5 =	rddreg [dreg:$0x6];
	s7 =	simm.s32 @!p0 $0x0  }
0x21: {  	[tilespmem:s8], [sflag:$0x5] =	stream.linear.gather @!p0 [hbm4b:s5+s7], $0x80, $0x38;
	[tilespmem:$0x1EB40] =	vst v63  }
0x22: {  	s8 =	simm.s32 @!p0 $0x4E80;
	s5 =	rddreg [dreg:$0x7]  }
0x23: {  	[tilespmem:s8], [sflag:$0x5] =	stream.linear.gather @!p0 [hbm4b:s5+s7], $0x80, $0x38;
	[tilespmem:$0x1EB40] =	vst v63  }
0x24: {  	[spmem:s9], [sflag:s16] =	dma.local [hbm:s12], $0x1380  }
0x25: {  	_ =	swait.ge [sflag:s18], $0x1380  }
0x26: {  	[sflag:s18] =	ssyncset.done $0x0  }
0x27: {  	s7 =	simm.s32 @!p1 $0x6;
	s5 =	rddreg [dreg:$0x9];
	[sflag:s18] =	ssyncadd.s32 $0xFFFFEC80  }
0x28: {  	[spmem:s10], [sflag:s16] =	dma.local @!p1 [hbm:s5], $0x80  }
0x29: {  	_ =	swait.ge @!p1 [sflag:s7], $0x80  }
0x2a: {  	[sflag:s7] =	ssyncset.done @!p1 $0x0  }
0x2b: {  	[sflag:s7] =	ssyncadd.s32 @!p1 $0xFFFFFF80  }
0x2c: {  	_ =	swait.ge [sflag:s20], $0x2700  }
0x2d: {  	[sflag:s20] =	ssyncset.done $0x0  }
0x2e: {  	[sflag:s20] =	ssyncadd.s32 $0xFFFFD900  }
0x2f: {  	_ =	swait.ge [sflag:s20], $0x2700  }
0x30: {  	[sflag:s20] =	ssyncset.done $0x0  }
0x31: {  	s7 =	simm.s32 @!p0 $0x5;
	[sflag:s20] =	ssyncadd.s32 $0xFFFFD900  }
0x32: {  	_ =	swait.ge @!p0 [sflag:s7], $0x80  }
0x33: {  	[sflag:s7] =	ssyncset.done @!p0 $0x0  }
0x34: {  	[sflag:s7] =	ssyncadd.s32 @!p0 $0xFFFFFF80  }
0x35: {  	_ =	swait.ge @!p0 [sflag:s7], $0x80  }
0x36: {  	[sflag:s7] =	ssyncset.done @!p0 $0x0  }
0x37: {  	[sflag:s7] =	ssyncadd.s32 @!p0 $0xFFFFFF80  }
0x38: {  	[tilespmem:s22], [sflag:$0x1] =	stream.indirect.gather [hbm4b:s4+s21], $0x40, s3, s21, $0xb8;
	[tilespmem:$0x1EB40] =	vst v63  }
0x39: {  	_ = 	snop  }
0x3a: {  	[tilespmem:s23], [sflag:$0x1] =	stream.indirect.gather [hbm4b:s4+s21], $0x40, s21, s21, $0xb8;
	[tilespmem:$0x1EB40] =	vst v63  }
0x3b: {  	s13 =	simm.s32 $0x100;
	p2 =	por $0x1, $0x1  }
0x3c: {  	[tilespmem:s25], [sflag:$0x1] =	stream.indirect.gather [hbm4b:s4+s21], $0x40, s13, s21, $0xb8;
	[tilespmem:$0x1EB40] =	vst v63  }
0x3d: {  	s14 =	simm.s32 $0x180;
	p2 =	por p2, p2  }
0x3e: {  	[tilespmem:s28], [sflag:$0x1] =	stream.indirect.gather [hbm4b:s4+s21], $0x40, s14, s21, $0xb8;
	[tilespmem:$0x1EB40] =	vst v63  }
0x3f: {  	s7 =	simm.s32 @!p2 $0x4;
	[bflag:$0x0] =	sbarrier.arrive $0xFFFF  }
0x40: {  	_ =	swait.ge @!p2 [sflag:s7], $0x2000  }
0x41: {  	[sflag:s7] =	ssyncset.done @!p2 $0x0  }
0x42: {  	[sflag:s7] =	ssyncadd.s32 @!p2 $0xFFFFE000  }
0x43: {  	_ =	swait.ge @!p2 [sflag:s7], $0x2000  }
0x44: {  	[sflag:s7] =	ssyncset.done @!p2 $0x0  }
0x45: {  	[sflag:s7] =	ssyncadd.s32 @!p2 $0xFFFFE000  }
0x46: {  	_ =	swait.ge @!p2 [sflag:s7], $0x2000  }
0x47: {  	[sflag:s7] =	ssyncset.done @!p2 $0x0  }
0x48: {  	[sflag:s7] =	ssyncadd.s32 @!p2 $0xFFFFE000  }
0x49: {  	_ =	swait.ge @!p2 [sflag:s7], $0x2000  }
0x4a: {  	[sflag:s7] =	ssyncset.done @!p2 $0x0  }
0x4b: {  	s17 =	simm.s32 $0x200;
	[sflag:s7] =	ssyncadd.s32 @!p2 $0xFFFFE000  }
0x4c: {  	[tilespmem:s29], [sflag:$0x3] =	stream.indirect.gather [hbm4b:s4+s21], $0x40, s17, s21, $0xb8;
	[tilespmem:$0x1EB40] =	vst v63  }
0x4d: {  	s3 =	simm.s32 $0x280  }
0x4e: {  	[tilespmem:s30], [sflag:$0x3] =	stream.indirect.gather [hbm4b:s4+s21], $0x40, s3, s21, $0xb8;
	[tilespmem:$0x1EB40] =	vst v63  }
0x4f: {  	s5 =	simm.s32 $0x300  }
0x50: {  	[tilespmem:s31], [sflag:$0x3] =	stream.indirect.gather [hbm4b:s4+s21], $0x40, s5, s21, $0xb8;
	[tilespmem:$0x1EB40] =	vst v63  }
0x51: {  	s8 =	simm.s32 $0x380  }
0x52: {  	[tilespmem:s1], [sflag:$0x3] =	stream.indirect.gather [hbm4b:s4+s21], $0x40, s8, s21, $0xb8;
	[tilespmem:$0x1EB40] =	vst v63  }
0x53: {  	_ =	swait.ge [sflag:s0], $0x2000  }
0x54: {  	[sflag:s0] =	ssyncset.done $0x0  }
0x55: {  	[sflag:s0] =	ssyncadd.s32 $0xFFFFE000  }
0x56: {  	_ =	swait.ge [sflag:s0], $0x2000  }
0x57: {  	[sflag:s0] =	ssyncset.done $0x0  }
0x58: {  	[sflag:s0] =	ssyncadd.s32 $0xFFFFE000  }
0x59: {  	_ =	swait.ge [sflag:s0], $0x2000  }
0x5a: {  	[sflag:s0] =	ssyncset.done $0x0  }
0x5b: {  	[sflag:s0] =	ssyncadd.s32 $0xFFFFE000  }
0x5c: {  	_ =	swait.ge [sflag:s0], $0x2000  }
0x5d: {  	[sflag:s0] =	ssyncset.done $0x0  }
0x5e: {  	s19 =	smov.u32 s9;
	s9 =	simm.s32 $0x2780;
	[sflag:s0] =	ssyncadd.s32 $0xFFFFE000  }
0x5f: {  	[spmem:s2] =	stream.indirect.scatter.add.f32 [tilespmem:s22], [sflag:$0x2], $0x40, s9, s21, $0xb8;
	[tilespmem:$0x1EB40] =	vst v63  }
0x60: {  	s10 =	simm.s32 $0x2800  }
0x61: {  	[spmem:s2] =	stream.indirect.scatter.add.f32 [tilespmem:s23], [sflag:$0x2], $0x40, s10, s21, $0xb8;
	[tilespmem:$0x1EB40] =	vst v63  }
0x62: {  	s11 =	simm.s32 $0x2880;
	p2 =	por $0x0, $0x0  }
0x63: {  	[spmem:s2] =	stream.indirect.scatter.add.f32 [tilespmem:s25], [sflag:$0x2], $0x40, s11, s21, $0xb8;
	[tilespmem:$0x1EB40] =	vst v63  }
0x64: {  	s12 =	simm.s32 $0x2900;
	s7 =	simm.s32 @!p2 $0x2  }
0x65: {  	[spmem:s2] =	stream.indirect.scatter.add.f32 [tilespmem:s28], [sflag:$0x2], $0x40, s12, s21, $0xb8;
	[tilespmem:$0x1EB40] =	vst v63  }
0x66: {  	_ =	swait.ge @!p2 [sflag:s7], $0x2000  }
0x67: {  	[sflag:s7] =	ssyncset.done @!p2 $0x0  }
0x68: {  	[sflag:s7] =	ssyncadd.s32 @!p2 $0xFFFFE000  }
0x69: {  	_ =	swait.ge @!p2 [sflag:s7], $0x2000  }
0x6a: {  	[sflag:s7] =	ssyncset.done @!p2 $0x0  }
0x6b: {  	[sflag:s7] =	ssyncadd.s32 @!p2 $0xFFFFE000  }
0x6c: {  	_ =	swait.ge @!p2 [sflag:s7], $0x2000  }
0x6d: {  	[sflag:s7] =	ssyncset.done @!p2 $0x0  }
0x6e: {  	[sflag:s7] =	ssyncadd.s32 @!p2 $0xFFFFE000  }
0x6f: {  	_ =	swait.ge @!p2 [sflag:s7], $0x2000  }
0x70: {  	s8 =	simm.s32 @!p2 $0x400;
	[sflag:s7] =	ssyncset.done @!p2 $0x0  }
0x71: {  	s9 =	simm.s32 @!p2 $0x80;
	[sflag:s7] =	ssyncadd.s32 @!p2 $0xFFFFE000;
	s7 =	simm.s32 @!p2 $0x4F00  }
0x72: {  	[tilespmem:s7], [sflag:$0x1] =	stream.indirect.gather @!p2 [hbm4b:s4+s9], $0x40, s8, s9, $0xb8;
	[tilespmem:$0x1EB40] =	vst v63  }
0x73: {  	s7 =	simm.s32 @!p2 $0x480;
	s8 =	simm.s32 @!p2 $0x6F00  }
0x74: {  	[tilespmem:s8], [sflag:$0x1] =	stream.indirect.gather @!p2 [hbm4b:s4+s9], $0x40, s7, s9, $0xb8;
	[tilespmem:$0x1EB40] =	vst v63  }
0x75: {  	s7 =	simm.s32 @!p2 $0x500;
	s8 =	simm.s32 @!p2 $0x8F00  }
0x76: {  	[tilespmem:s8], [sflag:$0x1] =	stream.indirect.gather @!p2 [hbm4b:s4+s9], $0x40, s7, s9, $0xb8;
	[tilespmem:$0x1EB40] =	vst v63  }
0x77: {  	s7 =	simm.s32 @!p2 $0x580;
	s8 =	simm.s32 @!p2 $0xAF00  }
0x78: {  	[tilespmem:s8], [sflag:$0x1] =	stream.indirect.gather @!p2 [hbm4b:s4+s9], $0x40, s7, s9, $0xb8;
	[tilespmem:$0x1EB40] =	vst v63  }
0x79: {  	_ =	swait.ge [sflag:s15], $0x2000  }
0x7a: {  	[sflag:s15] =	ssyncset.done $0x0  }
0x7b: {  	[sflag:s15] =	ssyncadd.s32 $0xFFFFE000  }
0x7c: {  	_ =	swait.ge [sflag:s15], $0x2000  }
0x7d: {  	[sflag:s15] =	ssyncset.done $0x0  }
0x7e: {  	[sflag:s15] =	ssyncadd.s32 $0xFFFFE000  }
0x7f: {  	_ =	swait.ge [sflag:s15], $0x2000  }
0x80: {  	[sflag:s15] =	ssyncset.done $0x0  }
0x81: {  	[sflag:s15] =	ssyncadd.s32 $0xFFFFE000  }
0x82: {  	_ =	swait.ge [sflag:s15], $0x2000  }
0x83: {  	[sflag:s15] =	ssyncset.done $0x0  }
0x84: {  	p6 =	por $0x0, $0x0;
	s13 =	simm.s32 $0x2980;
	[sflag:s15] =	ssyncadd.s32 $0xFFFFE000  }
0x85: {  	[spmem:s2] =	stream.indirect.scatter.add.f32 [tilespmem:s29], [sflag:$0x4], $0x40, s13, s21, $0xb8;
	[tilespmem:$0x1EB40] =	vst v63  }
0x86: {  	s14 =	simm.s32 $0x2A00;
	s17 =	simm.s32 $0x2A80;
	s7 =	simm.s32 $0x1000  }
0x87: {  	[spmem:s2] =	stream.indirect.scatter.add.f32 [tilespmem:s30], [sflag:$0x4], $0x40, s14, s21, $0xb8;
	[tilespmem:$0x1EB40] =	vst v63  }
0x88: {  	s8 =	simm.s32 $0x2000;
	s9 =	simm.s32 $0x2B00;
	p2 =	por p6, p6  }
0x89: {  	[spmem:s2] =	stream.indirect.scatter.add.f32 [tilespmem:s31], [sflag:$0x4], $0x40, s17, s21, $0xb8;
	[tilespmem:$0x1EB40] =	vst v63  }
.LBB2_2:
0x8a: {  	p4 =	seq.s32 s8, $0x0  }
0x8b: {  	s12 =	simm.s32 @!p2 $0x4;
	s11 =	smov.u32 s8;
	s8 =	sadd.s32 $0x1000, s8  }
0x8c: {  	[spmem:s2] =	stream.indirect.scatter.add.f32 [tilespmem:s1], [sflag:$0x4], $0x40, s9, s21, $0xb8;
	[tilespmem:$0x1EB40] =	vst v63  }
0x8d: {  	p3 =	sne.s32 s8, $0x9000;
	_ =	swait.ge @!p2 [sflag:s12], $0x2000  }
0x8e: {  	[sflag:s12] =	ssyncset.done @!p2 $0x0  }
0x8f: {  	[sflag:s12] =	ssyncadd.s32 @!p2 $0xFFFFE000  }
0x90: {  	_ =	swait.ge @!p2 [sflag:s12], $0x2000  }
0x91: {  	[sflag:s12] =	ssyncset.done @!p2 $0x0  }
0x92: {  	[sflag:s12] =	ssyncadd.s32 @!p2 $0xFFFFE000  }
0x93: {  	_ =	swait.ge @!p2 [sflag:s12], $0x2000  }
0x94: {  	[sflag:s12] =	ssyncset.done @!p2 $0x0  }
0x95: {  	[sflag:s12] =	ssyncadd.s32 @!p2 $0xFFFFE000  }
0x96: {  	_ =	swait.ge @!p2 [sflag:s12], $0x2000  }
0x97: {  	s10 =	sshra.s32 s7, $0x2;
	[sflag:s12] =	ssyncset.done @!p2 $0x0  }
0x98: {  	s9 =	sadd.s32 $0x2B00, s10;
	[sflag:s12] =	ssyncadd.s32 @!p2 $0xFFFFE000;
	s12 =	sadd.s32 $0x200, s10  }
0x99: {  	[tilespmem:s29], [sflag:$0x3] =	stream.indirect.gather [hbm4b:s4+s21], $0x40, s12, s21, $0xb8;
	[tilespmem:$0x1EB40] =	vst v63  }
0x9a: {  	p2 =	por p4, p4;
	s12 =	sadd.s32 $0x280, s10  }
0x9b: {  	[tilespmem:s30], [sflag:$0x3] =	stream.indirect.gather [hbm4b:s4+s21], $0x40, s12, s21, $0xb8;
	[tilespmem:$0x1EB40] =	vst v63  }
0x9c: {  	s12 =	sadd.s32 $0x300, s10  }
0x9d: {  	[tilespmem:s31], [sflag:$0x3] =	stream.indirect.gather [hbm4b:s4+s21], $0x40, s12, s21, $0xb8;
	[tilespmem:$0x1EB40] =	vst v63  }
0x9e: {  	s12 =	sadd.s32 $0x380, s10  }
0x9f: {  	[tilespmem:s1], [sflag:$0x3] =	stream.indirect.gather [hbm4b:s4+s21], $0x40, s12, s21, $0xb8;
	[tilespmem:$0x1EB40] =	vst v63  }
0xa0: {  	_ =	swait.ge [sflag:s0], $0x2000  }
0xa1: {  	[sflag:s0] =	ssyncset.done $0x0  }
0xa2: {  	[sflag:s0] =	ssyncadd.s32 $0xFFFFE000  }
0xa3: {  	_ =	swait.ge [sflag:s0], $0x2000  }
0xa4: {  	[sflag:s0] =	ssyncset.done $0x0  }
0xa5: {  	[sflag:s0] =	ssyncadd.s32 $0xFFFFE000  }
0xa6: {  	_ =	swait.ge [sflag:s0], $0x2000  }
0xa7: {  	[sflag:s0] =	ssyncset.done $0x0  }
0xa8: {  	[sflag:s0] =	ssyncadd.s32 $0xFFFFE000  }
0xa9: {  	_ =	swait.ge [sflag:s0], $0x2000  }
0xaa: {  	[sflag:s0] =	ssyncset.done $0x0  }
0xab: {  	s12 =	sadd.s32 $0x2780, s10;
	[sflag:s0] =	ssyncadd.s32 $0xFFFFE000  }
0xac: {  	[spmem:s2] =	stream.indirect.scatter.add.f32 [tilespmem:s22], [sflag:$0x2], $0x40, s12, s21, $0xb8;
	[tilespmem:$0x1EB40] =	vst v63  }
0xad: {  	s12 =	sadd.s32 $0x2800, s10  }
0xae: {  	[spmem:s2] =	stream.indirect.scatter.add.f32 [tilespmem:s23], [sflag:$0x2], $0x40, s12, s21, $0xb8;
	[tilespmem:$0x1EB40] =	vst v63  }
0xaf: {  	s12 =	sadd.s32 $0x2880, s10  }
0xb0: {  	[spmem:s2] =	stream.indirect.scatter.add.f32 [tilespmem:s25], [sflag:$0x2], $0x40, s12, s21, $0xb8;
	[tilespmem:$0x1EB40] =	vst v63  }
0xb1: {  	p4 =	seq.s32 s7, $0x8000;
	s12 =	sadd.s32 $0x2900, s10  }
0xb2: {  	[spmem:s2] =	stream.indirect.scatter.add.f32 [tilespmem:s28], [sflag:$0x2], $0x40, s12, s21, $0xb8;
	[tilespmem:$0x1EB40] =	vst v63  }
0xb3: {  	s13 =	sshra.s32 @!p4 s7, $0x2;
	s7 =	smov.u32 s11;
	s12 =	simm.s32 @!p4 $0x2  }
0xb4: {  	s11 =	sadd.s32 @!p4 $0x400, s13;
	s14 =	sadd.s32 @!p4 $0x480, s13;
	_ =	swait.ge @!p4 [sflag:s12], $0x2000  }
0xb5: {  	s3 =	sadd.s32 @!p4 $0x500, s13;
	s13 =	sadd.s32 @!p4 $0x580, s13;
	[sflag:s12] =	ssyncset.done @!p4 $0x0  }
0xb6: {  	[sflag:s12] =	ssyncadd.s32 @!p4 $0xFFFFE000  }
0xb7: {  	_ =	swait.ge @!p4 [sflag:s12], $0x2000  }
0xb8: {  	[sflag:s12] =	ssyncset.done @!p4 $0x0  }
0xb9: {  	[sflag:s12] =	ssyncadd.s32 @!p4 $0xFFFFE000  }
0xba: {  	_ =	swait.ge @!p4 [sflag:s12], $0x2000  }
0xbb: {  	[sflag:s12] =	ssyncset.done @!p4 $0x0  }
0xbc: {  	[sflag:s12] =	ssyncadd.s32 @!p4 $0xFFFFE000  }
0xbd: {  	_ =	swait.ge @!p4 [sflag:s12], $0x2000  }
0xbe: {  	s5 =	simm.s32 @!p4 $0x80;
	s17 =	simm.s32 @!p4 $0x4F00;
	[sflag:s12] =	ssyncset.done @!p4 $0x0  }
0xbf: {  	[sflag:s12] =	ssyncadd.s32 @!p4 $0xFFFFE000;
	s12 =	simm.s32 @!p4 $0x6F00  }
0xc0: {  	[tilespmem:s17], [sflag:$0x1] =	stream.indirect.gather @!p4 [hbm4b:s4+s5], $0x40, s11, s5, $0xb8;
	[tilespmem:$0x1EB40] =	vst v63  }
0xc1: {  	s11 =	simm.s32 @!p4 $0x8F00  }
0xc2: {  	[tilespmem:s12], [sflag:$0x1] =	stream.indirect.gather @!p4 [hbm4b:s4+s5], $0x40, s14, s5, $0xb8;
	[tilespmem:$0x1EB40] =	vst v63  }
0xc3: {  	s12 =	simm.s32 @!p4 $0xAF00  }
0xc4: {  	[tilespmem:s11], [sflag:$0x1] =	stream.indirect.gather @!p4 [hbm4b:s4+s5], $0x40, s3, s5, $0xb8;
	[tilespmem:$0x1EB40] =	vst v63  }
0xc5: {  	_ = 	snop  }
0xc6: {  	[tilespmem:s12], [sflag:$0x1] =	stream.indirect.gather @!p4 [hbm4b:s4+s5], $0x40, s13, s5, $0xb8;
	[tilespmem:$0x1EB40] =	vst v63  }
0xc7: {  	_ =	swait.ge [sflag:s15], $0x2000  }
0xc8: {  	[sflag:s15] =	ssyncset.done $0x0  }
0xc9: {  	[sflag:s15] =	ssyncadd.s32 $0xFFFFE000  }
0xca: {  	_ =	swait.ge [sflag:s15], $0x2000  }
0xcb: {  	[sflag:s15] =	ssyncset.done $0x0  }
0xcc: {  	[sflag:s15] =	ssyncadd.s32 $0xFFFFE000  }
0xcd: {  	_ =	swait.ge [sflag:s15], $0x2000  }
0xce: {  	[sflag:s15] =	ssyncset.done $0x0  }
0xcf: {  	[sflag:s15] =	ssyncadd.s32 $0xFFFFE000  }
0xd0: {  	_ =	swait.ge [sflag:s15], $0x2000  }
0xd1: {  	s3 =	sadd.s32 $0x2980, s10;
	[sflag:s15] =	ssyncset.done $0x0  }
0xd2: {  	s5 =	sadd.s32 $0x2A00, s10;
	[sflag:s15] =	ssyncadd.s32 $0xFFFFE000  }
0xd3: {  	[spmem:s2] =	stream.indirect.scatter.add.f32 [tilespmem:s29], [sflag:$0x4], $0x40, s3, s21, $0xb8;
	[tilespmem:$0x1EB40] =	vst v63  }
.Ltmp0:
0xd4: {  	_ = 	snop;
	(pc) =	sbr.rel @p3 .LBB2_2-.Ltmp0, $4  }
0xd5: {  	_ = 	snop  }
0xd6: {  	[spmem:s2] =	stream.indirect.scatter.add.f32 [tilespmem:s30], [sflag:$0x4], $0x40, s5, s21, $0xb8;
	[tilespmem:$0x1EB40] =	vst v63  }
0xd7: {  	s3 =	sadd.s32 $0x2A80, s10  }
0xd8: {  	[spmem:s2] =	stream.indirect.scatter.add.f32 [tilespmem:s31], [sflag:$0x4], $0x40, s3, s21, $0xb8;
	[tilespmem:$0x1EB40] =	vst v63  }
0xd9: {  	s3 =	simm.s32 @!p2 $0x4  }
0xda: {  	[spmem:s2] =	stream.indirect.scatter.add.f32 [tilespmem:s1], [sflag:$0x4], $0x40, s9, s21, $0xb8;
	[tilespmem:$0x1EB40] =	vst v63  }
0xdb: {  	_ =	swait.ge @!p2 [sflag:s3], $0x2000  }
0xdc: {  	[sflag:s3] =	ssyncset.done @!p2 $0x0  }
0xdd: {  	[sflag:s3] =	ssyncadd.s32 @!p2 $0xFFFFE000  }
0xde: {  	_ =	swait.ge @!p2 [sflag:s3], $0x2000  }
0xdf: {  	[sflag:s3] =	ssyncset.done @!p2 $0x0  }
0xe0: {  	[sflag:s3] =	ssyncadd.s32 @!p2 $0xFFFFE000  }
0xe1: {  	_ =	swait.ge @!p2 [sflag:s3], $0x2000  }
0xe2: {  	[sflag:s3] =	ssyncset.done @!p2 $0x0  }
0xe3: {  	[sflag:s3] =	ssyncadd.s32 @!p2 $0xFFFFE000  }
0xe4: {  	_ =	swait.ge @!p2 [sflag:s3], $0x2000  }
0xe5: {  	s8 =	sshra.s32 s7, $0x2;
	[sflag:s3] =	ssyncset.done @!p2 $0x0  }
0xe6: {  	s11 =	sadd.s32 $0x200, s8;
	[sflag:s3] =	ssyncadd.s32 @!p2 $0xFFFFE000  }
0xe7: {  	[tilespmem:s29], [sflag:$0x3] =	stream.indirect.gather [hbm4b:s4+s21], $0x40, s11, s21, $0xb8;
	[tilespmem:$0x1EB40] =	vst v63  }
0xe8: {  	s12 =	sadd.s32 $0x280, s8  }
0xe9: {  	[tilespmem:s30], [sflag:$0x3] =	stream.indirect.gather [hbm4b:s4+s21], $0x40, s12, s21, $0xb8;
	[tilespmem:$0x1EB40] =	vst v63  }
0xea: {  	s13 =	sadd.s32 $0x300, s8  }
0xeb: {  	[tilespmem:s31], [sflag:$0x3] =	stream.indirect.gather [hbm4b:s4+s21], $0x40, s13, s21, $0xb8;
	[tilespmem:$0x1EB40] =	vst v63  }
0xec: {  	s14 =	sadd.s32 $0x380, s8  }
0xed: {  	[tilespmem:s1], [sflag:$0x3] =	stream.indirect.gather [hbm4b:s4+s21], $0x40, s14, s21, $0xb8;
	[tilespmem:$0x1EB40] =	vst v63  }
0xee: {  	_ =	swait.ge [sflag:s0], $0x2000  }
0xef: {  	[sflag:s0] =	ssyncset.done $0x0  }
0xf0: {  	[sflag:s0] =	ssyncadd.s32 $0xFFFFE000  }
0xf1: {  	_ =	swait.ge [sflag:s0], $0x2000  }
0xf2: {  	[sflag:s0] =	ssyncset.done $0x0  }
0xf3: {  	[sflag:s0] =	ssyncadd.s32 $0xFFFFE000  }
0xf4: {  	_ =	swait.ge [sflag:s0], $0x2000  }
0xf5: {  	[sflag:s0] =	ssyncset.done $0x0  }
0xf6: {  	[sflag:s0] =	ssyncadd.s32 $0xFFFFE000  }
0xf7: {  	_ =	swait.ge [sflag:s0], $0x2000  }
0xf8: {  	[sflag:s0] =	ssyncset.done $0x0  }
0xf9: {  	s17 =	sadd.s32 $0x2780, s8;
	[sflag:s0] =	ssyncadd.s32 $0xFFFFE000  }
0xfa: {  	[spmem:s2] =	stream.indirect.scatter.add.f32 [tilespmem:s22], [sflag:$0x2], $0x40, s17, s21, $0xb8;
	[tilespmem:$0x1EB40] =	vst v63  }
0xfb: {  	s5 =	sadd.s32 $0x2800, s8  }
0xfc: {  	[spmem:s2] =	stream.indirect.scatter.add.f32 [tilespmem:s23], [sflag:$0x2], $0x40, s5, s21, $0xb8;
	[tilespmem:$0x1EB40] =	vst v63  }
0xfd: {  	s9 =	sadd.s32 $0x2880, s8;
	p2 =	seq.s32 s7, $0x8000  }
0xfe: {  	[spmem:s2] =	stream.indirect.scatter.add.f32 [tilespmem:s25], [sflag:$0x2], $0x40, s9, s21, $0xb8;
	[tilespmem:$0x1EB40] =	vst v63  }
0xff: {  	s10 =	sadd.s32 $0x2900, s8;
	s3 =	simm.s32 @!p2 $0x2  }
0x100: {  	[spmem:s2] =	stream.indirect.scatter.add.f32 [tilespmem:s28], [sflag:$0x2], $0x40, s10, s21, $0xb8;
	[tilespmem:$0x1EB40] =	vst v63  }
0x101: {  	_ =	swait.ge @!p2 [sflag:s3], $0x2000  }
0x102: {  	[sflag:s3] =	ssyncset.done @!p2 $0x0  }
0x103: {  	[sflag:s3] =	ssyncadd.s32 @!p2 $0xFFFFE000  }
0x104: {  	_ =	swait.ge @!p2 [sflag:s3], $0x2000  }
0x105: {  	[sflag:s3] =	ssyncset.done @!p2 $0x0  }
0x106: {  	[sflag:s3] =	ssyncadd.s32 @!p2 $0xFFFFE000  }
0x107: {  	_ =	swait.ge @!p2 [sflag:s3], $0x2000  }
0x108: {  	[sflag:s3] =	ssyncset.done @!p2 $0x0  }
0x109: {  	[sflag:s3] =	ssyncadd.s32 @!p2 $0xFFFFE000  }
0x10a: {  	s5 =	sshra.s32 @!p2 s7, $0x2;
	_ =	swait.ge @!p2 [sflag:s3], $0x2000  }
0x10b: {  	s7 =	sadd.s32 @!p2 $0x400, s5;
	[sflag:s3] =	ssyncset.done @!p2 $0x0  }
0x10c: {  	s9 =	simm.s32 @!p2 $0x80;
	s10 =	simm.s32 @!p2 $0x4F00;
	[sflag:s3] =	ssyncadd.s32 @!p2 $0xFFFFE000  }
0x10d: {  	[tilespmem:s10], [sflag:$0x1] =	stream.indirect.gather @!p2 [hbm4b:s4+s9], $0x40, s7, s9, $0xb8;
	[tilespmem:$0x1EB40] =	vst v63  }
0x10e: {  	s3 =	sadd.s32 @!p2 $0x480, s5;
	s7 =	simm.s32 @!p2 $0x6F00  }
0x10f: {  	[tilespmem:s7], [sflag:$0x1] =	stream.indirect.gather @!p2 [hbm4b:s4+s9], $0x40, s3, s9, $0xb8;
	[tilespmem:$0x1EB40] =	vst v63  }
0x110: {  	s3 =	sadd.s32 @!p2 $0x500, s5;
	s7 =	simm.s32 @!p2 $0x8F00  }
0x111: {  	[tilespmem:s7], [sflag:$0x1] =	stream.indirect.gather @!p2 [hbm4b:s4+s9], $0x40, s3, s9, $0xb8;
	[tilespmem:$0x1EB40] =	vst v63  }
0x112: {  	s3 =	sadd.s32 @!p2 $0x580, s5;
	s5 =	simm.s32 @!p2 $0xAF00  }
0x113: {  	[tilespmem:s5], [sflag:$0x1] =	stream.indirect.gather @!p2 [hbm4b:s4+s9], $0x40, s3, s9, $0xb8;
	[tilespmem:$0x1EB40] =	vst v63  }
0x114: {  	_ =	swait.ge [sflag:s15], $0x2000  }
0x115: {  	[sflag:s15] =	ssyncset.done $0x0  }
0x116: {  	[sflag:s15] =	ssyncadd.s32 $0xFFFFE000  }
0x117: {  	_ =	swait.ge [sflag:s15], $0x2000  }
0x118: {  	[sflag:s15] =	ssyncset.done $0x0  }
0x119: {  	[sflag:s15] =	ssyncadd.s32 $0xFFFFE000  }
0x11a: {  	_ =	swait.ge [sflag:s15], $0x2000  }
0x11b: {  	[sflag:s15] =	ssyncset.done $0x0  }
0x11c: {  	[sflag:s15] =	ssyncadd.s32 $0xFFFFE000  }
0x11d: {  	_ =	swait.ge [sflag:s15], $0x2000  }
0x11e: {  	[sflag:s15] =	ssyncset.done $0x0  }
0x11f: {  	s11 =	sadd.s32 $0x2980, s8;
	[sflag:s15] =	ssyncadd.s32 $0xFFFFE000  }
0x120: {  	[spmem:s2] =	stream.indirect.scatter.add.f32 [tilespmem:s29], [sflag:$0x4], $0x40, s11, s21, $0xb8;
	[tilespmem:$0x1EB40] =	vst v63  }
0x121: {  	s12 =	sadd.s32 $0x2A00, s8  }
0x122: {  	[spmem:s2] =	stream.indirect.scatter.add.f32 [tilespmem:s30], [sflag:$0x4], $0x40, s12, s21, $0xb8;
	[tilespmem:$0x1EB40] =	vst v63  }
0x123: {  	s13 =	sadd.s32 $0x2A80, s8  }
0x124: {  	[spmem:s2] =	stream.indirect.scatter.add.f32 [tilespmem:s31], [sflag:$0x4], $0x40, s13, s21, $0xb8;
	[tilespmem:$0x1EB40] =	vst v63  }
0x125: {  	s14 =	sadd.s32 $0x2B00, s8  }
0x126: {  	[spmem:s2] =	stream.indirect.scatter.add.f32 [tilespmem:s1], [sflag:$0x4], $0x40, s14, s21, $0xb8;
	[tilespmem:$0x1EB40] =	vst v63  }
0x127: {  	_ =	swait.ge [sflag:s24], $0x2000  }
0x128: {  	[sflag:s24] =	ssyncset.done $0x0  }
0x129: {  	[sflag:s24] =	ssyncadd.s32 $0xFFFFE000  }
0x12a: {  	_ =	swait.ge [sflag:s24], $0x2000  }
0x12b: {  	[sflag:s24] =	ssyncset.done $0x0  }
0x12c: {  	[sflag:s24] =	ssyncadd.s32 $0xFFFFE000  }
0x12d: {  	_ =	swait.ge [sflag:s24], $0x2000  }
0x12e: {  	[sflag:s24] =	ssyncset.done $0x0  }
0x12f: {  	[sflag:s24] =	ssyncadd.s32 $0xFFFFE000  }
0x130: {  	_ =	swait.ge [sflag:s24], $0x2000  }
0x131: {  	[sflag:s24] =	ssyncset.done $0x0  }
0x132: {  	[sflag:s24] =	ssyncadd.s32 $0xFFFFE000  }
0x133: {  	_ =	swait.ge [sflag:s26], $0x2000  }
0x134: {  	[sflag:s26] =	ssyncset.done $0x0  }
0x135: {  	[sflag:s26] =	ssyncadd.s32 $0xFFFFE000  }
0x136: {  	_ =	swait.ge [sflag:s26], $0x2000  }
0x137: {  	[sflag:s26] =	ssyncset.done $0x0  }
0x138: {  	[sflag:s26] =	ssyncadd.s32 $0xFFFFE000  }
0x139: {  	_ =	swait.ge [sflag:s26], $0x2000  }
0x13a: {  	[sflag:s26] =	ssyncset.done $0x0  }
0x13b: {  	[sflag:s26] =	ssyncadd.s32 $0xFFFFE000  }
0x13c: {  	_ =	swait.ge [sflag:s26], $0x2000  }
0x13d: {  	[sflag:s26] =	ssyncset.done $0x0  }
0x13e: {  	s7 =	simm.s32 $0x2400;
	[sflag:s26] =	ssyncadd.s32 $0xFFFFE000  }
0x13f: {  	[tilespmem:s22], [sflag:$0x1] =	stream.indirect.gather [hbm4b:s4+s21], $0x40, s7, s21, $0xb8;
	[tilespmem:$0x1EB40] =	vst v63  }
0x140: {  	_ =	swait.ge [sflag:s0], $0x2000  }
0x141: {  	s17 =	rddreg [dreg:$0x3]  }
0x142: {  	p2 =	sne.s32 s17, $0x1  }
.Ltmp1:
0x143: {  	[sflag:s0] =	ssyncset.done $0x0;
	(pc) =	sbr.rel @!p2 .LBB2_5-.Ltmp1, $4  }
0x144: {  	s8 =	simm.s32 $0x4B80;
	[sflag:s0] =	ssyncadd.s32 $0xFFFFE000  }
0x145: {  	[spmem:s2] =	stream.indirect.scatter.add.f32 [tilespmem:s22], [sflag:$0x2], $0x40, s8, s21, $0xb8;
	[tilespmem:$0x1EB40] =	vst v63  }
0x146: {  	_ =	swait.ge [sflag:s24], $0x2000  }
0x147: {  	s9 =	sadd.s32 $0xFFFFFFFF, s17;
	[sflag:s24] =	ssyncset.done $0x0  }
.LBB2_4:
0x148: {  	[sflag:s24] =	ssyncadd.s32 $0xFFFFE000;
	s7 =	sadd.s32 $0x80, s7;
	s8 =	sadd.s32 $0x80, s8  }
0x149: {  	[tilespmem:s22], [sflag:$0x1] =	stream.indirect.gather [hbm4b:s4+s21], $0x40, s7, s21, $0xb8;
	[tilespmem:$0x1EB40] =	vst v63  }
0x14a: {  	p2 =	sne.s32 s9, $0x1;
	s9 =	sadd.s32 $0xFFFFFFFF, s9;
	_ =	swait.ge [sflag:s0], $0x2000  }
.Ltmp2:
0x14b: {  	[sflag:s0] =	ssyncset.done $0x0;
	(pc) =	sbr.rel @p2 .LBB2_4-.Ltmp2, $4  }
0x14c: {  	[sflag:s0] =	ssyncadd.s32 $0xFFFFE000  }
0x14d: {  	[spmem:s2] =	stream.indirect.scatter.add.f32 [tilespmem:s22], [sflag:$0x2], $0x40, s8, s21, $0xb8;
	[tilespmem:$0x1EB40] =	vst v63  }
0x14e: {  	_ =	swait.ge [sflag:s24], $0x2000  }
0x14f: {  	[sflag:s24] =	ssyncset.done $0x0  }
.LBB2_5:
0x150: {  	[sflag:s24] =	ssyncadd.s32 $0xFFFFE000  }
0x151: {  	[bflag:$0x0] =	sbarrier.arrive $0xFFFF  }
0x152: {  	s5 =	simm.s32 $0x10;
	s7 =	simm.s32 $0x8;
	s3 =	rddreg [dreg:$0xa]  }
0x153: {  	[hbm:s3@s5], [sflag:s16] =	dma.strided [spmem:s19@s7], $0x1380, s0, $0x8   }
0x154: {  	s3 =	simm.s32 @!p1 $0x1;
	_ =	swait.ge [sflag:s18], $0x1380  }
0x155: {  	s5 =	simm.s32 @!p1 $0x10;
	[sflag:s18] =	ssyncset.done $0x0;
	s8 =	rddreg [dreg:$0xb]  }
0x156: {  	s7 =	simm.s32 @!p1 $0x8;
	s10 =	rddreg [dreg:$0xd];
	[sflag:s18] =	ssyncadd.s32 $0xFFFFEC80  }
0x157: {  	[hbm:s8@s5], [sflag:s16] =	dma.strided @!p1 [spmem:s10@s7], $0x80, s3, $0x8   }
0x158: {  	s3 =	simm.s32 @!p1 $0x6  }
0x159: {  	_ =	swait.ge @!p1 [sflag:s3], $0x80  }
0x15a: {  	s9 =	smov.u32 s19;
	s6 =	sadd.s32 $0x1, s6;
	s19 =	rddreg [dreg:$0xc]  }
0x15b: {  	p2 =	sne.s32 s6, s19  }
.Ltmp3:
0x15c: {  	_ = 	snop;
	(pc) =	sbr.rel @p2 .LBB2_1-.Ltmp3, $3  }
0x15d: {  	_ =	sdelay $0x1  }
0x15e: {  	[sflag:s3] =	ssyncset.done @!p1 $0x0  }
0x15f: {  	[sflag:s3] =	ssyncadd.s32 @!p1 $0xFFFFFF80  }
0x160: {  	_ =	sfence.sel $0x180000  }
0x161: {  	[bflag:$0x0] =	sbarrier.arrive $0xFFFF  }
0x162: {  	_ =	strace $0x90000047  }
0x163: {  	s0 =	stileid.u32;
	[bflag:$0x2] =	sbarrier.arrive $0xFFFF  }
0x164: {  	p0 =	sne.s32 s0, $0x0;
	s0 =	rddreg [dreg:$0x2]  }
0x165: {  	s0 =	sadd.s32 @!p0 $0x100000, s0  }
0x166: {  	[sflag:s0] =	ssyncadd.tile.s32 @!p0 $0x1;
	_ =	shalt  }
.Lfunc_end2:
_tile_overlayer_lowered:
.L_overlay_start_2:
0x167: {  	(tag) =	ssettag $0x2  }
0x168: {  	s0 =	rddreg [dreg:$0x0];
	s2 =	stileid.u32  }
0x169: {  	s1 =	rddreg [dreg:$0x1];
	p0 =	sne.s32 s2, $0x0  }
0x16a: {  	s3 =	rddreg [dreg:$0x2];
	[bflag:$0x3] =	sbarrier.arrive $0xFFFF;
	s2 =	simm.s32 @!p0 $0x1C06  }
0x16b: {  	[timem:s3], [sflag:s2] =	dma.local @!p0 [hbm:s0], s1  }
0x16c: {  	s0 =	simm.s32 @!p0 $0x6  }
0x16d: {  	_ =	swait.ge @!p0 [sflag:s0], s1  }
0x16e: {  	s1 =	ssub.s32 @!p0 $0x0, s1;
	[sflag:s0] =	ssyncset.done @!p0 $0x0  }
0x16f: {  	[sflag:s0] =	ssyncadd.s32 @!p0 s1  }
0x170: {  	[bflag:$0x3] =	sbarrier.arrive $0xFFFF  }
0x171: {  	_ =	shalt  }

// kernel: kernel.14.cloned.1.call-start
scs
__scs_entry_jumppad:
0x0: {  	(pc) =	sbr.rel $0x88, $3  }
0x1: {  	(tag) =	ssettag $0x0;
	lr =	simm.s32 $0x1  }
0x2: {  	[smem:$0x3F8E] =	sst lr;
	_ =	strace $0xD0000000  }
0x3: {  	_ = 	snop  }
0x4: {  	_ = 	snop  }
0x5: {  	_ = 	snop  }
0x6: {  	_ = 	snop  }
0x7: {  	_ = 	snop  }
__scs_overlays_trampoline_lowered:
0x8: {  	[smem:$0x3F9D] =	sst s0  }
0x9: {  	[smem:$0x3F9E] =	sst s1  }
0xa: {  	[smem:$0x3F9F] =	sst s2  }
0xb: {  	[smem:$0x3FA0] =	sst s3  }
0xc: {  	[smem:$0x3FA1] =	sst s4  }
0xd: {  	[smem:$0x3FA2] =	sst s5  }
0xe: {  	[smem:$0x3FA3] =	sst s6  }
0xf: {  	[smem:$0x3FA4] =	sst s7  }
0x10: {  	[smem:$0x3FA5] =	sst s8  }
0x11: {  	[smem:$0x3FA6] =	sst s9;
	s0 =	simm.s32 @!p0 $0x0  }
0x12: {  	s1 =	sld [smem:$0x3F8C];
	s0 =	simm.s32 @p0 $0x1  }
0x13: {  	[smem:$0x3FA7] =	sst s0;
	s0 =	simm.s32 @!p1 $0x0  }
0x14: {  	s2 =	sld [smem:$0x3F8B];
	s0 =	simm.s32 @p1 $0x1  }
0x15: {  	[smem:$0x3FA8] =	sst s0;
	s0 =	simm.s32 @!p2 $0x0  }
0x16: {  	s3 =	sld [smem:$0x3FDB];
	s0 =	simm.s32 @p2 $0x1  }
0x17: {  	s4 =	simm.s32 $0x1BF5;
	[smem:$0x3FAA] =	sst s0  }
0x18: {  	s0 =	sld [smem:$0x3F8D];
	_ =	swait.ge [sflag:s4], $0x0  }
0x19: {  	s7 =	sld [smem:$0x3F8E]  }
0x1a: {  	s8 =	sadd.s32 $0xFFFFE003, lr  }
0x1b: {  	s9 =	sadd.s32 $0xFFFFFEF7, lr;
	s5 =	simm.s32 $0xFFFFFFFF;
	p2 =	slt.u32 s8, $0xFFFFF086  }
0x1c: {  	p1 =	slt.u32 s9, $0xF7A;
	s5 =	simm.s32 @!p2 $0x0  }
0x1d: {  	s5 =	simm.s32 @p1 $0x1;
	p0 =	seq.s32 s7, s2  }
0x1e: {  	s7 =	smul.u32 @!p0 $0xF7A, s2;
	p2 =	seq.s32 @!p0 s5, $0x0  }
0x1f: {  	s9 =	smul.u32 $0xF7A, s1;
	s8 =	simm.s32 @!p0 $0x1BF5;
	p2 =	por !p2, p0  }
0x20: {  	[sflag:s8] =	ssyncset.s32 @!p0 $0xFFFFF086;
	s6 =	sadd.s32 @!p0 s3, s7;
	s7 =	simm.s32 @!p0 $0x108  }
0x21: {  	s3 =	sadd.s32 s3, s9;
	s6 =	sadd.s32 @!p0 $0x88, s6;
	s7 =	simm.s32 @p2 $0x1082  }
0x22: {  	[simem:s7], [sflag:s8] =	dma.local @!p0 [hbm:s6], $0xF7A  }
0x23: {  	s9 =	sor.u32 $0xD0000000, s2;
	s6 =	simm.s32 $0x108;
	_ =	swait.ge @!p0 [sflag:s8], $0x0  }
0x24: {  	s3 =	sadd.s32 $0x88, s3;
	s6 =	simm.s32 @!p1 $0x1082;
	[sflag:s4] =	ssyncset.s32 $0xFFFFF086  }
0x25: {  	[simem:s6], [sflag:s4] =	dma.local [hbm:s3], $0xF7A  }
0x26: {  	[smem:$0x3F8E] =	sst s1;
	(tag) =	ssettag s2;
	_ =	strace s9  }
0x27: {  	s1 =	sld [smem:$0x3F9E]  }
0x28: {  	s2 =	sld [smem:$0x3F9F]  }
0x29: {  	s4 =	sld [smem:$0x3FA1]  }
0x2a: {  	p0 =	seq.s32 s5, $0x0;
	s5 =	sld [smem:$0x3FA2]  }
0x2b: {  	s6 =	sld [smem:$0x3FA3]  }
0x2c: {  	s7 =	sld [smem:$0x3FA4]  }
0x2d: {  	s3 =	simm.s32 $0x108;
	s8 =	sld [smem:$0x3FA5]  }
0x2e: {  	s3 =	simm.s32 @!p0 $0x1082;
	s9 =	sld [smem:$0x3FA6]  }
0x2f: {  	lr =	sadd.s32 s0, s3;
	s0 =	sld [smem:$0x3F9D]  }
0x30: {  	s3 =	sld [smem:$0x3FA0]  }
0x31: {  	[smem:$0x3FA9] =	sst s10  }
0x32: {  	s10 =	sld [smem:$0x3FA7];
	_ =	sdelay $0x3  }
0x33: {  	p0 =	seq.s32 s10, $0x1;
	s10 =	sld [smem:$0x3FA9];
	_ =	sdelay $0x3  }
0x34: {  	[smem:$0x3FA9] =	sst s10  }
0x35: {  	s10 =	sld [smem:$0x3FA8];
	_ =	sdelay $0x3  }
0x36: {  	p1 =	seq.s32 s10, $0x1;
	s10 =	sld [smem:$0x3FA9];
	_ =	sdelay $0x3  }
0x37: {  	[smem:$0x3FA9] =	sst s10  }
0x38: {  	s10 =	sld [smem:$0x3FAA]  }
0x39: {  	_ = 	snop;
	(pc) =	sbr.ind lr, $3  }
0x3a: {  	_ = 	snop  }
0x3b: {  	_ = 	snop  }
0x3c: {  	p2 =	seq.s32 s10, $0x1;
	s10 =	sld [smem:$0x3FA9]  }
0x3d: {  	_ =	shalt  }
0x3e: {  	_ =	shalt  }
0x3f: {  	_ =	shalt  }
0x40: {  	_ =	shalt  }
0x41: {  	_ =	shalt  }
0x42: {  	_ =	shalt  }
0x43: {  	_ =	shalt  }
0x44: {  	_ =	shalt  }
0x45: {  	_ =	shalt  }
0x46: {  	_ =	shalt  }
0x47: {  	_ =	shalt  }
0x48: {  	_ =	shalt  }
0x49: {  	_ =	shalt  }
0x4a: {  	_ =	shalt  }
0x4b: {  	_ =	shalt  }
0x4c: {  	_ =	shalt  }
0x4d: {  	_ =	shalt  }
0x4e: {  	_ =	shalt  }
0x4f: {  	_ =	shalt  }
0x50: {  	_ =	shalt  }
0x51: {  	_ =	shalt  }
0x52: {  	_ =	shalt  }
0x53: {  	_ =	shalt  }
0x54: {  	_ =	shalt  }
0x55: {  	_ =	shalt  }
0x56: {  	_ =	shalt  }
0x57: {  	_ =	shalt  }
0x58: {  	_ =	shalt  }
0x59: {  	_ =	shalt  }
0x5a: {  	_ =	shalt  }
0x5b: {  	_ =	shalt  }
0x5c: {  	_ =	shalt  }
0x5d: {  	_ =	shalt  }
0x5e: {  	_ =	shalt  }
0x5f: {  	_ =	shalt  }
0x60: {  	_ =	shalt  }
0x61: {  	_ =	shalt  }
0x62: {  	_ =	shalt  }
0x63: {  	_ =	shalt  }
0x64: {  	_ =	shalt  }
0x65: {  	_ =	shalt  }
0x66: {  	_ =	shalt  }
0x67: {  	_ =	shalt  }
0x68: {  	_ =	shalt  }
0x69: {  	_ =	shalt  }
0x6a: {  	_ =	shalt  }
0x6b: {  	_ =	shalt  }
0x6c: {  	_ =	shalt  }
0x6d: {  	_ =	shalt  }
0x6e: {  	_ =	shalt  }
0x6f: {  	_ =	shalt  }
0x70: {  	_ =	shalt  }
0x71: {  	_ =	shalt  }
0x72: {  	_ =	shalt  }
0x73: {  	_ =	shalt  }
0x74: {  	_ =	shalt  }
0x75: {  	_ =	shalt  }
0x76: {  	_ =	shalt  }
0x77: {  	_ =	shalt  }
0x78: {  	_ =	shalt  }
0x79: {  	_ =	shalt  }
0x7a: {  	_ =	shalt  }
0x7b: {  	_ =	shalt  }
0x7c: {  	_ =	shalt  }
0x7d: {  	_ =	shalt  }
0x7e: {  	_ =	shalt  }
0x7f: {  	_ =	shalt  }
0x80: {  	_ =	shalt  }
0x81: {  	_ =	shalt  }
0x82: {  	_ =	shalt  }
0x83: {  	_ =	shalt  }
0x84: {  	_ =	shalt  }
0x85: {  	_ =	shalt  }
0x86: {  	_ =	shalt  }
0x87: {  	_ =	shalt  }
.Lfunc_end0:
.L_simem_size_0:
called_computation.1_lowered:
.L_overlay_start_0:
0x88: {  	s2 =	sld [smem:$0x3FD9]  }
0x89: {  	s3 =	sld [smem:$0x3FFE];
	_ =	sdelay $0x1  }
0x8a: {  	s1 =	srdreg.scid  }
0x8b: {  	s0 =	sand.u32 $0x1, s1  }
0x8c: {  	s16 =	sshll.u32 s0, $0xA;
	s2 =	sadd.s32 s3, s2  }
0x8d: {  	s2 =	sadd.s32 s2, s16  }
0x8e: {  	[smem:$0x3FB5] =	sst s2  }
0x8f: {  	_ = 	snop  }
0x90: {  	(tm) =	ssettm $0x1  }
0x91: {  	s17 =	sld [smem:$0x3FFB];
	_ =	sdelay $0x3  }
0x92: {  	_ =	strace s17  }
0x93: {  	s2 =	sld [smem:$0x3FFC];
	_ =	sdelay $0x3  }
0x94: {  	_ =	strace s2  }
0x95: {  	s2 =	sld [smem:$0x3FFD];
	_ =	sdelay $0x3  }
0x96: {  	_ =	strace s2  }
0x97: {  	_ =	strace $0x8FFFFFFF  }
0x98: {  	s18 =	sld [smem:$0x3FDB];
	_ =	sdelay $0x1  }
0x99: {  	s19 =	simm.s32 $_scs_section_size  }
0x9a: {  	s4 =	simm.s32 $_size__tile_overlayer_lowered;
	s5 =	simm.s32 $_tile_overlayer_lowered  }
0x9b: {  	s22 =	simm.s32 $0x1BFF;
	s21 =	sshll.u32 s5, $0x1;
	s2 =	sadd.s32 s19, s18  }
0x9c: {  	s6 =	simm.s32 $0x0;
	s20 =	sshll.u32 s4, $0x1;
	s4 =	sadd.s32 s21, s2  }
0x9d: {  	[timem:s6], [sflag:s22] =	dma.local [hbm:s4], s20  }
0x9e: {  	_ =	swait.ge [sflag:s22], s20  }
0x9f: {  	s3 =	ssub.s32 $0x0, s20;
	[sflag:s22] =	ssyncset.done $0x0  }
0xa0: {  	[sflag:s22] =	ssyncadd.s32 s3;
	_ =	sdelay $0x1  }
0xa1: {  	s23 =	simm.s32 $0x1B8B  }
0xa2: {  	_ =	swait.ge [sflag:s23], $0x1  }
0xa3: {  	[sflag:s23] =	ssyncset.done $0x0  }
0xa4: {  	s25 =	simm.s32 $0x1B8E;
	s24 =	sld [smem:$0x3FFE];
	[sflag:s23] =	ssyncadd.s32 $0xFFFFFFFF  }
0xa5: {  	s26 =	simm.s32 $execute0_lowered;
	[smem:$0x3FD2] =	sst s25  }
0xa6: {  	s4 =	sshll.u32 s26, $0x1;
	_ =	strace $0x80000049;
	[dreg:$0x1] =	wrdreg $0xFFFFFFFF  }
0xa7: {  	s28 =	simm.s32 $_size_execute0_lowered;
	s2 =	sadd.s32 s2, s4;
	[dreg:$0x0] =	wrdreg $0x0  }
0xa8: {  	s4 =	sshll.u32 s28, $0x1;
	[dreg:$0x2] =	wrdreg s2  }
0xa9: {  	[dreg:$0x3] =	wrdreg s4  }
0xaa: {  	[dreg:$0x4] =	wrdreg $0xC0  }
0xab: {  	_ =	task [dreg:s6], $0x5FFFF  }
0xac: {  	[dreg:$0x1] =	wrdreg $0xFFFFFFFF  }
0xad: {  	[dreg:$0x0] =	wrdreg $0x60  }
0xae: {  	[dreg:$0x2] =	wrdreg s24  }
0xaf: {  	[dreg:$0x3] =	wrdreg $0x14F000  }
0xb0: {  	[dreg:$0x4] =	wrdreg $0x9  }
0xb1: {  	_ =	task.clear_ibuf [dreg:s6], $0x5FFFF;
	_ =	strace $0x90000049  }
0xb2: {  	s29 =	simm.s32 $0x9;
	_ =	strace $0x8000004B  }
0xb3: {  	_ =	swait.ge [sflag:s29], $0x1  }
0xb4: {  	[sflag:s29] =	ssyncadd.s32 $0xFFFFFFFF  }
0xb5: {  	_ =	strace $0x9000004B  }
0xb6: {  	_ =	sfence  }
0xb7: {  	s30 =	sld [smem:$0x0];
	_ =	sdelay $0x2  }
0xb8: {  	s31 =	sshll.u32 s1, $0xD;
	s1 =	sshrl.u32 s1, $0x2  }
0xb9: {  	s3 =	sand.u32 $0x4000, s31;
	s1 =	sadd.s32 s1, s30  }
0xba: {  	s0 =	sor.u32 s3, s0;
	s1 =	sshll.u32 s1, $0x11  }
0xbb: {  	s0 =	sor.u32 s1, s0  }
0xbc: {  	s0 =	sadd.s32 $0x8F2B, s0  }
0xbd: {  	[sflag:s0] =	ssyncadd.remote.s32 $0x1  }
0xbe: {  	_ =	sfence.sel $0xFFFF  }
0xbf: {  	[dreg:$0x0] =	wrdreg $0xFFFFFFFF;
	(pc) =	sbr.abs _section_cstart, $3  }
0xc0: {  	[dreg:$0x1] =	wrdreg $0xFFFFFFFF  }
0xc1: {  	_ =	task.clear_ibuf [dreg:s6], $0x2FFFF;
	_ =	strace $0x9FFFFFFF  }
0xc2: {  	(tm) =	ssettm $0x7FFFFFFF  }
0xc3: {  	_ =	shalt  }
tec
execute0_lowered:
.L_overlay_start_1:
0x0: {  	(tag) =	ssettag $0x1  }
0x1: {  	s0 =	srdreg.scid  }
0x2: {  	s3 =	stileid.u32;
	s6 =	rddreg [dreg:$0x0]  }
0x3: {  	s2 =	rddreg [dreg:$0x1];
	s5 =	simm.s32 $0x0;
	s28 =	simm.s32 $0xAF00  }
0x4: {  	s29 =	simm.s32 $0xCF00;
	s30 =	simm.s32 $0xEF00;
	s31 =	simm.s32 $0x10F00  }
0x5: {  	s15 =	simm.s32 $0x3;
	s0 =	sand.u32 $0x1, s0;
	s1 =	sshll.u32 s3, $0x1  }
0x6: {  	[smem:$0x7FF] =	sst s5;
	s7 =	sadd.s32 $0x2BE00, s6;
	s18 =	smul.u32 $0x9C00, s3  }
0x7: {  	p0 =	slt.u32 s3, $0x2;
	s5 =	simm.s32 $0x7;
	s10 =	smul.u32 $0x13800, s3  }
0x8: {  	s11 =	sadd.s32 $0x9C000, s2;
	s24 =	sadd.s32 $0x2BC00, s6;
	s26 =	sshll.u32 s3, $0x6  }
0x9: {  	p1 =	sne.s32 s3, $0xF;
	s1 =	sor.u32 s0, s1;
	_ =	strace $0x8000004A  }
0xa: {  	s8 =	ssub.s32 $0x2, s0;
	s5 =	simm.s32 @!p0 $0x6;
	s23 =	sshll.u32 s0, $0x6  }
0xb: {  	s0 =	sshll.u32 s0, $0x3;
	[dreg:$0x9] =	wrdreg s24;
	p0 =	sgt.u32 s3, $0x1  }
0xc: {  	s16 =	sor.u32 $0x1C06, s26;
	s24 =	simm.s32 $0x2;
	s26 =	simm.s32 $0x4  }
0xd: {  	s4 =	smul.u32 $0x4E, s1;
	s1 =	smin.u32 s1, $0x4;
	s9 =	sshrl.u32 s8, $0x1  }
0xe: {  	[dreg:$0x3] =	wrdreg s5;
	s22 =	sshrl.u32 s18, $0x3;
	s0 =	sadd.s32 s0, s7  }
0xf: {  	s8 =	ssub.s32 s8, s9;
	s9 =	sadd.s32 s18, s2;
	s1 =	sadd.s32 s1, s4  }
0x10: {  	s0 =	sadd.s32 $0x27000, s0;
	s18 =	simm.s32 $0x6;
	s1 =	sshll.u32 s1, $0x4  }
0x11: {  	[dreg:$0xb] =	wrdreg s0;
	s25 =	smax.u32 s8, $0x1;
	s1 =	sadd.s32 s1, s6  }
0x12: {  	s4 =	sadd.s32 $0x18400, s6;
	[dreg:$0xc] =	wrdreg s25;
	s19 =	sadd.s32 $0x4A00, s1  }
0x13: {  	s9 =	sshrl.u32 s9, $0x3;
	s20 =	sadd.s32 $0xE640, s1;
	[dreg:$0x4] =	wrdreg s19  }
0x14: {  	s0 =	simm.s32 $0x1;
	s21 =	sadd.s32 $0x4EE0, s1;
	[dreg:$0x5] =	wrdreg s20  }
0x15: {  	s25 =	simm.s32 $0x8F00;
	s1 =	sadd.s32 $0xEB20, s1;
	[dreg:$0x6] =	wrdreg s21  }
0x16: {  	s6 =	simm.s32 $0x0;
	[dreg:$0x7] =	wrdreg s1;
	s1 =	sadd.s32 s4, s22  }
0x17: {  	s20 =	simm.s32 $0x5;
	[dreg:$0x8] =	wrdreg s1;
	s1 =	sor.u32 s23, s10  }
0x18: {  	s21 =	simm.s32 $0x80;
	s10 =	sshrl.u32 @!p1 s11, $0x3;
	s1 =	sshrl.u32 s1, $0x3  }
0x19: {  	s22 =	simm.s32 $0x4F00;
	[dreg:$0xd] =	wrdreg s10;
	s1 =	sadd.s32 s7, s1  }
0x1a: {  	s23 =	simm.s32 $0x6F00;
	[dreg:$0xa] =	wrdreg s1;
	s1 =	simm.s32 $0x12F00  }
.LBB2_1:
0x1b: {  	s5 =	rddreg [dreg:$0x4]  }
0x1c: {  	s3 =	simm.s32 $0x0;
	s11 =	rddreg [dreg:$0x5]  }
0x1d: {  	[tilespmem:s3], [sflag:$0x5] =	stream.linear.gather [hbm4b:s5+s3], $0x2700, $0x38;
	[tilespmem:$0x1EB40] =	vst v63  }
0x1e: {  	s7 =	simm.s32 $0x2780;
	s12 =	rddreg [dreg:$0x8]  }
0x1f: {  	[tilespmem:s7], [sflag:$0x5] =	stream.linear.gather [hbm4b:s11+s3], $0x2700, $0x38;
	[tilespmem:$0x1EB40] =	vst v63  }
0x20: {  	s8 =	simm.s32 @!p0 $0x2700;
	s5 =	rddreg [dreg:$0x6];
	s7 =	simm.s32 @!p0 $0x0  }
0x21: {  	[tilespmem:s8], [sflag:$0x5] =	stream.linear.gather @!p0 [hbm4b:s5+s7], $0x80, $0x38;
	[tilespmem:$0x1EB40] =	vst v63  }
0x22: {  	s8 =	simm.s32 @!p0 $0x4E80;
	s5 =	rddreg [dreg:$0x7]  }
0x23: {  	[tilespmem:s8], [sflag:$0x5] =	stream.linear.gather @!p0 [hbm4b:s5+s7], $0x80, $0x38;
	[tilespmem:$0x1EB40] =	vst v63  }
0x24: {  	[spmem:s9], [sflag:s16] =	dma.local [hbm:s12], $0x1380  }
0x25: {  	_ =	swait.ge [sflag:s18], $0x1380  }
0x26: {  	[sflag:s18] =	ssyncset.done $0x0  }
0x27: {  	s7 =	simm.s32 @!p1 $0x6;
	s5 =	rddreg [dreg:$0x9];
	[sflag:s18] =	ssyncadd.s32 $0xFFFFEC80  }
0x28: {  	[spmem:s10], [sflag:s16] =	dma.local @!p1 [hbm:s5], $0x80  }
0x29: {  	_ =	swait.ge @!p1 [sflag:s7], $0x80  }
0x2a: {  	[sflag:s7] =	ssyncset.done @!p1 $0x0  }
0x2b: {  	[sflag:s7] =	ssyncadd.s32 @!p1 $0xFFFFFF80  }
0x2c: {  	_ =	swait.ge [sflag:s20], $0x2700  }
0x2d: {  	[sflag:s20] =	ssyncset.done $0x0  }
0x2e: {  	[sflag:s20] =	ssyncadd.s32 $0xFFFFD900  }
0x2f: {  	_ =	swait.ge [sflag:s20], $0x2700  }
0x30: {  	[sflag:s20] =	ssyncset.done $0x0  }
0x31: {  	s7 =	simm.s32 @!p0 $0x5;
	[sflag:s20] =	ssyncadd.s32 $0xFFFFD900  }
0x32: {  	_ =	swait.ge @!p0 [sflag:s7], $0x80  }
0x33: {  	[sflag:s7] =	ssyncset.done @!p0 $0x0  }
0x34: {  	[sflag:s7] =	ssyncadd.s32 @!p0 $0xFFFFFF80  }
0x35: {  	_ =	swait.ge @!p0 [sflag:s7], $0x80  }
0x36: {  	[sflag:s7] =	ssyncset.done @!p0 $0x0  }
0x37: {  	[sflag:s7] =	ssyncadd.s32 @!p0 $0xFFFFFF80  }
0x38: {  	[tilespmem:s22], [sflag:$0x1] =	stream.indirect.gather [hbm4b:s4+s21], $0x40, s3, s21, $0xb8;
	[tilespmem:$0x1EB40] =	vst v63  }
0x39: {  	_ = 	snop  }
0x3a: {  	[tilespmem:s23], [sflag:$0x1] =	stream.indirect.gather [hbm4b:s4+s21], $0x40, s21, s21, $0xb8;
	[tilespmem:$0x1EB40] =	vst v63  }
0x3b: {  	s13 =	simm.s32 $0x100;
	p2 =	por $0x1, $0x1  }
0x3c: {  	[tilespmem:s25], [sflag:$0x1] =	stream.indirect.gather [hbm4b:s4+s21], $0x40, s13, s21, $0xb8;
	[tilespmem:$0x1EB40] =	vst v63  }
0x3d: {  	s14 =	simm.s32 $0x180;
	p2 =	por p2, p2  }
0x3e: {  	[tilespmem:s28], [sflag:$0x1] =	stream.indirect.gather [hbm4b:s4+s21], $0x40, s14, s21, $0xb8;
	[tilespmem:$0x1EB40] =	vst v63  }
0x3f: {  	s7 =	simm.s32 @!p2 $0x4;
	[bflag:$0x0] =	sbarrier.arrive $0xFFFF  }
0x40: {  	_ =	swait.ge @!p2 [sflag:s7], $0x2000  }
0x41: {  	[sflag:s7] =	ssyncset.done @!p2 $0x0  }
0x42: {  	[sflag:s7] =	ssyncadd.s32 @!p2 $0xFFFFE000  }
0x43: {  	_ =	swait.ge @!p2 [sflag:s7], $0x2000  }
0x44: {  	[sflag:s7] =	ssyncset.done @!p2 $0x0  }
0x45: {  	[sflag:s7] =	ssyncadd.s32 @!p2 $0xFFFFE000  }
0x46: {  	_ =	swait.ge @!p2 [sflag:s7], $0x2000  }
0x47: {  	[sflag:s7] =	ssyncset.done @!p2 $0x0  }
0x48: {  	[sflag:s7] =	ssyncadd.s32 @!p2 $0xFFFFE000  }
0x49: {  	_ =	swait.ge @!p2 [sflag:s7], $0x2000  }
0x4a: {  	[sflag:s7] =	ssyncset.done @!p2 $0x0  }
0x4b: {  	s17 =	simm.s32 $0x200;
	[sflag:s7] =	ssyncadd.s32 @!p2 $0xFFFFE000  }
0x4c: {  	[tilespmem:s29], [sflag:$0x3] =	stream.indirect.gather [hbm4b:s4+s21], $0x40, s17, s21, $0xb8;
	[tilespmem:$0x1EB40] =	vst v63  }
0x4d: {  	s3 =	simm.s32 $0x280  }
0x4e: {  	[tilespmem:s30], [sflag:$0x3] =	stream.indirect.gather [hbm4b:s4+s21], $0x40, s3, s21, $0xb8;
	[tilespmem:$0x1EB40] =	vst v63  }
0x4f: {  	s5 =	simm.s32 $0x300  }
0x50: {  	[tilespmem:s31], [sflag:$0x3] =	stream.indirect.gather [hbm4b:s4+s21], $0x40, s5, s21, $0xb8;
	[tilespmem:$0x1EB40] =	vst v63  }
0x51: {  	s8 =	simm.s32 $0x380  }
0x52: {  	[tilespmem:s1], [sflag:$0x3] =	stream.indirect.gather [hbm4b:s4+s21], $0x40, s8, s21, $0xb8;
	[tilespmem:$0x1EB40] =	vst v63  }
0x53: {  	_ =	swait.ge [sflag:s0], $0x2000  }
0x54: {  	[sflag:s0] =	ssyncset.done $0x0  }
0x55: {  	[sflag:s0] =	ssyncadd.s32 $0xFFFFE000  }
0x56: {  	_ =	swait.ge [sflag:s0], $0x2000  }
0x57: {  	[sflag:s0] =	ssyncset.done $0x0  }
0x58: {  	[sflag:s0] =	ssyncadd.s32 $0xFFFFE000  }
0x59: {  	_ =	swait.ge [sflag:s0], $0x2000  }
0x5a: {  	[sflag:s0] =	ssyncset.done $0x0  }
0x5b: {  	[sflag:s0] =	ssyncadd.s32 $0xFFFFE000  }
0x5c: {  	_ =	swait.ge [sflag:s0], $0x2000  }
0x5d: {  	[sflag:s0] =	ssyncset.done $0x0  }
0x5e: {  	s19 =	smov.u32 s9;
	s9 =	simm.s32 $0x2780;
	[sflag:s0] =	ssyncadd.s32 $0xFFFFE000  }
0x5f: {  	[spmem:s2] =	stream.indirect.scatter.add.f32 [tilespmem:s22], [sflag:$0x2], $0x40, s9, s21, $0xb8;
	[tilespmem:$0x1EB40] =	vst v63  }
0x60: {  	s10 =	simm.s32 $0x2800  }
0x61: {  	[spmem:s2] =	stream.indirect.scatter.add.f32 [tilespmem:s23], [sflag:$0x2], $0x40, s10, s21, $0xb8;
	[tilespmem:$0x1EB40] =	vst v63  }
0x62: {  	s11 =	simm.s32 $0x2880;
	p2 =	por $0x0, $0x0  }
0x63: {  	[spmem:s2] =	stream.indirect.scatter.add.f32 [tilespmem:s25], [sflag:$0x2], $0x40, s11, s21, $0xb8;
	[tilespmem:$0x1EB40] =	vst v63  }
0x64: {  	s12 =	simm.s32 $0x2900;
	s7 =	simm.s32 @!p2 $0x2  }
0x65: {  	[spmem:s2] =	stream.indirect.scatter.add.f32 [tilespmem:s28], [sflag:$0x2], $0x40, s12, s21, $0xb8;
	[tilespmem:$0x1EB40] =	vst v63  }
0x66: {  	_ =	swait.ge @!p2 [sflag:s7], $0x2000  }
0x67: {  	[sflag:s7] =	ssyncset.done @!p2 $0x0  }
0x68: {  	[sflag:s7] =	ssyncadd.s32 @!p2 $0xFFFFE000  }
0x69: {  	_ =	swait.ge @!p2 [sflag:s7], $0x2000  }
0x6a: {  	[sflag:s7] =	ssyncset.done @!p2 $0x0  }
0x6b: {  	[sflag:s7] =	ssyncadd.s32 @!p2 $0xFFFFE000  }
0x6c: {  	_ =	swait.ge @!p2 [sflag:s7], $0x2000  }
0x6d: {  	[sflag:s7] =	ssyncset.done @!p2 $0x0  }
0x6e: {  	[sflag:s7] =	ssyncadd.s32 @!p2 $0xFFFFE000  }
0x6f: {  	_ =	swait.ge @!p2 [sflag:s7], $0x2000  }
0x70: {  	s8 =	simm.s32 @!p2 $0x400;
	[sflag:s7] =	ssyncset.done @!p2 $0x0  }
0x71: {  	s9 =	simm.s32 @!p2 $0x80;
	[sflag:s7] =	ssyncadd.s32 @!p2 $0xFFFFE000;
	s7 =	simm.s32 @!p2 $0x4F00  }
0x72: {  	[tilespmem:s7], [sflag:$0x1] =	stream.indirect.gather @!p2 [hbm4b:s4+s9], $0x40, s8, s9, $0xb8;
	[tilespmem:$0x1EB40] =	vst v63  }
0x73: {  	s7 =	simm.s32 @!p2 $0x480;
	s8 =	simm.s32 @!p2 $0x6F00  }
0x74: {  	[tilespmem:s8], [sflag:$0x1] =	stream.indirect.gather @!p2 [hbm4b:s4+s9], $0x40, s7, s9, $0xb8;
	[tilespmem:$0x1EB40] =	vst v63  }
0x75: {  	s7 =	simm.s32 @!p2 $0x500;
	s8 =	simm.s32 @!p2 $0x8F00  }
0x76: {  	[tilespmem:s8], [sflag:$0x1] =	stream.indirect.gather @!p2 [hbm4b:s4+s9], $0x40, s7, s9, $0xb8;
	[tilespmem:$0x1EB40] =	vst v63  }
0x77: {  	s7 =	simm.s32 @!p2 $0x580;
	s8 =	simm.s32 @!p2 $0xAF00  }
0x78: {  	[tilespmem:s8], [sflag:$0x1] =	stream.indirect.gather @!p2 [hbm4b:s4+s9], $0x40, s7, s9, $0xb8;
	[tilespmem:$0x1EB40] =	vst v63  }
0x79: {  	_ =	swait.ge [sflag:s15], $0x2000  }
0x7a: {  	[sflag:s15] =	ssyncset.done $0x0  }
0x7b: {  	[sflag:s15] =	ssyncadd.s32 $0xFFFFE000  }
0x7c: {  	_ =	swait.ge [sflag:s15], $0x2000  }
0x7d: {  	[sflag:s15] =	ssyncset.done $0x0  }
0x7e: {  	[sflag:s15] =	ssyncadd.s32 $0xFFFFE000  }
0x7f: {  	_ =	swait.ge [sflag:s15], $0x2000  }
0x80: {  	[sflag:s15] =	ssyncset.done $0x0  }
0x81: {  	[sflag:s15] =	ssyncadd.s32 $0xFFFFE000  }
0x82: {  	_ =	swait.ge [sflag:s15], $0x2000  }
0x83: {  	[sflag:s15] =	ssyncset.done $0x0  }
0x84: {  	p6 =	por $0x0, $0x0;
	s13 =	simm.s32 $0x2980;
	[sflag:s15] =	ssyncadd.s32 $0xFFFFE000  }
0x85: {  	[spmem:s2] =	stream.indirect.scatter.add.f32 [tilespmem:s29], [sflag:$0x4], $0x40, s13, s21, $0xb8;
	[tilespmem:$0x1EB40] =	vst v63  }
0x86: {  	s14 =	simm.s32 $0x2A00;
	s17 =	simm.s32 $0x2A80;
	s7 =	simm.s32 $0x1000  }
0x87: {  	[spmem:s2] =	stream.indirect.scatter.add.f32 [tilespmem:s30], [sflag:$0x4], $0x40, s14, s21, $0xb8;
	[tilespmem:$0x1EB40] =	vst v63  }
0x88: {  	s8 =	simm.s32 $0x2000;
	s9 =	simm.s32 $0x2B00;
	p2 =	por p6, p6  }
0x89: {  	[spmem:s2] =	stream.indirect.scatter.add.f32 [tilespmem:s31], [sflag:$0x4], $0x40, s17, s21, $0xb8;
	[tilespmem:$0x1EB40] =	vst v63  }
.LBB2_2:
0x8a: {  	p4 =	seq.s32 s8, $0x0  }
0x8b: {  	s12 =	simm.s32 @!p2 $0x4;
	s11 =	smov.u32 s8;
	s8 =	sadd.s32 $0x1000, s8  }
0x8c: {  	[spmem:s2] =	stream.indirect.scatter.add.f32 [tilespmem:s1], [sflag:$0x4], $0x40, s9, s21, $0xb8;
	[tilespmem:$0x1EB40] =	vst v63  }
0x8d: {  	p3 =	sne.s32 s8, $0x9000;
	_ =	swait.ge @!p2 [sflag:s12], $0x2000  }
0x8e: {  	[sflag:s12] =	ssyncset.done @!p2 $0x0  }
0x8f: {  	[sflag:s12] =	ssyncadd.s32 @!p2 $0xFFFFE000  }
0x90: {  	_ =	swait.ge @!p2 [sflag:s12], $0x2000  }
0x91: {  	[sflag:s12] =	ssyncset.done @!p2 $0x0  }
0x92: {  	[sflag:s12] =	ssyncadd.s32 @!p2 $0xFFFFE000  }
0x93: {  	_ =	swait.ge @!p2 [sflag:s12], $0x2000  }
0x94: {  	[sflag:s12] =	ssyncset.done @!p2 $0x0  }
0x95: {  	[sflag:s12] =	ssyncadd.s32 @!p2 $0xFFFFE000  }
0x96: {  	_ =	swait.ge @!p2 [sflag:s12], $0x2000  }
0x97: {  	s10 =	sshra.s32 s7, $0x2;
	[sflag:s12] =	ssyncset.done @!p2 $0x0  }
0x98: {  	s9 =	sadd.s32 $0x2B00, s10;
	[sflag:s12] =	ssyncadd.s32 @!p2 $0xFFFFE000;
	s12 =	sadd.s32 $0x200, s10  }
0x99: {  	[tilespmem:s29], [sflag:$0x3] =	stream.indirect.gather [hbm4b:s4+s21], $0x40, s12, s21, $0xb8;
	[tilespmem:$0x1EB40] =	vst v63  }
0x9a: {  	p2 =	por p4, p4;
	s12 =	sadd.s32 $0x280, s10  }
0x9b: {  	[tilespmem:s30], [sflag:$0x3] =	stream.indirect.gather [hbm4b:s4+s21], $0x40, s12, s21, $0xb8;
	[tilespmem:$0x1EB40] =	vst v63  }
0x9c: {  	s12 =	sadd.s32 $0x300, s10  }
0x9d: {  	[tilespmem:s31], [sflag:$0x3] =	stream.indirect.gather [hbm4b:s4+s21], $0x40, s12, s21, $0xb8;
	[tilespmem:$0x1EB40] =	vst v63  }
0x9e: {  	s12 =	sadd.s32 $0x380, s10  }
0x9f: {  	[tilespmem:s1], [sflag:$0x3] =	stream.indirect.gather [hbm4b:s4+s21], $0x40, s12, s21, $0xb8;
	[tilespmem:$0x1EB40] =	vst v63  }
0xa0: {  	_ =	swait.ge [sflag:s0], $0x2000  }
0xa1: {  	[sflag:s0] =	ssyncset.done $0x0  }
0xa2: {  	[sflag:s0] =	ssyncadd.s32 $0xFFFFE000  }
0xa3: {  	_ =	swait.ge [sflag:s0], $0x2000  }
0xa4: {  	[sflag:s0] =	ssyncset.done $0x0  }
0xa5: {  	[sflag:s0] =	ssyncadd.s32 $0xFFFFE000  }
0xa6: {  	_ =	swait.ge [sflag:s0], $0x2000  }
0xa7: {  	[sflag:s0] =	ssyncset.done $0x0  }
0xa8: {  	[sflag:s0] =	ssyncadd.s32 $0xFFFFE000  }
0xa9: {  	_ =	swait.ge [sflag:s0], $0x2000  }
0xaa: {  	[sflag:s0] =	ssyncset.done $0x0  }
0xab: {  	s12 =	sadd.s32 $0x2780, s10;
	[sflag:s0] =	ssyncadd.s32 $0xFFFFE000  }
0xac: {  	[spmem:s2] =	stream.indirect.scatter.add.f32 [tilespmem:s22], [sflag:$0x2], $0x40, s12, s21, $0xb8;
	[tilespmem:$0x1EB40] =	vst v63  }
0xad: {  	s12 =	sadd.s32 $0x2800, s10  }
0xae: {  	[spmem:s2] =	stream.indirect.scatter.add.f32 [tilespmem:s23], [sflag:$0x2], $0x40, s12, s21, $0xb8;
	[tilespmem:$0x1EB40] =	vst v63  }
0xaf: {  	s12 =	sadd.s32 $0x2880, s10  }
0xb0: {  	[spmem:s2] =	stream.indirect.scatter.add.f32 [tilespmem:s25], [sflag:$0x2], $0x40, s12, s21, $0xb8;
	[tilespmem:$0x1EB40] =	vst v63  }
0xb1: {  	p4 =	seq.s32 s7, $0x8000;
	s12 =	sadd.s32 $0x2900, s10  }
0xb2: {  	[spmem:s2] =	stream.indirect.scatter.add.f32 [tilespmem:s28], [sflag:$0x2], $0x40, s12, s21, $0xb8;
	[tilespmem:$0x1EB40] =	vst v63  }
0xb3: {  	s13 =	sshra.s32 @!p4 s7, $0x2;
	s7 =	smov.u32 s11;
	s12 =	simm.s32 @!p4 $0x2  }
0xb4: {  	s11 =	sadd.s32 @!p4 $0x400, s13;
	s14 =	sadd.s32 @!p4 $0x480, s13;
	_ =	swait.ge @!p4 [sflag:s12], $0x2000  }
0xb5: {  	s3 =	sadd.s32 @!p4 $0x500, s13;
	s13 =	sadd.s32 @!p4 $0x580, s13;
	[sflag:s12] =	ssyncset.done @!p4 $0x0  }
0xb6: {  	[sflag:s12] =	ssyncadd.s32 @!p4 $0xFFFFE000  }
0xb7: {  	_ =	swait.ge @!p4 [sflag:s12], $0x2000  }
0xb8: {  	[sflag:s12] =	ssyncset.done @!p4 $0x0  }
0xb9: {  	[sflag:s12] =	ssyncadd.s32 @!p4 $0xFFFFE000  }
0xba: {  	_ =	swait.ge @!p4 [sflag:s12], $0x2000  }
0xbb: {  	[sflag:s12] =	ssyncset.done @!p4 $0x0  }
0xbc: {  	[sflag:s12] =	ssyncadd.s32 @!p4 $0xFFFFE000  }
0xbd: {  	_ =	swait.ge @!p4 [sflag:s12], $0x2000  }
0xbe: {  	s5 =	simm.s32 @!p4 $0x80;
	s17 =	simm.s32 @!p4 $0x4F00;
	[sflag:s12] =	ssyncset.done @!p4 $0x0  }
0xbf: {  	[sflag:s12] =	ssyncadd.s32 @!p4 $0xFFFFE000;
	s12 =	simm.s32 @!p4 $0x6F00  }
0xc0: {  	[tilespmem:s17], [sflag:$0x1] =	stream.indirect.gather @!p4 [hbm4b:s4+s5], $0x40, s11, s5, $0xb8;
	[tilespmem:$0x1EB40] =	vst v63  }
0xc1: {  	s11 =	simm.s32 @!p4 $0x8F00  }
0xc2: {  	[tilespmem:s12], [sflag:$0x1] =	stream.indirect.gather @!p4 [hbm4b:s4+s5], $0x40, s14, s5, $0xb8;
	[tilespmem:$0x1EB40] =	vst v63  }
0xc3: {  	s12 =	simm.s32 @!p4 $0xAF00  }
0xc4: {  	[tilespmem:s11], [sflag:$0x1] =	stream.indirect.gather @!p4 [hbm4b:s4+s5], $0x40, s3, s5, $0xb8;
	[tilespmem:$0x1EB40] =	vst v63  }
0xc5: {  	_ = 	snop  }
0xc6: {  	[tilespmem:s12], [sflag:$0x1] =	stream.indirect.gather @!p4 [hbm4b:s4+s5], $0x40, s13, s5, $0xb8;
	[tilespmem:$0x1EB40] =	vst v63  }
0xc7: {  	_ =	swait.ge [sflag:s15], $0x2000  }
0xc8: {  	[sflag:s15] =	ssyncset.done $0x0  }
0xc9: {  	[sflag:s15] =	ssyncadd.s32 $0xFFFFE000  }
0xca: {  	_ =	swait.ge [sflag:s15], $0x2000  }
0xcb: {  	[sflag:s15] =	ssyncset.done $0x0  }
0xcc: {  	[sflag:s15] =	ssyncadd.s32 $0xFFFFE000  }
0xcd: {  	_ =	swait.ge [sflag:s15], $0x2000  }
0xce: {  	[sflag:s15] =	ssyncset.done $0x0  }
0xcf: {  	[sflag:s15] =	ssyncadd.s32 $0xFFFFE000  }
0xd0: {  	_ =	swait.ge [sflag:s15], $0x2000  }
0xd1: {  	s3 =	sadd.s32 $0x2980, s10;
	[sflag:s15] =	ssyncset.done $0x0  }
0xd2: {  	s5 =	sadd.s32 $0x2A00, s10;
	[sflag:s15] =	ssyncadd.s32 $0xFFFFE000  }
0xd3: {  	[spmem:s2] =	stream.indirect.scatter.add.f32 [tilespmem:s29], [sflag:$0x4], $0x40, s3, s21, $0xb8;
	[tilespmem:$0x1EB40] =	vst v63  }
.Ltmp0:
0xd4: {  	_ = 	snop;
	(pc) =	sbr.rel @p3 .LBB2_2-.Ltmp0, $4  }
0xd5: {  	_ = 	snop  }
0xd6: {  	[spmem:s2] =	stream.indirect.scatter.add.f32 [tilespmem:s30], [sflag:$0x4], $0x40, s5, s21, $0xb8;
	[tilespmem:$0x1EB40] =	vst v63  }
0xd7: {  	s3 =	sadd.s32 $0x2A80, s10  }
0xd8: {  	[spmem:s2] =	stream.indirect.scatter.add.f32 [tilespmem:s31], [sflag:$0x4], $0x40, s3, s21, $0xb8;
	[tilespmem:$0x1EB40] =	vst v63  }
0xd9: {  	s3 =	simm.s32 @!p2 $0x4  }
0xda: {  	[spmem:s2] =	stream.indirect.scatter.add.f32 [tilespmem:s1], [sflag:$0x4], $0x40, s9, s21, $0xb8;
	[tilespmem:$0x1EB40] =	vst v63  }
0xdb: {  	_ =	swait.ge @!p2 [sflag:s3], $0x2000  }
0xdc: {  	[sflag:s3] =	ssyncset.done @!p2 $0x0  }
0xdd: {  	[sflag:s3] =	ssyncadd.s32 @!p2 $0xFFFFE000  }
0xde: {  	_ =	swait.ge @!p2 [sflag:s3], $0x2000  }
0xdf: {  	[sflag:s3] =	ssyncset.done @!p2 $0x0  }
0xe0: {  	[sflag:s3] =	ssyncadd.s32 @!p2 $0xFFFFE000  }
0xe1: {  	_ =	swait.ge @!p2 [sflag:s3], $0x2000  }
0xe2: {  	[sflag:s3] =	ssyncset.done @!p2 $0x0  }
0xe3: {  	[sflag:s3] =	ssyncadd.s32 @!p2 $0xFFFFE000  }
0xe4: {  	_ =	swait.ge @!p2 [sflag:s3], $0x2000  }
0xe5: {  	s8 =	sshra.s32 s7, $0x2;
	[sflag:s3] =	ssyncset.done @!p2 $0x0  }
0xe6: {  	s11 =	sadd.s32 $0x200, s8;
	[sflag:s3] =	ssyncadd.s32 @!p2 $0xFFFFE000  }
0xe7: {  	[tilespmem:s29], [sflag:$0x3] =	stream.indirect.gather [hbm4b:s4+s21], $0x40, s11, s21, $0xb8;
	[tilespmem:$0x1EB40] =	vst v63  }
0xe8: {  	s12 =	sadd.s32 $0x280, s8  }
0xe9: {  	[tilespmem:s30], [sflag:$0x3] =	stream.indirect.gather [hbm4b:s4+s21], $0x40, s12, s21, $0xb8;
	[tilespmem:$0x1EB40] =	vst v63  }
0xea: {  	s13 =	sadd.s32 $0x300, s8  }
0xeb: {  	[tilespmem:s31], [sflag:$0x3] =	stream.indirect.gather [hbm4b:s4+s21], $0x40, s13, s21, $0xb8;
	[tilespmem:$0x1EB40] =	vst v63  }
0xec: {  	s14 =	sadd.s32 $0x380, s8  }
0xed: {  	[tilespmem:s1], [sflag:$0x3] =	stream.indirect.gather [hbm4b:s4+s21], $0x40, s14, s21, $0xb8;
	[tilespmem:$0x1EB40] =	vst v63  }
0xee: {  	_ =	swait.ge [sflag:s0], $0x2000  }
0xef: {  	[sflag:s0] =	ssyncset.done $0x0  }
0xf0: {  	[sflag:s0] =	ssyncadd.s32 $0xFFFFE000  }
0xf1: {  	_ =	swait.ge [sflag:s0], $0x2000  }
0xf2: {  	[sflag:s0] =	ssyncset.done $0x0  }
0xf3: {  	[sflag:s0] =	ssyncadd.s32 $0xFFFFE000  }
0xf4: {  	_ =	swait.ge [sflag:s0], $0x2000  }
0xf5: {  	[sflag:s0] =	ssyncset.done $0x0  }
0xf6: {  	[sflag:s0] =	ssyncadd.s32 $0xFFFFE000  }
0xf7: {  	_ =	swait.ge [sflag:s0], $0x2000  }
0xf8: {  	[sflag:s0] =	ssyncset.done $0x0  }
0xf9: {  	s17 =	sadd.s32 $0x2780, s8;
	[sflag:s0] =	ssyncadd.s32 $0xFFFFE000  }
0xfa: {  	[spmem:s2] =	stream.indirect.scatter.add.f32 [tilespmem:s22], [sflag:$0x2], $0x40, s17, s21, $0xb8;
	[tilespmem:$0x1EB40] =	vst v63  }
0xfb: {  	s5 =	sadd.s32 $0x2800, s8  }
0xfc: {  	[spmem:s2] =	stream.indirect.scatter.add.f32 [tilespmem:s23], [sflag:$0x2], $0x40, s5, s21, $0xb8;
	[tilespmem:$0x1EB40] =	vst v63  }
0xfd: {  	s9 =	sadd.s32 $0x2880, s8;
	p2 =	seq.s32 s7, $0x8000  }
0xfe: {  	[spmem:s2] =	stream.indirect.scatter.add.f32 [tilespmem:s25], [sflag:$0x2], $0x40, s9, s21, $0xb8;
	[tilespmem:$0x1EB40] =	vst v63  }
0xff: {  	s10 =	sadd.s32 $0x2900, s8;
	s3 =	simm.s32 @!p2 $0x2  }
0x100: {  	[spmem:s2] =	stream.indirect.scatter.add.f32 [tilespmem:s28], [sflag:$0x2], $0x40, s10, s21, $0xb8;
	[tilespmem:$0x1EB40] =	vst v63  }
0x101: {  	_ =	swait.ge @!p2 [sflag:s3], $0x2000  }
0x102: {  	[sflag:s3] =	ssyncset.done @!p2 $0x0  }
0x103: {  	[sflag:s3] =	ssyncadd.s32 @!p2 $0xFFFFE000  }
0x104: {  	_ =	swait.ge @!p2 [sflag:s3], $0x2000  }
0x105: {  	[sflag:s3] =	ssyncset.done @!p2 $0x0  }
0x106: {  	[sflag:s3] =	ssyncadd.s32 @!p2 $0xFFFFE000  }
0x107: {  	_ =	swait.ge @!p2 [sflag:s3], $0x2000  }
0x108: {  	[sflag:s3] =	ssyncset.done @!p2 $0x0  }
0x109: {  	[sflag:s3] =	ssyncadd.s32 @!p2 $0xFFFFE000  }
0x10a: {  	s5 =	sshra.s32 @!p2 s7, $0x2;
	_ =	swait.ge @!p2 [sflag:s3], $0x2000  }
0x10b: {  	s7 =	sadd.s32 @!p2 $0x400, s5;
	[sflag:s3] =	ssyncset.done @!p2 $0x0  }
0x10c: {  	s9 =	simm.s32 @!p2 $0x80;
	s10 =	simm.s32 @!p2 $0x4F00;
	[sflag:s3] =	ssyncadd.s32 @!p2 $0xFFFFE000  }
0x10d: {  	[tilespmem:s10], [sflag:$0x1] =	stream.indirect.gather @!p2 [hbm4b:s4+s9], $0x40, s7, s9, $0xb8;
	[tilespmem:$0x1EB40] =	vst v63  }
0x10e: {  	s3 =	sadd.s32 @!p2 $0x480, s5;
	s7 =	simm.s32 @!p2 $0x6F00  }
0x10f: {  	[tilespmem:s7], [sflag:$0x1] =	stream.indirect.gather @!p2 [hbm4b:s4+s9], $0x40, s3, s9, $0xb8;
	[tilespmem:$0x1EB40] =	vst v63  }
0x110: {  	s3 =	sadd.s32 @!p2 $0x500, s5;
	s7 =	simm.s32 @!p2 $0x8F00  }
0x111: {  	[tilespmem:s7], [sflag:$0x1] =	stream.indirect.gather @!p2 [hbm4b:s4+s9], $0x40, s3, s9, $0xb8;
	[tilespmem:$0x1EB40] =	vst v63  }
0x112: {  	s3 =	sadd.s32 @!p2 $0x580, s5;
	s5 =	simm.s32 @!p2 $0xAF00  }
0x113: {  	[tilespmem:s5], [sflag:$0x1] =	stream.indirect.gather @!p2 [hbm4b:s4+s9], $0x40, s3, s9, $0xb8;
	[tilespmem:$0x1EB40] =	vst v63  }
0x114: {  	_ =	swait.ge [sflag:s15], $0x2000  }
0x115: {  	[sflag:s15] =	ssyncset.done $0x0  }
0x116: {  	[sflag:s15] =	ssyncadd.s32 $0xFFFFE000  }
0x117: {  	_ =	swait.ge [sflag:s15], $0x2000  }
0x118: {  	[sflag:s15] =	ssyncset.done $0x0  }
0x119: {  	[sflag:s15] =	ssyncadd.s32 $0xFFFFE000  }
0x11a: {  	_ =	swait.ge [sflag:s15], $0x2000  }
0x11b: {  	[sflag:s15] =	ssyncset.done $0x0  }
0x11c: {  	[sflag:s15] =	ssyncadd.s32 $0xFFFFE000  }
0x11d: {  	_ =	swait.ge [sflag:s15], $0x2000  }
0x11e: {  	[sflag:s15] =	ssyncset.done $0x0  }
0x11f: {  	s11 =	sadd.s32 $0x2980, s8;
	[sflag:s15] =	ssyncadd.s32 $0xFFFFE000  }
0x120: {  	[spmem:s2] =	stream.indirect.scatter.add.f32 [tilespmem:s29], [sflag:$0x4], $0x40, s11, s21, $0xb8;
	[tilespmem:$0x1EB40] =	vst v63  }
0x121: {  	s12 =	sadd.s32 $0x2A00, s8  }
0x122: {  	[spmem:s2] =	stream.indirect.scatter.add.f32 [tilespmem:s30], [sflag:$0x4], $0x40, s12, s21, $0xb8;
	[tilespmem:$0x1EB40] =	vst v63  }
0x123: {  	s13 =	sadd.s32 $0x2A80, s8  }
0x124: {  	[spmem:s2] =	stream.indirect.scatter.add.f32 [tilespmem:s31], [sflag:$0x4], $0x40, s13, s21, $0xb8;
	[tilespmem:$0x1EB40] =	vst v63  }
0x125: {  	s14 =	sadd.s32 $0x2B00, s8  }
0x126: {  	[spmem:s2] =	stream.indirect.scatter.add.f32 [tilespmem:s1], [sflag:$0x4], $0x40, s14, s21, $0xb8;
	[tilespmem:$0x1EB40] =	vst v63  }
0x127: {  	_ =	swait.ge [sflag:s24], $0x2000  }
0x128: {  	[sflag:s24] =	ssyncset.done $0x0  }
0x129: {  	[sflag:s24] =	ssyncadd.s32 $0xFFFFE000  }
0x12a: {  	_ =	swait.ge [sflag:s24], $0x2000  }
0x12b: {  	[sflag:s24] =	ssyncset.done $0x0  }
0x12c: {  	[sflag:s24] =	ssyncadd.s32 $0xFFFFE000  }
0x12d: {  	_ =	swait.ge [sflag:s24], $0x2000  }
0x12e: {  	[sflag:s24] =	ssyncset.done $0x0  }
0x12f: {  	[sflag:s24] =	ssyncadd.s32 $0xFFFFE000  }
0x130: {  	_ =	swait.ge [sflag:s24], $0x2000  }
0x131: {  	[sflag:s24] =	ssyncset.done $0x0  }
0x132: {  	[sflag:s24] =	ssyncadd.s32 $0xFFFFE000  }
0x133: {  	_ =	swait.ge [sflag:s26], $0x2000  }
0x134: {  	[sflag:s26] =	ssyncset.done $0x0  }
0x135: {  	[sflag:s26] =	ssyncadd.s32 $0xFFFFE000  }
0x136: {  	_ =	swait.ge [sflag:s26], $0x2000  }
0x137: {  	[sflag:s26] =	ssyncset.done $0x0  }
0x138: {  	[sflag:s26] =	ssyncadd.s32 $0xFFFFE000  }
0x139: {  	_ =	swait.ge [sflag:s26], $0x2000  }
0x13a: {  	[sflag:s26] =	ssyncset.done $0x0  }
0x13b: {  	[sflag:s26] =	ssyncadd.s32 $0xFFFFE000  }
0x13c: {  	_ =	swait.ge [sflag:s26], $0x2000  }
0x13d: {  	[sflag:s26] =	ssyncset.done $0x0  }
0x13e: {  	s7 =	simm.s32 $0x2400;
	[sflag:s26] =	ssyncadd.s32 $0xFFFFE000  }
0x13f: {  	[tilespmem:s22], [sflag:$0x1] =	stream.indirect.gather [hbm4b:s4+s21], $0x40, s7, s21, $0xb8;
	[tilespmem:$0x1EB40] =	vst v63  }
0x140: {  	_ =	swait.ge [sflag:s0], $0x2000  }
0x141: {  	s17 =	rddreg [dreg:$0x3]  }
0x142: {  	p2 =	sne.s32 s17, $0x1  }
.Ltmp1:
0x143: {  	[sflag:s0] =	ssyncset.done $0x0;
	(pc) =	sbr.rel @!p2 .LBB2_5-.Ltmp1, $4  }
0x144: {  	s8 =	simm.s32 $0x4B80;
	[sflag:s0] =	ssyncadd.s32 $0xFFFFE000  }
0x145: {  	[spmem:s2] =	stream.indirect.scatter.add.f32 [tilespmem:s22], [sflag:$0x2], $0x40, s8, s21, $0xb8;
	[tilespmem:$0x1EB40] =	vst v63  }
0x146: {  	_ =	swait.ge [sflag:s24], $0x2000  }
0x147: {  	s9 =	sadd.s32 $0xFFFFFFFF, s17;
	[sflag:s24] =	ssyncset.done $0x0  }
.LBB2_4:
0x148: {  	[sflag:s24] =	ssyncadd.s32 $0xFFFFE000;
	s7 =	sadd.s32 $0x80, s7;
	s8 =	sadd.s32 $0x80, s8  }
0x149: {  	[tilespmem:s22], [sflag:$0x1] =	stream.indirect.gather [hbm4b:s4+s21], $0x40, s7, s21, $0xb8;
	[tilespmem:$0x1EB40] =	vst v63  }
0x14a: {  	p2 =	sne.s32 s9, $0x1;
	s9 =	sadd.s32 $0xFFFFFFFF, s9;
	_ =	swait.ge [sflag:s0], $0x2000  }
.Ltmp2:
0x14b: {  	[sflag:s0] =	ssyncset.done $0x0;
	(pc) =	sbr.rel @p2 .LBB2_4-.Ltmp2, $4  }
0x14c: {  	[sflag:s0] =	ssyncadd.s32 $0xFFFFE000  }
0x14d: {  	[spmem:s2] =	stream.indirect.scatter.add.f32 [tilespmem:s22], [sflag:$0x2], $0x40, s8, s21, $0xb8;
	[tilespmem:$0x1EB40] =	vst v63  }
0x14e: {  	_ =	swait.ge [sflag:s24], $0x2000  }
0x14f: {  	[sflag:s24] =	ssyncset.done $0x0  }
.LBB2_5:
0x150: {  	[sflag:s24] =	ssyncadd.s32 $0xFFFFE000  }
0x151: {  	[bflag:$0x0] =	sbarrier.arrive $0xFFFF  }
0x152: {  	s5 =	simm.s32 $0x10;
	s7 =	simm.s32 $0x8;
	s3 =	rddreg [dreg:$0xa]  }
0x153: {  	[hbm:s3@s5], [sflag:s16] =	dma.strided [spmem:s19@s7], $0x1380, s0, $0x8   }
0x154: {  	s3 =	simm.s32 @!p1 $0x1;
	_ =	swait.ge [sflag:s18], $0x1380  }
0x155: {  	s5 =	simm.s32 @!p1 $0x10;
	[sflag:s18] =	ssyncset.done $0x0;
	s8 =	rddreg [dreg:$0xb]  }
0x156: {  	s7 =	simm.s32 @!p1 $0x8;
	s10 =	rddreg [dreg:$0xd];
	[sflag:s18] =	ssyncadd.s32 $0xFFFFEC80  }
0x157: {  	[hbm:s8@s5], [sflag:s16] =	dma.strided @!p1 [spmem:s10@s7], $0x80, s3, $0x8   }
0x158: {  	s3 =	simm.s32 @!p1 $0x6  }
0x159: {  	_ =	swait.ge @!p1 [sflag:s3], $0x80  }
0x15a: {  	s9 =	smov.u32 s19;
	s6 =	sadd.s32 $0x1, s6;
	s19 =	rddreg [dreg:$0xc]  }
0x15b: {  	p2 =	sne.s32 s6, s19  }
.Ltmp3:
0x15c: {  	_ = 	snop;
	(pc) =	sbr.rel @p2 .LBB2_1-.Ltmp3, $3  }
0x15d: {  	_ =	sdelay $0x1  }
0x15e: {  	[sflag:s3] =	ssyncset.done @!p1 $0x0  }
0x15f: {  	[sflag:s3] =	ssyncadd.s32 @!p1 $0xFFFFFF80  }
0x160: {  	_ =	sfence.sel $0x180000  }
0x161: {  	[bflag:$0x0] =	sbarrier.arrive $0xFFFF  }
0x162: {  	_ =	strace $0x9000004A  }
0x163: {  	s0 =	stileid.u32;
	[bflag:$0x2] =	sbarrier.arrive $0xFFFF  }
0x164: {  	p0 =	sne.s32 s0, $0x0;
	s0 =	rddreg [dreg:$0x2]  }
0x165: {  	s0 =	sadd.s32 @!p0 $0x100000, s0  }
0x166: {  	[sflag:s0] =	ssyncadd.tile.s32 @!p0 $0x1;
	_ =	shalt  }
.Lfunc_end2:
_tile_overlayer_lowered:
.L_overlay_start_2:
0x167: {  	(tag) =	ssettag $0x2  }
0x168: {  	s0 =	rddreg [dreg:$0x0];
	s2 =	stileid.u32  }
0x169: {  	s1 =	rddreg [dreg:$0x1];
	p0 =	sne.s32 s2, $0x0  }
0x16a: {  	s3 =	rddreg [dreg:$0x2];
	[bflag:$0x3] =	sbarrier.arrive $0xFFFF;
	s2 =	simm.s32 @!p0 $0x1C06  }
0x16b: {  	[timem:s3], [sflag:s2] =	dma.local @!p0 [hbm:s0], s1  }
0x16c: {  	s0 =	simm.s32 @!p0 $0x6  }
0x16d: {  	_ =	swait.ge @!p0 [sflag:s0], s1  }
0x16e: {  	s1 =	ssub.s32 @!p0 $0x0, s1;
	[sflag:s0] =	ssyncset.done @!p0 $0x0  }
0x16f: {  	[sflag:s0] =	ssyncadd.s32 @!p0 s1  }
0x170: {  	[bflag:$0x3] =	sbarrier.arrive $0xFFFF  }
0x171: {  	_ =	shalt  }

// kernel: kernel.17.cloned.1.call-start
scs
__scs_entry_jumppad:
0x0: {  	(pc) =	sbr.rel $0x88, $3  }
0x1: {  	(tag) =	ssettag $0x0;
	lr =	simm.s32 $0x1  }
0x2: {  	[smem:$0x3F8E] =	sst lr;
	_ =	strace $0xD0000000  }
0x3: {  	_ = 	snop  }
0x4: {  	_ = 	snop  }
0x5: {  	_ = 	snop  }
0x6: {  	_ = 	snop  }
0x7: {  	_ = 	snop  }
__scs_overlays_trampoline_lowered:
0x8: {  	[smem:$0x3F9D] =	sst s0  }
0x9: {  	[smem:$0x3F9E] =	sst s1  }
0xa: {  	[smem:$0x3F9F] =	sst s2  }
0xb: {  	[smem:$0x3FA0] =	sst s3  }
0xc: {  	[smem:$0x3FA1] =	sst s4  }
0xd: {  	[smem:$0x3FA2] =	sst s5  }
0xe: {  	[smem:$0x3FA3] =	sst s6  }
0xf: {  	[smem:$0x3FA4] =	sst s7  }
0x10: {  	[smem:$0x3FA5] =	sst s8  }
0x11: {  	[smem:$0x3FA6] =	sst s9;
	s0 =	simm.s32 @!p0 $0x0  }
0x12: {  	s1 =	sld [smem:$0x3F8C];
	s0 =	simm.s32 @p0 $0x1  }
0x13: {  	[smem:$0x3FA7] =	sst s0;
	s0 =	simm.s32 @!p1 $0x0  }
0x14: {  	s2 =	sld [smem:$0x3F8B];
	s0 =	simm.s32 @p1 $0x1  }
0x15: {  	[smem:$0x3FA8] =	sst s0;
	s0 =	simm.s32 @!p2 $0x0  }
0x16: {  	s3 =	sld [smem:$0x3FDB];
	s0 =	simm.s32 @p2 $0x1  }
0x17: {  	s4 =	simm.s32 $0x1BF5;
	[smem:$0x3FAA] =	sst s0  }
0x18: {  	s0 =	sld [smem:$0x3F8D];
	_ =	swait.ge [sflag:s4], $0x0  }
0x19: {  	s7 =	sld [smem:$0x3F8E]  }
0x1a: {  	s8 =	sadd.s32 $0xFFFFE003, lr  }
0x1b: {  	s9 =	sadd.s32 $0xFFFFFEF7, lr;
	s5 =	simm.s32 $0xFFFFFFFF;
	p2 =	slt.u32 s8, $0xFFFFF086  }
0x1c: {  	p1 =	slt.u32 s9, $0xF7A;
	s5 =	simm.s32 @!p2 $0x0  }
0x1d: {  	s5 =	simm.s32 @p1 $0x1;
	p0 =	seq.s32 s7, s2  }
0x1e: {  	s7 =	smul.u32 @!p0 $0xF7A, s2;
	p2 =	seq.s32 @!p0 s5, $0x0  }
0x1f: {  	s9 =	smul.u32 $0xF7A, s1;
	s8 =	simm.s32 @!p0 $0x1BF5;
	p2 =	por !p2, p0  }
0x20: {  	[sflag:s8] =	ssyncset.s32 @!p0 $0xFFFFF086;
	s6 =	sadd.s32 @!p0 s3, s7;
	s7 =	simm.s32 @!p0 $0x108  }
0x21: {  	s3 =	sadd.s32 s3, s9;
	s6 =	sadd.s32 @!p0 $0x88, s6;
	s7 =	simm.s32 @p2 $0x1082  }
0x22: {  	[simem:s7], [sflag:s8] =	dma.local @!p0 [hbm:s6], $0xF7A  }
0x23: {  	s9 =	sor.u32 $0xD0000000, s2;
	s6 =	simm.s32 $0x108;
	_ =	swait.ge @!p0 [sflag:s8], $0x0  }
0x24: {  	s3 =	sadd.s32 $0x88, s3;
	s6 =	simm.s32 @!p1 $0x1082;
	[sflag:s4] =	ssyncset.s32 $0xFFFFF086  }
0x25: {  	[simem:s6], [sflag:s4] =	dma.local [hbm:s3], $0xF7A  }
0x26: {  	[smem:$0x3F8E] =	sst s1;
	(tag) =	ssettag s2;
	_ =	strace s9  }
0x27: {  	s1 =	sld [smem:$0x3F9E]  }
0x28: {  	s2 =	sld [smem:$0x3F9F]  }
0x29: {  	s4 =	sld [smem:$0x3FA1]  }
0x2a: {  	p0 =	seq.s32 s5, $0x0;
	s5 =	sld [smem:$0x3FA2]  }
0x2b: {  	s6 =	sld [smem:$0x3FA3]  }
0x2c: {  	s7 =	sld [smem:$0x3FA4]  }
0x2d: {  	s3 =	simm.s32 $0x108;
	s8 =	sld [smem:$0x3FA5]  }
0x2e: {  	s3 =	simm.s32 @!p0 $0x1082;
	s9 =	sld [smem:$0x3FA6]  }
0x2f: {  	lr =	sadd.s32 s0, s3;
	s0 =	sld [smem:$0x3F9D]  }
0x30: {  	s3 =	sld [smem:$0x3FA0]  }
0x31: {  	[smem:$0x3FA9] =	sst s10  }
0x32: {  	s10 =	sld [smem:$0x3FA7];
	_ =	sdelay $0x3  }
0x33: {  	p0 =	seq.s32 s10, $0x1;
	s10 =	sld [smem:$0x3FA9];
	_ =	sdelay $0x3  }
0x34: {  	[smem:$0x3FA9] =	sst s10  }
0x35: {  	s10 =	sld [smem:$0x3FA8];
	_ =	sdelay $0x3  }
0x36: {  	p1 =	seq.s32 s10, $0x1;
	s10 =	sld [smem:$0x3FA9];
	_ =	sdelay $0x3  }
0x37: {  	[smem:$0x3FA9] =	sst s10  }
0x38: {  	s10 =	sld [smem:$0x3FAA]  }
0x39: {  	_ = 	snop;
	(pc) =	sbr.ind lr, $3  }
0x3a: {  	_ = 	snop  }
0x3b: {  	_ = 	snop  }
0x3c: {  	p2 =	seq.s32 s10, $0x1;
	s10 =	sld [smem:$0x3FA9]  }
0x3d: {  	_ =	shalt  }
0x3e: {  	_ =	shalt  }
0x3f: {  	_ =	shalt  }
0x40: {  	_ =	shalt  }
0x41: {  	_ =	shalt  }
0x42: {  	_ =	shalt  }
0x43: {  	_ =	shalt  }
0x44: {  	_ =	shalt  }
0x45: {  	_ =	shalt  }
0x46: {  	_ =	shalt  }
0x47: {  	_ =	shalt  }
0x48: {  	_ =	shalt  }
0x49: {  	_ =	shalt  }
0x4a: {  	_ =	shalt  }
0x4b: {  	_ =	shalt  }
0x4c: {  	_ =	shalt  }
0x4d: {  	_ =	shalt  }
0x4e: {  	_ =	shalt  }
0x4f: {  	_ =	shalt  }
0x50: {  	_ =	shalt  }
0x51: {  	_ =	shalt  }
0x52: {  	_ =	shalt  }
0x53: {  	_ =	shalt  }
0x54: {  	_ =	shalt  }
0x55: {  	_ =	shalt  }
0x56: {  	_ =	shalt  }
0x57: {  	_ =	shalt  }
0x58: {  	_ =	shalt  }
0x59: {  	_ =	shalt  }
0x5a: {  	_ =	shalt  }
0x5b: {  	_ =	shalt  }
0x5c: {  	_ =	shalt  }
0x5d: {  	_ =	shalt  }
0x5e: {  	_ =	shalt  }
0x5f: {  	_ =	shalt  }
0x60: {  	_ =	shalt  }
0x61: {  	_ =	shalt  }
0x62: {  	_ =	shalt  }
0x63: {  	_ =	shalt  }
0x64: {  	_ =	shalt  }
0x65: {  	_ =	shalt  }
0x66: {  	_ =	shalt  }
0x67: {  	_ =	shalt  }
0x68: {  	_ =	shalt  }
0x69: {  	_ =	shalt  }
0x6a: {  	_ =	shalt  }
0x6b: {  	_ =	shalt  }
0x6c: {  	_ =	shalt  }
0x6d: {  	_ =	shalt  }
0x6e: {  	_ =	shalt  }
0x6f: {  	_ =	shalt  }
0x70: {  	_ =	shalt  }
0x71: {  	_ =	shalt  }
0x72: {  	_ =	shalt  }
0x73: {  	_ =	shalt  }
0x74: {  	_ =	shalt  }
0x75: {  	_ =	shalt  }
0x76: {  	_ =	shalt  }
0x77: {  	_ =	shalt  }
0x78: {  	_ =	shalt  }
0x79: {  	_ =	shalt  }
0x7a: {  	_ =	shalt  }
0x7b: {  	_ =	shalt  }
0x7c: {  	_ =	shalt  }
0x7d: {  	_ =	shalt  }
0x7e: {  	_ =	shalt  }
0x7f: {  	_ =	shalt  }
0x80: {  	_ =	shalt  }
0x81: {  	_ =	shalt  }
0x82: {  	_ =	shalt  }
0x83: {  	_ =	shalt  }
0x84: {  	_ =	shalt  }
0x85: {  	_ =	shalt  }
0x86: {  	_ =	shalt  }
0x87: {  	_ =	shalt  }
.Lfunc_end0:
.L_simem_size_0:
called_computation.2_lowered:
.L_overlay_start_0:
0x88: {  	s2 =	sld [smem:$0x3FD9]  }
0x89: {  	s3 =	sld [smem:$0x3FFE];
	_ =	sdelay $0x1  }
0x8a: {  	s1 =	srdreg.scid  }
0x8b: {  	s0 =	sand.u32 $0x1, s1  }
0x8c: {  	s16 =	sshll.u32 s0, $0xA;
	s2 =	sadd.s32 s3, s2  }
0x8d: {  	s2 =	sadd.s32 s2, s16  }
0x8e: {  	[smem:$0x3FB5] =	sst s2  }
0x8f: {  	_ = 	snop  }
0x90: {  	(tm) =	ssettm $0x1  }
0x91: {  	s17 =	sld [smem:$0x3FFB];
	_ =	sdelay $0x3  }
0x92: {  	_ =	strace s17  }
0x93: {  	s2 =	sld [smem:$0x3FFC];
	_ =	sdelay $0x3  }
0x94: {  	_ =	strace s2  }
0x95: {  	s2 =	sld [smem:$0x3FFD];
	_ =	sdelay $0x3  }
0x96: {  	_ =	strace s2  }
0x97: {  	_ =	strace $0x8FFFFFFF  }
0x98: {  	s18 =	sld [smem:$0x3FDB];
	_ =	sdelay $0x1  }
0x99: {  	s19 =	simm.s32 $_scs_section_size  }
0x9a: {  	s4 =	simm.s32 $_size__tile_overlayer_lowered;
	s5 =	simm.s32 $_tile_overlayer_lowered  }
0x9b: {  	s22 =	simm.s32 $0x1BFF;
	s21 =	sshll.u32 s5, $0x1;
	s2 =	sadd.s32 s19, s18  }
0x9c: {  	s6 =	simm.s32 $0x0;
	s20 =	sshll.u32 s4, $0x1;
	s4 =	sadd.s32 s21, s2  }
0x9d: {  	[timem:s6], [sflag:s22] =	dma.local [hbm:s4], s20  }
0x9e: {  	_ =	swait.ge [sflag:s22], s20  }
0x9f: {  	s3 =	ssub.s32 $0x0, s20;
	[sflag:s22] =	ssyncset.done $0x0  }
0xa0: {  	[sflag:s22] =	ssyncadd.s32 s3;
	_ =	sdelay $0x1  }
0xa1: {  	s23 =	simm.s32 $0x1B8B  }
0xa2: {  	_ =	swait.ge [sflag:s23], $0x1  }
0xa3: {  	[sflag:s23] =	ssyncset.done $0x0  }
0xa4: {  	s25 =	simm.s32 $0x1B8E;
	s24 =	sld [smem:$0x3FFE];
	[sflag:s23] =	ssyncadd.s32 $0xFFFFFFFF  }
0xa5: {  	s26 =	simm.s32 $execute0_lowered;
	[smem:$0x3FD2] =	sst s25  }
0xa6: {  	s4 =	sshll.u32 s26, $0x1;
	_ =	strace $0x8000004C;
	[dreg:$0x1] =	wrdreg $0xFFFFFFFF  }
0xa7: {  	s28 =	simm.s32 $_size_execute0_lowered;
	s2 =	sadd.s32 s2, s4;
	[dreg:$0x0] =	wrdreg $0x0  }
0xa8: {  	s4 =	sshll.u32 s28, $0x1;
	[dreg:$0x2] =	wrdreg s2  }
0xa9: {  	[dreg:$0x3] =	wrdreg s4  }
0xaa: {  	[dreg:$0x4] =	wrdreg $0xC0  }
0xab: {  	_ =	task [dreg:s6], $0x5FFFF  }
0xac: {  	[dreg:$0x1] =	wrdreg $0xFFFFFFFF  }
0xad: {  	[dreg:$0x0] =	wrdreg $0x60  }
0xae: {  	[dreg:$0x2] =	wrdreg s24  }
0xaf: {  	[dreg:$0x3] =	wrdreg $0x14F000  }
0xb0: {  	[dreg:$0x4] =	wrdreg $0x9  }
0xb1: {  	_ =	task.clear_ibuf [dreg:s6], $0x5FFFF;
	_ =	strace $0x9000004C  }
0xb2: {  	s29 =	simm.s32 $0x9;
	_ =	strace $0x8000004E  }
0xb3: {  	_ =	swait.ge [sflag:s29], $0x1  }
0xb4: {  	[sflag:s29] =	ssyncadd.s32 $0xFFFFFFFF  }
0xb5: {  	_ =	strace $0x9000004E  }
0xb6: {  	_ =	sfence  }
0xb7: {  	s30 =	sld [smem:$0x0];
	_ =	sdelay $0x2  }
0xb8: {  	s31 =	sshll.u32 s1, $0xD;
	s1 =	sshrl.u32 s1, $0x2  }
0xb9: {  	s3 =	sand.u32 $0x4000, s31;
	s1 =	sadd.s32 s1, s30  }
0xba: {  	s0 =	sor.u32 s3, s0;
	s1 =	sshll.u32 s1, $0x11  }
0xbb: {  	s0 =	sor.u32 s1, s0  }
0xbc: {  	s0 =	sadd.s32 $0x8F2B, s0  }
0xbd: {  	[sflag:s0] =	ssyncadd.remote.s32 $0x1  }
0xbe: {  	_ =	sfence.sel $0xFFFF  }
0xbf: {  	[dreg:$0x0] =	wrdreg $0xFFFFFFFF;
	(pc) =	sbr.abs _section_cstart, $3  }
0xc0: {  	[dreg:$0x1] =	wrdreg $0xFFFFFFFF  }
0xc1: {  	_ =	task.clear_ibuf [dreg:s6], $0x2FFFF;
	_ =	strace $0x9FFFFFFF  }
0xc2: {  	(tm) =	ssettm $0x7FFFFFFF  }
0xc3: {  	_ =	shalt  }
tec
execute0_lowered:
.L_overlay_start_1:
0x0: {  	(tag) =	ssettag $0x1  }
0x1: {  	s0 =	srdreg.scid  }
0x2: {  	s3 =	stileid.u32;
	s6 =	rddreg [dreg:$0x0]  }
0x3: {  	s2 =	rddreg [dreg:$0x1];
	s5 =	simm.s32 $0x0;
	s28 =	simm.s32 $0xAF00  }
0x4: {  	s29 =	simm.s32 $0xCF00;
	s30 =	simm.s32 $0xEF00;
	s31 =	simm.s32 $0x10F00  }
0x5: {  	s15 =	simm.s32 $0x3;
	s0 =	sand.u32 $0x1, s0;
	s1 =	sshll.u32 s3, $0x1  }
0x6: {  	[smem:$0x7FF] =	sst s5;
	s7 =	sadd.s32 $0x53000, s6;
	s18 =	smul.u32 $0x9C00, s3  }
0x7: {  	p0 =	slt.u32 s3, $0x2;
	s5 =	simm.s32 $0x7;
	s10 =	smul.u32 $0x13800, s3  }
0x8: {  	s11 =	sadd.s32 $0x9C000, s2;
	s24 =	sadd.s32 $0x52E00, s6;
	s26 =	sshll.u32 s3, $0x6  }
0x9: {  	p1 =	sne.s32 s3, $0xF;
	s1 =	sor.u32 s0, s1;
	_ =	strace $0x8000004D  }
0xa: {  	s8 =	ssub.s32 $0x2, s0;
	s5 =	simm.s32 @!p0 $0x6;
	s23 =	sshll.u32 s0, $0x6  }
0xb: {  	s0 =	sshll.u32 s0, $0x3;
	[dreg:$0x9] =	wrdreg s24;
	p0 =	sgt.u32 s3, $0x1  }
0xc: {  	s16 =	sor.u32 $0x1C06, s26;
	s24 =	simm.s32 $0x2;
	s26 =	simm.s32 $0x4  }
0xd: {  	s4 =	smul.u32 $0x4E, s1;
	s1 =	smin.u32 s1, $0x4;
	s9 =	sshrl.u32 s8, $0x1  }
0xe: {  	[dreg:$0x3] =	wrdreg s5;
	s22 =	sshrl.u32 s18, $0x3;
	s0 =	sadd.s32 s0, s7  }
0xf: {  	s8 =	ssub.s32 s8, s9;
	s9 =	sadd.s32 s18, s2;
	s1 =	sadd.s32 s1, s4  }
0x10: {  	s0 =	sadd.s32 $0x27000, s0;
	s18 =	simm.s32 $0x6;
	s1 =	sshll.u32 s1, $0x4  }
0x11: {  	[dreg:$0xb] =	wrdreg s0;
	s25 =	smax.u32 s8, $0x1;
	s1 =	sadd.s32 s1, s6  }
0x12: {  	s4 =	sadd.s32 $0x3F600, s6;
	[dreg:$0xc] =	wrdreg s25;
	s19 =	sadd.s32 $0x4A00, s1  }
0x13: {  	s9 =	sshrl.u32 s9, $0x3;
	s20 =	sadd.s32 $0xE640, s1;
	[dreg:$0x4] =	wrdreg s19  }
0x14: {  	s0 =	simm.s32 $0x1;
	s21 =	sadd.s32 $0x4EE0, s1;
	[dreg:$0x5] =	wrdreg s20  }
0x15: {  	s25 =	simm.s32 $0x8F00;
	s1 =	sadd.s32 $0xEB20, s1;
	[dreg:$0x6] =	wrdreg s21  }
0x16: {  	s6 =	simm.s32 $0x0;
	[dreg:$0x7] =	wrdreg s1;
	s1 =	sadd.s32 s4, s22  }
0x17: {  	s20 =	simm.s32 $0x5;
	[dreg:$0x8] =	wrdreg s1;
	s1 =	sor.u32 s23, s10  }
0x18: {  	s21 =	simm.s32 $0x80;
	s10 =	sshrl.u32 @!p1 s11, $0x3;
	s1 =	sshrl.u32 s1, $0x3  }
0x19: {  	s22 =	simm.s32 $0x4F00;
	[dreg:$0xd] =	wrdreg s10;
	s1 =	sadd.s32 s7, s1  }
0x1a: {  	s23 =	simm.s32 $0x6F00;
	[dreg:$0xa] =	wrdreg s1;
	s1 =	simm.s32 $0x12F00  }
.LBB2_1:
0x1b: {  	s5 =	rddreg [dreg:$0x4]  }
0x1c: {  	s3 =	simm.s32 $0x0;
	s11 =	rddreg [dreg:$0x5]  }
0x1d: {  	[tilespmem:s3], [sflag:$0x5] =	stream.linear.gather [hbm4b:s5+s3], $0x2700, $0x38;
	[tilespmem:$0x1EB40] =	vst v63  }
0x1e: {  	s7 =	simm.s32 $0x2780;
	s12 =	rddreg [dreg:$0x8]  }
0x1f: {  	[tilespmem:s7], [sflag:$0x5] =	stream.linear.gather [hbm4b:s11+s3], $0x2700, $0x38;
	[tilespmem:$0x1EB40] =	vst v63  }
0x20: {  	s8 =	simm.s32 @!p0 $0x2700;
	s5 =	rddreg [dreg:$0x6];
	s7 =	simm.s32 @!p0 $0x0  }
0x21: {  	[tilespmem:s8], [sflag:$0x5] =	stream.linear.gather @!p0 [hbm4b:s5+s7], $0x80, $0x38;
	[tilespmem:$0x1EB40] =	vst v63  }
0x22: {  	s8 =	simm.s32 @!p0 $0x4E80;
	s5 =	rddreg [dreg:$0x7]  }
0x23: {  	[tilespmem:s8], [sflag:$0x5] =	stream.linear.gather @!p0 [hbm4b:s5+s7], $0x80, $0x38;
	[tilespmem:$0x1EB40] =	vst v63  }
0x24: {  	[spmem:s9], [sflag:s16] =	dma.local [hbm:s12], $0x1380  }
0x25: {  	_ =	swait.ge [sflag:s18], $0x1380  }
0x26: {  	[sflag:s18] =	ssyncset.done $0x0  }
0x27: {  	s7 =	simm.s32 @!p1 $0x6;
	s5 =	rddreg [dreg:$0x9];
	[sflag:s18] =	ssyncadd.s32 $0xFFFFEC80  }
0x28: {  	[spmem:s10], [sflag:s16] =	dma.local @!p1 [hbm:s5], $0x80  }
0x29: {  	_ =	swait.ge @!p1 [sflag:s7], $0x80  }
0x2a: {  	[sflag:s7] =	ssyncset.done @!p1 $0x0  }
0x2b: {  	[sflag:s7] =	ssyncadd.s32 @!p1 $0xFFFFFF80  }
0x2c: {  	_ =	swait.ge [sflag:s20], $0x2700  }
0x2d: {  	[sflag:s20] =	ssyncset.done $0x0  }
0x2e: {  	[sflag:s20] =	ssyncadd.s32 $0xFFFFD900  }
0x2f: {  	_ =	swait.ge [sflag:s20], $0x2700  }
0x30: {  	[sflag:s20] =	ssyncset.done $0x0  }
0x31: {  	s7 =	simm.s32 @!p0 $0x5;
	[sflag:s20] =	ssyncadd.s32 $0xFFFFD900  }
0x32: {  	_ =	swait.ge @!p0 [sflag:s7], $0x80  }
0x33: {  	[sflag:s7] =	ssyncset.done @!p0 $0x0  }
0x34: {  	[sflag:s7] =	ssyncadd.s32 @!p0 $0xFFFFFF80  }
0x35: {  	_ =	swait.ge @!p0 [sflag:s7], $0x80  }
0x36: {  	[sflag:s7] =	ssyncset.done @!p0 $0x0  }
0x37: {  	[sflag:s7] =	ssyncadd.s32 @!p0 $0xFFFFFF80  }
0x38: {  	[tilespmem:s22], [sflag:$0x1] =	stream.indirect.gather [hbm4b:s4+s21], $0x40, s3, s21, $0xb8;
	[tilespmem:$0x1EB40] =	vst v63  }
0x39: {  	_ = 	snop  }
0x3a: {  	[tilespmem:s23], [sflag:$0x1] =	stream.indirect.gather [hbm4b:s4+s21], $0x40, s21, s21, $0xb8;
	[tilespmem:$0x1EB40] =	vst v63  }
0x3b: {  	s13 =	simm.s32 $0x100;
	p2 =	por $0x1, $0x1  }
0x3c: {  	[tilespmem:s25], [sflag:$0x1] =	stream.indirect.gather [hbm4b:s4+s21], $0x40, s13, s21, $0xb8;
	[tilespmem:$0x1EB40] =	vst v63  }
0x3d: {  	s14 =	simm.s32 $0x180;
	p2 =	por p2, p2  }
0x3e: {  	[tilespmem:s28], [sflag:$0x1] =	stream.indirect.gather [hbm4b:s4+s21], $0x40, s14, s21, $0xb8;
	[tilespmem:$0x1EB40] =	vst v63  }
0x3f: {  	s7 =	simm.s32 @!p2 $0x4;
	[bflag:$0x0] =	sbarrier.arrive $0xFFFF  }
0x40: {  	_ =	swait.ge @!p2 [sflag:s7], $0x2000  }
0x41: {  	[sflag:s7] =	ssyncset.done @!p2 $0x0  }
0x42: {  	[sflag:s7] =	ssyncadd.s32 @!p2 $0xFFFFE000  }
0x43: {  	_ =	swait.ge @!p2 [sflag:s7], $0x2000  }
0x44: {  	[sflag:s7] =	ssyncset.done @!p2 $0x0  }
0x45: {  	[sflag:s7] =	ssyncadd.s32 @!p2 $0xFFFFE000  }
0x46: {  	_ =	swait.ge @!p2 [sflag:s7], $0x2000  }
0x47: {  	[sflag:s7] =	ssyncset.done @!p2 $0x0  }
0x48: {  	[sflag:s7] =	ssyncadd.s32 @!p2 $0xFFFFE000  }
0x49: {  	_ =	swait.ge @!p2 [sflag:s7], $0x2000  }
0x4a: {  	[sflag:s7] =	ssyncset.done @!p2 $0x0  }
0x4b: {  	s17 =	simm.s32 $0x200;
	[sflag:s7] =	ssyncadd.s32 @!p2 $0xFFFFE000  }
0x4c: {  	[tilespmem:s29], [sflag:$0x3] =	stream.indirect.gather [hbm4b:s4+s21], $0x40, s17, s21, $0xb8;
	[tilespmem:$0x1EB40] =	vst v63  }
0x4d: {  	s3 =	simm.s32 $0x280  }
0x4e: {  	[tilespmem:s30], [sflag:$0x3] =	stream.indirect.gather [hbm4b:s4+s21], $0x40, s3, s21, $0xb8;
	[tilespmem:$0x1EB40] =	vst v63  }
0x4f: {  	s5 =	simm.s32 $0x300  }
0x50: {  	[tilespmem:s31], [sflag:$0x3] =	stream.indirect.gather [hbm4b:s4+s21], $0x40, s5, s21, $0xb8;
	[tilespmem:$0x1EB40] =	vst v63  }
0x51: {  	s8 =	simm.s32 $0x380  }
0x52: {  	[tilespmem:s1], [sflag:$0x3] =	stream.indirect.gather [hbm4b:s4+s21], $0x40, s8, s21, $0xb8;
	[tilespmem:$0x1EB40] =	vst v63  }
0x53: {  	_ =	swait.ge [sflag:s0], $0x2000  }
0x54: {  	[sflag:s0] =	ssyncset.done $0x0  }
0x55: {  	[sflag:s0] =	ssyncadd.s32 $0xFFFFE000  }
0x56: {  	_ =	swait.ge [sflag:s0], $0x2000  }
0x57: {  	[sflag:s0] =	ssyncset.done $0x0  }
0x58: {  	[sflag:s0] =	ssyncadd.s32 $0xFFFFE000  }
0x59: {  	_ =	swait.ge [sflag:s0], $0x2000  }
0x5a: {  	[sflag:s0] =	ssyncset.done $0x0  }
0x5b: {  	[sflag:s0] =	ssyncadd.s32 $0xFFFFE000  }
0x5c: {  	_ =	swait.ge [sflag:s0], $0x2000  }
0x5d: {  	[sflag:s0] =	ssyncset.done $0x0  }
0x5e: {  	s19 =	smov.u32 s9;
	s9 =	simm.s32 $0x2780;
	[sflag:s0] =	ssyncadd.s32 $0xFFFFE000  }
0x5f: {  	[spmem:s2] =	stream.indirect.scatter.add.f32 [tilespmem:s22], [sflag:$0x2], $0x40, s9, s21, $0xb8;
	[tilespmem:$0x1EB40] =	vst v63  }
0x60: {  	s10 =	simm.s32 $0x2800  }
0x61: {  	[spmem:s2] =	stream.indirect.scatter.add.f32 [tilespmem:s23], [sflag:$0x2], $0x40, s10, s21, $0xb8;
	[tilespmem:$0x1EB40] =	vst v63  }
0x62: {  	s11 =	simm.s32 $0x2880;
	p2 =	por $0x0, $0x0  }
0x63: {  	[spmem:s2] =	stream.indirect.scatter.add.f32 [tilespmem:s25], [sflag:$0x2], $0x40, s11, s21, $0xb8;
	[tilespmem:$0x1EB40] =	vst v63  }
0x64: {  	s12 =	simm.s32 $0x2900;
	s7 =	simm.s32 @!p2 $0x2  }
0x65: {  	[spmem:s2] =	stream.indirect.scatter.add.f32 [tilespmem:s28], [sflag:$0x2], $0x40, s12, s21, $0xb8;
	[tilespmem:$0x1EB40] =	vst v63  }
0x66: {  	_ =	swait.ge @!p2 [sflag:s7], $0x2000  }
0x67: {  	[sflag:s7] =	ssyncset.done @!p2 $0x0  }
0x68: {  	[sflag:s7] =	ssyncadd.s32 @!p2 $0xFFFFE000  }
0x69: {  	_ =	swait.ge @!p2 [sflag:s7], $0x2000  }
0x6a: {  	[sflag:s7] =	ssyncset.done @!p2 $0x0  }
0x6b: {  	[sflag:s7] =	ssyncadd.s32 @!p2 $0xFFFFE000  }
0x6c: {  	_ =	swait.ge @!p2 [sflag:s7], $0x2000  }
0x6d: {  	[sflag:s7] =	ssyncset.done @!p2 $0x0  }
0x6e: {  	[sflag:s7] =	ssyncadd.s32 @!p2 $0xFFFFE000  }
0x6f: {  	_ =	swait.ge @!p2 [sflag:s7], $0x2000  }
0x70: {  	s8 =	simm.s32 @!p2 $0x400;
	[sflag:s7] =	ssyncset.done @!p2 $0x0  }
0x71: {  	s9 =	simm.s32 @!p2 $0x80;
	[sflag:s7] =	ssyncadd.s32 @!p2 $0xFFFFE000;
	s7 =	simm.s32 @!p2 $0x4F00  }
0x72: {  	[tilespmem:s7], [sflag:$0x1] =	stream.indirect.gather @!p2 [hbm4b:s4+s9], $0x40, s8, s9, $0xb8;
	[tilespmem:$0x1EB40] =	vst v63  }
0x73: {  	s7 =	simm.s32 @!p2 $0x480;
	s8 =	simm.s32 @!p2 $0x6F00  }
0x74: {  	[tilespmem:s8], [sflag:$0x1] =	stream.indirect.gather @!p2 [hbm4b:s4+s9], $0x40, s7, s9, $0xb8;
	[tilespmem:$0x1EB40] =	vst v63  }
0x75: {  	s7 =	simm.s32 @!p2 $0x500;
	s8 =	simm.s32 @!p2 $0x8F00  }
0x76: {  	[tilespmem:s8], [sflag:$0x1] =	stream.indirect.gather @!p2 [hbm4b:s4+s9], $0x40, s7, s9, $0xb8;
	[tilespmem:$0x1EB40] =	vst v63  }
0x77: {  	s7 =	simm.s32 @!p2 $0x580;
	s8 =	simm.s32 @!p2 $0xAF00  }
0x78: {  	[tilespmem:s8], [sflag:$0x1] =	stream.indirect.gather @!p2 [hbm4b:s4+s9], $0x40, s7, s9, $0xb8;
	[tilespmem:$0x1EB40] =	vst v63  }
0x79: {  	_ =	swait.ge [sflag:s15], $0x2000  }
0x7a: {  	[sflag:s15] =	ssyncset.done $0x0  }
0x7b: {  	[sflag:s15] =	ssyncadd.s32 $0xFFFFE000  }
0x7c: {  	_ =	swait.ge [sflag:s15], $0x2000  }
0x7d: {  	[sflag:s15] =	ssyncset.done $0x0  }
0x7e: {  	[sflag:s15] =	ssyncadd.s32 $0xFFFFE000  }
0x7f: {  	_ =	swait.ge [sflag:s15], $0x2000  }
0x80: {  	[sflag:s15] =	ssyncset.done $0x0  }
0x81: {  	[sflag:s15] =	ssyncadd.s32 $0xFFFFE000  }
0x82: {  	_ =	swait.ge [sflag:s15], $0x2000  }
0x83: {  	[sflag:s15] =	ssyncset.done $0x0  }
0x84: {  	p6 =	por $0x0, $0x0;
	s13 =	simm.s32 $0x2980;
	[sflag:s15] =	ssyncadd.s32 $0xFFFFE000  }
0x85: {  	[spmem:s2] =	stream.indirect.scatter.add.f32 [tilespmem:s29], [sflag:$0x4], $0x40, s13, s21, $0xb8;
	[tilespmem:$0x1EB40] =	vst v63  }
0x86: {  	s14 =	simm.s32 $0x2A00;
	s17 =	simm.s32 $0x2A80;
	s7 =	simm.s32 $0x1000  }
0x87: {  	[spmem:s2] =	stream.indirect.scatter.add.f32 [tilespmem:s30], [sflag:$0x4], $0x40, s14, s21, $0xb8;
	[tilespmem:$0x1EB40] =	vst v63  }
0x88: {  	s8 =	simm.s32 $0x2000;
	s9 =	simm.s32 $0x2B00;
	p2 =	por p6, p6  }
0x89: {  	[spmem:s2] =	stream.indirect.scatter.add.f32 [tilespmem:s31], [sflag:$0x4], $0x40, s17, s21, $0xb8;
	[tilespmem:$0x1EB40] =	vst v63  }
.LBB2_2:
0x8a: {  	p4 =	seq.s32 s8, $0x0  }
0x8b: {  	s12 =	simm.s32 @!p2 $0x4;
	s11 =	smov.u32 s8;
	s8 =	sadd.s32 $0x1000, s8  }
0x8c: {  	[spmem:s2] =	stream.indirect.scatter.add.f32 [tilespmem:s1], [sflag:$0x4], $0x40, s9, s21, $0xb8;
	[tilespmem:$0x1EB40] =	vst v63  }
0x8d: {  	p3 =	sne.s32 s8, $0x9000;
	_ =	swait.ge @!p2 [sflag:s12], $0x2000  }
0x8e: {  	[sflag:s12] =	ssyncset.done @!p2 $0x0  }
0x8f: {  	[sflag:s12] =	ssyncadd.s32 @!p2 $0xFFFFE000  }
0x90: {  	_ =	swait.ge @!p2 [sflag:s12], $0x2000  }
0x91: {  	[sflag:s12] =	ssyncset.done @!p2 $0x0  }
0x92: {  	[sflag:s12] =	ssyncadd.s32 @!p2 $0xFFFFE000  }
0x93: {  	_ =	swait.ge @!p2 [sflag:s12], $0x2000  }
0x94: {  	[sflag:s12] =	ssyncset.done @!p2 $0x0  }
0x95: {  	[sflag:s12] =	ssyncadd.s32 @!p2 $0xFFFFE000  }
0x96: {  	_ =	swait.ge @!p2 [sflag:s12], $0x2000  }
0x97: {  	s10 =	sshra.s32 s7, $0x2;
	[sflag:s12] =	ssyncset.done @!p2 $0x0  }
0x98: {  	s9 =	sadd.s32 $0x2B00, s10;
	[sflag:s12] =	ssyncadd.s32 @!p2 $0xFFFFE000;
	s12 =	sadd.s32 $0x200, s10  }
0x99: {  	[tilespmem:s29], [sflag:$0x3] =	stream.indirect.gather [hbm4b:s4+s21], $0x40, s12, s21, $0xb8;
	[tilespmem:$0x1EB40] =	vst v63  }
0x9a: {  	p2 =	por p4, p4;
	s12 =	sadd.s32 $0x280, s10  }
0x9b: {  	[tilespmem:s30], [sflag:$0x3] =	stream.indirect.gather [hbm4b:s4+s21], $0x40, s12, s21, $0xb8;
	[tilespmem:$0x1EB40] =	vst v63  }
0x9c: {  	s12 =	sadd.s32 $0x300, s10  }
0x9d: {  	[tilespmem:s31], [sflag:$0x3] =	stream.indirect.gather [hbm4b:s4+s21], $0x40, s12, s21, $0xb8;
	[tilespmem:$0x1EB40] =	vst v63  }
0x9e: {  	s12 =	sadd.s32 $0x380, s10  }
0x9f: {  	[tilespmem:s1], [sflag:$0x3] =	stream.indirect.gather [hbm4b:s4+s21], $0x40, s12, s21, $0xb8;
	[tilespmem:$0x1EB40] =	vst v63  }
0xa0: {  	_ =	swait.ge [sflag:s0], $0x2000  }
0xa1: {  	[sflag:s0] =	ssyncset.done $0x0  }
0xa2: {  	[sflag:s0] =	ssyncadd.s32 $0xFFFFE000  }
0xa3: {  	_ =	swait.ge [sflag:s0], $0x2000  }
0xa4: {  	[sflag:s0] =	ssyncset.done $0x0  }
0xa5: {  	[sflag:s0] =	ssyncadd.s32 $0xFFFFE000  }
0xa6: {  	_ =	swait.ge [sflag:s0], $0x2000  }
0xa7: {  	[sflag:s0] =	ssyncset.done $0x0  }
0xa8: {  	[sflag:s0] =	ssyncadd.s32 $0xFFFFE000  }
0xa9: {  	_ =	swait.ge [sflag:s0], $0x2000  }
0xaa: {  	[sflag:s0] =	ssyncset.done $0x0  }
0xab: {  	s12 =	sadd.s32 $0x2780, s10;
	[sflag:s0] =	ssyncadd.s32 $0xFFFFE000  }
0xac: {  	[spmem:s2] =	stream.indirect.scatter.add.f32 [tilespmem:s22], [sflag:$0x2], $0x40, s12, s21, $0xb8;
	[tilespmem:$0x1EB40] =	vst v63  }
0xad: {  	s12 =	sadd.s32 $0x2800, s10  }
0xae: {  	[spmem:s2] =	stream.indirect.scatter.add.f32 [tilespmem:s23], [sflag:$0x2], $0x40, s12, s21, $0xb8;
	[tilespmem:$0x1EB40] =	vst v63  }
0xaf: {  	s12 =	sadd.s32 $0x2880, s10  }
0xb0: {  	[spmem:s2] =	stream.indirect.scatter.add.f32 [tilespmem:s25], [sflag:$0x2], $0x40, s12, s21, $0xb8;
	[tilespmem:$0x1EB40] =	vst v63  }
0xb1: {  	p4 =	seq.s32 s7, $0x8000;
	s12 =	sadd.s32 $0x2900, s10  }
0xb2: {  	[spmem:s2] =	stream.indirect.scatter.add.f32 [tilespmem:s28], [sflag:$0x2], $0x40, s12, s21, $0xb8;
	[tilespmem:$0x1EB40] =	vst v63  }
0xb3: {  	s13 =	sshra.s32 @!p4 s7, $0x2;
	s7 =	smov.u32 s11;
	s12 =	simm.s32 @!p4 $0x2  }
0xb4: {  	s11 =	sadd.s32 @!p4 $0x400, s13;
	s14 =	sadd.s32 @!p4 $0x480, s13;
	_ =	swait.ge @!p4 [sflag:s12], $0x2000  }
0xb5: {  	s3 =	sadd.s32 @!p4 $0x500, s13;
	s13 =	sadd.s32 @!p4 $0x580, s13;
	[sflag:s12] =	ssyncset.done @!p4 $0x0  }
0xb6: {  	[sflag:s12] =	ssyncadd.s32 @!p4 $0xFFFFE000  }
0xb7: {  	_ =	swait.ge @!p4 [sflag:s12], $0x2000  }
0xb8: {  	[sflag:s12] =	ssyncset.done @!p4 $0x0  }
0xb9: {  	[sflag:s12] =	ssyncadd.s32 @!p4 $0xFFFFE000  }
0xba: {  	_ =	swait.ge @!p4 [sflag:s12], $0x2000  }
0xbb: {  	[sflag:s12] =	ssyncset.done @!p4 $0x0  }
0xbc: {  	[sflag:s12] =	ssyncadd.s32 @!p4 $0xFFFFE000  }
0xbd: {  	_ =	swait.ge @!p4 [sflag:s12], $0x2000  }
0xbe: {  	s5 =	simm.s32 @!p4 $0x80;
	s17 =	simm.s32 @!p4 $0x4F00;
	[sflag:s12] =	ssyncset.done @!p4 $0x0  }
0xbf: {  	[sflag:s12] =	ssyncadd.s32 @!p4 $0xFFFFE000;
	s12 =	simm.s32 @!p4 $0x6F00  }
0xc0: {  	[tilespmem:s17], [sflag:$0x1] =	stream.indirect.gather @!p4 [hbm4b:s4+s5], $0x40, s11, s5, $0xb8;
	[tilespmem:$0x1EB40] =	vst v63  }
0xc1: {  	s11 =	simm.s32 @!p4 $0x8F00  }
0xc2: {  	[tilespmem:s12], [sflag:$0x1] =	stream.indirect.gather @!p4 [hbm4b:s4+s5], $0x40, s14, s5, $0xb8;
	[tilespmem:$0x1EB40] =	vst v63  }
0xc3: {  	s12 =	simm.s32 @!p4 $0xAF00  }
0xc4: {  	[tilespmem:s11], [sflag:$0x1] =	stream.indirect.gather @!p4 [hbm4b:s4+s5], $0x40, s3, s5, $0xb8;
	[tilespmem:$0x1EB40] =	vst v63  }
0xc5: {  	_ = 	snop  }
0xc6: {  	[tilespmem:s12], [sflag:$0x1] =	stream.indirect.gather @!p4 [hbm4b:s4+s5], $0x40, s13, s5, $0xb8;
	[tilespmem:$0x1EB40] =	vst v63  }
0xc7: {  	_ =	swait.ge [sflag:s15], $0x2000  }
0xc8: {  	[sflag:s15] =	ssyncset.done $0x0  }
0xc9: {  	[sflag:s15] =	ssyncadd.s32 $0xFFFFE000  }
0xca: {  	_ =	swait.ge [sflag:s15], $0x2000  }
0xcb: {  	[sflag:s15] =	ssyncset.done $0x0  }
0xcc: {  	[sflag:s15] =	ssyncadd.s32 $0xFFFFE000  }
0xcd: {  	_ =	swait.ge [sflag:s15], $0x2000  }
0xce: {  	[sflag:s15] =	ssyncset.done $0x0  }
0xcf: {  	[sflag:s15] =	ssyncadd.s32 $0xFFFFE000  }
0xd0: {  	_ =	swait.ge [sflag:s15], $0x2000  }
0xd1: {  	s3 =	sadd.s32 $0x2980, s10;
	[sflag:s15] =	ssyncset.done $0x0  }
0xd2: {  	s5 =	sadd.s32 $0x2A00, s10;
	[sflag:s15] =	ssyncadd.s32 $0xFFFFE000  }
0xd3: {  	[spmem:s2] =	stream.indirect.scatter.add.f32 [tilespmem:s29], [sflag:$0x4], $0x40, s3, s21, $0xb8;
	[tilespmem:$0x1EB40] =	vst v63  }
.Ltmp0:
0xd4: {  	_ = 	snop;
	(pc) =	sbr.rel @p3 .LBB2_2-.Ltmp0, $4  }
0xd5: {  	_ = 	snop  }
0xd6: {  	[spmem:s2] =	stream.indirect.scatter.add.f32 [tilespmem:s30], [sflag:$0x4], $0x40, s5, s21, $0xb8;
	[tilespmem:$0x1EB40] =	vst v63  }
0xd7: {  	s3 =	sadd.s32 $0x2A80, s10  }
0xd8: {  	[spmem:s2] =	stream.indirect.scatter.add.f32 [tilespmem:s31], [sflag:$0x4], $0x40, s3, s21, $0xb8;
	[tilespmem:$0x1EB40] =	vst v63  }
0xd9: {  	s3 =	simm.s32 @!p2 $0x4  }
0xda: {  	[spmem:s2] =	stream.indirect.scatter.add.f32 [tilespmem:s1], [sflag:$0x4], $0x40, s9, s21, $0xb8;
	[tilespmem:$0x1EB40] =	vst v63  }
0xdb: {  	_ =	swait.ge @!p2 [sflag:s3], $0x2000  }
0xdc: {  	[sflag:s3] =	ssyncset.done @!p2 $0x0  }
0xdd: {  	[sflag:s3] =	ssyncadd.s32 @!p2 $0xFFFFE000  }
0xde: {  	_ =	swait.ge @!p2 [sflag:s3], $0x2000  }
0xdf: {  	[sflag:s3] =	ssyncset.done @!p2 $0x0  }
0xe0: {  	[sflag:s3] =	ssyncadd.s32 @!p2 $0xFFFFE000  }
0xe1: {  	_ =	swait.ge @!p2 [sflag:s3], $0x2000  }
0xe2: {  	[sflag:s3] =	ssyncset.done @!p2 $0x0  }
0xe3: {  	[sflag:s3] =	ssyncadd.s32 @!p2 $0xFFFFE000  }
0xe4: {  	_ =	swait.ge @!p2 [sflag:s3], $0x2000  }
0xe5: {  	s8 =	sshra.s32 s7, $0x2;
	[sflag:s3] =	ssyncset.done @!p2 $0x0  }
0xe6: {  	s11 =	sadd.s32 $0x200, s8;
	[sflag:s3] =	ssyncadd.s32 @!p2 $0xFFFFE000  }
0xe7: {  	[tilespmem:s29], [sflag:$0x3] =	stream.indirect.gather [hbm4b:s4+s21], $0x40, s11, s21, $0xb8;
	[tilespmem:$0x1EB40] =	vst v63  }
0xe8: {  	s12 =	sadd.s32 $0x280, s8  }
0xe9: {  	[tilespmem:s30], [sflag:$0x3] =	stream.indirect.gather [hbm4b:s4+s21], $0x40, s12, s21, $0xb8;
	[tilespmem:$0x1EB40] =	vst v63  }
0xea: {  	s13 =	sadd.s32 $0x300, s8  }
0xeb: {  	[tilespmem:s31], [sflag:$0x3] =	stream.indirect.gather [hbm4b:s4+s21], $0x40, s13, s21, $0xb8;
	[tilespmem:$0x1EB40] =	vst v63  }
0xec: {  	s14 =	sadd.s32 $0x380, s8  }
0xed: {  	[tilespmem:s1], [sflag:$0x3] =	stream.indirect.gather [hbm4b:s4+s21], $0x40, s14, s21, $0xb8;
	[tilespmem:$0x1EB40] =	vst v63  }
0xee: {  	_ =	swait.ge [sflag:s0], $0x2000  }
0xef: {  	[sflag:s0] =	ssyncset.done $0x0  }
0xf0: {  	[sflag:s0] =	ssyncadd.s32 $0xFFFFE000  }
0xf1: {  	_ =	swait.ge [sflag:s0], $0x2000  }
0xf2: {  	[sflag:s0] =	ssyncset.done $0x0  }
0xf3: {  	[sflag:s0] =	ssyncadd.s32 $0xFFFFE000  }
0xf4: {  	_ =	swait.ge [sflag:s0], $0x2000  }
0xf5: {  	[sflag:s0] =	ssyncset.done $0x0  }
0xf6: {  	[sflag:s0] =	ssyncadd.s32 $0xFFFFE000  }
0xf7: {  	_ =	swait.ge [sflag:s0], $0x2000  }
0xf8: {  	[sflag:s0] =	ssyncset.done $0x0  }
0xf9: {  	s17 =	sadd.s32 $0x2780, s8;
	[sflag:s0] =	ssyncadd.s32 $0xFFFFE000  }
0xfa: {  	[spmem:s2] =	stream.indirect.scatter.add.f32 [tilespmem:s22], [sflag:$0x2], $0x40, s17, s21, $0xb8;
	[tilespmem:$0x1EB40] =	vst v63  }
0xfb: {  	s5 =	sadd.s32 $0x2800, s8  }
0xfc: {  	[spmem:s2] =	stream.indirect.scatter.add.f32 [tilespmem:s23], [sflag:$0x2], $0x40, s5, s21, $0xb8;
	[tilespmem:$0x1EB40] =	vst v63  }
0xfd: {  	s9 =	sadd.s32 $0x2880, s8;
	p2 =	seq.s32 s7, $0x8000  }
0xfe: {  	[spmem:s2] =	stream.indirect.scatter.add.f32 [tilespmem:s25], [sflag:$0x2], $0x40, s9, s21, $0xb8;
	[tilespmem:$0x1EB40] =	vst v63  }
0xff: {  	s10 =	sadd.s32 $0x2900, s8;
	s3 =	simm.s32 @!p2 $0x2  }
0x100: {  	[spmem:s2] =	stream.indirect.scatter.add.f32 [tilespmem:s28], [sflag:$0x2], $0x40, s10, s21, $0xb8;
	[tilespmem:$0x1EB40] =	vst v63  }
0x101: {  	_ =	swait.ge @!p2 [sflag:s3], $0x2000  }
0x102: {  	[sflag:s3] =	ssyncset.done @!p2 $0x0  }
0x103: {  	[sflag:s3] =	ssyncadd.s32 @!p2 $0xFFFFE000  }
0x104: {  	_ =	swait.ge @!p2 [sflag:s3], $0x2000  }
0x105: {  	[sflag:s3] =	ssyncset.done @!p2 $0x0  }
0x106: {  	[sflag:s3] =	ssyncadd.s32 @!p2 $0xFFFFE000  }
0x107: {  	_ =	swait.ge @!p2 [sflag:s3], $0x2000  }
0x108: {  	[sflag:s3] =	ssyncset.done @!p2 $0x0  }
0x109: {  	[sflag:s3] =	ssyncadd.s32 @!p2 $0xFFFFE000  }
0x10a: {  	s5 =	sshra.s32 @!p2 s7, $0x2;
	_ =	swait.ge @!p2 [sflag:s3], $0x2000  }
0x10b: {  	s7 =	sadd.s32 @!p2 $0x400, s5;
	[sflag:s3] =	ssyncset.done @!p2 $0x0  }
0x10c: {  	s9 =	simm.s32 @!p2 $0x80;
	s10 =	simm.s32 @!p2 $0x4F00;
	[sflag:s3] =	ssyncadd.s32 @!p2 $0xFFFFE000  }
0x10d: {  	[tilespmem:s10], [sflag:$0x1] =	stream.indirect.gather @!p2 [hbm4b:s4+s9], $0x40, s7, s9, $0xb8;
	[tilespmem:$0x1EB40] =	vst v63  }
0x10e: {  	s3 =	sadd.s32 @!p2 $0x480, s5;
	s7 =	simm.s32 @!p2 $0x6F00  }
0x10f: {  	[tilespmem:s7], [sflag:$0x1] =	stream.indirect.gather @!p2 [hbm4b:s4+s9], $0x40, s3, s9, $0xb8;
	[tilespmem:$0x1EB40] =	vst v63  }
0x110: {  	s3 =	sadd.s32 @!p2 $0x500, s5;
	s7 =	simm.s32 @!p2 $0x8F00  }
0x111: {  	[tilespmem:s7], [sflag:$0x1] =	stream.indirect.gather @!p2 [hbm4b:s4+s9], $0x40, s3, s9, $0xb8;
	[tilespmem:$0x1EB40] =	vst v63  }
0x112: {  	s3 =	sadd.s32 @!p2 $0x580, s5;
	s5 =	simm.s32 @!p2 $0xAF00  }
0x113: {  	[tilespmem:s5], [sflag:$0x1] =	stream.indirect.gather @!p2 [hbm4b:s4+s9], $0x40, s3, s9, $0xb8;
	[tilespmem:$0x1EB40] =	vst v63  }
0x114: {  	_ =	swait.ge [sflag:s15], $0x2000  }
0x115: {  	[sflag:s15] =	ssyncset.done $0x0  }
0x116: {  	[sflag:s15] =	ssyncadd.s32 $0xFFFFE000  }
0x117: {  	_ =	swait.ge [sflag:s15], $0x2000  }
0x118: {  	[sflag:s15] =	ssyncset.done $0x0  }
0x119: {  	[sflag:s15] =	ssyncadd.s32 $0xFFFFE000  }
0x11a: {  	_ =	swait.ge [sflag:s15], $0x2000  }
0x11b: {  	[sflag:s15] =	ssyncset.done $0x0  }
0x11c: {  	[sflag:s15] =	ssyncadd.s32 $0xFFFFE000  }
0x11d: {  	_ =	swait.ge [sflag:s15], $0x2000  }
0x11e: {  	[sflag:s15] =	ssyncset.done $0x0  }
0x11f: {  	s11 =	sadd.s32 $0x2980, s8;
	[sflag:s15] =	ssyncadd.s32 $0xFFFFE000  }
0x120: {  	[spmem:s2] =	stream.indirect.scatter.add.f32 [tilespmem:s29], [sflag:$0x4], $0x40, s11, s21, $0xb8;
	[tilespmem:$0x1EB40] =	vst v63  }
0x121: {  	s12 =	sadd.s32 $0x2A00, s8  }
0x122: {  	[spmem:s2] =	stream.indirect.scatter.add.f32 [tilespmem:s30], [sflag:$0x4], $0x40, s12, s21, $0xb8;
	[tilespmem:$0x1EB40] =	vst v63  }
0x123: {  	s13 =	sadd.s32 $0x2A80, s8  }
0x124: {  	[spmem:s2] =	stream.indirect.scatter.add.f32 [tilespmem:s31], [sflag:$0x4], $0x40, s13, s21, $0xb8;
	[tilespmem:$0x1EB40] =	vst v63  }
0x125: {  	s14 =	sadd.s32 $0x2B00, s8  }
0x126: {  	[spmem:s2] =	stream.indirect.scatter.add.f32 [tilespmem:s1], [sflag:$0x4], $0x40, s14, s21, $0xb8;
	[tilespmem:$0x1EB40] =	vst v63  }
0x127: {  	_ =	swait.ge [sflag:s24], $0x2000  }
0x128: {  	[sflag:s24] =	ssyncset.done $0x0  }
0x129: {  	[sflag:s24] =	ssyncadd.s32 $0xFFFFE000  }
0x12a: {  	_ =	swait.ge [sflag:s24], $0x2000  }
0x12b: {  	[sflag:s24] =	ssyncset.done $0x0  }
0x12c: {  	[sflag:s24] =	ssyncadd.s32 $0xFFFFE000  }
0x12d: {  	_ =	swait.ge [sflag:s24], $0x2000  }
0x12e: {  	[sflag:s24] =	ssyncset.done $0x0  }
0x12f: {  	[sflag:s24] =	ssyncadd.s32 $0xFFFFE000  }
0x130: {  	_ =	swait.ge [sflag:s24], $0x2000  }
0x131: {  	[sflag:s24] =	ssyncset.done $0x0  }
0x132: {  	[sflag:s24] =	ssyncadd.s32 $0xFFFFE000  }
0x133: {  	_ =	swait.ge [sflag:s26], $0x2000  }
0x134: {  	[sflag:s26] =	ssyncset.done $0x0  }
0x135: {  	[sflag:s26] =	ssyncadd.s32 $0xFFFFE000  }
0x136: {  	_ =	swait.ge [sflag:s26], $0x2000  }
0x137: {  	[sflag:s26] =	ssyncset.done $0x0  }
0x138: {  	[sflag:s26] =	ssyncadd.s32 $0xFFFFE000  }
0x139: {  	_ =	swait.ge [sflag:s26], $0x2000  }
0x13a: {  	[sflag:s26] =	ssyncset.done $0x0  }
0x13b: {  	[sflag:s26] =	ssyncadd.s32 $0xFFFFE000  }
0x13c: {  	_ =	swait.ge [sflag:s26], $0x2000  }
0x13d: {  	[sflag:s26] =	ssyncset.done $0x0  }
0x13e: {  	s7 =	simm.s32 $0x2400;
	[sflag:s26] =	ssyncadd.s32 $0xFFFFE000  }
0x13f: {  	[tilespmem:s22], [sflag:$0x1] =	stream.indirect.gather [hbm4b:s4+s21], $0x40, s7, s21, $0xb8;
	[tilespmem:$0x1EB40] =	vst v63  }
0x140: {  	_ =	swait.ge [sflag:s0], $0x2000  }
0x141: {  	s17 =	rddreg [dreg:$0x3]  }
0x142: {  	p2 =	sne.s32 s17, $0x1  }
.Ltmp1:
0x143: {  	[sflag:s0] =	ssyncset.done $0x0;
	(pc) =	sbr.rel @!p2 .LBB2_5-.Ltmp1, $4  }
0x144: {  	s8 =	simm.s32 $0x4B80;
	[sflag:s0] =	ssyncadd.s32 $0xFFFFE000  }
0x145: {  	[spmem:s2] =	stream.indirect.scatter.add.f32 [tilespmem:s22], [sflag:$0x2], $0x40, s8, s21, $0xb8;
	[tilespmem:$0x1EB40] =	vst v63  }
0x146: {  	_ =	swait.ge [sflag:s24], $0x2000  }
0x147: {  	s9 =	sadd.s32 $0xFFFFFFFF, s17;
	[sflag:s24] =	ssyncset.done $0x0  }
.LBB2_4:
0x148: {  	[sflag:s24] =	ssyncadd.s32 $0xFFFFE000;
	s7 =	sadd.s32 $0x80, s7;
	s8 =	sadd.s32 $0x80, s8  }
0x149: {  	[tilespmem:s22], [sflag:$0x1] =	stream.indirect.gather [hbm4b:s4+s21], $0x40, s7, s21, $0xb8;
	[tilespmem:$0x1EB40] =	vst v63  }
0x14a: {  	p2 =	sne.s32 s9, $0x1;
	s9 =	sadd.s32 $0xFFFFFFFF, s9;
	_ =	swait.ge [sflag:s0], $0x2000  }
.Ltmp2:
0x14b: {  	[sflag:s0] =	ssyncset.done $0x0;
	(pc) =	sbr.rel @p2 .LBB2_4-.Ltmp2, $4  }
0x14c: {  	[sflag:s0] =	ssyncadd.s32 $0xFFFFE000  }
0x14d: {  	[spmem:s2] =	stream.indirect.scatter.add.f32 [tilespmem:s22], [sflag:$0x2], $0x40, s8, s21, $0xb8;
	[tilespmem:$0x1EB40] =	vst v63  }
0x14e: {  	_ =	swait.ge [sflag:s24], $0x2000  }
0x14f: {  	[sflag:s24] =	ssyncset.done $0x0  }
.LBB2_5:
0x150: {  	[sflag:s24] =	ssyncadd.s32 $0xFFFFE000  }
0x151: {  	[bflag:$0x0] =	sbarrier.arrive $0xFFFF  }
0x152: {  	s5 =	simm.s32 $0x10;
	s7 =	simm.s32 $0x8;
	s3 =	rddreg [dreg:$0xa]  }
0x153: {  	[hbm:s3@s5], [sflag:s16] =	dma.strided [spmem:s19@s7], $0x1380, s0, $0x8   }
0x154: {  	s3 =	simm.s32 @!p1 $0x1;
	_ =	swait.ge [sflag:s18], $0x1380  }
0x155: {  	s5 =	simm.s32 @!p1 $0x10;
	[sflag:s18] =	ssyncset.done $0x0;
	s8 =	rddreg [dreg:$0xb]  }
0x156: {  	s7 =	simm.s32 @!p1 $0x8;
	s10 =	rddreg [dreg:$0xd];
	[sflag:s18] =	ssyncadd.s32 $0xFFFFEC80  }
0x157: {  	[hbm:s8@s5], [sflag:s16] =	dma.strided @!p1 [spmem:s10@s7], $0x80, s3, $0x8   }
0x158: {  	s3 =	simm.s32 @!p1 $0x6  }
0x159: {  	_ =	swait.ge @!p1 [sflag:s3], $0x80  }
0x15a: {  	s9 =	smov.u32 s19;
	s6 =	sadd.s32 $0x1, s6;
	s19 =	rddreg [dreg:$0xc]  }
0x15b: {  	p2 =	sne.s32 s6, s19  }
.Ltmp3:
0x15c: {  	_ = 	snop;
	(pc) =	sbr.rel @p2 .LBB2_1-.Ltmp3, $3  }
0x15d: {  	_ =	sdelay $0x1  }
0x15e: {  	[sflag:s3] =	ssyncset.done @!p1 $0x0  }
0x15f: {  	[sflag:s3] =	ssyncadd.s32 @!p1 $0xFFFFFF80  }
0x160: {  	_ =	sfence.sel $0x180000  }
0x161: {  	[bflag:$0x0] =	sbarrier.arrive $0xFFFF  }
0x162: {  	_ =	strace $0x9000004D  }
0x163: {  	s0 =	stileid.u32;
	[bflag:$0x2] =	sbarrier.arrive $0xFFFF  }
0x164: {  	p0 =	sne.s32 s0, $0x0;
	s0 =	rddreg [dreg:$0x2]  }
0x165: {  	s0 =	sadd.s32 @!p0 $0x100000, s0  }
0x166: {  	[sflag:s0] =	ssyncadd.tile.s32 @!p0 $0x1;
	_ =	shalt  }
.Lfunc_end2:
_tile_overlayer_lowered:
.L_overlay_start_2:
0x167: {  	(tag) =	ssettag $0x2  }
0x168: {  	s0 =	rddreg [dreg:$0x0];
	s2 =	stileid.u32  }
0x169: {  	s1 =	rddreg [dreg:$0x1];
	p0 =	sne.s32 s2, $0x0  }
0x16a: {  	s3 =	rddreg [dreg:$0x2];
	[bflag:$0x3] =	sbarrier.arrive $0xFFFF;
	s2 =	simm.s32 @!p0 $0x1C06  }
0x16b: {  	[timem:s3], [sflag:s2] =	dma.local @!p0 [hbm:s0], s1  }
0x16c: {  	s0 =	simm.s32 @!p0 $0x6  }
0x16d: {  	_ =	swait.ge @!p0 [sflag:s0], s1  }
0x16e: {  	s1 =	ssub.s32 @!p0 $0x0, s1;
	[sflag:s0] =	ssyncset.done @!p0 $0x0  }
0x16f: {  	[sflag:s0] =	ssyncadd.s32 @!p0 s1  }
0x170: {  	[bflag:$0x3] =	sbarrier.arrive $0xFFFF  }
0x171: {  	_ =	shalt  }

// kernel: kernel.20.cloned.1.call-start
scs
__scs_entry_jumppad:
0x0: {  	(pc) =	sbr.rel $0x88, $3  }
0x1: {  	(tag) =	ssettag $0x0;
	lr =	simm.s32 $0x1  }
0x2: {  	[smem:$0x3F8E] =	sst lr;
	_ =	strace $0xD0000000  }
0x3: {  	_ = 	snop  }
0x4: {  	_ = 	snop  }
0x5: {  	_ = 	snop  }
0x6: {  	_ = 	snop  }
0x7: {  	_ = 	snop  }
__scs_overlays_trampoline_lowered:
0x8: {  	[smem:$0x3F9D] =	sst s0  }
0x9: {  	[smem:$0x3F9E] =	sst s1  }
0xa: {  	[smem:$0x3F9F] =	sst s2  }
0xb: {  	[smem:$0x3FA0] =	sst s3  }
0xc: {  	[smem:$0x3FA1] =	sst s4  }
0xd: {  	[smem:$0x3FA2] =	sst s5  }
0xe: {  	[smem:$0x3FA3] =	sst s6  }
0xf: {  	[smem:$0x3FA4] =	sst s7  }
0x10: {  	[smem:$0x3FA5] =	sst s8  }
0x11: {  	[smem:$0x3FA6] =	sst s9;
	s0 =	simm.s32 @!p0 $0x0  }
0x12: {  	s1 =	sld [smem:$0x3F8C];
	s0 =	simm.s32 @p0 $0x1  }
0x13: {  	[smem:$0x3FA7] =	sst s0;
	s0 =	simm.s32 @!p1 $0x0  }
0x14: {  	s2 =	sld [smem:$0x3F8B];
	s0 =	simm.s32 @p1 $0x1  }
0x15: {  	[smem:$0x3FA8] =	sst s0;
	s0 =	simm.s32 @!p2 $0x0  }
0x16: {  	s3 =	sld [smem:$0x3FDB];
	s0 =	simm.s32 @p2 $0x1  }
0x17: {  	s4 =	simm.s32 $0x1BF5;
	[smem:$0x3FAA] =	sst s0  }
0x18: {  	s0 =	sld [smem:$0x3F8D];
	_ =	swait.ge [sflag:s4], $0x0  }
0x19: {  	s7 =	sld [smem:$0x3F8E]  }
0x1a: {  	s8 =	sadd.s32 $0xFFFFE003, lr  }
0x1b: {  	s9 =	sadd.s32 $0xFFFFFEF7, lr;
	s5 =	simm.s32 $0xFFFFFFFF;
	p2 =	slt.u32 s8, $0xFFFFF086  }
0x1c: {  	p1 =	slt.u32 s9, $0xF7A;
	s5 =	simm.s32 @!p2 $0x0  }
0x1d: {  	s5 =	simm.s32 @p1 $0x1;
	p0 =	seq.s32 s7, s2  }
0x1e: {  	s7 =	smul.u32 @!p0 $0xF7A, s2;
	p2 =	seq.s32 @!p0 s5, $0x0  }
0x1f: {  	s9 =	smul.u32 $0xF7A, s1;
	s8 =	simm.s32 @!p0 $0x1BF5;
	p2 =	por !p2, p0  }
0x20: {  	[sflag:s8] =	ssyncset.s32 @!p0 $0xFFFFF086;
	s6 =	sadd.s32 @!p0 s3, s7;
	s7 =	simm.s32 @!p0 $0x108  }
0x21: {  	s3 =	sadd.s32 s3, s9;
	s6 =	sadd.s32 @!p0 $0x88, s6;
	s7 =	simm.s32 @p2 $0x1082  }
0x22: {  	[simem:s7], [sflag:s8] =	dma.local @!p0 [hbm:s6], $0xF7A  }
0x23: {  	s9 =	sor.u32 $0xD0000000, s2;
	s6 =	simm.s32 $0x108;
	_ =	swait.ge @!p0 [sflag:s8], $0x0  }
0x24: {  	s3 =	sadd.s32 $0x88, s3;
	s6 =	simm.s32 @!p1 $0x1082;
	[sflag:s4] =	ssyncset.s32 $0xFFFFF086  }
0x25: {  	[simem:s6], [sflag:s4] =	dma.local [hbm:s3], $0xF7A  }
0x26: {  	[smem:$0x3F8E] =	sst s1;
	(tag) =	ssettag s2;
	_ =	strace s9  }
0x27: {  	s1 =	sld [smem:$0x3F9E]  }
0x28: {  	s2 =	sld [smem:$0x3F9F]  }
0x29: {  	s4 =	sld [smem:$0x3FA1]  }
0x2a: {  	p0 =	seq.s32 s5, $0x0;
	s5 =	sld [smem:$0x3FA2]  }
0x2b: {  	s6 =	sld [smem:$0x3FA3]  }
0x2c: {  	s7 =	sld [smem:$0x3FA4]  }
0x2d: {  	s3 =	simm.s32 $0x108;
	s8 =	sld [smem:$0x3FA5]  }
0x2e: {  	s3 =	simm.s32 @!p0 $0x1082;
	s9 =	sld [smem:$0x3FA6]  }
0x2f: {  	lr =	sadd.s32 s0, s3;
	s0 =	sld [smem:$0x3F9D]  }
0x30: {  	s3 =	sld [smem:$0x3FA0]  }
0x31: {  	[smem:$0x3FA9] =	sst s10  }
0x32: {  	s10 =	sld [smem:$0x3FA7];
	_ =	sdelay $0x3  }
0x33: {  	p0 =	seq.s32 s10, $0x1;
	s10 =	sld [smem:$0x3FA9];
	_ =	sdelay $0x3  }
0x34: {  	[smem:$0x3FA9] =	sst s10  }
0x35: {  	s10 =	sld [smem:$0x3FA8];
	_ =	sdelay $0x3  }
0x36: {  	p1 =	seq.s32 s10, $0x1;
	s10 =	sld [smem:$0x3FA9];
	_ =	sdelay $0x3  }
0x37: {  	[smem:$0x3FA9] =	sst s10  }
0x38: {  	s10 =	sld [smem:$0x3FAA]  }
0x39: {  	_ = 	snop;
	(pc) =	sbr.ind lr, $3  }
0x3a: {  	_ = 	snop  }
0x3b: {  	_ = 	snop  }
0x3c: {  	p2 =	seq.s32 s10, $0x1;
	s10 =	sld [smem:$0x3FA9]  }
0x3d: {  	_ =	shalt  }
0x3e: {  	_ =	shalt  }
0x3f: {  	_ =	shalt  }
0x40: {  	_ =	shalt  }
0x41: {  	_ =	shalt  }
0x42: {  	_ =	shalt  }
0x43: {  	_ =	shalt  }
0x44: {  	_ =	shalt  }
0x45: {  	_ =	shalt  }
0x46: {  	_ =	shalt  }
0x47: {  	_ =	shalt  }
0x48: {  	_ =	shalt  }
0x49: {  	_ =	shalt  }
0x4a: {  	_ =	shalt  }
0x4b: {  	_ =	shalt  }
0x4c: {  	_ =	shalt  }
0x4d: {  	_ =	shalt  }
0x4e: {  	_ =	shalt  }
0x4f: {  	_ =	shalt  }
0x50: {  	_ =	shalt  }
0x51: {  	_ =	shalt  }
0x52: {  	_ =	shalt  }
0x53: {  	_ =	shalt  }
0x54: {  	_ =	shalt  }
0x55: {  	_ =	shalt  }
0x56: {  	_ =	shalt  }
0x57: {  	_ =	shalt  }
0x58: {  	_ =	shalt  }
0x59: {  	_ =	shalt  }
0x5a: {  	_ =	shalt  }
0x5b: {  	_ =	shalt  }
0x5c: {  	_ =	shalt  }
0x5d: {  	_ =	shalt  }
0x5e: {  	_ =	shalt  }
0x5f: {  	_ =	shalt  }
0x60: {  	_ =	shalt  }
0x61: {  	_ =	shalt  }
0x62: {  	_ =	shalt  }
0x63: {  	_ =	shalt  }
0x64: {  	_ =	shalt  }
0x65: {  	_ =	shalt  }
0x66: {  	_ =	shalt  }
0x67: {  	_ =	shalt  }
0x68: {  	_ =	shalt  }
0x69: {  	_ =	shalt  }
0x6a: {  	_ =	shalt  }
0x6b: {  	_ =	shalt  }
0x6c: {  	_ =	shalt  }
0x6d: {  	_ =	shalt  }
0x6e: {  	_ =	shalt  }
0x6f: {  	_ =	shalt  }
0x70: {  	_ =	shalt  }
0x71: {  	_ =	shalt  }
0x72: {  	_ =	shalt  }
0x73: {  	_ =	shalt  }
0x74: {  	_ =	shalt  }
0x75: {  	_ =	shalt  }
0x76: {  	_ =	shalt  }
0x77: {  	_ =	shalt  }
0x78: {  	_ =	shalt  }
0x79: {  	_ =	shalt  }
0x7a: {  	_ =	shalt  }
0x7b: {  	_ =	shalt  }
0x7c: {  	_ =	shalt  }
0x7d: {  	_ =	shalt  }
0x7e: {  	_ =	shalt  }
0x7f: {  	_ =	shalt  }
0x80: {  	_ =	shalt  }
0x81: {  	_ =	shalt  }
0x82: {  	_ =	shalt  }
0x83: {  	_ =	shalt  }
0x84: {  	_ =	shalt  }
0x85: {  	_ =	shalt  }
0x86: {  	_ =	shalt  }
0x87: {  	_ =	shalt  }
.Lfunc_end0:
.L_simem_size_0:
called_computation.3_lowered:
.L_overlay_start_0:
0x88: {  	s2 =	sld [smem:$0x3FD9]  }
0x89: {  	s3 =	sld [smem:$0x3FFE];
	_ =	sdelay $0x1  }
0x8a: {  	s1 =	srdreg.scid  }
0x8b: {  	s0 =	sand.u32 $0x1, s1  }
0x8c: {  	s16 =	sshll.u32 s0, $0xA;
	s2 =	sadd.s32 s3, s2  }
0x8d: {  	s2 =	sadd.s32 s2, s16  }
0x8e: {  	[smem:$0x3FB5] =	sst s2  }
0x8f: {  	_ = 	snop  }
0x90: {  	(tm) =	ssettm $0x1  }
0x91: {  	s17 =	sld [smem:$0x3FFB];
	_ =	sdelay $0x3  }
0x92: {  	_ =	strace s17  }
0x93: {  	s2 =	sld [smem:$0x3FFC];
	_ =	sdelay $0x3  }
0x94: {  	_ =	strace s2  }
0x95: {  	s2 =	sld [smem:$0x3FFD];
	_ =	sdelay $0x3  }
0x96: {  	_ =	strace s2  }
0x97: {  	_ =	strace $0x8FFFFFFF  }
0x98: {  	s18 =	sld [smem:$0x3FDB];
	_ =	sdelay $0x1  }
0x99: {  	s19 =	simm.s32 $_scs_section_size  }
0x9a: {  	s4 =	simm.s32 $_size__tile_overlayer_lowered;
	s5 =	simm.s32 $_tile_overlayer_lowered  }
0x9b: {  	s22 =	simm.s32 $0x1BFF;
	s21 =	sshll.u32 s5, $0x1;
	s2 =	sadd.s32 s19, s18  }
0x9c: {  	s6 =	simm.s32 $0x0;
	s20 =	sshll.u32 s4, $0x1;
	s4 =	sadd.s32 s21, s2  }
0x9d: {  	[timem:s6], [sflag:s22] =	dma.local [hbm:s4], s20  }
0x9e: {  	_ =	swait.ge [sflag:s22], s20  }
0x9f: {  	s3 =	ssub.s32 $0x0, s20;
	[sflag:s22] =	ssyncset.done $0x0  }
0xa0: {  	[sflag:s22] =	ssyncadd.s32 s3;
	_ =	sdelay $0x1  }
0xa1: {  	s23 =	simm.s32 $0x1B8B  }
0xa2: {  	_ =	swait.ge [sflag:s23], $0x1  }
0xa3: {  	[sflag:s23] =	ssyncset.done $0x0  }
0xa4: {  	s25 =	simm.s32 $0x1B8E;
	s24 =	sld [smem:$0x3FFE];
	[sflag:s23] =	ssyncadd.s32 $0xFFFFFFFF  }
0xa5: {  	s26 =	simm.s32 $execute0_lowered;
	[smem:$0x3FD2] =	sst s25  }
0xa6: {  	s4 =	sshll.u32 s26, $0x1;
	_ =	strace $0x8000004F;
	[dreg:$0x1] =	wrdreg $0xFFFFFFFF  }
0xa7: {  	s28 =	simm.s32 $_size_execute0_lowered;
	s2 =	sadd.s32 s2, s4;
	[dreg:$0x0] =	wrdreg $0x0  }
0xa8: {  	s4 =	sshll.u32 s28, $0x1;
	[dreg:$0x2] =	wrdreg s2  }
0xa9: {  	[dreg:$0x3] =	wrdreg s4  }
0xaa: {  	[dreg:$0x4] =	wrdreg $0xC0  }
0xab: {  	_ =	task [dreg:s6], $0x5FFFF  }
0xac: {  	[dreg:$0x1] =	wrdreg $0xFFFFFFFF  }
0xad: {  	[dreg:$0x0] =	wrdreg $0x60  }
0xae: {  	[dreg:$0x2] =	wrdreg s24  }
0xaf: {  	[dreg:$0x3] =	wrdreg $0x14F000  }
0xb0: {  	[dreg:$0x4] =	wrdreg $0x9  }
0xb1: {  	_ =	task.clear_ibuf [dreg:s6], $0x5FFFF;
	_ =	strace $0x9000004F  }
0xb2: {  	s29 =	simm.s32 $0x9;
	_ =	strace $0x80000051  }
0xb3: {  	_ =	swait.ge [sflag:s29], $0x1  }
0xb4: {  	[sflag:s29] =	ssyncadd.s32 $0xFFFFFFFF  }
0xb5: {  	_ =	strace $0x90000051  }
0xb6: {  	_ =	sfence  }
0xb7: {  	s30 =	sld [smem:$0x0];
	_ =	sdelay $0x2  }
0xb8: {  	s31 =	sshll.u32 s1, $0xD;
	s1 =	sshrl.u32 s1, $0x2  }
0xb9: {  	s3 =	sand.u32 $0x4000, s31;
	s1 =	sadd.s32 s1, s30  }
0xba: {  	s0 =	sor.u32 s3, s0;
	s1 =	sshll.u32 s1, $0x11  }
0xbb: {  	s0 =	sor.u32 s1, s0  }
0xbc: {  	s0 =	sadd.s32 $0x8F2B, s0  }
0xbd: {  	[sflag:s0] =	ssyncadd.remote.s32 $0x1  }
0xbe: {  	_ =	sfence.sel $0xFFFF  }
0xbf: {  	[dreg:$0x0] =	wrdreg $0xFFFFFFFF;
	(pc) =	sbr.abs _section_cstart, $3  }
0xc0: {  	[dreg:$0x1] =	wrdreg $0xFFFFFFFF  }
0xc1: {  	_ =	task.clear_ibuf [dreg:s6], $0x2FFFF;
	_ =	strace $0x9FFFFFFF  }
0xc2: {  	(tm) =	ssettm $0x7FFFFFFF  }
0xc3: {  	_ =	shalt  }
tec
execute0_lowered:
.L_overlay_start_1:
0x0: {  	(tag) =	ssettag $0x1  }
0x1: {  	s0 =	srdreg.scid  }
0x2: {  	s3 =	stileid.u32;
	s6 =	rddreg [dreg:$0x0]  }
0x3: {  	s2 =	rddreg [dreg:$0x1];
	s5 =	simm.s32 $0x0;
	s28 =	simm.s32 $0xAF00  }
0x4: {  	s29 =	simm.s32 $0xCF00;
	s30 =	simm.s32 $0xEF00;
	s31 =	simm.s32 $0x10F00  }
0x5: {  	s15 =	simm.s32 $0x3;
	s0 =	sand.u32 $0x1, s0;
	s1 =	sshll.u32 s3, $0x1  }
0x6: {  	[smem:$0x7FF] =	sst s5;
	s7 =	sadd.s32 $0x2BE00, s6;
	s18 =	smul.u32 $0x9C00, s3  }
0x7: {  	p0 =	slt.u32 s3, $0x2;
	s5 =	simm.s32 $0x7;
	s10 =	smul.u32 $0x13800, s3  }
0x8: {  	s11 =	sadd.s32 $0x9C000, s2;
	s24 =	sadd.s32 $0x2BC00, s6;
	s26 =	sshll.u32 s3, $0x6  }
0x9: {  	p1 =	sne.s32 s3, $0xF;
	s1 =	sor.u32 s0, s1;
	_ =	strace $0x80000050  }
0xa: {  	s8 =	ssub.s32 $0x2, s0;
	s5 =	simm.s32 @!p0 $0x6;
	s23 =	sshll.u32 s0, $0x6  }
0xb: {  	s0 =	sshll.u32 s0, $0x3;
	[dreg:$0x9] =	wrdreg s24;
	p0 =	sgt.u32 s3, $0x1  }
0xc: {  	s16 =	sor.u32 $0x1C06, s26;
	s24 =	simm.s32 $0x2;
	s26 =	simm.s32 $0x4  }
0xd: {  	s4 =	smul.u32 $0x4E, s1;
	s1 =	smin.u32 s1, $0x4;
	s9 =	sshrl.u32 s8, $0x1  }
0xe: {  	[dreg:$0x3] =	wrdreg s5;
	s22 =	sshrl.u32 s18, $0x3;
	s0 =	sadd.s32 s0, s7  }
0xf: {  	s8 =	ssub.s32 s8, s9;
	s9 =	sadd.s32 s18, s2;
	s1 =	sadd.s32 s1, s4  }
0x10: {  	s0 =	sadd.s32 $0x27000, s0;
	s18 =	simm.s32 $0x6;
	s1 =	sshll.u32 s1, $0x4  }
0x11: {  	[dreg:$0xb] =	wrdreg s0;
	s25 =	smax.u32 s8, $0x1;
	s1 =	sadd.s32 s1, s6  }
0x12: {  	s4 =	sadd.s32 $0x18400, s6;
	[dreg:$0xc] =	wrdreg s25;
	s19 =	sadd.s32 $0x4A00, s1  }
0x13: {  	s9 =	sshrl.u32 s9, $0x3;
	s20 =	sadd.s32 $0xE640, s1;
	[dreg:$0x4] =	wrdreg s19  }
0x14: {  	s0 =	simm.s32 $0x1;
	s21 =	sadd.s32 $0x4EE0, s1;
	[dreg:$0x5] =	wrdreg s20  }
0x15: {  	s25 =	simm.s32 $0x8F00;
	s1 =	sadd.s32 $0xEB20, s1;
	[dreg:$0x6] =	wrdreg s21  }
0x16: {  	s6 =	simm.s32 $0x0;
	[dreg:$0x7] =	wrdreg s1;
	s1 =	sadd.s32 s4, s22  }
0x17: {  	s20 =	simm.s32 $0x5;
	[dreg:$0x8] =	wrdreg s1;
	s1 =	sor.u32 s23, s10  }
0x18: {  	s21 =	simm.s32 $0x80;
	s10 =	sshrl.u32 @!p1 s11, $0x3;
	s1 =	sshrl.u32 s1, $0x3  }
0x19: {  	s22 =	simm.s32 $0x4F00;
	[dreg:$0xd] =	wrdreg s10;
	s1 =	sadd.s32 s7, s1  }
0x1a: {  	s23 =	simm.s32 $0x6F00;
	[dreg:$0xa] =	wrdreg s1;
	s1 =	simm.s32 $0x12F00  }
.LBB2_1:
0x1b: {  	s5 =	rddreg [dreg:$0x4]  }
0x1c: {  	s3 =	simm.s32 $0x0;
	s11 =	rddreg [dreg:$0x5]  }
0x1d: {  	[tilespmem:s3], [sflag:$0x5] =	stream.linear.gather [hbm4b:s5+s3], $0x2700, $0x38;
	[tilespmem:$0x1EB40] =	vst v63  }
0x1e: {  	s7 =	simm.s32 $0x2780;
	s12 =	rddreg [dreg:$0x8]  }
0x1f: {  	[tilespmem:s7], [sflag:$0x5] =	stream.linear.gather [hbm4b:s11+s3], $0x2700, $0x38;
	[tilespmem:$0x1EB40] =	vst v63  }
0x20: {  	s8 =	simm.s32 @!p0 $0x2700;
	s5 =	rddreg [dreg:$0x6];
	s7 =	simm.s32 @!p0 $0x0  }
0x21: {  	[tilespmem:s8], [sflag:$0x5] =	stream.linear.gather @!p0 [hbm4b:s5+s7], $0x80, $0x38;
	[tilespmem:$0x1EB40] =	vst v63  }
0x22: {  	s8 =	simm.s32 @!p0 $0x4E80;
	s5 =	rddreg [dreg:$0x7]  }
0x23: {  	[tilespmem:s8], [sflag:$0x5] =	stream.linear.gather @!p0 [hbm4b:s5+s7], $0x80, $0x38;
	[tilespmem:$0x1EB40] =	vst v63  }
0x24: {  	[spmem:s9], [sflag:s16] =	dma.local [hbm:s12], $0x1380  }
0x25: {  	_ =	swait.ge [sflag:s18], $0x1380  }
0x26: {  	[sflag:s18] =	ssyncset.done $0x0  }
0x27: {  	s7 =	simm.s32 @!p1 $0x6;
	s5 =	rddreg [dreg:$0x9];
	[sflag:s18] =	ssyncadd.s32 $0xFFFFEC80  }
0x28: {  	[spmem:s10], [sflag:s16] =	dma.local @!p1 [hbm:s5], $0x80  }
0x29: {  	_ =	swait.ge @!p1 [sflag:s7], $0x80  }
0x2a: {  	[sflag:s7] =	ssyncset.done @!p1 $0x0  }
0x2b: {  	[sflag:s7] =	ssyncadd.s32 @!p1 $0xFFFFFF80  }
0x2c: {  	_ =	swait.ge [sflag:s20], $0x2700  }
0x2d: {  	[sflag:s20] =	ssyncset.done $0x0  }
0x2e: {  	[sflag:s20] =	ssyncadd.s32 $0xFFFFD900  }
0x2f: {  	_ =	swait.ge [sflag:s20], $0x2700  }
0x30: {  	[sflag:s20] =	ssyncset.done $0x0  }
0x31: {  	s7 =	simm.s32 @!p0 $0x5;
	[sflag:s20] =	ssyncadd.s32 $0xFFFFD900  }
0x32: {  	_ =	swait.ge @!p0 [sflag:s7], $0x80  }
0x33: {  	[sflag:s7] =	ssyncset.done @!p0 $0x0  }
0x34: {  	[sflag:s7] =	ssyncadd.s32 @!p0 $0xFFFFFF80  }
0x35: {  	_ =	swait.ge @!p0 [sflag:s7], $0x80  }
0x36: {  	[sflag:s7] =	ssyncset.done @!p0 $0x0  }
0x37: {  	[sflag:s7] =	ssyncadd.s32 @!p0 $0xFFFFFF80  }
0x38: {  	[tilespmem:s22], [sflag:$0x1] =	stream.indirect.gather [hbm4b:s4+s21], $0x40, s3, s21, $0xb8;
	[tilespmem:$0x1EB40] =	vst v63  }
0x39: {  	_ = 	snop  }
0x3a: {  	[tilespmem:s23], [sflag:$0x1] =	stream.indirect.gather [hbm4b:s4+s21], $0x40, s21, s21, $0xb8;
	[tilespmem:$0x1EB40] =	vst v63  }
0x3b: {  	s13 =	simm.s32 $0x100;
	p2 =	por $0x1, $0x1  }
0x3c: {  	[tilespmem:s25], [sflag:$0x1] =	stream.indirect.gather [hbm4b:s4+s21], $0x40, s13, s21, $0xb8;
	[tilespmem:$0x1EB40] =	vst v63  }
0x3d: {  	s14 =	simm.s32 $0x180;
	p2 =	por p2, p2  }
0x3e: {  	[tilespmem:s28], [sflag:$0x1] =	stream.indirect.gather [hbm4b:s4+s21], $0x40, s14, s21, $0xb8;
	[tilespmem:$0x1EB40] =	vst v63  }
0x3f: {  	s7 =	simm.s32 @!p2 $0x4;
	[bflag:$0x0] =	sbarrier.arrive $0xFFFF  }
0x40: {  	_ =	swait.ge @!p2 [sflag:s7], $0x2000  }
0x41: {  	[sflag:s7] =	ssyncset.done @!p2 $0x0  }
0x42: {  	[sflag:s7] =	ssyncadd.s32 @!p2 $0xFFFFE000  }
0x43: {  	_ =	swait.ge @!p2 [sflag:s7], $0x2000  }
0x44: {  	[sflag:s7] =	ssyncset.done @!p2 $0x0  }
0x45: {  	[sflag:s7] =	ssyncadd.s32 @!p2 $0xFFFFE000  }
0x46: {  	_ =	swait.ge @!p2 [sflag:s7], $0x2000  }
0x47: {  	[sflag:s7] =	ssyncset.done @!p2 $0x0  }
0x48: {  	[sflag:s7] =	ssyncadd.s32 @!p2 $0xFFFFE000  }
0x49: {  	_ =	swait.ge @!p2 [sflag:s7], $0x2000  }
0x4a: {  	[sflag:s7] =	ssyncset.done @!p2 $0x0  }
0x4b: {  	s17 =	simm.s32 $0x200;
	[sflag:s7] =	ssyncadd.s32 @!p2 $0xFFFFE000  }
0x4c: {  	[tilespmem:s29], [sflag:$0x3] =	stream.indirect.gather [hbm4b:s4+s21], $0x40, s17, s21, $0xb8;
	[tilespmem:$0x1EB40] =	vst v63  }
0x4d: {  	s3 =	simm.s32 $0x280  }
0x4e: {  	[tilespmem:s30], [sflag:$0x3] =	stream.indirect.gather [hbm4b:s4+s21], $0x40, s3, s21, $0xb8;
	[tilespmem:$0x1EB40] =	vst v63  }
0x4f: {  	s5 =	simm.s32 $0x300  }
0x50: {  	[tilespmem:s31], [sflag:$0x3] =	stream.indirect.gather [hbm4b:s4+s21], $0x40, s5, s21, $0xb8;
	[tilespmem:$0x1EB40] =	vst v63  }
0x51: {  	s8 =	simm.s32 $0x380  }
0x52: {  	[tilespmem:s1], [sflag:$0x3] =	stream.indirect.gather [hbm4b:s4+s21], $0x40, s8, s21, $0xb8;
	[tilespmem:$0x1EB40] =	vst v63  }
0x53: {  	_ =	swait.ge [sflag:s0], $0x2000  }
0x54: {  	[sflag:s0] =	ssyncset.done $0x0  }
0x55: {  	[sflag:s0] =	ssyncadd.s32 $0xFFFFE000  }
0x56: {  	_ =	swait.ge [sflag:s0], $0x2000  }
0x57: {  	[sflag:s0] =	ssyncset.done $0x0  }
0x58: {  	[sflag:s0] =	ssyncadd.s32 $0xFFFFE000  }
0x59: {  	_ =	swait.ge [sflag:s0], $0x2000  }
0x5a: {  	[sflag:s0] =	ssyncset.done $0x0  }
0x5b: {  	[sflag:s0] =	ssyncadd.s32 $0xFFFFE000  }
0x5c: {  	_ =	swait.ge [sflag:s0], $0x2000  }
0x5d: {  	[sflag:s0] =	ssyncset.done $0x0  }
0x5e: {  	s19 =	smov.u32 s9;
	s9 =	simm.s32 $0x2780;
	[sflag:s0] =	ssyncadd.s32 $0xFFFFE000  }
0x5f: {  	[spmem:s2] =	stream.indirect.scatter.add.f32 [tilespmem:s22], [sflag:$0x2], $0x40, s9, s21, $0xb8;
	[tilespmem:$0x1EB40] =	vst v63  }
0x60: {  	s10 =	simm.s32 $0x2800  }
0x61: {  	[spmem:s2] =	stream.indirect.scatter.add.f32 [tilespmem:s23], [sflag:$0x2], $0x40, s10, s21, $0xb8;
	[tilespmem:$0x1EB40] =	vst v63  }
0x62: {  	s11 =	simm.s32 $0x2880;
	p2 =	por $0x0, $0x0  }
0x63: {  	[spmem:s2] =	stream.indirect.scatter.add.f32 [tilespmem:s25], [sflag:$0x2], $0x40, s11, s21, $0xb8;
	[tilespmem:$0x1EB40] =	vst v63  }
0x64: {  	s12 =	simm.s32 $0x2900;
	s7 =	simm.s32 @!p2 $0x2  }
0x65: {  	[spmem:s2] =	stream.indirect.scatter.add.f32 [tilespmem:s28], [sflag:$0x2], $0x40, s12, s21, $0xb8;
	[tilespmem:$0x1EB40] =	vst v63  }
0x66: {  	_ =	swait.ge @!p2 [sflag:s7], $0x2000  }
0x67: {  	[sflag:s7] =	ssyncset.done @!p2 $0x0  }
0x68: {  	[sflag:s7] =	ssyncadd.s32 @!p2 $0xFFFFE000  }
0x69: {  	_ =	swait.ge @!p2 [sflag:s7], $0x2000  }
0x6a: {  	[sflag:s7] =	ssyncset.done @!p2 $0x0  }
0x6b: {  	[sflag:s7] =	ssyncadd.s32 @!p2 $0xFFFFE000  }
0x6c: {  	_ =	swait.ge @!p2 [sflag:s7], $0x2000  }
0x6d: {  	[sflag:s7] =	ssyncset.done @!p2 $0x0  }
0x6e: {  	[sflag:s7] =	ssyncadd.s32 @!p2 $0xFFFFE000  }
0x6f: {  	_ =	swait.ge @!p2 [sflag:s7], $0x2000  }
0x70: {  	s8 =	simm.s32 @!p2 $0x400;
	[sflag:s7] =	ssyncset.done @!p2 $0x0  }
0x71: {  	s9 =	simm.s32 @!p2 $0x80;
	[sflag:s7] =	ssyncadd.s32 @!p2 $0xFFFFE000;
	s7 =	simm.s32 @!p2 $0x4F00  }
0x72: {  	[tilespmem:s7], [sflag:$0x1] =	stream.indirect.gather @!p2 [hbm4b:s4+s9], $0x40, s8, s9, $0xb8;
	[tilespmem:$0x1EB40] =	vst v63  }
0x73: {  	s7 =	simm.s32 @!p2 $0x480;
	s8 =	simm.s32 @!p2 $0x6F00  }
0x74: {  	[tilespmem:s8], [sflag:$0x1] =	stream.indirect.gather @!p2 [hbm4b:s4+s9], $0x40, s7, s9, $0xb8;
	[tilespmem:$0x1EB40] =	vst v63  }
0x75: {  	s7 =	simm.s32 @!p2 $0x500;
	s8 =	simm.s32 @!p2 $0x8F00  }
0x76: {  	[tilespmem:s8], [sflag:$0x1] =	stream.indirect.gather @!p2 [hbm4b:s4+s9], $0x40, s7, s9, $0xb8;
	[tilespmem:$0x1EB40] =	vst v63  }
0x77: {  	s7 =	simm.s32 @!p2 $0x580;
	s8 =	simm.s32 @!p2 $0xAF00  }
0x78: {  	[tilespmem:s8], [sflag:$0x1] =	stream.indirect.gather @!p2 [hbm4b:s4+s9], $0x40, s7, s9, $0xb8;
	[tilespmem:$0x1EB40] =	vst v63  }
0x79: {  	_ =	swait.ge [sflag:s15], $0x2000  }
0x7a: {  	[sflag:s15] =	ssyncset.done $0x0  }
0x7b: {  	[sflag:s15] =	ssyncadd.s32 $0xFFFFE000  }
0x7c: {  	_ =	swait.ge [sflag:s15], $0x2000  }
0x7d: {  	[sflag:s15] =	ssyncset.done $0x0  }
0x7e: {  	[sflag:s15] =	ssyncadd.s32 $0xFFFFE000  }
0x7f: {  	_ =	swait.ge [sflag:s15], $0x2000  }
0x80: {  	[sflag:s15] =	ssyncset.done $0x0  }
0x81: {  	[sflag:s15] =	ssyncadd.s32 $0xFFFFE000  }
0x82: {  	_ =	swait.ge [sflag:s15], $0x2000  }
0x83: {  	[sflag:s15] =	ssyncset.done $0x0  }
0x84: {  	p6 =	por $0x0, $0x0;
	s13 =	simm.s32 $0x2980;
	[sflag:s15] =	ssyncadd.s32 $0xFFFFE000  }
0x85: {  	[spmem:s2] =	stream.indirect.scatter.add.f32 [tilespmem:s29], [sflag:$0x4], $0x40, s13, s21, $0xb8;
	[tilespmem:$0x1EB40] =	vst v63  }
0x86: {  	s14 =	simm.s32 $0x2A00;
	s17 =	simm.s32 $0x2A80;
	s7 =	simm.s32 $0x1000  }
0x87: {  	[spmem:s2] =	stream.indirect.scatter.add.f32 [tilespmem:s30], [sflag:$0x4], $0x40, s14, s21, $0xb8;
	[tilespmem:$0x1EB40] =	vst v63  }
0x88: {  	s8 =	simm.s32 $0x2000;
	s9 =	simm.s32 $0x2B00;
	p2 =	por p6, p6  }
0x89: {  	[spmem:s2] =	stream.indirect.scatter.add.f32 [tilespmem:s31], [sflag:$0x4], $0x40, s17, s21, $0xb8;
	[tilespmem:$0x1EB40] =	vst v63  }
.LBB2_2:
0x8a: {  	p4 =	seq.s32 s8, $0x0  }
0x8b: {  	s12 =	simm.s32 @!p2 $0x4;
	s11 =	smov.u32 s8;
	s8 =	sadd.s32 $0x1000, s8  }
0x8c: {  	[spmem:s2] =	stream.indirect.scatter.add.f32 [tilespmem:s1], [sflag:$0x4], $0x40, s9, s21, $0xb8;
	[tilespmem:$0x1EB40] =	vst v63  }
0x8d: {  	p3 =	sne.s32 s8, $0x9000;
	_ =	swait.ge @!p2 [sflag:s12], $0x2000  }
0x8e: {  	[sflag:s12] =	ssyncset.done @!p2 $0x0  }
0x8f: {  	[sflag:s12] =	ssyncadd.s32 @!p2 $0xFFFFE000  }
0x90: {  	_ =	swait.ge @!p2 [sflag:s12], $0x2000  }
0x91: {  	[sflag:s12] =	ssyncset.done @!p2 $0x0  }
0x92: {  	[sflag:s12] =	ssyncadd.s32 @!p2 $0xFFFFE000  }
0x93: {  	_ =	swait.ge @!p2 [sflag:s12], $0x2000  }
0x94: {  	[sflag:s12] =	ssyncset.done @!p2 $0x0  }
0x95: {  	[sflag:s12] =	ssyncadd.s32 @!p2 $0xFFFFE000  }
0x96: {  	_ =	swait.ge @!p2 [sflag:s12], $0x2000  }
0x97: {  	s10 =	sshra.s32 s7, $0x2;
	[sflag:s12] =	ssyncset.done @!p2 $0x0  }
0x98: {  	s9 =	sadd.s32 $0x2B00, s10;
	[sflag:s12] =	ssyncadd.s32 @!p2 $0xFFFFE000;
	s12 =	sadd.s32 $0x200, s10  }
0x99: {  	[tilespmem:s29], [sflag:$0x3] =	stream.indirect.gather [hbm4b:s4+s21], $0x40, s12, s21, $0xb8;
	[tilespmem:$0x1EB40] =	vst v63  }
0x9a: {  	p2 =	por p4, p4;
	s12 =	sadd.s32 $0x280, s10  }
0x9b: {  	[tilespmem:s30], [sflag:$0x3] =	stream.indirect.gather [hbm4b:s4+s21], $0x40, s12, s21, $0xb8;
	[tilespmem:$0x1EB40] =	vst v63  }
0x9c: {  	s12 =	sadd.s32 $0x300, s10  }
0x9d: {  	[tilespmem:s31], [sflag:$0x3] =	stream.indirect.gather [hbm4b:s4+s21], $0x40, s12, s21, $0xb8;
	[tilespmem:$0x1EB40] =	vst v63  }
0x9e: {  	s12 =	sadd.s32 $0x380, s10  }
0x9f: {  	[tilespmem:s1], [sflag:$0x3] =	stream.indirect.gather [hbm4b:s4+s21], $0x40, s12, s21, $0xb8;
	[tilespmem:$0x1EB40] =	vst v63  }
0xa0: {  	_ =	swait.ge [sflag:s0], $0x2000  }
0xa1: {  	[sflag:s0] =	ssyncset.done $0x0  }
0xa2: {  	[sflag:s0] =	ssyncadd.s32 $0xFFFFE000  }
0xa3: {  	_ =	swait.ge [sflag:s0], $0x2000  }
0xa4: {  	[sflag:s0] =	ssyncset.done $0x0  }
0xa5: {  	[sflag:s0] =	ssyncadd.s32 $0xFFFFE000  }
0xa6: {  	_ =	swait.ge [sflag:s0], $0x2000  }
0xa7: {  	[sflag:s0] =	ssyncset.done $0x0  }
0xa8: {  	[sflag:s0] =	ssyncadd.s32 $0xFFFFE000  }
0xa9: {  	_ =	swait.ge [sflag:s0], $0x2000  }
0xaa: {  	[sflag:s0] =	ssyncset.done $0x0  }
0xab: {  	s12 =	sadd.s32 $0x2780, s10;
	[sflag:s0] =	ssyncadd.s32 $0xFFFFE000  }
0xac: {  	[spmem:s2] =	stream.indirect.scatter.add.f32 [tilespmem:s22], [sflag:$0x2], $0x40, s12, s21, $0xb8;
	[tilespmem:$0x1EB40] =	vst v63  }
0xad: {  	s12 =	sadd.s32 $0x2800, s10  }
0xae: {  	[spmem:s2] =	stream.indirect.scatter.add.f32 [tilespmem:s23], [sflag:$0x2], $0x40, s12, s21, $0xb8;
	[tilespmem:$0x1EB40] =	vst v63  }
0xaf: {  	s12 =	sadd.s32 $0x2880, s10  }
0xb0: {  	[spmem:s2] =	stream.indirect.scatter.add.f32 [tilespmem:s25], [sflag:$0x2], $0x40, s12, s21, $0xb8;
	[tilespmem:$0x1EB40] =	vst v63  }
0xb1: {  	p4 =	seq.s32 s7, $0x8000;
	s12 =	sadd.s32 $0x2900, s10  }
0xb2: {  	[spmem:s2] =	stream.indirect.scatter.add.f32 [tilespmem:s28], [sflag:$0x2], $0x40, s12, s21, $0xb8;
	[tilespmem:$0x1EB40] =	vst v63  }
0xb3: {  	s13 =	sshra.s32 @!p4 s7, $0x2;
	s7 =	smov.u32 s11;
	s12 =	simm.s32 @!p4 $0x2  }
0xb4: {  	s11 =	sadd.s32 @!p4 $0x400, s13;
	s14 =	sadd.s32 @!p4 $0x480, s13;
	_ =	swait.ge @!p4 [sflag:s12], $0x2000  }
0xb5: {  	s3 =	sadd.s32 @!p4 $0x500, s13;
	s13 =	sadd.s32 @!p4 $0x580, s13;
	[sflag:s12] =	ssyncset.done @!p4 $0x0  }
0xb6: {  	[sflag:s12] =	ssyncadd.s32 @!p4 $0xFFFFE000  }
0xb7: {  	_ =	swait.ge @!p4 [sflag:s12], $0x2000  }
0xb8: {  	[sflag:s12] =	ssyncset.done @!p4 $0x0  }
0xb9: {  	[sflag:s12] =	ssyncadd.s32 @!p4 $0xFFFFE000  }
0xba: {  	_ =	swait.ge @!p4 [sflag:s12], $0x2000  }
0xbb: {  	[sflag:s12] =	ssyncset.done @!p4 $0x0  }
0xbc: {  	[sflag:s12] =	ssyncadd.s32 @!p4 $0xFFFFE000  }
0xbd: {  	_ =	swait.ge @!p4 [sflag:s12], $0x2000  }
0xbe: {  	s5 =	simm.s32 @!p4 $0x80;
	s17 =	simm.s32 @!p4 $0x4F00;
	[sflag:s12] =	ssyncset.done @!p4 $0x0  }
0xbf: {  	[sflag:s12] =	ssyncadd.s32 @!p4 $0xFFFFE000;
	s12 =	simm.s32 @!p4 $0x6F00  }
0xc0: {  	[tilespmem:s17], [sflag:$0x1] =	stream.indirect.gather @!p4 [hbm4b:s4+s5], $0x40, s11, s5, $0xb8;
	[tilespmem:$0x1EB40] =	vst v63  }
0xc1: {  	s11 =	simm.s32 @!p4 $0x8F00  }
0xc2: {  	[tilespmem:s12], [sflag:$0x1] =	stream.indirect.gather @!p4 [hbm4b:s4+s5], $0x40, s14, s5, $0xb8;
	[tilespmem:$0x1EB40] =	vst v63  }
0xc3: {  	s12 =	simm.s32 @!p4 $0xAF00  }
0xc4: {  	[tilespmem:s11], [sflag:$0x1] =	stream.indirect.gather @!p4 [hbm4b:s4+s5], $0x40, s3, s5, $0xb8;
	[tilespmem:$0x1EB40] =	vst v63  }
0xc5: {  	_ = 	snop  }
0xc6: {  	[tilespmem:s12], [sflag:$0x1] =	stream.indirect.gather @!p4 [hbm4b:s4+s5], $0x40, s13, s5, $0xb8;
	[tilespmem:$0x1EB40] =	vst v63  }
0xc7: {  	_ =	swait.ge [sflag:s15], $0x2000  }
0xc8: {  	[sflag:s15] =	ssyncset.done $0x0  }
0xc9: {  	[sflag:s15] =	ssyncadd.s32 $0xFFFFE000  }
0xca: {  	_ =	swait.ge [sflag:s15], $0x2000  }
0xcb: {  	[sflag:s15] =	ssyncset.done $0x0  }
0xcc: {  	[sflag:s15] =	ssyncadd.s32 $0xFFFFE000  }
0xcd: {  	_ =	swait.ge [sflag:s15], $0x2000  }
0xce: {  	[sflag:s15] =	ssyncset.done $0x0  }
0xcf: {  	[sflag:s15] =	ssyncadd.s32 $0xFFFFE000  }
0xd0: {  	_ =	swait.ge [sflag:s15], $0x2000  }
0xd1: {  	s3 =	sadd.s32 $0x2980, s10;
	[sflag:s15] =	ssyncset.done $0x0  }
0xd2: {  	s5 =	sadd.s32 $0x2A00, s10;
	[sflag:s15] =	ssyncadd.s32 $0xFFFFE000  }
0xd3: {  	[spmem:s2] =	stream.indirect.scatter.add.f32 [tilespmem:s29], [sflag:$0x4], $0x40, s3, s21, $0xb8;
	[tilespmem:$0x1EB40] =	vst v63  }
.Ltmp0:
0xd4: {  	_ = 	snop;
	(pc) =	sbr.rel @p3 .LBB2_2-.Ltmp0, $4  }
0xd5: {  	_ = 	snop  }
0xd6: {  	[spmem:s2] =	stream.indirect.scatter.add.f32 [tilespmem:s30], [sflag:$0x4], $0x40, s5, s21, $0xb8;
	[tilespmem:$0x1EB40] =	vst v63  }
0xd7: {  	s3 =	sadd.s32 $0x2A80, s10  }
0xd8: {  	[spmem:s2] =	stream.indirect.scatter.add.f32 [tilespmem:s31], [sflag:$0x4], $0x40, s3, s21, $0xb8;
	[tilespmem:$0x1EB40] =	vst v63  }
0xd9: {  	s3 =	simm.s32 @!p2 $0x4  }
0xda: {  	[spmem:s2] =	stream.indirect.scatter.add.f32 [tilespmem:s1], [sflag:$0x4], $0x40, s9, s21, $0xb8;
	[tilespmem:$0x1EB40] =	vst v63  }
0xdb: {  	_ =	swait.ge @!p2 [sflag:s3], $0x2000  }
0xdc: {  	[sflag:s3] =	ssyncset.done @!p2 $0x0  }
0xdd: {  	[sflag:s3] =	ssyncadd.s32 @!p2 $0xFFFFE000  }
0xde: {  	_ =	swait.ge @!p2 [sflag:s3], $0x2000  }
0xdf: {  	[sflag:s3] =	ssyncset.done @!p2 $0x0  }
0xe0: {  	[sflag:s3] =	ssyncadd.s32 @!p2 $0xFFFFE000  }
0xe1: {  	_ =	swait.ge @!p2 [sflag:s3], $0x2000  }
0xe2: {  	[sflag:s3] =	ssyncset.done @!p2 $0x0  }
0xe3: {  	[sflag:s3] =	ssyncadd.s32 @!p2 $0xFFFFE000  }
0xe4: {  	_ =	swait.ge @!p2 [sflag:s3], $0x2000  }
0xe5: {  	s8 =	sshra.s32 s7, $0x2;
	[sflag:s3] =	ssyncset.done @!p2 $0x0  }
0xe6: {  	s11 =	sadd.s32 $0x200, s8;
	[sflag:s3] =	ssyncadd.s32 @!p2 $0xFFFFE000  }
0xe7: {  	[tilespmem:s29], [sflag:$0x3] =	stream.indirect.gather [hbm4b:s4+s21], $0x40, s11, s21, $0xb8;
	[tilespmem:$0x1EB40] =	vst v63  }
0xe8: {  	s12 =	sadd.s32 $0x280, s8  }
0xe9: {  	[tilespmem:s30], [sflag:$0x3] =	stream.indirect.gather [hbm4b:s4+s21], $0x40, s12, s21, $0xb8;
	[tilespmem:$0x1EB40] =	vst v63  }
0xea: {  	s13 =	sadd.s32 $0x300, s8  }
0xeb: {  	[tilespmem:s31], [sflag:$0x3] =	stream.indirect.gather [hbm4b:s4+s21], $0x40, s13, s21, $0xb8;
	[tilespmem:$0x1EB40] =	vst v63  }
0xec: {  	s14 =	sadd.s32 $0x380, s8  }
0xed: {  	[tilespmem:s1], [sflag:$0x3] =	stream.indirect.gather [hbm4b:s4+s21], $0x40, s14, s21, $0xb8;
	[tilespmem:$0x1EB40] =	vst v63  }
0xee: {  	_ =	swait.ge [sflag:s0], $0x2000  }
0xef: {  	[sflag:s0] =	ssyncset.done $0x0  }
0xf0: {  	[sflag:s0] =	ssyncadd.s32 $0xFFFFE000  }
0xf1: {  	_ =	swait.ge [sflag:s0], $0x2000  }
0xf2: {  	[sflag:s0] =	ssyncset.done $0x0  }
0xf3: {  	[sflag:s0] =	ssyncadd.s32 $0xFFFFE000  }
0xf4: {  	_ =	swait.ge [sflag:s0], $0x2000  }
0xf5: {  	[sflag:s0] =	ssyncset.done $0x0  }
0xf6: {  	[sflag:s0] =	ssyncadd.s32 $0xFFFFE000  }
0xf7: {  	_ =	swait.ge [sflag:s0], $0x2000  }
0xf8: {  	[sflag:s0] =	ssyncset.done $0x0  }
0xf9: {  	s17 =	sadd.s32 $0x2780, s8;
	[sflag:s0] =	ssyncadd.s32 $0xFFFFE000  }
0xfa: {  	[spmem:s2] =	stream.indirect.scatter.add.f32 [tilespmem:s22], [sflag:$0x2], $0x40, s17, s21, $0xb8;
	[tilespmem:$0x1EB40] =	vst v63  }
0xfb: {  	s5 =	sadd.s32 $0x2800, s8  }
0xfc: {  	[spmem:s2] =	stream.indirect.scatter.add.f32 [tilespmem:s23], [sflag:$0x2], $0x40, s5, s21, $0xb8;
	[tilespmem:$0x1EB40] =	vst v63  }
0xfd: {  	s9 =	sadd.s32 $0x2880, s8;
	p2 =	seq.s32 s7, $0x8000  }
0xfe: {  	[spmem:s2] =	stream.indirect.scatter.add.f32 [tilespmem:s25], [sflag:$0x2], $0x40, s9, s21, $0xb8;
	[tilespmem:$0x1EB40] =	vst v63  }
0xff: {  	s10 =	sadd.s32 $0x2900, s8;
	s3 =	simm.s32 @!p2 $0x2  }
0x100: {  	[spmem:s2] =	stream.indirect.scatter.add.f32 [tilespmem:s28], [sflag:$0x2], $0x40, s10, s21, $0xb8;
	[tilespmem:$0x1EB40] =	vst v63  }
0x101: {  	_ =	swait.ge @!p2 [sflag:s3], $0x2000  }
0x102: {  	[sflag:s3] =	ssyncset.done @!p2 $0x0  }
0x103: {  	[sflag:s3] =	ssyncadd.s32 @!p2 $0xFFFFE000  }
0x104: {  	_ =	swait.ge @!p2 [sflag:s3], $0x2000  }
0x105: {  	[sflag:s3] =	ssyncset.done @!p2 $0x0  }
0x106: {  	[sflag:s3] =	ssyncadd.s32 @!p2 $0xFFFFE000  }
0x107: {  	_ =	swait.ge @!p2 [sflag:s3], $0x2000  }
0x108: {  	[sflag:s3] =	ssyncset.done @!p2 $0x0  }
0x109: {  	[sflag:s3] =	ssyncadd.s32 @!p2 $0xFFFFE000  }
0x10a: {  	s5 =	sshra.s32 @!p2 s7, $0x2;
	_ =	swait.ge @!p2 [sflag:s3], $0x2000  }
0x10b: {  	s7 =	sadd.s32 @!p2 $0x400, s5;
	[sflag:s3] =	ssyncset.done @!p2 $0x0  }
0x10c: {  	s9 =	simm.s32 @!p2 $0x80;
	s10 =	simm.s32 @!p2 $0x4F00;
	[sflag:s3] =	ssyncadd.s32 @!p2 $0xFFFFE000  }
0x10d: {  	[tilespmem:s10], [sflag:$0x1] =	stream.indirect.gather @!p2 [hbm4b:s4+s9], $0x40, s7, s9, $0xb8;
	[tilespmem:$0x1EB40] =	vst v63  }
0x10e: {  	s3 =	sadd.s32 @!p2 $0x480, s5;
	s7 =	simm.s32 @!p2 $0x6F00  }
0x10f: {  	[tilespmem:s7], [sflag:$0x1] =	stream.indirect.gather @!p2 [hbm4b:s4+s9], $0x40, s3, s9, $0xb8;
	[tilespmem:$0x1EB40] =	vst v63  }
0x110: {  	s3 =	sadd.s32 @!p2 $0x500, s5;
	s7 =	simm.s32 @!p2 $0x8F00  }
0x111: {  	[tilespmem:s7], [sflag:$0x1] =	stream.indirect.gather @!p2 [hbm4b:s4+s9], $0x40, s3, s9, $0xb8;
	[tilespmem:$0x1EB40] =	vst v63  }
0x112: {  	s3 =	sadd.s32 @!p2 $0x580, s5;
	s5 =	simm.s32 @!p2 $0xAF00  }
0x113: {  	[tilespmem:s5], [sflag:$0x1] =	stream.indirect.gather @!p2 [hbm4b:s4+s9], $0x40, s3, s9, $0xb8;
	[tilespmem:$0x1EB40] =	vst v63  }
0x114: {  	_ =	swait.ge [sflag:s15], $0x2000  }
0x115: {  	[sflag:s15] =	ssyncset.done $0x0  }
0x116: {  	[sflag:s15] =	ssyncadd.s32 $0xFFFFE000  }
0x117: {  	_ =	swait.ge [sflag:s15], $0x2000  }
0x118: {  	[sflag:s15] =	ssyncset.done $0x0  }
0x119: {  	[sflag:s15] =	ssyncadd.s32 $0xFFFFE000  }
0x11a: {  	_ =	swait.ge [sflag:s15], $0x2000  }
0x11b: {  	[sflag:s15] =	ssyncset.done $0x0  }
0x11c: {  	[sflag:s15] =	ssyncadd.s32 $0xFFFFE000  }
0x11d: {  	_ =	swait.ge [sflag:s15], $0x2000  }
0x11e: {  	[sflag:s15] =	ssyncset.done $0x0  }
0x11f: {  	s11 =	sadd.s32 $0x2980, s8;
	[sflag:s15] =	ssyncadd.s32 $0xFFFFE000  }
0x120: {  	[spmem:s2] =	stream.indirect.scatter.add.f32 [tilespmem:s29], [sflag:$0x4], $0x40, s11, s21, $0xb8;
	[tilespmem:$0x1EB40] =	vst v63  }
0x121: {  	s12 =	sadd.s32 $0x2A00, s8  }
0x122: {  	[spmem:s2] =	stream.indirect.scatter.add.f32 [tilespmem:s30], [sflag:$0x4], $0x40, s12, s21, $0xb8;
	[tilespmem:$0x1EB40] =	vst v63  }
0x123: {  	s13 =	sadd.s32 $0x2A80, s8  }
0x124: {  	[spmem:s2] =	stream.indirect.scatter.add.f32 [tilespmem:s31], [sflag:$0x4], $0x40, s13, s21, $0xb8;
	[tilespmem:$0x1EB40] =	vst v63  }
0x125: {  	s14 =	sadd.s32 $0x2B00, s8  }
0x126: {  	[spmem:s2] =	stream.indirect.scatter.add.f32 [tilespmem:s1], [sflag:$0x4], $0x40, s14, s21, $0xb8;
	[tilespmem:$0x1EB40] =	vst v63  }
0x127: {  	_ =	swait.ge [sflag:s24], $0x2000  }
0x128: {  	[sflag:s24] =	ssyncset.done $0x0  }
0x129: {  	[sflag:s24] =	ssyncadd.s32 $0xFFFFE000  }
0x12a: {  	_ =	swait.ge [sflag:s24], $0x2000  }
0x12b: {  	[sflag:s24] =	ssyncset.done $0x0  }
0x12c: {  	[sflag:s24] =	ssyncadd.s32 $0xFFFFE000  }
0x12d: {  	_ =	swait.ge [sflag:s24], $0x2000  }
0x12e: {  	[sflag:s24] =	ssyncset.done $0x0  }
0x12f: {  	[sflag:s24] =	ssyncadd.s32 $0xFFFFE000  }
0x130: {  	_ =	swait.ge [sflag:s24], $0x2000  }
0x131: {  	[sflag:s24] =	ssyncset.done $0x0  }
0x132: {  	[sflag:s24] =	ssyncadd.s32 $0xFFFFE000  }
0x133: {  	_ =	swait.ge [sflag:s26], $0x2000  }
0x134: {  	[sflag:s26] =	ssyncset.done $0x0  }
0x135: {  	[sflag:s26] =	ssyncadd.s32 $0xFFFFE000  }
0x136: {  	_ =	swait.ge [sflag:s26], $0x2000  }
0x137: {  	[sflag:s26] =	ssyncset.done $0x0  }
0x138: {  	[sflag:s26] =	ssyncadd.s32 $0xFFFFE000  }
0x139: {  	_ =	swait.ge [sflag:s26], $0x2000  }
0x13a: {  	[sflag:s26] =	ssyncset.done $0x0  }
0x13b: {  	[sflag:s26] =	ssyncadd.s32 $0xFFFFE000  }
0x13c: {  	_ =	swait.ge [sflag:s26], $0x2000  }
0x13d: {  	[sflag:s26] =	ssyncset.done $0x0  }
0x13e: {  	s7 =	simm.s32 $0x2400;
	[sflag:s26] =	ssyncadd.s32 $0xFFFFE000  }
0x13f: {  	[tilespmem:s22], [sflag:$0x1] =	stream.indirect.gather [hbm4b:s4+s21], $0x40, s7, s21, $0xb8;
	[tilespmem:$0x1EB40] =	vst v63  }
0x140: {  	_ =	swait.ge [sflag:s0], $0x2000  }
0x141: {  	s17 =	rddreg [dreg:$0x3]  }
0x142: {  	p2 =	sne.s32 s17, $0x1  }
.Ltmp1:
0x143: {  	[sflag:s0] =	ssyncset.done $0x0;
	(pc) =	sbr.rel @!p2 .LBB2_5-.Ltmp1, $4  }
0x144: {  	s8 =	simm.s32 $0x4B80;
	[sflag:s0] =	ssyncadd.s32 $0xFFFFE000  }
0x145: {  	[spmem:s2] =	stream.indirect.scatter.add.f32 [tilespmem:s22], [sflag:$0x2], $0x40, s8, s21, $0xb8;
	[tilespmem:$0x1EB40] =	vst v63  }
0x146: {  	_ =	swait.ge [sflag:s24], $0x2000  }
0x147: {  	s9 =	sadd.s32 $0xFFFFFFFF, s17;
	[sflag:s24] =	ssyncset.done $0x0  }
.LBB2_4:
0x148: {  	[sflag:s24] =	ssyncadd.s32 $0xFFFFE000;
	s7 =	sadd.s32 $0x80, s7;
	s8 =	sadd.s32 $0x80, s8  }
0x149: {  	[tilespmem:s22], [sflag:$0x1] =	stream.indirect.gather [hbm4b:s4+s21], $0x40, s7, s21, $0xb8;
	[tilespmem:$0x1EB40] =	vst v63  }
0x14a: {  	p2 =	sne.s32 s9, $0x1;
	s9 =	sadd.s32 $0xFFFFFFFF, s9;
	_ =	swait.ge [sflag:s0], $0x2000  }
.Ltmp2:
0x14b: {  	[sflag:s0] =	ssyncset.done $0x0;
	(pc) =	sbr.rel @p2 .LBB2_4-.Ltmp2, $4  }
0x14c: {  	[sflag:s0] =	ssyncadd.s32 $0xFFFFE000  }
0x14d: {  	[spmem:s2] =	stream.indirect.scatter.add.f32 [tilespmem:s22], [sflag:$0x2], $0x40, s8, s21, $0xb8;
	[tilespmem:$0x1EB40] =	vst v63  }
0x14e: {  	_ =	swait.ge [sflag:s24], $0x2000  }
0x14f: {  	[sflag:s24] =	ssyncset.done $0x0  }
.LBB2_5:
0x150: {  	[sflag:s24] =	ssyncadd.s32 $0xFFFFE000  }
0x151: {  	[bflag:$0x0] =	sbarrier.arrive $0xFFFF  }
0x152: {  	s5 =	simm.s32 $0x10;
	s7 =	simm.s32 $0x8;
	s3 =	rddreg [dreg:$0xa]  }
0x153: {  	[hbm:s3@s5], [sflag:s16] =	dma.strided [spmem:s19@s7], $0x1380, s0, $0x8   }
0x154: {  	s3 =	simm.s32 @!p1 $0x1;
	_ =	swait.ge [sflag:s18], $0x1380  }
0x155: {  	s5 =	simm.s32 @!p1 $0x10;
	[sflag:s18] =	ssyncset.done $0x0;
	s8 =	rddreg [dreg:$0xb]  }
0x156: {  	s7 =	simm.s32 @!p1 $0x8;
	s10 =	rddreg [dreg:$0xd];
	[sflag:s18] =	ssyncadd.s32 $0xFFFFEC80  }
0x157: {  	[hbm:s8@s5], [sflag:s16] =	dma.strided @!p1 [spmem:s10@s7], $0x80, s3, $0x8   }
0x158: {  	s3 =	simm.s32 @!p1 $0x6  }
0x159: {  	_ =	swait.ge @!p1 [sflag:s3], $0x80  }
0x15a: {  	s9 =	smov.u32 s19;
	s6 =	sadd.s32 $0x1, s6;
	s19 =	rddreg [dreg:$0xc]  }
0x15b: {  	p2 =	sne.s32 s6, s19  }
.Ltmp3:
0x15c: {  	_ = 	snop;
	(pc) =	sbr.rel @p2 .LBB2_1-.Ltmp3, $3  }
0x15d: {  	_ =	sdelay $0x1  }
0x15e: {  	[sflag:s3] =	ssyncset.done @!p1 $0x0  }
0x15f: {  	[sflag:s3] =	ssyncadd.s32 @!p1 $0xFFFFFF80  }
0x160: {  	_ =	sfence.sel $0x180000  }
0x161: {  	[bflag:$0x0] =	sbarrier.arrive $0xFFFF  }
0x162: {  	_ =	strace $0x90000050  }
0x163: {  	s0 =	stileid.u32;
	[bflag:$0x2] =	sbarrier.arrive $0xFFFF  }
0x164: {  	p0 =	sne.s32 s0, $0x0;
	s0 =	rddreg [dreg:$0x2]  }
0x165: {  	s0 =	sadd.s32 @!p0 $0x100000, s0  }
0x166: {  	[sflag:s0] =	ssyncadd.tile.s32 @!p0 $0x1;
	_ =	shalt  }
.Lfunc_end2:
_tile_overlayer_lowered:
.L_overlay_start_2:
0x167: {  	(tag) =	ssettag $0x2  }
0x168: {  	s0 =	rddreg [dreg:$0x0];
	s2 =	stileid.u32  }
0x169: {  	s1 =	rddreg [dreg:$0x1];
	p0 =	sne.s32 s2, $0x0  }
0x16a: {  	s3 =	rddreg [dreg:$0x2];
	[bflag:$0x3] =	sbarrier.arrive $0xFFFF;
	s2 =	simm.s32 @!p0 $0x1C06  }
0x16b: {  	[timem:s3], [sflag:s2] =	dma.local @!p0 [hbm:s0], s1  }
0x16c: {  	s0 =	simm.s32 @!p0 $0x6  }
0x16d: {  	_ =	swait.ge @!p0 [sflag:s0], s1  }
0x16e: {  	s1 =	ssub.s32 @!p0 $0x0, s1;
	[sflag:s0] =	ssyncset.done @!p0 $0x0  }
0x16f: {  	[sflag:s0] =	ssyncadd.s32 @!p0 s1  }
0x170: {  	[bflag:$0x3] =	sbarrier.arrive $0xFFFF  }
0x171: {  	_ =	shalt  }

</sc_bundles>
